<compile_context>
chip_gen: v7x
topology: tpu7x:2x2x1
jax: 0.10.2.dev20260603
libtpu: 0.0.44.dev20260713+nightly
codegen_flags: <defaults>
</compile_context>

<pallas_src>
import functools

import jax
import jax.numpy as jnp
from jax import lax
from jax.experimental import pallas as pl
from jax.experimental.pallas import tpu as pltpu
from jax.experimental.pallas import tpu_sc as plsc

N = 10000
E = 320000
D = 128
K = 2

NC = 2
NS = 16
NW = NC * NS
L = 16

CPW = D // NW
CHUNK = 10000
NCHUNK = E // CHUNK

DEG_ROWS = 640
DEG_PAD = 16 * DEG_ROWS

def _worker_id():
  return lax.axis_index("s") * NC + lax.axis_index("c")


PPW = CPW // 2


@functools.lru_cache(maxsize=None)
def _make_segsum_t():
  mesh = plsc.VectorSubcoreMesh(core_axis_name="c", subcore_axis_name="s")
  return functools.partial(
      pl.kernel,
      out_type=jax.ShapeDtypeStruct((D, N), jnp.float32),
      mesh=mesh,
      scratch_types=[
          pltpu.VMEM((PPW, N), jnp.int32),
          pltpu.VMEM((CPW, N), jnp.float32),
          pltpu.VMEM((2, CHUNK), jnp.int32),
          pltpu.SemaphoreType.DMA,
      ],
      compiler_params=pltpu.CompilerParams(needs_layout_passes=False,
                                           use_tc_tiling_on_sc=False),
  )(_segsum_t_body)


def _segsum_t_body(xp_hbm, edge_hbm, out_hbm, xs, acc, ebuf, esem):
  wid = _worker_id()
  c0 = wid * CPW

  pltpu.sync_copy(xp_hbm.at[pl.ds(wid * PPW, PPW), :], xs)

  zero = jnp.zeros((L,), jnp.float32)

  def zbody(i, _):
    for c in range(CPW):
      acc[c, pl.ds(i * L, L)] = zero
    return 0

  lax.fori_loop(0, N // L, zbody, 0)

  def start_fetch(buf, j):
    pltpu.make_async_copy(edge_hbm.at[pl.ds(j * CHUNK, CHUNK)], ebuf.at[buf],
                          esem).start()

  def wait_fetch(buf, j):
    pltpu.make_async_copy(edge_hbm.at[pl.ds(j * CHUNK, CHUNK)], ebuf.at[buf],
                          esem).wait()

  pvecs = [jnp.full((L,), p, jnp.int32) for p in range(PPW)]
  cvecs = [jnp.full((L,), c, jnp.int32) for c in range(CPW)]
  lo16 = jnp.full((L,), 0xFFFF, jnp.int32)
  hi16 = jnp.full((L,), -65536, jnp.int32)

  def inner(buf):
    @plsc.parallel_loop(0, CHUNK // L, unroll=8)
    def _(i):
      w = ebuf[buf, pl.ds(i * L, L)]
      s16 = w & lo16
      d16 = lax.shift_right_logical(w, 16)
      for p in range(PPW):
        g = plsc.load_gather(xs, [pvecs[p], s16])
        vlo = plsc.bitcast(lax.shift_left(g, 16), jnp.float32)
        vhi = plsc.bitcast(g & hi16, jnp.float32)
        plsc.addupdate_scatter(acc, [cvecs[2 * p], d16], vlo)
        plsc.addupdate_scatter(acc, [cvecs[2 * p + 1], d16], vhi)

  start_fetch(0, 0)

  def pair_body(jp, _):
    for b in range(2):
      j = jp * 2 + b

      @pl.when(j + 1 < NCHUNK)
      def _():
        start_fetch(1 - b, j + 1)

      wait_fetch(b, j)
      inner(b)
    return 0

  lax.fori_loop(0, NCHUNK // 2, pair_body, 0)

  pltpu.sync_copy(acc, out_hbm.at[pl.ds(c0, CPW), :])


@functools.lru_cache(maxsize=None)
def _make_degrees():
  mesh = plsc.VectorSubcoreMesh(core_axis_name="c", subcore_axis_name="s")
  return functools.partial(
      pl.kernel,
      out_type=[
          jax.ShapeDtypeStruct((DEG_PAD,), jnp.float32),
          jax.ShapeDtypeStruct((DEG_PAD,), jnp.float32),
      ],
      mesh=mesh,
      scratch_types=[
          pltpu.VMEM((DEG_ROWS,), jnp.float32),
          pltpu.VMEM((2, CHUNK), jnp.int32),
          pltpu.SemaphoreType.DMA,
      ],
      compiler_params=pltpu.CompilerParams(needs_layout_passes=False,
                                           use_tc_tiling_on_sc=False),
  )(_degrees_body)


def _degrees_body(di_hbm, du_hbm, degi_hbm, degu_hbm, acc, buf, sem):
  wid = _worker_id()
  grp = wid // 16
  slot = wid % 16
  lo = slot * DEG_ROWS

  zero = jnp.zeros((L,), jnp.float32)
  ones = jnp.full((L,), 1.0, jnp.float32)
  lo_v = jnp.full((L,), 1, jnp.int32) * lo
  hi_v = lo_v + DEG_ROWS

  def scan(idx_hbm, out_hbm):
    def zbody(i, _):
      acc[pl.ds(i * L, L)] = zero
      return 0

    lax.fori_loop(0, DEG_ROWS // L, zbody, 0)

    def start_fetch(b, j):
      pltpu.make_async_copy(idx_hbm.at[pl.ds(j * CHUNK, CHUNK)], buf.at[b],
                            sem).start()

    def wait_fetch(b, j):
      pltpu.make_async_copy(idx_hbm.at[pl.ds(j * CHUNK, CHUNK)], buf.at[b],
                            sem).wait()

    def inner(b):
      @plsc.parallel_loop(0, CHUNK // L, unroll=8)
      def _(i):
        d16 = buf[b, pl.ds(i * L, L)]
        m = (d16 >= lo_v) & (d16 < hi_v)
        idx = jnp.where(m, d16 - lo_v, 0)
        plsc.addupdate_scatter(acc, [idx], ones, mask=m)

    start_fetch(0, 0)

    def pair_body(jp, _):
      for b in range(2):
        j = jp * 2 + b

        @pl.when(j + 1 < NCHUNK)
        def _():
          start_fetch(1 - b, j + 1)

        wait_fetch(b, j)
        inner(b)
      return 0

    lax.fori_loop(0, NCHUNK // 2, pair_body, 0)
    pltpu.sync_copy(acc, out_hbm.at[pl.ds(lo, DEG_ROWS)])

  @pl.when(grp == 0)
  def _():
    scan(di_hbm, degi_hbm)

  @pl.when(grp == 1)
  def _():
    scan(du_hbm, degu_hbm)


BLK = 1000


def _tc_half_body(h, m, deg, W1, b1, W2, b2, W3, b3, out):
  prec = lax.Precision.HIGHEST

  def mm(a, w):
    return jnp.dot(a, w[...], preferred_element_type=jnp.float32,
                   precision=prec)

  h_b = h[...]
  inv = 1.0 / jnp.maximum(deg[...], 1.0)
  a0 = mm(jnp.concatenate([m[...] * inv, h_b], axis=1), W1) + b1[...]
  t = mm(jnp.concatenate([jax.nn.relu(a0), jax.nn.relu(h_b)], axis=1),
         W2) + b2[...]
  out[...] = mm(t, W3) + b3[...]


def _tc_half(h, m, deg, weights):
  nblk = pl.BlockSpec((BLK, D), lambda j: (j, 0))
  dspec = pl.BlockSpec((BLK, 1), lambda j: (j, 0))
  in_specs = [nblk, nblk, dspec] + [
      pl.BlockSpec(w.shape, lambda j: (0, 0)) for w in weights
  ]
  return pl.pallas_call(
      _tc_half_body,
      grid=(N // BLK,),
      in_specs=in_specs,
      out_specs=nblk,
      out_shape=jax.ShapeDtypeStruct((N, D), jnp.float32),
  )(h, m, deg, *weights)


def _pack_cols(x):
  xb = x.astype(jnp.bfloat16).reshape(N, D // 2, 2)
  return lax.bitcast_convert_type(xb, jnp.int32).T


def kernel(x_user, x_item, ei_u2i, ei_i2u, Wc_f, bc_f, Ws_f, bs_f, Wc_b, bc_b,
           Ws_b, bs_b, Wt_f, bt_f, Wt_b, bt_b, Wcat, bcat):
  si, di = ei_u2i[0], ei_u2i[1]
  su, du = ei_i2u[0], ei_i2u[1]
  e_u2i = si | lax.shift_left(di, 16)
  e_i2u = su | lax.shift_left(du, 16)

  degi_p, degu_p = _make_degrees()(di, du)
  degi = degi_p[:N].reshape(N, 1)
  degu = degu_p[:N].reshape(N, 1)

  zz = jnp.zeros((D, D), jnp.float32)

  def item_weights(k):
    return [
        jnp.concatenate([Wc_f[k], Ws_f[k]], axis=0),
        (bc_f[k] + bs_f[k]).reshape(1, D),
        jnp.block([[Wt_f[k, 1], zz], [zz, Wt_b[k, 1]]]),
        jnp.concatenate([bt_f[k, 1], bt_b[k, 1]]).reshape(1, 2 * D),
        Wcat[k, 1], bcat[k, 1].reshape(1, D),
    ]

  def user_weights(k):
    return [
        jnp.concatenate([Wc_b[k], Ws_b[k]], axis=0),
        (bc_b[k] + bs_b[k]).reshape(1, D),
        jnp.block([[Wt_b[k, 0], zz], [zz, Wt_f[k, 0]]]),
        jnp.concatenate([bt_b[k, 0], bt_f[k, 0]]).reshape(1, 2 * D),
        jnp.concatenate([Wcat[k, 0][D:], Wcat[k, 0][:D]], axis=0),
        bcat[k, 0].reshape(1, D),
    ]

  segsum_t = _make_segsum_t()
  hu0, hi0 = x_user, x_item
  mi1 = segsum_t(_pack_cols(hu0), e_u2i).T
  mu1 = segsum_t(_pack_cols(hi0), e_i2u).T
  hi1 = _tc_half(hi0, mi1, degi, item_weights(0))
  hu1 = _tc_half(hu0, mu1, degu, user_weights(0))
  mu2 = segsum_t(_pack_cols(hi1), e_i2u).T
  mi2 = segsum_t(_pack_cols(hu1), e_u2i).T
  hu2 = _tc_half(hu1, mu2, degu, user_weights(1))
  hi2 = _tc_half(hi1, mi2, degi, item_weights(1))
  return jnp.stack([hu2, hi2])

# --- scband reference (transcript-rebuilt; emitter-appended) ---
"""Pipeline reference for scband-dctsgcnlayer-24180665876674 (READ-ONLY COPY).

The authoritative reference and input builder live on the scoring server;
editing this copy changes nothing except your own understanding.
"""

import jax, jax.numpy as jnp
import numpy as np

N = 10000
E = 320000
D = 128
K = 2


def _graphconv_right(x_src, src, dst, n_dst, W, b):
    # DGL GraphConv with norm='right': sum incoming messages, divide by in-degree (clamped to 1), then linear
    msg = jax.ops.segment_sum(x_src[src], dst, num_segments=n_dst)
    deg = jax.ops.segment_sum(jnp.ones((src.shape[0],), jnp.float32), dst, num_segments=n_dst)
    deg = jnp.clip(deg, 1.0, None)
    return (msg / deg[:, None]) @ W + b


def _dctsgcn(x_user, x_item, ei_u2i, ei_i2u, Wc_f, bc_f, Ws_f, bs_f, Wt_f, bt_f, Wc_b, bc_b, Ws_b, bs_b, Wt_b, bt_b, Wcat, bcat):
    hu, hi = x_user, x_item
    si, di = ei_u2i[0], ei_u2i[1]  # user -> item edges
    su, du = ei_i2u[0], ei_i2u[1]  # item -> user edges
    for k in range(K):
        # forward DirectedCTSGCNLayer: conv along user->item, skip-connect on item, relu, trans_fc (HeteroLinear)
        conv_i = _graphconv_right(hu, si, di, hi.shape[0], Wc_f[k], bc_f[k])
        fi = hi @ Ws_f[k] + bs_f[k] + conv_i
        fu = jax.nn.relu(hu) @ Wt_f[k, 0] + bt_f[k, 0]
        fi = jax.nn.relu(fi) @ Wt_f[k, 1] + bt_f[k, 1]
        # backward DirectedCTSGCNLayer: conv along item->user, skip-connect on user, relu, trans_fc
        conv_u = _graphconv_right(hi, su, du, hu.shape[0], Wc_b[k], bc_b[k])
        bu = hu @ Ws_b[k] + bs_b[k] + conv_u
        bu = jax.nn.relu(bu) @ Wt_b[k, 0] + bt_b[k, 0]
        bi = jax.nn.relu(hi) @ Wt_b[k, 1] + bt_b[k, 1]
        # concat forward/backward embeddings per ntype, then HeteroLinear concat_fc
        hu = jnp.concatenate([fu, bu], axis=-1) @ Wcat[k, 0] + bcat[k, 0]
        hi = jnp.concatenate([fi, bi], axis=-1) @ Wcat[k, 1] + bcat[k, 1]
    return jnp.stack([hu, hi])


def setup_inputs(seed: int = 0) -> dict:
    key = jax.random.key(seed)
    ks = jax.random.split(key, 16)
    s = 0.05
    inp = {}
    inp['x_user'] = jax.random.normal(ks[0], (N, D), dtype=jnp.float32)
    inp['x_item'] = jax.random.normal(ks[1], (N, D), dtype=jnp.float32)
    inp['ei_u2i'] = jax.random.randint(ks[2], (2, E), 0, N, dtype=jnp.int32)
    inp['ei_i2u'] = jax.random.randint(ks[3], (2, E), 0, N, dtype=jnp.int32)
    for i, n in enumerate(['Wc_f', 'Ws_f', 'Wc_b', 'Ws_b']):
        inp[n] = jax.random.normal(ks[4 + i], (K, D, D), dtype=jnp.float32) * s
        inp['b' + n[1:]] = jnp.zeros((K, D), dtype=jnp.float32)
    inp['Wt_f'] = jax.random.normal(ks[8], (K, 2, D, D), dtype=jnp.float32) * s
    inp['bt_f'] = jnp.zeros((K, 2, D), dtype=jnp.float32)
    inp['Wt_b'] = jax.random.normal(ks[9], (K, 2, D, D), dtype=jnp.float32) * s
    inp['bt_b'] = jnp.zeros((K, 2, D), dtype=jnp.float32)
    inp['Wcat'] = jax.random.normal(ks[10], (K, 2, 2 * D, D), dtype=jnp.float32) * s
    inp['bcat'] = jnp.zeros((K, 2, D), dtype=jnp.float32)
    return inp


def reference(x_user, x_item, ei_u2i, ei_i2u, Wc_f, bc_f, Ws_f, bs_f, Wc_b, bc_b, Ws_b, bs_b, Wt_f, bt_f, Wt_b, bt_b, Wcat, bcat):
    return _dctsgcn(x_user, x_item, ei_u2i, ei_i2u, Wc_f, bc_f, Ws_f, bs_f, Wt_f, bt_f, Wc_b, bc_b, Ws_b, bs_b, Wt_b, bt_b, Wcat, bcat)

if __name__ == "__main__":
    import jax
    _d = setup_inputs()
    print(jax.jit(kernel)(*tuple(_d.values())))

</pallas_src>

<mosaic_0001>
#map = affine_map<(d0, d1) -> (0, 0)>
#map1 = affine_map<(d0, d1) -> (0)>
module attributes {stable_mosaic.version = 14 : i64} {
  func.func @_segsum_t_body(%arg0: i32, %arg1: i32, %arg2: memref<64x10000xi32, #tpu.memory_space<hbm>>, %arg3: memref<320000xi32, #tpu.memory_space<hbm>>, %arg4: memref<128x10000xf32, #tpu.memory_space<hbm>>, %arg5: memref<2x10000xi32, #tpu.memory_space<vmem>>, %arg6: memref<4x10000xf32, #tpu.memory_space<vmem>>, %arg7: memref<2x10000xi32, #tpu.memory_space<vmem>>, %arg8: memref<!tpu.dma_semaphore, #tpu.memory_space<semaphore_mem>>) attributes {dimension_semantics = [#tpu.dimension_semantics<core_parallel>, #tpu.dimension_semantics<subcore_parallel>], iteration_bounds = array<i64: 2, 16>, scalar_prefetch = 0 : i64, scratch_operands = 4 : i64, tpu.core_type = #tpu.core_type<sc_vector_subcore>, window_params = [{transform_indices = #map}, {transform_indices = #map1}, {transform_indices = #map}]} {
    %mul3A = arith.constant 2 : i32
    %mul3A_0 = arith.muli %arg1, %mul3A : i32
    %add3A = arith.addi %mul3A_0, %arg0 : i32
    %mul3A_1 = arith.constant 4 : i32
    %mul3A_2 = arith.muli %add3A, %mul3A_1 : i32
    %mul3A_3 = arith.constant 2 : i32
    %mul3A_4 = arith.muli %add3A, %mul3A_3 : i32
    "tpu.region"() ({
      %run_scoped3A = tpu.sem_alloc : memref<!tpu.dma_semaphore, #tpu.memory_space<semaphore_mem>>
      %dma_start3A_45 = arith.constant 0 : i32
      %dma_start3A_46 = tpu.memref_slice %arg2[%mul3A_4, %dma_start3A_45] : memref<64x10000xi32, #tpu.memory_space<hbm>> -> memref<2x10000xi32, #tpu.memory_space<hbm>>
      %dma_start3A_47 = arith.constant 0 : i32
      %dma_start3A_48 = tpu.memref_slice %arg2[%mul3A_4, %dma_start3A_47] : memref<64x10000xi32, #tpu.memory_space<hbm>> -> memref<2x10000xi32, #tpu.memory_space<hbm>>
      tpu.enqueue_dma source(%dma_start3A_48 : memref<2x10000xi32, #tpu.memory_space<hbm>>) target(%arg5 : memref<2x10000xi32, #tpu.memory_space<vmem>>) target_semaphore(%run_scoped3A : memref<!tpu.dma_semaphore, #tpu.memory_space<semaphore_mem>>)
      %dma_wait3A = arith.constant 0 : i32
      %dma_wait3A_49 = tpu.memref_slice %arg2[%mul3A_4, %dma_wait3A] : memref<64x10000xi32, #tpu.memory_space<hbm>> -> memref<2x10000xi32, #tpu.memory_space<hbm>>
      %dma_wait3A_50 = arith.constant 0 : i32
      %dma_wait3A_51 = tpu.memref_slice %arg2[%mul3A_4, %dma_wait3A_50] : memref<64x10000xi32, #tpu.memory_space<hbm>> -> memref<2x10000xi32, #tpu.memory_space<hbm>>
      tpu.wait_dma2 semaphore(%run_scoped3A : memref<!tpu.dma_semaphore, #tpu.memory_space<semaphore_mem>>) src(%dma_wait3A_51 : memref<2x10000xi32, #tpu.memory_space<hbm>>) dst(%arg5 : memref<2x10000xi32, #tpu.memory_space<vmem>>)
      tpu.yield
    }) : () -> ()
    %broadcast_in_dim3A = arith.constant 0.000000e+00 : f32
    %broadcast_in_dim3A_5 = vector.broadcast %broadcast_in_dim3A : f32 to vector<16xf32>
    %scan3A = arith.constant 0 : i32
    %scan3A_6 = arith.constant 0 : i32
    %scan3A_7 = arith.constant 625 : i32
    %scan3A_8 = arith.addi %scan3A_6, %scan3A_7 : i32
    %scan3A_9 = arith.constant 1 : i32
    %scan3A_10 = scf.for %scan3A_45 = %scan3A_6 to %scan3A_8 step %scan3A_9 iter_args(%scan3A_46 = %scan3A) -> (i32)  : i32 {
      %mul3A_47 = arith.constant 16 : i32
      %mul3A_48 = arith.muli %scan3A_45, %mul3A_47 : i32
      %swap3A = arith.constant 0 : i32
      %swap3A_49 = arith.index_cast %swap3A : i32 to index
      %swap3A_50 = arith.index_cast %mul3A_48 : i32 to index
      %swap3A_51 = tpu.vector_load %arg6[%swap3A_49, %swap3A_50] {strides = array<i32>} : memref<4x10000xf32, #tpu.memory_space<vmem>>, vector<16xf32>,
      tpu.vector_store %arg6[%swap3A_49, %swap3A_50], %broadcast_in_dim3A_5 {strides = array<i32>} : memref<4x10000xf32, #tpu.memory_space<vmem>>, vector<16xf32>,
      %mul3A_52 = arith.constant 16 : i32
      %mul3A_53 = arith.muli %scan3A_45, %mul3A_52 : i32
      %swap3A_54 = arith.constant 1 : i32
      %swap3A_55 = arith.index_cast %swap3A_54 : i32 to index
      %swap3A_56 = arith.index_cast %mul3A_53 : i32 to index
      %swap3A_57 = tpu.vector_load %arg6[%swap3A_55, %swap3A_56] {strides = array<i32>} : memref<4x10000xf32, #tpu.memory_space<vmem>>, vector<16xf32>,
      tpu.vector_store %arg6[%swap3A_55, %swap3A_56], %broadcast_in_dim3A_5 {strides = array<i32>} : memref<4x10000xf32, #tpu.memory_space<vmem>>, vector<16xf32>,
      %mul3A_58 = arith.constant 16 : i32
      %mul3A_59 = arith.muli %scan3A_45, %mul3A_58 : i32
      %swap3A_60 = arith.constant 2 : i32
      %swap3A_61 = arith.index_cast %swap3A_60 : i32 to index
      %swap3A_62 = arith.index_cast %mul3A_59 : i32 to index
      %swap3A_63 = tpu.vector_load %arg6[%swap3A_61, %swap3A_62] {strides = array<i32>} : memref<4x10000xf32, #tpu.memory_space<vmem>>, vector<16xf32>,
      tpu.vector_store %arg6[%swap3A_61, %swap3A_62], %broadcast_in_dim3A_5 {strides = array<i32>} : memref<4x10000xf32, #tpu.memory_space<vmem>>, vector<16xf32>,
      %mul3A_64 = arith.constant 16 : i32
      %mul3A_65 = arith.muli %scan3A_45, %mul3A_64 : i32
      %swap3A_66 = arith.constant 3 : i32
      %swap3A_67 = arith.index_cast %swap3A_66 : i32 to index
      %swap3A_68 = arith.index_cast %mul3A_65 : i32 to index
      %swap3A_69 = tpu.vector_load %arg6[%swap3A_67, %swap3A_68] {strides = array<i32>} : memref<4x10000xf32, #tpu.memory_space<vmem>>, vector<16xf32>,
      tpu.vector_store %arg6[%swap3A_67, %swap3A_68], %broadcast_in_dim3A_5 {strides = array<i32>} : memref<4x10000xf32, #tpu.memory_space<vmem>>, vector<16xf32>,
      %scan3A_70 = arith.constant 0 : i32
      scf.yield %scan3A_70 : i32
    }
    %scan3A_11 = arith.constant 625 : i32
    %broadcast_in_dim3A_12 = arith.constant 0 : i32
    %broadcast_in_dim3A_13 = vector.broadcast %broadcast_in_dim3A_12 : i32 to vector<16xi32>
    %broadcast_in_dim3A_14 = arith.constant 1 : i32
    %broadcast_in_dim3A_15 = vector.broadcast %broadcast_in_dim3A_14 : i32 to vector<16xi32>
    %broadcast_in_dim3A_16 = arith.constant 0 : i32
    %broadcast_in_dim3A_17 = vector.broadcast %broadcast_in_dim3A_16 : i32 to vector<16xi32>
    %broadcast_in_dim3A_18 = arith.constant 1 : i32
    %broadcast_in_dim3A_19 = vector.broadcast %broadcast_in_dim3A_18 : i32 to vector<16xi32>
    %broadcast_in_dim3A_20 = arith.constant 2 : i32
    %broadcast_in_dim3A_21 = vector.broadcast %broadcast_in_dim3A_20 : i32 to vector<16xi32>
    %broadcast_in_dim3A_22 = arith.constant 3 : i32
    %broadcast_in_dim3A_23 = vector.broadcast %broadcast_in_dim3A_22 : i32 to vector<16xi32>
    %broadcast_in_dim3A_24 = arith.constant 65535 : i32
    %broadcast_in_dim3A_25 = vector.broadcast %broadcast_in_dim3A_24 : i32 to vector<16xi32>
    %broadcast_in_dim3A_26 = arith.constant -65536 : i32
    %broadcast_in_dim3A_27 = vector.broadcast %broadcast_in_dim3A_26 : i32 to vector<16xi32>
    %dma_start3A = arith.constant 0 : i32
    %dma_start3A_28 = arith.constant 0 : i32
    %dma_start3A_29 = tpu.memref_slice %arg7[%dma_start3A, %dma_start3A_28] : memref<2x10000xi32, #tpu.memory_space<vmem>> -> memref<1x10000xi32, #tpu.memory_space<vmem>>
    %dma_start3A_30 = tpu.memref_squeeze %dma_start3A_29 : memref<1x10000xi32, #tpu.memory_space<vmem>> -> memref<10000xi32, #tpu.memory_space<vmem>>
    %dma_start3A_31 = arith.constant 0 : i32
    %dma_start3A_32 = tpu.memref_slice %arg3[%dma_start3A_31] : memref<320000xi32, #tpu.memory_space<hbm>> -> memref<10000xi32, #tpu.memory_space<hbm>>
    %dma_start3A_33 = arith.constant 0 : i32
    %dma_start3A_34 = tpu.memref_slice %arg7[%dma_start3A, %dma_start3A_33] : memref<2x10000xi32, #tpu.memory_space<vmem>> -> memref<1x10000xi32, #tpu.memory_space<vmem>>
    %dma_start3A_35 = tpu.memref_squeeze %dma_start3A_34 : memref<1x10000xi32, #tpu.memory_space<vmem>> -> memref<10000xi32, #tpu.memory_space<vmem>>
    %dma_start3A_36 = arith.constant 0 : i32
    %dma_start3A_37 = tpu.memref_slice %arg3[%dma_start3A_36] : memref<320000xi32, #tpu.memory_space<hbm>> -> memref<10000xi32, #tpu.memory_space<hbm>>
    tpu.enqueue_dma source(%dma_start3A_37 : memref<10000xi32, #tpu.memory_space<hbm>>) target(%dma_start3A_35 : memref<10000xi32, #tpu.memory_space<vmem>>) target_semaphore(%arg8 : memref<!tpu.dma_semaphore, #tpu.memory_space<semaphore_mem>>)
    %scan3A_38 = arith.constant 0 : i32
    %scan3A_39 = arith.constant 0 : i32
    %scan3A_40 = arith.constant 16 : i32
    %scan3A_41 = arith.addi %scan3A_39, %scan3A_40 : i32
    %scan3A_42 = arith.constant 1 : i32
    %scan3A_43 = scf.for %scan3A_45 = %scan3A_39 to %scan3A_41 step %scan3A_42 iter_args(%scan3A_46 = %scan3A_38) -> (i32)  : i32 {
      %mul3A_47 = arith.constant 2 : i32
      %mul3A_48 = arith.muli %scan3A_45, %mul3A_47 : i32
      %add3A_49 = arith.constant 0 : i32
      %add3A_50 = arith.addi %mul3A_48, %add3A_49 : i32
      %add3A_51 = arith.constant 1 : i32
      %add3A_52 = arith.addi %add3A_50, %add3A_51 : i32
      %lt3A = arith.constant 32 : i32
      %lt3A_53 = arith.cmpi slt, %add3A_52, %lt3A : i32
      %convert_element_type3A = arith.extui %lt3A_53 : i1 to i32
      %cond3A = arith.constant 0 : i32
      %cond3A_54 = arith.cmpi ne, %convert_element_type3A, %cond3A : i32
      scf.if %cond3A_54 {
        %add3A_93 = arith.constant 1 : i32
        %add3A_94 = arith.addi %add3A_50, %add3A_93 : i32
        %mul3A_95 = arith.constant 10000 : i32
        %mul3A_96 = arith.muli %add3A_94, %mul3A_95 : i32
        %dma_start3A_97 = arith.constant 1 : i32
        %dma_start3A_98 = arith.constant 0 : i32
        %dma_start3A_99 = tpu.memref_slice %arg7[%dma_start3A_97, %dma_start3A_98] : memref<2x10000xi32, #tpu.memory_space<vmem>> -> memref<1x10000xi32, #tpu.memory_space<vmem>>
        %dma_start3A_100 = tpu.memref_squeeze %dma_start3A_99 : memref<1x10000xi32, #tpu.memory_space<vmem>> -> memref<10000xi32, #tpu.memory_space<vmem>>
        %dma_start3A_101 = tpu.memref_slice %arg3[%mul3A_96] : memref<320000xi32, #tpu.memory_space<hbm>> -> memref<10000xi32, #tpu.memory_space<hbm>>
        %dma_start3A_102 = arith.constant 0 : i32
        %dma_start3A_103 = tpu.memref_slice %arg7[%dma_start3A_97, %dma_start3A_102] : memref<2x10000xi32, #tpu.memory_space<vmem>> -> memref<1x10000xi32, #tpu.memory_space<vmem>>
        %dma_start3A_104 = tpu.memref_squeeze %dma_start3A_103 : memref<1x10000xi32, #tpu.memory_space<vmem>> -> memref<10000xi32, #tpu.memory_space<vmem>>
        %dma_start3A_105 = tpu.memref_slice %arg3[%mul3A_96] : memref<320000xi32, #tpu.memory_space<hbm>> -> memref<10000xi32, #tpu.memory_space<hbm>>
        tpu.enqueue_dma source(%dma_start3A_105 : memref<10000xi32, #tpu.memory_space<hbm>>) target(%dma_start3A_104 : memref<10000xi32, #tpu.memory_space<vmem>>) target_semaphore(%arg8 : memref<!tpu.dma_semaphore, #tpu.memory_space<semaphore_mem>>)
      } else {
      }
      %mul3A_55 = arith.constant 10000 : i32
      %mul3A_56 = arith.muli %add3A_50, %mul3A_55 : i32
      %dma_wait3A = arith.constant 0 : i32
      %dma_wait3A_57 = arith.constant 0 : i32
      %dma_wait3A_58 = tpu.memref_slice %arg7[%dma_wait3A, %dma_wait3A_57] : memref<2x10000xi32, #tpu.memory_space<vmem>> -> memref<1x10000xi32, #tpu.memory_space<vmem>>
      %dma_wait3A_59 = tpu.memref_squeeze %dma_wait3A_58 : memref<1x10000xi32, #tpu.memory_space<vmem>> -> memref<10000xi32, #tpu.memory_space<vmem>>
      %dma_wait3A_60 = tpu.memref_slice %arg3[%mul3A_56] : memref<320000xi32, #tpu.memory_space<hbm>> -> memref<10000xi32, #tpu.memory_space<hbm>>
      %dma_wait3A_61 = arith.constant 0 : i32
      %dma_wait3A_62 = tpu.memref_slice %arg7[%dma_wait3A, %dma_wait3A_61] : memref<2x10000xi32, #tpu.memory_space<vmem>> -> memref<1x10000xi32, #tpu.memory_space<vmem>>
      %dma_wait3A_63 = tpu.memref_squeeze %dma_wait3A_62 : memref<1x10000xi32, #tpu.memory_space<vmem>> -> memref<10000xi32, #tpu.memory_space<vmem>>
      %dma_wait3A_64 = tpu.memref_slice %arg3[%mul3A_56] : memref<320000xi32, #tpu.memory_space<hbm>> -> memref<10000xi32, #tpu.memory_space<hbm>>
      tpu.wait_dma2 semaphore(%arg8 : memref<!tpu.dma_semaphore, #tpu.memory_space<semaphore_mem>>) src(%dma_wait3A_64 : memref<10000xi32, #tpu.memory_space<hbm>>) dst(%dma_wait3A_63 : memref<10000xi32, #tpu.memory_space<vmem>>)
      %parallel_loop3A = arith.constant 0 : i32
      %parallel_loop3A_65 = arith.constant 625 : i32
      %parallel_loop3A_66 = arith.constant 1 : i32
      scf.for %parallel_loop3A_93 = %parallel_loop3A to %parallel_loop3A_65 step %parallel_loop3A_66  : i32 {
        %parallel_loop3A_94 = arith.constant 16 : i32
        %parallel_loop3A_95 = arith.muli %parallel_loop3A_93, %parallel_loop3A_94 : i32
        %parallel_loop3A_96 = arith.constant 0 : i32
        %parallel_loop3A_97 = arith.index_cast %parallel_loop3A_96 : i32 to index
        %parallel_loop3A_98 = arith.index_cast %parallel_loop3A_95 : i32 to index
        %parallel_loop3A_99 = tpu.vector_load %arg7[%parallel_loop3A_97, %parallel_loop3A_98] {strides = array<i32>} : memref<2x10000xi32, #tpu.memory_space<vmem>>, vector<16xi32>,
        %parallel_loop3A_100 = arith.andi %parallel_loop3A_99, %broadcast_in_dim3A_25 : vector<16xi32>
        %parallel_loop3A_101 = arith.constant 16 : i32
        %parallel_loop3A_102 = vector.broadcast %parallel_loop3A_101 : i32 to vector<16xi32>
        %parallel_loop3A_103 = arith.shrui %parallel_loop3A_99, %parallel_loop3A_102 : vector<16xi32>
        %parallel_loop3A_104 = tpu.vector_load_idx %arg5[%broadcast_in_dim3A_13, %parallel_loop3A_100] : memref<2x10000xi32, #tpu.memory_space<vmem>>[vector<16xi32>, vector<16xi32>], vector<16xi32>,
        %parallel_loop3A_105 = arith.constant 16 : i32
        %parallel_loop3A_106 = vector.broadcast %parallel_loop3A_105 : i32 to vector<16xi32>
        %parallel_loop3A_107 = arith.shli %parallel_loop3A_104, %parallel_loop3A_106 : vector<16xi32>
        %parallel_loop3A_108 = vector.bitcast %parallel_loop3A_107 : vector<16xi32> to vector<16xf32>
        %parallel_loop3A_109 = arith.andi %parallel_loop3A_104, %broadcast_in_dim3A_27 : vector<16xi32>
        %parallel_loop3A_110 = vector.bitcast %parallel_loop3A_109 : vector<16xi32> to vector<16xf32>
        tpu.vector_store_idx %arg6[%broadcast_in_dim3A_17, %parallel_loop3A_103], %parallel_loop3A_108 {add = true} : memref<4x10000xf32, #tpu.memory_space<vmem>>[vector<16xi32>, vector<16xi32>], vector<16xf32>,
        tpu.vector_store_idx %arg6[%broadcast_in_dim3A_19, %parallel_loop3A_103], %parallel_loop3A_110 {add = true} : memref<4x10000xf32, #tpu.memory_space<vmem>>[vector<16xi32>, vector<16xi32>], vector<16xf32>,
        %parallel_loop3A_111 = tpu.vector_load_idx %arg5[%broadcast_in_dim3A_15, %parallel_loop3A_100] : memref<2x10000xi32, #tpu.memory_space<vmem>>[vector<16xi32>, vector<16xi32>], vector<16xi32>,
        %parallel_loop3A_112 = arith.constant 16 : i32
        %parallel_loop3A_113 = vector.broadcast %parallel_loop3A_112 : i32 to vector<16xi32>
        %parallel_loop3A_114 = arith.shli %parallel_loop3A_111, %parallel_loop3A_113 : vector<16xi32>
        %parallel_loop3A_115 = vector.bitcast %parallel_loop3A_114 : vector<16xi32> to vector<16xf32>
        %parallel_loop3A_116 = arith.andi %parallel_loop3A_111, %broadcast_in_dim3A_27 : vector<16xi32>
        %parallel_loop3A_117 = vector.bitcast %parallel_loop3A_116 : vector<16xi32> to vector<16xf32>
        tpu.vector_store_idx %arg6[%broadcast_in_dim3A_21, %parallel_loop3A_103], %parallel_loop3A_115 {add = true} : memref<4x10000xf32, #tpu.memory_space<vmem>>[vector<16xi32>, vector<16xi32>], vector<16xf32>,
        tpu.vector_store_idx %arg6[%broadcast_in_dim3A_23, %parallel_loop3A_103], %parallel_loop3A_117 {add = true} : memref<4x10000xf32, #tpu.memory_space<vmem>>[vector<16xi32>, vector<16xi32>], vector<16xf32>,
      } {sc.loop_unroll_factor = 8 : i64, sc.parallel_access}
      %mul3A_67 = arith.constant 2 : i32
      %mul3A_68 = arith.muli %scan3A_45, %mul3A_67 : i32
      %add3A_69 = arith.constant 1 : i32
      %add3A_70 = arith.addi %mul3A_68, %add3A_69 : i32
      %add3A_71 = arith.constant 1 : i32
      %add3A_72 = arith.addi %add3A_70, %add3A_71 : i32
      %lt3A_73 = arith.constant 32 : i32
      %lt3A_74 = arith.cmpi slt, %add3A_72, %lt3A_73 : i32
      %convert_element_type3A_75 = arith.extui %lt3A_74 : i1 to i32
      %cond3A_76 = arith.constant 0 : i32
      %cond3A_77 = arith.cmpi ne, %convert_element_type3A_75, %cond3A_76 : i32
      scf.if %cond3A_77 {
        %add3A_93 = arith.constant 1 : i32
        %add3A_94 = arith.addi %add3A_70, %add3A_93 : i32
        %mul3A_95 = arith.constant 10000 : i32
        %mul3A_96 = arith.muli %add3A_94, %mul3A_95 : i32
        %dma_start3A_97 = arith.constant 0 : i32
        %dma_start3A_98 = arith.constant 0 : i32
        %dma_start3A_99 = tpu.memref_slice %arg7[%dma_start3A_97, %dma_start3A_98] : memref<2x10000xi32, #tpu.memory_space<vmem>> -> memref<1x10000xi32, #tpu.memory_space<vmem>>
        %dma_start3A_100 = tpu.memref_squeeze %dma_start3A_99 : memref<1x10000xi32, #tpu.memory_space<vmem>> -> memref<10000xi32, #tpu.memory_space<vmem>>
        %dma_start3A_101 = tpu.memref_slice %arg3[%mul3A_96] : memref<320000xi32, #tpu.memory_space<hbm>> -> memref<10000xi32, #tpu.memory_space<hbm>>
        %dma_start3A_102 = arith.constant 0 : i32
        %dma_start3A_103 = tpu.memref_slice %arg7[%dma_start3A_97, %dma_start3A_102] : memref<2x10000xi32, #tpu.memory_space<vmem>> -> memref<1x10000xi32, #tpu.memory_space<vmem>>
        %dma_start3A_104 = tpu.memref_squeeze %dma_start3A_103 : memref<1x10000xi32, #tpu.memory_space<vmem>> -> memref<10000xi32, #tpu.memory_space<vmem>>
        %dma_start3A_105 = tpu.memref_slice %arg3[%mul3A_96] : memref<320000xi32, #tpu.memory_space<hbm>> -> memref<10000xi32, #tpu.memory_space<hbm>>
        tpu.enqueue_dma source(%dma_start3A_105 : memref<10000xi32, #tpu.memory_space<hbm>>) target(%dma_start3A_104 : memref<10000xi32, #tpu.memory_space<vmem>>) target_semaphore(%arg8 : memref<!tpu.dma_semaphore, #tpu.memory_space<semaphore_mem>>)
      } else {
      }
      %mul3A_78 = arith.constant 10000 : i32
      %mul3A_79 = arith.muli %add3A_70, %mul3A_78 : i32
      %dma_wait3A_80 = arith.constant 1 : i32
      %dma_wait3A_81 = arith.constant 0 : i32
      %dma_wait3A_82 = tpu.memref_slice %arg7[%dma_wait3A_80, %dma_wait3A_81] : memref<2x10000xi32, #tpu.memory_space<vmem>> -> memref<1x10000xi32, #tpu.memory_space<vmem>>
      %dma_wait3A_83 = tpu.memref_squeeze %dma_wait3A_82 : memref<1x10000xi32, #tpu.memory_space<vmem>> -> memref<10000xi32, #tpu.memory_space<vmem>>
      %dma_wait3A_84 = tpu.memref_slice %arg3[%mul3A_79] : memref<320000xi32, #tpu.memory_space<hbm>> -> memref<10000xi32, #tpu.memory_space<hbm>>
      %dma_wait3A_85 = arith.constant 0 : i32
      %dma_wait3A_86 = tpu.memref_slice %arg7[%dma_wait3A_80, %dma_wait3A_85] : memref<2x10000xi32, #tpu.memory_space<vmem>> -> memref<1x10000xi32, #tpu.memory_space<vmem>>
      %dma_wait3A_87 = tpu.memref_squeeze %dma_wait3A_86 : memref<1x10000xi32, #tpu.memory_space<vmem>> -> memref<10000xi32, #tpu.memory_space<vmem>>
      %dma_wait3A_88 = tpu.memref_slice %arg3[%mul3A_79] : memref<320000xi32, #tpu.memory_space<hbm>> -> memref<10000xi32, #tpu.memory_space<hbm>>
      tpu.wait_dma2 semaphore(%arg8 : memref<!tpu.dma_semaphore, #tpu.memory_space<semaphore_mem>>) src(%dma_wait3A_88 : memref<10000xi32, #tpu.memory_space<hbm>>) dst(%dma_wait3A_87 : memref<10000xi32, #tpu.memory_space<vmem>>)
      %parallel_loop3A_89 = arith.constant 0 : i32
      %parallel_loop3A_90 = arith.constant 625 : i32
      %parallel_loop3A_91 = arith.constant 1 : i32
      scf.for %parallel_loop3A_93 = %parallel_loop3A_89 to %parallel_loop3A_90 step %parallel_loop3A_91  : i32 {
        %parallel_loop3A_94 = arith.constant 16 : i32
        %parallel_loop3A_95 = arith.muli %parallel_loop3A_93, %parallel_loop3A_94 : i32
        %parallel_loop3A_96 = arith.constant 1 : i32
        %parallel_loop3A_97 = arith.index_cast %parallel_loop3A_96 : i32 to index
        %parallel_loop3A_98 = arith.index_cast %parallel_loop3A_95 : i32 to index
        %parallel_loop3A_99 = tpu.vector_load %arg7[%parallel_loop3A_97, %parallel_loop3A_98] {strides = array<i32>} : memref<2x10000xi32, #tpu.memory_space<vmem>>, vector<16xi32>,
        %parallel_loop3A_100 = arith.andi %parallel_loop3A_99, %broadcast_in_dim3A_25 : vector<16xi32>
        %parallel_loop3A_101 = arith.constant 16 : i32
        %parallel_loop3A_102 = vector.broadcast %parallel_loop3A_101 : i32 to vector<16xi32>
        %parallel_loop3A_103 = arith.shrui %parallel_loop3A_99, %parallel_loop3A_102 : vector<16xi32>
        %parallel_loop3A_104 = tpu.vector_load_idx %arg5[%broadcast_in_dim3A_13, %parallel_loop3A_100] : memref<2x10000xi32, #tpu.memory_space<vmem>>[vector<16xi32>, vector<16xi32>], vector<16xi32>,
        %parallel_loop3A_105 = arith.constant 16 : i32
        %parallel_loop3A_106 = vector.broadcast %parallel_loop3A_105 : i32 to vector<16xi32>
        %parallel_loop3A_107 = arith.shli %parallel_loop3A_104, %parallel_loop3A_106 : vector<16xi32>
        %parallel_loop3A_108 = vector.bitcast %parallel_loop3A_107 : vector<16xi32> to vector<16xf32>
        %parallel_loop3A_109 = arith.andi %parallel_loop3A_104, %broadcast_in_dim3A_27 : vector<16xi32>
        %parallel_loop3A_110 = vector.bitcast %parallel_loop3A_109 : vector<16xi32> to vector<16xf32>
        tpu.vector_store_idx %arg6[%broadcast_in_dim3A_17, %parallel_loop3A_103], %parallel_loop3A_108 {add = true} : memref<4x10000xf32, #tpu.memory_space<vmem>>[vector<16xi32>, vector<16xi32>], vector<16xf32>,
        tpu.vector_store_idx %arg6[%broadcast_in_dim3A_19, %parallel_loop3A_103], %parallel_loop3A_110 {add = true} : memref<4x10000xf32, #tpu.memory_space<vmem>>[vector<16xi32>, vector<16xi32>], vector<16xf32>,
        %parallel_loop3A_111 = tpu.vector_load_idx %arg5[%broadcast_in_dim3A_15, %parallel_loop3A_100] : memref<2x10000xi32, #tpu.memory_space<vmem>>[vector<16xi32>, vector<16xi32>], vector<16xi32>,
        %parallel_loop3A_112 = arith.constant 16 : i32
        %parallel_loop3A_113 = vector.broadcast %parallel_loop3A_112 : i32 to vector<16xi32>
        %parallel_loop3A_114 = arith.shli %parallel_loop3A_111, %parallel_loop3A_113 : vector<16xi32>
        %parallel_loop3A_115 = vector.bitcast %parallel_loop3A_114 : vector<16xi32> to vector<16xf32>
        %parallel_loop3A_116 = arith.andi %parallel_loop3A_111, %broadcast_in_dim3A_27 : vector<16xi32>
        %parallel_loop3A_117 = vector.bitcast %parallel_loop3A_116 : vector<16xi32> to vector<16xf32>
        tpu.vector_store_idx %arg6[%broadcast_in_dim3A_21, %parallel_loop3A_103], %parallel_loop3A_115 {add = true} : memref<4x10000xf32, #tpu.memory_space<vmem>>[vector<16xi32>, vector<16xi32>], vector<16xf32>,
        tpu.vector_store_idx %arg6[%broadcast_in_dim3A_23, %parallel_loop3A_103], %parallel_loop3A_117 {add = true} : memref<4x10000xf32, #tpu.memory_space<vmem>>[vector<16xi32>, vector<16xi32>], vector<16xf32>,
      } {sc.loop_unroll_factor = 8 : i64, sc.parallel_access}
      %scan3A_92 = arith.constant 0 : i32
      scf.yield %scan3A_92 : i32
    }
    %scan3A_44 = arith.constant 16 : i32
    "tpu.region"() ({
      %run_scoped3A = tpu.sem_alloc : memref<!tpu.dma_semaphore, #tpu.memory_space<semaphore_mem>>
      %dma_start3A_45 = arith.constant 0 : i32
      %dma_start3A_46 = tpu.memref_slice %arg4[%mul3A_2, %dma_start3A_45] : memref<128x10000xf32, #tpu.memory_space<hbm>> -> memref<4x10000xf32, #tpu.memory_space<hbm>>
      %dma_start3A_47 = arith.constant 0 : i32
      %dma_start3A_48 = tpu.memref_slice %arg4[%mul3A_2, %dma_start3A_47] : memref<128x10000xf32, #tpu.memory_space<hbm>> -> memref<4x10000xf32, #tpu.memory_space<hbm>>
      tpu.enqueue_dma source(%arg6 : memref<4x10000xf32, #tpu.memory_space<vmem>>) target(%dma_start3A_48 : memref<4x10000xf32, #tpu.memory_space<hbm>>) target_semaphore(%run_scoped3A : memref<!tpu.dma_semaphore, #tpu.memory_space<semaphore_mem>>)
      %dma_wait3A = arith.constant 0 : i32
      %dma_wait3A_49 = tpu.memref_slice %arg4[%mul3A_2, %dma_wait3A] : memref<128x10000xf32, #tpu.memory_space<hbm>> -> memref<4x10000xf32, #tpu.memory_space<hbm>>
      %dma_wait3A_50 = arith.constant 0 : i32
      %dma_wait3A_51 = tpu.memref_slice %arg4[%mul3A_2, %dma_wait3A_50] : memref<128x10000xf32, #tpu.memory_space<hbm>> -> memref<4x10000xf32, #tpu.memory_space<hbm>>
      tpu.wait_dma2 semaphore(%run_scoped3A : memref<!tpu.dma_semaphore, #tpu.memory_space<semaphore_mem>>) src(%arg6 : memref<4x10000xf32, #tpu.memory_space<vmem>>) dst(%dma_wait3A_51 : memref<4x10000xf32, #tpu.memory_space<hbm>>)
      tpu.yield
    }) : () -> ()
    return
  }
}

#map = affine_map<(d0, d1) -> (0)>
module attributes {stable_mosaic.version = 14 : i64} {
  func.func @_degrees_body(%arg0: i32, %arg1: i32, %arg2: memref<320000xi32, #tpu.memory_space<hbm>>, %arg3: memref<320000xi32, #tpu.memory_space<hbm>>, %arg4: memref<10240xf32, #tpu.memory_space<hbm>>, %arg5: memref<10240xf32, #tpu.memory_space<hbm>>, %arg6: memref<640xf32, #tpu.memory_space<vmem>>, %arg7: memref<2x10000xi32, #tpu.memory_space<vmem>>, %arg8: memref<!tpu.dma_semaphore, #tpu.memory_space<semaphore_mem>>) attributes {dimension_semantics = [#tpu.dimension_semantics<core_parallel>, #tpu.dimension_semantics<subcore_parallel>], iteration_bounds = array<i64: 2, 16>, scalar_prefetch = 0 : i64, scratch_operands = 3 : i64, tpu.core_type = #tpu.core_type<sc_vector_subcore>, window_params = [{transform_indices = #map}, {transform_indices = #map}, {transform_indices = #map}, {transform_indices = #map}]} {
    %mul3A = arith.constant 2 : i32
    %mul3A_0 = arith.muli %arg1, %mul3A : i32
    %add3A = arith.addi %mul3A_0, %arg0 : i32
    %jit3A = arith.constant 16 : i32
    %div3A = arith.divsi %add3A, %jit3A : i32
    %sign3A = arith.constant 0 : i32
    %sign3A_1 = arith.cmpi sgt, %add3A, %sign3A : i32
    %sign3A_2 = arith.extui %sign3A_1 : i1 to i32
    %sign3A_3 = arith.constant 0 : i32
    %sign3A_4 = arith.cmpi slt, %add3A, %sign3A_3 : i32
    %sign3A_5 = arith.extui %sign3A_4 : i1 to i32
    %sign3A_6 = arith.subi %sign3A_2, %sign3A_5 : i32
    %sign3A_7 = arith.constant 0 : i32
    %sign3A_8 = arith.cmpi sgt, %jit3A, %sign3A_7 : i32
    %sign3A_9 = arith.extui %sign3A_8 : i1 to i32
    %sign3A_10 = arith.constant 0 : i32
    %sign3A_11 = arith.cmpi slt, %jit3A, %sign3A_10 : i32
    %sign3A_12 = arith.extui %sign3A_11 : i1 to i32
    %sign3A_13 = arith.subi %sign3A_9, %sign3A_12 : i32
    %ne3A = arith.cmpi ne, %sign3A_6, %sign3A_13 : i32
    %rem3A = arith.remsi %add3A, %jit3A : i32
    %ne3A_14 = arith.constant 0 : i32
    %ne3A_15 = arith.cmpi ne, %rem3A, %ne3A_14 : i32
    %and3A = arith.andi %ne3A, %ne3A_15 : i1
    %sub3A = arith.constant 1 : i32
    %sub3A_16 = arith.subi %div3A, %sub3A : i32
    %select_n3A = arith.select %and3A, %sub3A_16, %div3A : i32
    %jit3A_17 = arith.constant 16 : i32
    %eq3A = arith.constant 0 : i32
    %eq3A_18 = arith.cmpi eq, %jit3A_17, %eq3A : i32
    %jit3A_19 = arith.constant 1 : i32
    %select_n3A_20 = arith.select %eq3A_18, %jit3A_19, %jit3A_17 : i32
    %rem3A_21 = arith.remsi %add3A, %select_n3A_20 : i32
    %ne3A_22 = arith.constant 0 : i32
    %ne3A_23 = arith.cmpi ne, %rem3A_21, %ne3A_22 : i32
    %lt3A = arith.constant 0 : i32
    %lt3A_24 = arith.cmpi slt, %rem3A_21, %lt3A : i32
    %lt3A_25 = arith.constant 0 : i32
    %lt3A_26 = arith.cmpi slt, %select_n3A_20, %lt3A_25 : i32
    %ne3A_27 = arith.xori %lt3A_24, %lt3A_26 : i1
    %and3A_28 = arith.andi %ne3A_27, %ne3A_23 : i1
    %add3A_29 = arith.addi %rem3A_21, %select_n3A_20 : i32
    %select_n3A_30 = arith.select %and3A_28, %add3A_29, %rem3A_21 : i32
    %mul3A_31 = arith.constant 640 : i32
    %mul3A_32 = arith.muli %select_n3A_30, %mul3A_31 : i32
    %broadcast_in_dim3A = arith.constant 0.000000e+00 : f32
    %broadcast_in_dim3A_33 = vector.broadcast %broadcast_in_dim3A : f32 to vector<16xf32>
    %broadcast_in_dim3A_34 = arith.constant 1.000000e+00 : f32
    %broadcast_in_dim3A_35 = vector.broadcast %broadcast_in_dim3A_34 : f32 to vector<16xf32>
    %broadcast_in_dim3A_36 = arith.constant 1 : i32
    %broadcast_in_dim3A_37 = vector.broadcast %broadcast_in_dim3A_36 : i32 to vector<16xi32>
    %mul3A_38 = vector.broadcast %mul3A_32 : i32 to vector<16xi32>
    %mul3A_39 = arith.muli %broadcast_in_dim3A_37, %mul3A_38 : vector<16xi32>
    %add3A_40 = arith.constant 640 : i32
    %add3A_41 = vector.broadcast %add3A_40 : i32 to vector<16xi32>
    %add3A_42 = arith.addi %mul3A_39, %add3A_41 : vector<16xi32>
    %eq3A_43 = arith.constant 0 : i32
    %eq3A_44 = arith.cmpi eq, %select_n3A, %eq3A_43 : i32
    %convert_element_type3A = arith.extui %eq3A_44 : i1 to i32
    %cond3A = arith.constant 0 : i32
    %cond3A_45 = arith.cmpi ne, %convert_element_type3A, %cond3A : i32
    scf.if %cond3A_45 {
      %scan3A = arith.constant 0 : i32
      %scan3A_51 = arith.constant 0 : i32
      %scan3A_52 = arith.constant 40 : i32
      %scan3A_53 = arith.addi %scan3A_51, %scan3A_52 : i32
      %scan3A_54 = arith.constant 1 : i32
      %scan3A_55 = scf.for %scan3A_74 = %scan3A_51 to %scan3A_53 step %scan3A_54 iter_args(%scan3A_75 = %scan3A) -> (i32)  : i32 {
        %mul3A_76 = arith.constant 16 : i32
        %mul3A_77 = arith.muli %scan3A_74, %mul3A_76 : i32
        %swap3A = arith.index_cast %mul3A_77 : i32 to index
        %swap3A_78 = tpu.vector_load %arg6[%swap3A] {strides = array<i32>} : memref<640xf32, #tpu.memory_space<vmem>>, vector<16xf32>,
        tpu.vector_store %arg6[%swap3A], %broadcast_in_dim3A_33 {strides = array<i32>} : memref<640xf32, #tpu.memory_space<vmem>>, vector<16xf32>,
        %scan3A_79 = arith.constant 0 : i32
        scf.yield %scan3A_79 : i32
      }
      %scan3A_56 = arith.constant 40 : i32
      %dma_start3A = arith.constant 0 : i32
      %dma_start3A_57 = arith.constant 0 : i32
      %dma_start3A_58 = tpu.memref_slice %arg7[%dma_start3A, %dma_start3A_57] : memref<2x10000xi32, #tpu.memory_space<vmem>> -> memref<1x10000xi32, #tpu.memory_space<vmem>>
      %dma_start3A_59 = tpu.memref_squeeze %dma_start3A_58 : memref<1x10000xi32, #tpu.memory_space<vmem>> -> memref<10000xi32, #tpu.memory_space<vmem>>
      %dma_start3A_60 = arith.constant 0 : i32
      %dma_start3A_61 = tpu.memref_slice %arg2[%dma_start3A_60] : memref<320000xi32, #tpu.memory_space<hbm>> -> memref<10000xi32, #tpu.memory_space<hbm>>
      %dma_start3A_62 = arith.constant 0 : i32
      %dma_start3A_63 = tpu.memref_slice %arg7[%dma_start3A, %dma_start3A_62] : memref<2x10000xi32, #tpu.memory_space<vmem>> -> memref<1x10000xi32, #tpu.memory_space<vmem>>
      %dma_start3A_64 = tpu.memref_squeeze %dma_start3A_63 : memref<1x10000xi32, #tpu.memory_space<vmem>> -> memref<10000xi32, #tpu.memory_space<vmem>>
      %dma_start3A_65 = arith.constant 0 : i32
      %dma_start3A_66 = tpu.memref_slice %arg2[%dma_start3A_65] : memref<320000xi32, #tpu.memory_space<hbm>> -> memref<10000xi32, #tpu.memory_space<hbm>>
      tpu.enqueue_dma source(%dma_start3A_66 : memref<10000xi32, #tpu.memory_space<hbm>>) target(%dma_start3A_64 : memref<10000xi32, #tpu.memory_space<vmem>>) target_semaphore(%arg8 : memref<!tpu.dma_semaphore, #tpu.memory_space<semaphore_mem>>)
      %scan3A_67 = arith.constant 0 : i32
      %scan3A_68 = arith.constant 0 : i32
      %scan3A_69 = arith.constant 16 : i32
      %scan3A_70 = arith.addi %scan3A_68, %scan3A_69 : i32
      %scan3A_71 = arith.constant 1 : i32
      %scan3A_72 = scf.for %scan3A_74 = %scan3A_68 to %scan3A_70 step %scan3A_71 iter_args(%scan3A_75 = %scan3A_67) -> (i32)  : i32 {
        %mul3A_76 = arith.constant 2 : i32
        %mul3A_77 = arith.muli %scan3A_74, %mul3A_76 : i32
        %add3A_78 = arith.constant 0 : i32
        %add3A_79 = arith.addi %mul3A_77, %add3A_78 : i32
        %add3A_80 = arith.constant 1 : i32
        %add3A_81 = arith.addi %add3A_79, %add3A_80 : i32
        %lt3A_82 = arith.constant 32 : i32
        %lt3A_83 = arith.cmpi slt, %add3A_81, %lt3A_82 : i32
        %convert_element_type3A_84 = arith.extui %lt3A_83 : i1 to i32
        %cond3A_85 = arith.constant 0 : i32
        %cond3A_86 = arith.cmpi ne, %convert_element_type3A_84, %cond3A_85 : i32
        scf.if %cond3A_86 {
          %add3A_125 = arith.constant 1 : i32
          %add3A_126 = arith.addi %add3A_79, %add3A_125 : i32
          %mul3A_127 = arith.constant 10000 : i32
          %mul3A_128 = arith.muli %add3A_126, %mul3A_127 : i32
          %dma_start3A_129 = arith.constant 1 : i32
          %dma_start3A_130 = arith.constant 0 : i32
          %dma_start3A_131 = tpu.memref_slice %arg7[%dma_start3A_129, %dma_start3A_130] : memref<2x10000xi32, #tpu.memory_space<vmem>> -> memref<1x10000xi32, #tpu.memory_space<vmem>>
          %dma_start3A_132 = tpu.memref_squeeze %dma_start3A_131 : memref<1x10000xi32, #tpu.memory_space<vmem>> -> memref<10000xi32, #tpu.memory_space<vmem>>
          %dma_start3A_133 = tpu.memref_slice %arg2[%mul3A_128] : memref<320000xi32, #tpu.memory_space<hbm>> -> memref<10000xi32, #tpu.memory_space<hbm>>
          %dma_start3A_134 = arith.constant 0 : i32
          %dma_start3A_135 = tpu.memref_slice %arg7[%dma_start3A_129, %dma_start3A_134] : memref<2x10000xi32, #tpu.memory_space<vmem>> -> memref<1x10000xi32, #tpu.memory_space<vmem>>
          %dma_start3A_136 = tpu.memref_squeeze %dma_start3A_135 : memref<1x10000xi32, #tpu.memory_space<vmem>> -> memref<10000xi32, #tpu.memory_space<vmem>>
          %dma_start3A_137 = tpu.memref_slice %arg2[%mul3A_128] : memref<320000xi32, #tpu.memory_space<hbm>> -> memref<10000xi32, #tpu.memory_space<hbm>>
          tpu.enqueue_dma source(%dma_start3A_137 : memref<10000xi32, #tpu.memory_space<hbm>>) target(%dma_start3A_136 : memref<10000xi32, #tpu.memory_space<vmem>>) target_semaphore(%arg8 : memref<!tpu.dma_semaphore, #tpu.memory_space<semaphore_mem>>)
        } else {
        }
        %mul3A_87 = arith.constant 10000 : i32
        %mul3A_88 = arith.muli %add3A_79, %mul3A_87 : i32
        %dma_wait3A = arith.constant 0 : i32
        %dma_wait3A_89 = arith.constant 0 : i32
        %dma_wait3A_90 = tpu.memref_slice %arg7[%dma_wait3A, %dma_wait3A_89] : memref<2x10000xi32, #tpu.memory_space<vmem>> -> memref<1x10000xi32, #tpu.memory_space<vmem>>
        %dma_wait3A_91 = tpu.memref_squeeze %dma_wait3A_90 : memref<1x10000xi32, #tpu.memory_space<vmem>> -> memref<10000xi32, #tpu.memory_space<vmem>>
        %dma_wait3A_92 = tpu.memref_slice %arg2[%mul3A_88] : memref<320000xi32, #tpu.memory_space<hbm>> -> memref<10000xi32, #tpu.memory_space<hbm>>
        %dma_wait3A_93 = arith.constant 0 : i32
        %dma_wait3A_94 = tpu.memref_slice %arg7[%dma_wait3A, %dma_wait3A_93] : memref<2x10000xi32, #tpu.memory_space<vmem>> -> memref<1x10000xi32, #tpu.memory_space<vmem>>
        %dma_wait3A_95 = tpu.memref_squeeze %dma_wait3A_94 : memref<1x10000xi32, #tpu.memory_space<vmem>> -> memref<10000xi32, #tpu.memory_space<vmem>>
        %dma_wait3A_96 = tpu.memref_slice %arg2[%mul3A_88] : memref<320000xi32, #tpu.memory_space<hbm>> -> memref<10000xi32, #tpu.memory_space<hbm>>
        tpu.wait_dma2 semaphore(%arg8 : memref<!tpu.dma_semaphore, #tpu.memory_space<semaphore_mem>>) src(%dma_wait3A_96 : memref<10000xi32, #tpu.memory_space<hbm>>) dst(%dma_wait3A_95 : memref<10000xi32, #tpu.memory_space<vmem>>)
        %parallel_loop3A = arith.constant 0 : i32
        %parallel_loop3A_97 = arith.constant 625 : i32
        %parallel_loop3A_98 = arith.constant 1 : i32
        scf.for %parallel_loop3A_125 = %parallel_loop3A to %parallel_loop3A_97 step %parallel_loop3A_98  : i32 {
          %parallel_loop3A_126 = arith.constant 16 : i32
          %parallel_loop3A_127 = arith.muli %parallel_loop3A_125, %parallel_loop3A_126 : i32
          %parallel_loop3A_128 = arith.constant 0 : i32
          %parallel_loop3A_129 = arith.index_cast %parallel_loop3A_128 : i32 to index
          %parallel_loop3A_130 = arith.index_cast %parallel_loop3A_127 : i32 to index
          %parallel_loop3A_131 = tpu.vector_load %arg7[%parallel_loop3A_129, %parallel_loop3A_130] {strides = array<i32>} : memref<2x10000xi32, #tpu.memory_space<vmem>>, vector<16xi32>,
          %parallel_loop3A_132 = arith.cmpi sge, %parallel_loop3A_131, %mul3A_39 : vector<16xi32>
          %parallel_loop3A_133 = arith.cmpi slt, %parallel_loop3A_131, %add3A_42 : vector<16xi32>
          %parallel_loop3A_134 = arith.andi %parallel_loop3A_132, %parallel_loop3A_133 : vector<16xi1>
          %parallel_loop3A_135 = arith.subi %parallel_loop3A_131, %mul3A_39 : vector<16xi32>
          %parallel_loop3A_136 = arith.constant 0 : i32
          %parallel_loop3A_137 = vector.broadcast %parallel_loop3A_136 : i32 to vector<16xi32>
          %parallel_loop3A_138 = arith.select %parallel_loop3A_134, %parallel_loop3A_135, %parallel_loop3A_137 : vector<16xi1>, vector<16xi32>
          tpu.vector_store_idx %arg6[%parallel_loop3A_138], %broadcast_in_dim3A_35 masked %parallel_loop3A_134 {add = true} : memref<640xf32, #tpu.memory_space<vmem>>[vector<16xi32>], vector<16xf32>, vector<16xi1>
        } {sc.loop_unroll_factor = 8 : i64, sc.parallel_access}
        %mul3A_99 = arith.constant 2 : i32
        %mul3A_100 = arith.muli %scan3A_74, %mul3A_99 : i32
        %add3A_101 = arith.constant 1 : i32
        %add3A_102 = arith.addi %mul3A_100, %add3A_101 : i32
        %add3A_103 = arith.constant 1 : i32
        %add3A_104 = arith.addi %add3A_102, %add3A_103 : i32
        %lt3A_105 = arith.constant 32 : i32
        %lt3A_106 = arith.cmpi slt, %add3A_104, %lt3A_105 : i32
        %convert_element_type3A_107 = arith.extui %lt3A_106 : i1 to i32
        %cond3A_108 = arith.constant 0 : i32
        %cond3A_109 = arith.cmpi ne, %convert_element_type3A_107, %cond3A_108 : i32
        scf.if %cond3A_109 {
          %add3A_125 = arith.constant 1 : i32
          %add3A_126 = arith.addi %add3A_102, %add3A_125 : i32
          %mul3A_127 = arith.constant 10000 : i32
          %mul3A_128 = arith.muli %add3A_126, %mul3A_127 : i32
          %dma_start3A_129 = arith.constant 0 : i32
          %dma_start3A_130 = arith.constant 0 : i32
          %dma_start3A_131 = tpu.memref_slice %arg7[%dma_start3A_129, %dma_start3A_130] : memref<2x10000xi32, #tpu.memory_space<vmem>> -> memref<1x10000xi32, #tpu.memory_space<vmem>>
          %dma_start3A_132 = tpu.memref_squeeze %dma_start3A_131 : memref<1x10000xi32, #tpu.memory_space<vmem>> -> memref<10000xi32, #tpu.memory_space<vmem>>
          %dma_start3A_133 = tpu.memref_slice %arg2[%mul3A_128] : memref<320000xi32, #tpu.memory_space<hbm>> -> memref<10000xi32, #tpu.memory_space<hbm>>
          %dma_start3A_134 = arith.constant 0 : i32
          %dma_start3A_135 = tpu.memref_slice %arg7[%dma_start3A_129, %dma_start3A_134] : memref<2x10000xi32, #tpu.memory_space<vmem>> -> memref<1x10000xi32, #tpu.memory_space<vmem>>
          %dma_start3A_136 = tpu.memref_squeeze %dma_start3A_135 : memref<1x10000xi32, #tpu.memory_space<vmem>> -> memref<10000xi32, #tpu.memory_space<vmem>>
          %dma_start3A_137 = tpu.memref_slice %arg2[%mul3A_128] : memref<320000xi32, #tpu.memory_space<hbm>> -> memref<10000xi32, #tpu.memory_space<hbm>>
          tpu.enqueue_dma source(%dma_start3A_137 : memref<10000xi32, #tpu.memory_space<hbm>>) target(%dma_start3A_136 : memref<10000xi32, #tpu.memory_space<vmem>>) target_semaphore(%arg8 : memref<!tpu.dma_semaphore, #tpu.memory_space<semaphore_mem>>)
        } else {
        }
        %mul3A_110 = arith.constant 10000 : i32
        %mul3A_111 = arith.muli %add3A_102, %mul3A_110 : i32
        %dma_wait3A_112 = arith.constant 1 : i32
        %dma_wait3A_113 = arith.constant 0 : i32
        %dma_wait3A_114 = tpu.memref_slice %arg7[%dma_wait3A_112, %dma_wait3A_113] : memref<2x10000xi32, #tpu.memory_space<vmem>> -> memref<1x10000xi32, #tpu.memory_space<vmem>>
        %dma_wait3A_115 = tpu.memref_squeeze %dma_wait3A_114 : memref<1x10000xi32, #tpu.memory_space<vmem>> -> memref<10000xi32, #tpu.memory_space<vmem>>
        %dma_wait3A_116 = tpu.memref_slice %arg2[%mul3A_111] : memref<320000xi32, #tpu.memory_space<hbm>> -> memref<10000xi32, #tpu.memory_space<hbm>>
        %dma_wait3A_117 = arith.constant 0 : i32
        %dma_wait3A_118 = tpu.memref_slice %arg7[%dma_wait3A_112, %dma_wait3A_117] : memref<2x10000xi32, #tpu.memory_space<vmem>> -> memref<1x10000xi32, #tpu.memory_space<vmem>>
        %dma_wait3A_119 = tpu.memref_squeeze %dma_wait3A_118 : memref<1x10000xi32, #tpu.memory_space<vmem>> -> memref<10000xi32, #tpu.memory_space<vmem>>
        %dma_wait3A_120 = tpu.memref_slice %arg2[%mul3A_111] : memref<320000xi32, #tpu.memory_space<hbm>> -> memref<10000xi32, #tpu.memory_space<hbm>>
        tpu.wait_dma2 semaphore(%arg8 : memref<!tpu.dma_semaphore, #tpu.memory_space<semaphore_mem>>) src(%dma_wait3A_120 : memref<10000xi32, #tpu.memory_space<hbm>>) dst(%dma_wait3A_119 : memref<10000xi32, #tpu.memory_space<vmem>>)
        %parallel_loop3A_121 = arith.constant 0 : i32
        %parallel_loop3A_122 = arith.constant 625 : i32
        %parallel_loop3A_123 = arith.constant 1 : i32
        scf.for %parallel_loop3A_125 = %parallel_loop3A_121 to %parallel_loop3A_122 step %parallel_loop3A_123  : i32 {
          %parallel_loop3A_126 = arith.constant 16 : i32
          %parallel_loop3A_127 = arith.muli %parallel_loop3A_125, %parallel_loop3A_126 : i32
          %parallel_loop3A_128 = arith.constant 1 : i32
          %parallel_loop3A_129 = arith.index_cast %parallel_loop3A_128 : i32 to index
          %parallel_loop3A_130 = arith.index_cast %parallel_loop3A_127 : i32 to index
          %parallel_loop3A_131 = tpu.vector_load %arg7[%parallel_loop3A_129, %parallel_loop3A_130] {strides = array<i32>} : memref<2x10000xi32, #tpu.memory_space<vmem>>, vector<16xi32>,
          %parallel_loop3A_132 = arith.cmpi sge, %parallel_loop3A_131, %mul3A_39 : vector<16xi32>
          %parallel_loop3A_133 = arith.cmpi slt, %parallel_loop3A_131, %add3A_42 : vector<16xi32>
          %parallel_loop3A_134 = arith.andi %parallel_loop3A_132, %parallel_loop3A_133 : vector<16xi1>
          %parallel_loop3A_135 = arith.subi %parallel_loop3A_131, %mul3A_39 : vector<16xi32>
          %parallel_loop3A_136 = arith.constant 0 : i32
          %parallel_loop3A_137 = vector.broadcast %parallel_loop3A_136 : i32 to vector<16xi32>
          %parallel_loop3A_138 = arith.select %parallel_loop3A_134, %parallel_loop3A_135, %parallel_loop3A_137 : vector<16xi1>, vector<16xi32>
          tpu.vector_store_idx %arg6[%parallel_loop3A_138], %broadcast_in_dim3A_35 masked %parallel_loop3A_134 {add = true} : memref<640xf32, #tpu.memory_space<vmem>>[vector<16xi32>], vector<16xf32>, vector<16xi1>
        } {sc.loop_unroll_factor = 8 : i64, sc.parallel_access}
        %scan3A_124 = arith.constant 0 : i32
        scf.yield %scan3A_124 : i32
      }
      %scan3A_73 = arith.constant 16 : i32
      "tpu.region"() ({
        %run_scoped3A = tpu.sem_alloc : memref<!tpu.dma_semaphore, #tpu.memory_space<semaphore_mem>>
        %dma_start3A_74 = tpu.memref_slice %arg4[%mul3A_32] : memref<10240xf32, #tpu.memory_space<hbm>> -> memref<640xf32, #tpu.memory_space<hbm>>
        %dma_start3A_75 = tpu.memref_slice %arg4[%mul3A_32] : memref<10240xf32, #tpu.memory_space<hbm>> -> memref<640xf32, #tpu.memory_space<hbm>>
        tpu.enqueue_dma source(%arg6 : memref<640xf32, #tpu.memory_space<vmem>>) target(%dma_start3A_75 : memref<640xf32, #tpu.memory_space<hbm>>) target_semaphore(%run_scoped3A : memref<!tpu.dma_semaphore, #tpu.memory_space<semaphore_mem>>)
        %dma_wait3A = tpu.memref_slice %arg4[%mul3A_32] : memref<10240xf32, #tpu.memory_space<hbm>> -> memref<640xf32, #tpu.memory_space<hbm>>
        %dma_wait3A_76 = tpu.memref_slice %arg4[%mul3A_32] : memref<10240xf32, #tpu.memory_space<hbm>> -> memref<640xf32, #tpu.memory_space<hbm>>
        tpu.wait_dma2 semaphore(%run_scoped3A : memref<!tpu.dma_semaphore, #tpu.memory_space<semaphore_mem>>) src(%arg6 : memref<640xf32, #tpu.memory_space<vmem>>) dst(%dma_wait3A_76 : memref<640xf32, #tpu.memory_space<hbm>>)
        tpu.yield
      }) : () -> ()
    } else {
    }
    %eq3A_46 = arith.constant 1 : i32
    %eq3A_47 = arith.cmpi eq, %select_n3A, %eq3A_46 : i32
    %convert_element_type3A_48 = arith.extui %eq3A_47 : i1 to i32
    %cond3A_49 = arith.constant 0 : i32
    %cond3A_50 = arith.cmpi ne, %convert_element_type3A_48, %cond3A_49 : i32
    scf.if %cond3A_50 {
      %scan3A = arith.constant 0 : i32
      %scan3A_51 = arith.constant 0 : i32
      %scan3A_52 = arith.constant 40 : i32
      %scan3A_53 = arith.addi %scan3A_51, %scan3A_52 : i32
      %scan3A_54 = arith.constant 1 : i32
      %scan3A_55 = scf.for %scan3A_74 = %scan3A_51 to %scan3A_53 step %scan3A_54 iter_args(%scan3A_75 = %scan3A) -> (i32)  : i32 {
        %mul3A_76 = arith.constant 16 : i32
        %mul3A_77 = arith.muli %scan3A_74, %mul3A_76 : i32
        %swap3A = arith.index_cast %mul3A_77 : i32 to index
        %swap3A_78 = tpu.vector_load %arg6[%swap3A] {strides = array<i32>} : memref<640xf32, #tpu.memory_space<vmem>>, vector<16xf32>,
        tpu.vector_store %arg6[%swap3A], %broadcast_in_dim3A_33 {strides = array<i32>} : memref<640xf32, #tpu.memory_space<vmem>>, vector<16xf32>,
        %scan3A_79 = arith.constant 0 : i32
        scf.yield %scan3A_79 : i32
      }
      %scan3A_56 = arith.constant 40 : i32
      %dma_start3A = arith.constant 0 : i32
      %dma_start3A_57 = arith.constant 0 : i32
      %dma_start3A_58 = tpu.memref_slice %arg7[%dma_start3A, %dma_start3A_57] : memref<2x10000xi32, #tpu.memory_space<vmem>> -> memref<1x10000xi32, #tpu.memory_space<vmem>>
      %dma_start3A_59 = tpu.memref_squeeze %dma_start3A_58 : memref<1x10000xi32, #tpu.memory_space<vmem>> -> memref<10000xi32, #tpu.memory_space<vmem>>
      %dma_start3A_60 = arith.constant 0 : i32
      %dma_start3A_61 = tpu.memref_slice %arg3[%dma_start3A_60] : memref<320000xi32, #tpu.memory_space<hbm>> -> memref<10000xi32, #tpu.memory_space<hbm>>
      %dma_start3A_62 = arith.constant 0 : i32
      %dma_start3A_63 = tpu.memref_slice %arg7[%dma_start3A, %dma_start3A_62] : memref<2x10000xi32, #tpu.memory_space<vmem>> -> memref<1x10000xi32, #tpu.memory_space<vmem>>
      %dma_start3A_64 = tpu.memref_squeeze %dma_start3A_63 : memref<1x10000xi32, #tpu.memory_space<vmem>> -> memref<10000xi32, #tpu.memory_space<vmem>>
      %dma_start3A_65 = arith.constant 0 : i32
      %dma_start3A_66 = tpu.memref_slice %arg3[%dma_start3A_65] : memref<320000xi32, #tpu.memory_space<hbm>> -> memref<10000xi32, #tpu.memory_space<hbm>>
      tpu.enqueue_dma source(%dma_start3A_66 : memref<10000xi32, #tpu.memory_space<hbm>>) target(%dma_start3A_64 : memref<10000xi32, #tpu.memory_space<vmem>>) target_semaphore(%arg8 : memref<!tpu.dma_semaphore, #tpu.memory_space<semaphore_mem>>)
      %scan3A_67 = arith.constant 0 : i32
      %scan3A_68 = arith.constant 0 : i32
      %scan3A_69 = arith.constant 16 : i32
      %scan3A_70 = arith.addi %scan3A_68, %scan3A_69 : i32
      %scan3A_71 = arith.constant 1 : i32
      %scan3A_72 = scf.for %scan3A_74 = %scan3A_68 to %scan3A_70 step %scan3A_71 iter_args(%scan3A_75 = %scan3A_67) -> (i32)  : i32 {
        %mul3A_76 = arith.constant 2 : i32
        %mul3A_77 = arith.muli %scan3A_74, %mul3A_76 : i32
        %add3A_78 = arith.constant 0 : i32
        %add3A_79 = arith.addi %mul3A_77, %add3A_78 : i32
        %add3A_80 = arith.constant 1 : i32
        %add3A_81 = arith.addi %add3A_79, %add3A_80 : i32
        %lt3A_82 = arith.constant 32 : i32
        %lt3A_83 = arith.cmpi slt, %add3A_81, %lt3A_82 : i32
        %convert_element_type3A_84 = arith.extui %lt3A_83 : i1 to i32
        %cond3A_85 = arith.constant 0 : i32
        %cond3A_86 = arith.cmpi ne, %convert_element_type3A_84, %cond3A_85 : i32
        scf.if %cond3A_86 {
          %add3A_125 = arith.constant 1 : i32
          %add3A_126 = arith.addi %add3A_79, %add3A_125 : i32
          %mul3A_127 = arith.constant 10000 : i32
          %mul3A_128 = arith.muli %add3A_126, %mul3A_127 : i32
          %dma_start3A_129 = arith.constant 1 : i32
          %dma_start3A_130 = arith.constant 0 : i32
          %dma_start3A_131 = tpu.memref_slice %arg7[%dma_start3A_129, %dma_start3A_130] : memref<2x10000xi32, #tpu.memory_space<vmem>> -> memref<1x10000xi32, #tpu.memory_space<vmem>>
          %dma_start3A_132 = tpu.memref_squeeze %dma_start3A_131 : memref<1x10000xi32, #tpu.memory_space<vmem>> -> memref<10000xi32, #tpu.memory_space<vmem>>
          %dma_start3A_133 = tpu.memref_slice %arg3[%mul3A_128] : memref<320000xi32, #tpu.memory_space<hbm>> -> memref<10000xi32, #tpu.memory_space<hbm>>
          %dma_start3A_134 = arith.constant 0 : i32
          %dma_start3A_135 = tpu.memref_slice %arg7[%dma_start3A_129, %dma_start3A_134] : memref<2x10000xi32, #tpu.memory_space<vmem>> -> memref<1x10000xi32, #tpu.memory_space<vmem>>
          %dma_start3A_136 = tpu.memref_squeeze %dma_start3A_135 : memref<1x10000xi32, #tpu.memory_space<vmem>> -> memref<10000xi32, #tpu.memory_space<vmem>>
          %dma_start3A_137 = tpu.memref_slice %arg3[%mul3A_128] : memref<320000xi32, #tpu.memory_space<hbm>> -> memref<10000xi32, #tpu.memory_space<hbm>>
          tpu.enqueue_dma source(%dma_start3A_137 : memref<10000xi32, #tpu.memory_space<hbm>>) target(%dma_start3A_136 : memref<10000xi32, #tpu.memory_space<vmem>>) target_semaphore(%arg8 : memref<!tpu.dma_semaphore, #tpu.memory_space<semaphore_mem>>)
        } else {
        }
        %mul3A_87 = arith.constant 10000 : i32
        %mul3A_88 = arith.muli %add3A_79, %mul3A_87 : i32
        %dma_wait3A = arith.constant 0 : i32
        %dma_wait3A_89 = arith.constant 0 : i32
        %dma_wait3A_90 = tpu.memref_slice %arg7[%dma_wait3A, %dma_wait3A_89] : memref<2x10000xi32, #tpu.memory_space<vmem>> -> memref<1x10000xi32, #tpu.memory_space<vmem>>
        %dma_wait3A_91 = tpu.memref_squeeze %dma_wait3A_90 : memref<1x10000xi32, #tpu.memory_space<vmem>> -> memref<10000xi32, #tpu.memory_space<vmem>>
        %dma_wait3A_92 = tpu.memref_slice %arg3[%mul3A_88] : memref<320000xi32, #tpu.memory_space<hbm>> -> memref<10000xi32, #tpu.memory_space<hbm>>
        %dma_wait3A_93 = arith.constant 0 : i32
        %dma_wait3A_94 = tpu.memref_slice %arg7[%dma_wait3A, %dma_wait3A_93] : memref<2x10000xi32, #tpu.memory_space<vmem>> -> memref<1x10000xi32, #tpu.memory_space<vmem>>
        %dma_wait3A_95 = tpu.memref_squeeze %dma_wait3A_94 : memref<1x10000xi32, #tpu.memory_space<vmem>> -> memref<10000xi32, #tpu.memory_space<vmem>>
        %dma_wait3A_96 = tpu.memref_slice %arg3[%mul3A_88] : memref<320000xi32, #tpu.memory_space<hbm>> -> memref<10000xi32, #tpu.memory_space<hbm>>
        tpu.wait_dma2 semaphore(%arg8 : memref<!tpu.dma_semaphore, #tpu.memory_space<semaphore_mem>>) src(%dma_wait3A_96 : memref<10000xi32, #tpu.memory_space<hbm>>) dst(%dma_wait3A_95 : memref<10000xi32, #tpu.memory_space<vmem>>)
        %parallel_loop3A = arith.constant 0 : i32
        %parallel_loop3A_97 = arith.constant 625 : i32
        %parallel_loop3A_98 = arith.constant 1 : i32
        scf.for %parallel_loop3A_125 = %parallel_loop3A to %parallel_loop3A_97 step %parallel_loop3A_98  : i32 {
          %parallel_loop3A_126 = arith.constant 16 : i32
          %parallel_loop3A_127 = arith.muli %parallel_loop3A_125, %parallel_loop3A_126 : i32
          %parallel_loop3A_128 = arith.constant 0 : i32
          %parallel_loop3A_129 = arith.index_cast %parallel_loop3A_128 : i32 to index
          %parallel_loop3A_130 = arith.index_cast %parallel_loop3A_127 : i32 to index
          %parallel_loop3A_131 = tpu.vector_load %arg7[%parallel_loop3A_129, %parallel_loop3A_130] {strides = array<i32>} : memref<2x10000xi32, #tpu.memory_space<vmem>>, vector<16xi32>,
          %parallel_loop3A_132 = arith.cmpi sge, %parallel_loop3A_131, %mul3A_39 : vector<16xi32>
          %parallel_loop3A_133 = arith.cmpi slt, %parallel_loop3A_131, %add3A_42 : vector<16xi32>
          %parallel_loop3A_134 = arith.andi %parallel_loop3A_132, %parallel_loop3A_133 : vector<16xi1>
          %parallel_loop3A_135 = arith.subi %parallel_loop3A_131, %mul3A_39 : vector<16xi32>
          %parallel_loop3A_136 = arith.constant 0 : i32
          %parallel_loop3A_137 = vector.broadcast %parallel_loop3A_136 : i32 to vector<16xi32>
          %parallel_loop3A_138 = arith.select %parallel_loop3A_134, %parallel_loop3A_135, %parallel_loop3A_137 : vector<16xi1>, vector<16xi32>
          tpu.vector_store_idx %arg6[%parallel_loop3A_138], %broadcast_in_dim3A_35 masked %parallel_loop3A_134 {add = true} : memref<640xf32, #tpu.memory_space<vmem>>[vector<16xi32>], vector<16xf32>, vector<16xi1>
        } {sc.loop_unroll_factor = 8 : i64, sc.parallel_access}
        %mul3A_99 = arith.constant 2 : i32
        %mul3A_100 = arith.muli %scan3A_74, %mul3A_99 : i32
        %add3A_101 = arith.constant 1 : i32
        %add3A_102 = arith.addi %mul3A_100, %add3A_101 : i32
        %add3A_103 = arith.constant 1 : i32
        %add3A_104 = arith.addi %add3A_102, %add3A_103 : i32
        %lt3A_105 = arith.constant 32 : i32
        %lt3A_106 = arith.cmpi slt, %add3A_104, %lt3A_105 : i32
        %convert_element_type3A_107 = arith.extui %lt3A_106 : i1 to i32
        %cond3A_108 = arith.constant 0 : i32
        %cond3A_109 = arith.cmpi ne, %convert_element_type3A_107, %cond3A_108 : i32
        scf.if %cond3A_109 {
          %add3A_125 = arith.constant 1 : i32
          %add3A_126 = arith.addi %add3A_102, %add3A_125 : i32
          %mul3A_127 = arith.constant 10000 : i32
          %mul3A_128 = arith.muli %add3A_126, %mul3A_127 : i32
          %dma_start3A_129 = arith.constant 0 : i32
          %dma_start3A_130 = arith.constant 0 : i32
          %dma_start3A_131 = tpu.memref_slice %arg7[%dma_start3A_129, %dma_start3A_130] : memref<2x10000xi32, #tpu.memory_space<vmem>> -> memref<1x10000xi32, #tpu.memory_space<vmem>>
          %dma_start3A_132 = tpu.memref_squeeze %dma_start3A_131 : memref<1x10000xi32, #tpu.memory_space<vmem>> -> memref<10000xi32, #tpu.memory_space<vmem>>
          %dma_start3A_133 = tpu.memref_slice %arg3[%mul3A_128] : memref<320000xi32, #tpu.memory_space<hbm>> -> memref<10000xi32, #tpu.memory_space<hbm>>
          %dma_start3A_134 = arith.constant 0 : i32
          %dma_start3A_135 = tpu.memref_slice %arg7[%dma_start3A_129, %dma_start3A_134] : memref<2x10000xi32, #tpu.memory_space<vmem>> -> memref<1x10000xi32, #tpu.memory_space<vmem>>
          %dma_start3A_136 = tpu.memref_squeeze %dma_start3A_135 : memref<1x10000xi32, #tpu.memory_space<vmem>> -> memref<10000xi32, #tpu.memory_space<vmem>>
          %dma_start3A_137 = tpu.memref_slice %arg3[%mul3A_128] : memref<320000xi32, #tpu.memory_space<hbm>> -> memref<10000xi32, #tpu.memory_space<hbm>>
          tpu.enqueue_dma source(%dma_start3A_137 : memref<10000xi32, #tpu.memory_space<hbm>>) target(%dma_start3A_136 : memref<10000xi32, #tpu.memory_space<vmem>>) target_semaphore(%arg8 : memref<!tpu.dma_semaphore, #tpu.memory_space<semaphore_mem>>)
        } else {
        }
        %mul3A_110 = arith.constant 10000 : i32
        %mul3A_111 = arith.muli %add3A_102, %mul3A_110 : i32
        %dma_wait3A_112 = arith.constant 1 : i32
        %dma_wait3A_113 = arith.constant 0 : i32
        %dma_wait3A_114 = tpu.memref_slice %arg7[%dma_wait3A_112, %dma_wait3A_113] : memref<2x10000xi32, #tpu.memory_space<vmem>> -> memref<1x10000xi32, #tpu.memory_space<vmem>>
        %dma_wait3A_115 = tpu.memref_squeeze %dma_wait3A_114 : memref<1x10000xi32, #tpu.memory_space<vmem>> -> memref<10000xi32, #tpu.memory_space<vmem>>
        %dma_wait3A_116 = tpu.memref_slice %arg3[%mul3A_111] : memref<320000xi32, #tpu.memory_space<hbm>> -> memref<10000xi32, #tpu.memory_space<hbm>>
        %dma_wait3A_117 = arith.constant 0 : i32
        %dma_wait3A_118 = tpu.memref_slice %arg7[%dma_wait3A_112, %dma_wait3A_117] : memref<2x10000xi32, #tpu.memory_space<vmem>> -> memref<1x10000xi32, #tpu.memory_space<vmem>>
        %dma_wait3A_119 = tpu.memref_squeeze %dma_wait3A_118 : memref<1x10000xi32, #tpu.memory_space<vmem>> -> memref<10000xi32, #tpu.memory_space<vmem>>
        %dma_wait3A_120 = tpu.memref_slice %arg3[%mul3A_111] : memref<320000xi32, #tpu.memory_space<hbm>> -> memref<10000xi32, #tpu.memory_space<hbm>>
        tpu.wait_dma2 semaphore(%arg8 : memref<!tpu.dma_semaphore, #tpu.memory_space<semaphore_mem>>) src(%dma_wait3A_120 : memref<10000xi32, #tpu.memory_space<hbm>>) dst(%dma_wait3A_119 : memref<10000xi32, #tpu.memory_space<vmem>>)
        %parallel_loop3A_121 = arith.constant 0 : i32
        %parallel_loop3A_122 = arith.constant 625 : i32
        %parallel_loop3A_123 = arith.constant 1 : i32
        scf.for %parallel_loop3A_125 = %parallel_loop3A_121 to %parallel_loop3A_122 step %parallel_loop3A_123  : i32 {
          %parallel_loop3A_126 = arith.constant 16 : i32
          %parallel_loop3A_127 = arith.muli %parallel_loop3A_125, %parallel_loop3A_126 : i32
          %parallel_loop3A_128 = arith.constant 1 : i32
          %parallel_loop3A_129 = arith.index_cast %parallel_loop3A_128 : i32 to index
          %parallel_loop3A_130 = arith.index_cast %parallel_loop3A_127 : i32 to index
          %parallel_loop3A_131 = tpu.vector_load %arg7[%parallel_loop3A_129, %parallel_loop3A_130] {strides = array<i32>} : memref<2x10000xi32, #tpu.memory_space<vmem>>, vector<16xi32>,
          %parallel_loop3A_132 = arith.cmpi sge, %parallel_loop3A_131, %mul3A_39 : vector<16xi32>
          %parallel_loop3A_133 = arith.cmpi slt, %parallel_loop3A_131, %add3A_42 : vector<16xi32>
          %parallel_loop3A_134 = arith.andi %parallel_loop3A_132, %parallel_loop3A_133 : vector<16xi1>
          %parallel_loop3A_135 = arith.subi %parallel_loop3A_131, %mul3A_39 : vector<16xi32>
          %parallel_loop3A_136 = arith.constant 0 : i32
          %parallel_loop3A_137 = vector.broadcast %parallel_loop3A_136 : i32 to vector<16xi32>
          %parallel_loop3A_138 = arith.select %parallel_loop3A_134, %parallel_loop3A_135, %parallel_loop3A_137 : vector<16xi1>, vector<16xi32>
          tpu.vector_store_idx %arg6[%parallel_loop3A_138], %broadcast_in_dim3A_35 masked %parallel_loop3A_134 {add = true} : memref<640xf32, #tpu.memory_space<vmem>>[vector<16xi32>], vector<16xf32>, vector<16xi1>
        } {sc.loop_unroll_factor = 8 : i64, sc.parallel_access}
        %scan3A_124 = arith.constant 0 : i32
        scf.yield %scan3A_124 : i32
      }
      %scan3A_73 = arith.constant 16 : i32
      "tpu.region"() ({
        %run_scoped3A = tpu.sem_alloc : memref<!tpu.dma_semaphore, #tpu.memory_space<semaphore_mem>>
        %dma_start3A_74 = tpu.memref_slice %arg5[%mul3A_32] : memref<10240xf32, #tpu.memory_space<hbm>> -> memref<640xf32, #tpu.memory_space<hbm>>
        %dma_start3A_75 = tpu.memref_slice %arg5[%mul3A_32] : memref<10240xf32, #tpu.memory_space<hbm>> -> memref<640xf32, #tpu.memory_space<hbm>>
        tpu.enqueue_dma source(%arg6 : memref<640xf32, #tpu.memory_space<vmem>>) target(%dma_start3A_75 : memref<640xf32, #tpu.memory_space<hbm>>) target_semaphore(%run_scoped3A : memref<!tpu.dma_semaphore, #tpu.memory_space<semaphore_mem>>)
        %dma_wait3A = tpu.memref_slice %arg5[%mul3A_32] : memref<10240xf32, #tpu.memory_space<hbm>> -> memref<640xf32, #tpu.memory_space<hbm>>
        %dma_wait3A_76 = tpu.memref_slice %arg5[%mul3A_32] : memref<10240xf32, #tpu.memory_space<hbm>> -> memref<640xf32, #tpu.memory_space<hbm>>
        tpu.wait_dma2 semaphore(%run_scoped3A : memref<!tpu.dma_semaphore, #tpu.memory_space<semaphore_mem>>) src(%arg6 : memref<640xf32, #tpu.memory_space<vmem>>) dst(%dma_wait3A_76 : memref<640xf32, #tpu.memory_space<hbm>>)
        tpu.yield
      }) : () -> ()
    } else {
    }
    return
  }
}

#map = affine_map<(d0, d1) -> (0, 0)>
#map1 = affine_map<(d0, d1) -> (0)>
module attributes {stable_mosaic.version = 14 : i64} {
  func.func @_segsum_t_body(%arg0: i32, %arg1: i32, %arg2: memref<64x10000xi32, #tpu.memory_space<hbm>>, %arg3: memref<320000xi32, #tpu.memory_space<hbm>>, %arg4: memref<128x10000xf32, #tpu.memory_space<hbm>>, %arg5: memref<2x10000xi32, #tpu.memory_space<vmem>>, %arg6: memref<4x10000xf32, #tpu.memory_space<vmem>>, %arg7: memref<2x10000xi32, #tpu.memory_space<vmem>>, %arg8: memref<!tpu.dma_semaphore, #tpu.memory_space<semaphore_mem>>) attributes {dimension_semantics = [#tpu.dimension_semantics<core_parallel>, #tpu.dimension_semantics<subcore_parallel>], iteration_bounds = array<i64: 2, 16>, scalar_prefetch = 0 : i64, scratch_operands = 4 : i64, tpu.core_type = #tpu.core_type<sc_vector_subcore>, window_params = [{transform_indices = #map}, {transform_indices = #map1}, {transform_indices = #map}]} {
    %mul3A = arith.constant 2 : i32
    %mul3A_0 = arith.muli %arg1, %mul3A : i32
    %add3A = arith.addi %mul3A_0, %arg0 : i32
    %mul3A_1 = arith.constant 4 : i32
    %mul3A_2 = arith.muli %add3A, %mul3A_1 : i32
    %mul3A_3 = arith.constant 2 : i32
    %mul3A_4 = arith.muli %add3A, %mul3A_3 : i32
    "tpu.region"() ({
      %run_scoped3A = tpu.sem_alloc : memref<!tpu.dma_semaphore, #tpu.memory_space<semaphore_mem>>
      %dma_start3A_45 = arith.constant 0 : i32
      %dma_start3A_46 = tpu.memref_slice %arg2[%mul3A_4, %dma_start3A_45] : memref<64x10000xi32, #tpu.memory_space<hbm>> -> memref<2x10000xi32, #tpu.memory_space<hbm>>
      %dma_start3A_47 = arith.constant 0 : i32
      %dma_start3A_48 = tpu.memref_slice %arg2[%mul3A_4, %dma_start3A_47] : memref<64x10000xi32, #tpu.memory_space<hbm>> -> memref<2x10000xi32, #tpu.memory_space<hbm>>
      tpu.enqueue_dma source(%dma_start3A_48 : memref<2x10000xi32, #tpu.memory_space<hbm>>) target(%arg5 : memref<2x10000xi32, #tpu.memory_space<vmem>>) target_semaphore(%run_scoped3A : memref<!tpu.dma_semaphore, #tpu.memory_space<semaphore_mem>>)
      %dma_wait3A = arith.constant 0 : i32
      %dma_wait3A_49 = tpu.memref_slice %arg2[%mul3A_4, %dma_wait3A] : memref<64x10000xi32, #tpu.memory_space<hbm>> -> memref<2x10000xi32, #tpu.memory_space<hbm>>
      %dma_wait3A_50 = arith.constant 0 : i32
      %dma_wait3A_51 = tpu.memref_slice %arg2[%mul3A_4, %dma_wait3A_50] : memref<64x10000xi32, #tpu.memory_space<hbm>> -> memref<2x10000xi32, #tpu.memory_space<hbm>>
      tpu.wait_dma2 semaphore(%run_scoped3A : memref<!tpu.dma_semaphore, #tpu.memory_space<semaphore_mem>>) src(%dma_wait3A_51 : memref<2x10000xi32, #tpu.memory_space<hbm>>) dst(%arg5 : memref<2x10000xi32, #tpu.memory_space<vmem>>)
      tpu.yield
    }) : () -> ()
    %broadcast_in_dim3A = arith.constant 0.000000e+00 : f32
    %broadcast_in_dim3A_5 = vector.broadcast %broadcast_in_dim3A : f32 to vector<16xf32>
    %scan3A = arith.constant 0 : i32
    %scan3A_6 = arith.constant 0 : i32
    %scan3A_7 = arith.constant 625 : i32
    %scan3A_8 = arith.addi %scan3A_6, %scan3A_7 : i32
    %scan3A_9 = arith.constant 1 : i32
    %scan3A_10 = scf.for %scan3A_45 = %scan3A_6 to %scan3A_8 step %scan3A_9 iter_args(%scan3A_46 = %scan3A) -> (i32)  : i32 {
      %mul3A_47 = arith.constant 16 : i32
      %mul3A_48 = arith.muli %scan3A_45, %mul3A_47 : i32
      %swap3A = arith.constant 0 : i32
      %swap3A_49 = arith.index_cast %swap3A : i32 to index
      %swap3A_50 = arith.index_cast %mul3A_48 : i32 to index
      %swap3A_51 = tpu.vector_load %arg6[%swap3A_49, %swap3A_50] {strides = array<i32>} : memref<4x10000xf32, #tpu.memory_space<vmem>>, vector<16xf32>,
      tpu.vector_store %arg6[%swap3A_49, %swap3A_50], %broadcast_in_dim3A_5 {strides = array<i32>} : memref<4x10000xf32, #tpu.memory_space<vmem>>, vector<16xf32>,
      %mul3A_52 = arith.constant 16 : i32
      %mul3A_53 = arith.muli %scan3A_45, %mul3A_52 : i32
      %swap3A_54 = arith.constant 1 : i32
      %swap3A_55 = arith.index_cast %swap3A_54 : i32 to index
      %swap3A_56 = arith.index_cast %mul3A_53 : i32 to index
      %swap3A_57 = tpu.vector_load %arg6[%swap3A_55, %swap3A_56] {strides = array<i32>} : memref<4x10000xf32, #tpu.memory_space<vmem>>, vector<16xf32>,
      tpu.vector_store %arg6[%swap3A_55, %swap3A_56], %broadcast_in_dim3A_5 {strides = array<i32>} : memref<4x10000xf32, #tpu.memory_space<vmem>>, vector<16xf32>,
      %mul3A_58 = arith.constant 16 : i32
      %mul3A_59 = arith.muli %scan3A_45, %mul3A_58 : i32
      %swap3A_60 = arith.constant 2 : i32
      %swap3A_61 = arith.index_cast %swap3A_60 : i32 to index
      %swap3A_62 = arith.index_cast %mul3A_59 : i32 to index
      %swap3A_63 = tpu.vector_load %arg6[%swap3A_61, %swap3A_62] {strides = array<i32>} : memref<4x10000xf32, #tpu.memory_space<vmem>>, vector<16xf32>,
      tpu.vector_store %arg6[%swap3A_61, %swap3A_62], %broadcast_in_dim3A_5 {strides = array<i32>} : memref<4x10000xf32, #tpu.memory_space<vmem>>, vector<16xf32>,
      %mul3A_64 = arith.constant 16 : i32
      %mul3A_65 = arith.muli %scan3A_45, %mul3A_64 : i32
      %swap3A_66 = arith.constant 3 : i32
      %swap3A_67 = arith.index_cast %swap3A_66 : i32 to index
      %swap3A_68 = arith.index_cast %mul3A_65 : i32 to index
      %swap3A_69 = tpu.vector_load %arg6[%swap3A_67, %swap3A_68] {strides = array<i32>} : memref<4x10000xf32, #tpu.memory_space<vmem>>, vector<16xf32>,
      tpu.vector_store %arg6[%swap3A_67, %swap3A_68], %broadcast_in_dim3A_5 {strides = array<i32>} : memref<4x10000xf32, #tpu.memory_space<vmem>>, vector<16xf32>,
      %scan3A_70 = arith.constant 0 : i32
      scf.yield %scan3A_70 : i32
    }
    %scan3A_11 = arith.constant 625 : i32
    %broadcast_in_dim3A_12 = arith.constant 0 : i32
    %broadcast_in_dim3A_13 = vector.broadcast %broadcast_in_dim3A_12 : i32 to vector<16xi32>
    %broadcast_in_dim3A_14 = arith.constant 1 : i32
    %broadcast_in_dim3A_15 = vector.broadcast %broadcast_in_dim3A_14 : i32 to vector<16xi32>
    %broadcast_in_dim3A_16 = arith.constant 0 : i32
    %broadcast_in_dim3A_17 = vector.broadcast %broadcast_in_dim3A_16 : i32 to vector<16xi32>
    %broadcast_in_dim3A_18 = arith.constant 1 : i32
    %broadcast_in_dim3A_19 = vector.broadcast %broadcast_in_dim3A_18 : i32 to vector<16xi32>
    %broadcast_in_dim3A_20 = arith.constant 2 : i32
    %broadcast_in_dim3A_21 = vector.broadcast %broadcast_in_dim3A_20 : i32 to vector<16xi32>
    %broadcast_in_dim3A_22 = arith.constant 3 : i32
    %broadcast_in_dim3A_23 = vector.broadcast %broadcast_in_dim3A_22 : i32 to vector<16xi32>
    %broadcast_in_dim3A_24 = arith.constant 65535 : i32
    %broadcast_in_dim3A_25 = vector.broadcast %broadcast_in_dim3A_24 : i32 to vector<16xi32>
    %broadcast_in_dim3A_26 = arith.constant -65536 : i32
    %broadcast_in_dim3A_27 = vector.broadcast %broadcast_in_dim3A_26 : i32 to vector<16xi32>
    %dma_start3A = arith.constant 0 : i32
    %dma_start3A_28 = arith.constant 0 : i32
    %dma_start3A_29 = tpu.memref_slice %arg7[%dma_start3A, %dma_start3A_28] : memref<2x10000xi32, #tpu.memory_space<vmem>> -> memref<1x10000xi32, #tpu.memory_space<vmem>>
    %dma_start3A_30 = tpu.memref_squeeze %dma_start3A_29 : memref<1x10000xi32, #tpu.memory_space<vmem>> -> memref<10000xi32, #tpu.memory_space<vmem>>
    %dma_start3A_31 = arith.constant 0 : i32
    %dma_start3A_32 = tpu.memref_slice %arg3[%dma_start3A_31] : memref<320000xi32, #tpu.memory_space<hbm>> -> memref<10000xi32, #tpu.memory_space<hbm>>
    %dma_start3A_33 = arith.constant 0 : i32
    %dma_start3A_34 = tpu.memref_slice %arg7[%dma_start3A, %dma_start3A_33] : memref<2x10000xi32, #tpu.memory_space<vmem>> -> memref<1x10000xi32, #tpu.memory_space<vmem>>
    %dma_start3A_35 = tpu.memref_squeeze %dma_start3A_34 : memref<1x10000xi32, #tpu.memory_space<vmem>> -> memref<10000xi32, #tpu.memory_space<vmem>>
    %dma_start3A_36 = arith.constant 0 : i32
    %dma_start3A_37 = tpu.memref_slice %arg3[%dma_start3A_36] : memref<320000xi32, #tpu.memory_space<hbm>> -> memref<10000xi32, #tpu.memory_space<hbm>>
    tpu.enqueue_dma source(%dma_start3A_37 : memref<10000xi32, #tpu.memory_space<hbm>>) target(%dma_start3A_35 : memref<10000xi32, #tpu.memory_space<vmem>>) target_semaphore(%arg8 : memref<!tpu.dma_semaphore, #tpu.memory_space<semaphore_mem>>)
    %scan3A_38 = arith.constant 0 : i32
    %scan3A_39 = arith.constant 0 : i32
    %scan3A_40 = arith.constant 16 : i32
    %scan3A_41 = arith.addi %scan3A_39, %scan3A_40 : i32
    %scan3A_42 = arith.constant 1 : i32
    %scan3A_43 = scf.for %scan3A_45 = %scan3A_39 to %scan3A_41 step %scan3A_42 iter_args(%scan3A_46 = %scan3A_38) -> (i32)  : i32 {
      %mul3A_47 = arith.constant 2 : i32
      %mul3A_48 = arith.muli %scan3A_45, %mul3A_47 : i32
      %add3A_49 = arith.constant 0 : i32
      %add3A_50 = arith.addi %mul3A_48, %add3A_49 : i32
      %add3A_51 = arith.constant 1 : i32
      %add3A_52 = arith.addi %add3A_50, %add3A_51 : i32
      %lt3A = arith.constant 32 : i32
      %lt3A_53 = arith.cmpi slt, %add3A_52, %lt3A : i32
      %convert_element_type3A = arith.extui %lt3A_53 : i1 to i32
      %cond3A = arith.constant 0 : i32
      %cond3A_54 = arith.cmpi ne, %convert_element_type3A, %cond3A : i32
      scf.if %cond3A_54 {
        %add3A_93 = arith.constant 1 : i32
        %add3A_94 = arith.addi %add3A_50, %add3A_93 : i32
        %mul3A_95 = arith.constant 10000 : i32
        %mul3A_96 = arith.muli %add3A_94, %mul3A_95 : i32
        %dma_start3A_97 = arith.constant 1 : i32
        %dma_start3A_98 = arith.constant 0 : i32
        %dma_start3A_99 = tpu.memref_slice %arg7[%dma_start3A_97, %dma_start3A_98] : memref<2x10000xi32, #tpu.memory_space<vmem>> -> memref<1x10000xi32, #tpu.memory_space<vmem>>
        %dma_start3A_100 = tpu.memref_squeeze %dma_start3A_99 : memref<1x10000xi32, #tpu.memory_space<vmem>> -> memref<10000xi32, #tpu.memory_space<vmem>>
        %dma_start3A_101 = tpu.memref_slice %arg3[%mul3A_96] : memref<320000xi32, #tpu.memory_space<hbm>> -> memref<10000xi32, #tpu.memory_space<hbm>>
        %dma_start3A_102 = arith.constant 0 : i32
        %dma_start3A_103 = tpu.memref_slice %arg7[%dma_start3A_97, %dma_start3A_102] : memref<2x10000xi32, #tpu.memory_space<vmem>> -> memref<1x10000xi32, #tpu.memory_space<vmem>>
        %dma_start3A_104 = tpu.memref_squeeze %dma_start3A_103 : memref<1x10000xi32, #tpu.memory_space<vmem>> -> memref<10000xi32, #tpu.memory_space<vmem>>
        %dma_start3A_105 = tpu.memref_slice %arg3[%mul3A_96] : memref<320000xi32, #tpu.memory_space<hbm>> -> memref<10000xi32, #tpu.memory_space<hbm>>
        tpu.enqueue_dma source(%dma_start3A_105 : memref<10000xi32, #tpu.memory_space<hbm>>) target(%dma_start3A_104 : memref<10000xi32, #tpu.memory_space<vmem>>) target_semaphore(%arg8 : memref<!tpu.dma_semaphore, #tpu.memory_space<semaphore_mem>>)
      } else {
      }
      %mul3A_55 = arith.constant 10000 : i32
      %mul3A_56 = arith.muli %add3A_50, %mul3A_55 : i32
      %dma_wait3A = arith.constant 0 : i32
      %dma_wait3A_57 = arith.constant 0 : i32
      %dma_wait3A_58 = tpu.memref_slice %arg7[%dma_wait3A, %dma_wait3A_57] : memref<2x10000xi32, #tpu.memory_space<vmem>> -> memref<1x10000xi32, #tpu.memory_space<vmem>>
      %dma_wait3A_59 = tpu.memref_squeeze %dma_wait3A_58 : memref<1x10000xi32, #tpu.memory_space<vmem>> -> memref<10000xi32, #tpu.memory_space<vmem>>
      %dma_wait3A_60 = tpu.memref_slice %arg3[%mul3A_56] : memref<320000xi32, #tpu.memory_space<hbm>> -> memref<10000xi32, #tpu.memory_space<hbm>>
      %dma_wait3A_61 = arith.constant 0 : i32
      %dma_wait3A_62 = tpu.memref_slice %arg7[%dma_wait3A, %dma_wait3A_61] : memref<2x10000xi32, #tpu.memory_space<vmem>> -> memref<1x10000xi32, #tpu.memory_space<vmem>>
      %dma_wait3A_63 = tpu.memref_squeeze %dma_wait3A_62 : memref<1x10000xi32, #tpu.memory_space<vmem>> -> memref<10000xi32, #tpu.memory_space<vmem>>
      %dma_wait3A_64 = tpu.memref_slice %arg3[%mul3A_56] : memref<320000xi32, #tpu.memory_space<hbm>> -> memref<10000xi32, #tpu.memory_space<hbm>>
      tpu.wait_dma2 semaphore(%arg8 : memref<!tpu.dma_semaphore, #tpu.memory_space<semaphore_mem>>) src(%dma_wait3A_64 : memref<10000xi32, #tpu.memory_space<hbm>>) dst(%dma_wait3A_63 : memref<10000xi32, #tpu.memory_space<vmem>>)
      %parallel_loop3A = arith.constant 0 : i32
      %parallel_loop3A_65 = arith.constant 625 : i32
      %parallel_loop3A_66 = arith.constant 1 : i32
      scf.for %parallel_loop3A_93 = %parallel_loop3A to %parallel_loop3A_65 step %parallel_loop3A_66  : i32 {
        %parallel_loop3A_94 = arith.constant 16 : i32
        %parallel_loop3A_95 = arith.muli %parallel_loop3A_93, %parallel_loop3A_94 : i32
        %parallel_loop3A_96 = arith.constant 0 : i32
        %parallel_loop3A_97 = arith.index_cast %parallel_loop3A_96 : i32 to index
        %parallel_loop3A_98 = arith.index_cast %parallel_loop3A_95 : i32 to index
        %parallel_loop3A_99 = tpu.vector_load %arg7[%parallel_loop3A_97, %parallel_loop3A_98] {strides = array<i32>} : memref<2x10000xi32, #tpu.memory_space<vmem>>, vector<16xi32>,
        %parallel_loop3A_100 = arith.andi %parallel_loop3A_99, %broadcast_in_dim3A_25 : vector<16xi32>
        %parallel_loop3A_101 = arith.constant 16 : i32
        %parallel_loop3A_102 = vector.broadcast %parallel_loop3A_101 : i32 to vector<16xi32>
        %parallel_loop3A_103 = arith.shrui %parallel_loop3A_99, %parallel_loop3A_102 : vector<16xi32>
        %parallel_loop3A_104 = tpu.vector_load_idx %arg5[%broadcast_in_dim3A_13, %parallel_loop3A_100] : memref<2x10000xi32, #tpu.memory_space<vmem>>[vector<16xi32>, vector<16xi32>], vector<16xi32>,
        %parallel_loop3A_105 = arith.constant 16 : i32
        %parallel_loop3A_106 = vector.broadcast %parallel_loop3A_105 : i32 to vector<16xi32>
        %parallel_loop3A_107 = arith.shli %parallel_loop3A_104, %parallel_loop3A_106 : vector<16xi32>
        %parallel_loop3A_108 = vector.bitcast %parallel_loop3A_107 : vector<16xi32> to vector<16xf32>
        %parallel_loop3A_109 = arith.andi %parallel_loop3A_104, %broadcast_in_dim3A_27 : vector<16xi32>
        %parallel_loop3A_110 = vector.bitcast %parallel_loop3A_109 : vector<16xi32> to vector<16xf32>
        tpu.vector_store_idx %arg6[%broadcast_in_dim3A_17, %parallel_loop3A_103], %parallel_loop3A_108 {add = true} : memref<4x10000xf32, #tpu.memory_space<vmem>>[vector<16xi32>, vector<16xi32>], vector<16xf32>,
        tpu.vector_store_idx %arg6[%broadcast_in_dim3A_19, %parallel_loop3A_103], %parallel_loop3A_110 {add = true} : memref<4x10000xf32, #tpu.memory_space<vmem>>[vector<16xi32>, vector<16xi32>], vector<16xf32>,
        %parallel_loop3A_111 = tpu.vector_load_idx %arg5[%broadcast_in_dim3A_15, %parallel_loop3A_100] : memref<2x10000xi32, #tpu.memory_space<vmem>>[vector<16xi32>, vector<16xi32>], vector<16xi32>,
        %parallel_loop3A_112 = arith.constant 16 : i32
        %parallel_loop3A_113 = vector.broadcast %parallel_loop3A_112 : i32 to vector<16xi32>
        %parallel_loop3A_114 = arith.shli %parallel_loop3A_111, %parallel_loop3A_113 : vector<16xi32>
        %parallel_loop3A_115 = vector.bitcast %parallel_loop3A_114 : vector<16xi32> to vector<16xf32>
        %parallel_loop3A_116 = arith.andi %parallel_loop3A_111, %broadcast_in_dim3A_27 : vector<16xi32>
        %parallel_loop3A_117 = vector.bitcast %parallel_loop3A_116 : vector<16xi32> to vector<16xf32>
        tpu.vector_store_idx %arg6[%broadcast_in_dim3A_21, %parallel_loop3A_103], %parallel_loop3A_115 {add = true} : memref<4x10000xf32, #tpu.memory_space<vmem>>[vector<16xi32>, vector<16xi32>], vector<16xf32>,
        tpu.vector_store_idx %arg6[%broadcast_in_dim3A_23, %parallel_loop3A_103], %parallel_loop3A_117 {add = true} : memref<4x10000xf32, #tpu.memory_space<vmem>>[vector<16xi32>, vector<16xi32>], vector<16xf32>,
      } {sc.loop_unroll_factor = 8 : i64, sc.parallel_access}
      %mul3A_67 = arith.constant 2 : i32
      %mul3A_68 = arith.muli %scan3A_45, %mul3A_67 : i32
      %add3A_69 = arith.constant 1 : i32
      %add3A_70 = arith.addi %mul3A_68, %add3A_69 : i32
      %add3A_71 = arith.constant 1 : i32
      %add3A_72 = arith.addi %add3A_70, %add3A_71 : i32
      %lt3A_73 = arith.constant 32 : i32
      %lt3A_74 = arith.cmpi slt, %add3A_72, %lt3A_73 : i32
      %convert_element_type3A_75 = arith.extui %lt3A_74 : i1 to i32
      %cond3A_76 = arith.constant 0 : i32
      %cond3A_77 = arith.cmpi ne, %convert_element_type3A_75, %cond3A_76 : i32
      scf.if %cond3A_77 {
        %add3A_93 = arith.constant 1 : i32
        %add3A_94 = arith.addi %add3A_70, %add3A_93 : i32
        %mul3A_95 = arith.constant 10000 : i32
        %mul3A_96 = arith.muli %add3A_94, %mul3A_95 : i32
        %dma_start3A_97 = arith.constant 0 : i32
        %dma_start3A_98 = arith.constant 0 : i32
        %dma_start3A_99 = tpu.memref_slice %arg7[%dma_start3A_97, %dma_start3A_98] : memref<2x10000xi32, #tpu.memory_space<vmem>> -> memref<1x10000xi32, #tpu.memory_space<vmem>>
        %dma_start3A_100 = tpu.memref_squeeze %dma_start3A_99 : memref<1x10000xi32, #tpu.memory_space<vmem>> -> memref<10000xi32, #tpu.memory_space<vmem>>
        %dma_start3A_101 = tpu.memref_slice %arg3[%mul3A_96] : memref<320000xi32, #tpu.memory_space<hbm>> -> memref<10000xi32, #tpu.memory_space<hbm>>
        %dma_start3A_102 = arith.constant 0 : i32
        %dma_start3A_103 = tpu.memref_slice %arg7[%dma_start3A_97, %dma_start3A_102] : memref<2x10000xi32, #tpu.memory_space<vmem>> -> memref<1x10000xi32, #tpu.memory_space<vmem>>
        %dma_start3A_104 = tpu.memref_squeeze %dma_start3A_103 : memref<1x10000xi32, #tpu.memory_space<vmem>> -> memref<10000xi32, #tpu.memory_space<vmem>>
        %dma_start3A_105 = tpu.memref_slice %arg3[%mul3A_96] : memref<320000xi32, #tpu.memory_space<hbm>> -> memref<10000xi32, #tpu.memory_space<hbm>>
        tpu.enqueue_dma source(%dma_start3A_105 : memref<10000xi32, #tpu.memory_space<hbm>>) target(%dma_start3A_104 : memref<10000xi32, #tpu.memory_space<vmem>>) target_semaphore(%arg8 : memref<!tpu.dma_semaphore, #tpu.memory_space<semaphore_mem>>)
      } else {
      }
      %mul3A_78 = arith.constant 10000 : i32
      %mul3A_79 = arith.muli %add3A_70, %mul3A_78 : i32
      %dma_wait3A_80 = arith.constant 1 : i32
      %dma_wait3A_81 = arith.constant 0 : i32
      %dma_wait3A_82 = tpu.memref_slice %arg7[%dma_wait3A_80, %dma_wait3A_81] : memref<2x10000xi32, #tpu.memory_space<vmem>> -> memref<1x10000xi32, #tpu.memory_space<vmem>>
      %dma_wait3A_83 = tpu.memref_squeeze %dma_wait3A_82 : memref<1x10000xi32, #tpu.memory_space<vmem>> -> memref<10000xi32, #tpu.memory_space<vmem>>
      %dma_wait3A_84 = tpu.memref_slice %arg3[%mul3A_79] : memref<320000xi32, #tpu.memory_space<hbm>> -> memref<10000xi32, #tpu.memory_space<hbm>>
      %dma_wait3A_85 = arith.constant 0 : i32
      %dma_wait3A_86 = tpu.memref_slice %arg7[%dma_wait3A_80, %dma_wait3A_85] : memref<2x10000xi32, #tpu.memory_space<vmem>> -> memref<1x10000xi32, #tpu.memory_space<vmem>>
      %dma_wait3A_87 = tpu.memref_squeeze %dma_wait3A_86 : memref<1x10000xi32, #tpu.memory_space<vmem>> -> memref<10000xi32, #tpu.memory_space<vmem>>
      %dma_wait3A_88 = tpu.memref_slice %arg3[%mul3A_79] : memref<320000xi32, #tpu.memory_space<hbm>> -> memref<10000xi32, #tpu.memory_space<hbm>>
      tpu.wait_dma2 semaphore(%arg8 : memref<!tpu.dma_semaphore, #tpu.memory_space<semaphore_mem>>) src(%dma_wait3A_88 : memref<10000xi32, #tpu.memory_space<hbm>>) dst(%dma_wait3A_87 : memref<10000xi32, #tpu.memory_space<vmem>>)
      %parallel_loop3A_89 = arith.constant 0 : i32
      %parallel_loop3A_90 = arith.constant 625 : i32
      %parallel_loop3A_91 = arith.constant 1 : i32
      scf.for %parallel_loop3A_93 = %parallel_loop3A_89 to %parallel_loop3A_90 step %parallel_loop3A_91  : i32 {
        %parallel_loop3A_94 = arith.constant 16 : i32
        %parallel_loop3A_95 = arith.muli %parallel_loop3A_93, %parallel_loop3A_94 : i32
        %parallel_loop3A_96 = arith.constant 1 : i32
        %parallel_loop3A_97 = arith.index_cast %parallel_loop3A_96 : i32 to index
        %parallel_loop3A_98 = arith.index_cast %parallel_loop3A_95 : i32 to index
        %parallel_loop3A_99 = tpu.vector_load %arg7[%parallel_loop3A_97, %parallel_loop3A_98] {strides = array<i32>} : memref<2x10000xi32, #tpu.memory_space<vmem>>, vector<16xi32>,
        %parallel_loop3A_100 = arith.andi %parallel_loop3A_99, %broadcast_in_dim3A_25 : vector<16xi32>
        %parallel_loop3A_101 = arith.constant 16 : i32
        %parallel_loop3A_102 = vector.broadcast %parallel_loop3A_101 : i32 to vector<16xi32>
        %parallel_loop3A_103 = arith.shrui %parallel_loop3A_99, %parallel_loop3A_102 : vector<16xi32>
        %parallel_loop3A_104 = tpu.vector_load_idx %arg5[%broadcast_in_dim3A_13, %parallel_loop3A_100] : memref<2x10000xi32, #tpu.memory_space<vmem>>[vector<16xi32>, vector<16xi32>], vector<16xi32>,
        %parallel_loop3A_105 = arith.constant 16 : i32
        %parallel_loop3A_106 = vector.broadcast %parallel_loop3A_105 : i32 to vector<16xi32>
        %parallel_loop3A_107 = arith.shli %parallel_loop3A_104, %parallel_loop3A_106 : vector<16xi32>
        %parallel_loop3A_108 = vector.bitcast %parallel_loop3A_107 : vector<16xi32> to vector<16xf32>
        %parallel_loop3A_109 = arith.andi %parallel_loop3A_104, %broadcast_in_dim3A_27 : vector<16xi32>
        %parallel_loop3A_110 = vector.bitcast %parallel_loop3A_109 : vector<16xi32> to vector<16xf32>
        tpu.vector_store_idx %arg6[%broadcast_in_dim3A_17, %parallel_loop3A_103], %parallel_loop3A_108 {add = true} : memref<4x10000xf32, #tpu.memory_space<vmem>>[vector<16xi32>, vector<16xi32>], vector<16xf32>,
        tpu.vector_store_idx %arg6[%broadcast_in_dim3A_19, %parallel_loop3A_103], %parallel_loop3A_110 {add = true} : memref<4x10000xf32, #tpu.memory_space<vmem>>[vector<16xi32>, vector<16xi32>], vector<16xf32>,
        %parallel_loop3A_111 = tpu.vector_load_idx %arg5[%broadcast_in_dim3A_15, %parallel_loop3A_100] : memref<2x10000xi32, #tpu.memory_space<vmem>>[vector<16xi32>, vector<16xi32>], vector<16xi32>,
        %parallel_loop3A_112 = arith.constant 16 : i32
        %parallel_loop3A_113 = vector.broadcast %parallel_loop3A_112 : i32 to vector<16xi32>
        %parallel_loop3A_114 = arith.shli %parallel_loop3A_111, %parallel_loop3A_113 : vector<16xi32>
        %parallel_loop3A_115 = vector.bitcast %parallel_loop3A_114 : vector<16xi32> to vector<16xf32>
        %parallel_loop3A_116 = arith.andi %parallel_loop3A_111, %broadcast_in_dim3A_27 : vector<16xi32>
        %parallel_loop3A_117 = vector.bitcast %parallel_loop3A_116 : vector<16xi32> to vector<16xf32>
        tpu.vector_store_idx %arg6[%broadcast_in_dim3A_21, %parallel_loop3A_103], %parallel_loop3A_115 {add = true} : memref<4x10000xf32, #tpu.memory_space<vmem>>[vector<16xi32>, vector<16xi32>], vector<16xf32>,
        tpu.vector_store_idx %arg6[%broadcast_in_dim3A_23, %parallel_loop3A_103], %parallel_loop3A_117 {add = true} : memref<4x10000xf32, #tpu.memory_space<vmem>>[vector<16xi32>, vector<16xi32>], vector<16xf32>,
      } {sc.loop_unroll_factor = 8 : i64, sc.parallel_access}
      %scan3A_92 = arith.constant 0 : i32
      scf.yield %scan3A_92 : i32
    }
    %scan3A_44 = arith.constant 16 : i32
    "tpu.region"() ({
      %run_scoped3A = tpu.sem_alloc : memref<!tpu.dma_semaphore, #tpu.memory_space<semaphore_mem>>
      %dma_start3A_45 = arith.constant 0 : i32
      %dma_start3A_46 = tpu.memref_slice %arg4[%mul3A_2, %dma_start3A_45] : memref<128x10000xf32, #tpu.memory_space<hbm>> -> memref<4x10000xf32, #tpu.memory_space<hbm>>
      %dma_start3A_47 = arith.constant 0 : i32
      %dma_start3A_48 = tpu.memref_slice %arg4[%mul3A_2, %dma_start3A_47] : memref<128x10000xf32, #tpu.memory_space<hbm>> -> memref<4x10000xf32, #tpu.memory_space<hbm>>
      tpu.enqueue_dma source(%arg6 : memref<4x10000xf32, #tpu.memory_space<vmem>>) target(%dma_start3A_48 : memref<4x10000xf32, #tpu.memory_space<hbm>>) target_semaphore(%run_scoped3A : memref<!tpu.dma_semaphore, #tpu.memory_space<semaphore_mem>>)
      %dma_wait3A = arith.constant 0 : i32
      %dma_wait3A_49 = tpu.memref_slice %arg4[%mul3A_2, %dma_wait3A] : memref<128x10000xf32, #tpu.memory_space<hbm>> -> memref<4x10000xf32, #tpu.memory_space<hbm>>
      %dma_wait3A_50 = arith.constant 0 : i32
      %dma_wait3A_51 = tpu.memref_slice %arg4[%mul3A_2, %dma_wait3A_50] : memref<128x10000xf32, #tpu.memory_space<hbm>> -> memref<4x10000xf32, #tpu.memory_space<hbm>>
      tpu.wait_dma2 semaphore(%run_scoped3A : memref<!tpu.dma_semaphore, #tpu.memory_space<semaphore_mem>>) src(%arg6 : memref<4x10000xf32, #tpu.memory_space<vmem>>) dst(%dma_wait3A_51 : memref<4x10000xf32, #tpu.memory_space<hbm>>)
      tpu.yield
    }) : () -> ()
    return
  }
}

#map = affine_map<(d0, d1) -> (0, 0)>
#map1 = affine_map<(d0, d1) -> (0)>
module attributes {stable_mosaic.version = 14 : i64} {
  func.func @_segsum_t_body(%arg0: i32, %arg1: i32, %arg2: memref<64x10000xi32, #tpu.memory_space<hbm>>, %arg3: memref<320000xi32, #tpu.memory_space<hbm>>, %arg4: memref<128x10000xf32, #tpu.memory_space<hbm>>, %arg5: memref<2x10000xi32, #tpu.memory_space<vmem>>, %arg6: memref<4x10000xf32, #tpu.memory_space<vmem>>, %arg7: memref<2x10000xi32, #tpu.memory_space<vmem>>, %arg8: memref<!tpu.dma_semaphore, #tpu.memory_space<semaphore_mem>>) attributes {dimension_semantics = [#tpu.dimension_semantics<core_parallel>, #tpu.dimension_semantics<subcore_parallel>], iteration_bounds = array<i64: 2, 16>, scalar_prefetch = 0 : i64, scratch_operands = 4 : i64, tpu.core_type = #tpu.core_type<sc_vector_subcore>, window_params = [{transform_indices = #map}, {transform_indices = #map1}, {transform_indices = #map}]} {
    %mul3A = arith.constant 2 : i32
    %mul3A_0 = arith.muli %arg1, %mul3A : i32
    %add3A = arith.addi %mul3A_0, %arg0 : i32
    %mul3A_1 = arith.constant 4 : i32
    %mul3A_2 = arith.muli %add3A, %mul3A_1 : i32
    %mul3A_3 = arith.constant 2 : i32
    %mul3A_4 = arith.muli %add3A, %mul3A_3 : i32
    "tpu.region"() ({
      %run_scoped3A = tpu.sem_alloc : memref<!tpu.dma_semaphore, #tpu.memory_space<semaphore_mem>>
      %dma_start3A_45 = arith.constant 0 : i32
      %dma_start3A_46 = tpu.memref_slice %arg2[%mul3A_4, %dma_start3A_45] : memref<64x10000xi32, #tpu.memory_space<hbm>> -> memref<2x10000xi32, #tpu.memory_space<hbm>>
      %dma_start3A_47 = arith.constant 0 : i32
      %dma_start3A_48 = tpu.memref_slice %arg2[%mul3A_4, %dma_start3A_47] : memref<64x10000xi32, #tpu.memory_space<hbm>> -> memref<2x10000xi32, #tpu.memory_space<hbm>>
      tpu.enqueue_dma source(%dma_start3A_48 : memref<2x10000xi32, #tpu.memory_space<hbm>>) target(%arg5 : memref<2x10000xi32, #tpu.memory_space<vmem>>) target_semaphore(%run_scoped3A : memref<!tpu.dma_semaphore, #tpu.memory_space<semaphore_mem>>)
      %dma_wait3A = arith.constant 0 : i32
      %dma_wait3A_49 = tpu.memref_slice %arg2[%mul3A_4, %dma_wait3A] : memref<64x10000xi32, #tpu.memory_space<hbm>> -> memref<2x10000xi32, #tpu.memory_space<hbm>>
      %dma_wait3A_50 = arith.constant 0 : i32
      %dma_wait3A_51 = tpu.memref_slice %arg2[%mul3A_4, %dma_wait3A_50] : memref<64x10000xi32, #tpu.memory_space<hbm>> -> memref<2x10000xi32, #tpu.memory_space<hbm>>
      tpu.wait_dma2 semaphore(%run_scoped3A : memref<!tpu.dma_semaphore, #tpu.memory_space<semaphore_mem>>) src(%dma_wait3A_51 : memref<2x10000xi32, #tpu.memory_space<hbm>>) dst(%arg5 : memref<2x10000xi32, #tpu.memory_space<vmem>>)
      tpu.yield
    }) : () -> ()
    %broadcast_in_dim3A = arith.constant 0.000000e+00 : f32
    %broadcast_in_dim3A_5 = vector.broadcast %broadcast_in_dim3A : f32 to vector<16xf32>
    %scan3A = arith.constant 0 : i32
    %scan3A_6 = arith.constant 0 : i32
    %scan3A_7 = arith.constant 625 : i32
    %scan3A_8 = arith.addi %scan3A_6, %scan3A_7 : i32
    %scan3A_9 = arith.constant 1 : i32
    %scan3A_10 = scf.for %scan3A_45 = %scan3A_6 to %scan3A_8 step %scan3A_9 iter_args(%scan3A_46 = %scan3A) -> (i32)  : i32 {
      %mul3A_47 = arith.constant 16 : i32
      %mul3A_48 = arith.muli %scan3A_45, %mul3A_47 : i32
      %swap3A = arith.constant 0 : i32
      %swap3A_49 = arith.index_cast %swap3A : i32 to index
      %swap3A_50 = arith.index_cast %mul3A_48 : i32 to index
      %swap3A_51 = tpu.vector_load %arg6[%swap3A_49, %swap3A_50] {strides = array<i32>} : memref<4x10000xf32, #tpu.memory_space<vmem>>, vector<16xf32>,
      tpu.vector_store %arg6[%swap3A_49, %swap3A_50], %broadcast_in_dim3A_5 {strides = array<i32>} : memref<4x10000xf32, #tpu.memory_space<vmem>>, vector<16xf32>,
      %mul3A_52 = arith.constant 16 : i32
      %mul3A_53 = arith.muli %scan3A_45, %mul3A_52 : i32
      %swap3A_54 = arith.constant 1 : i32
      %swap3A_55 = arith.index_cast %swap3A_54 : i32 to index
      %swap3A_56 = arith.index_cast %mul3A_53 : i32 to index
      %swap3A_57 = tpu.vector_load %arg6[%swap3A_55, %swap3A_56] {strides = array<i32>} : memref<4x10000xf32, #tpu.memory_space<vmem>>, vector<16xf32>,
      tpu.vector_store %arg6[%swap3A_55, %swap3A_56], %broadcast_in_dim3A_5 {strides = array<i32>} : memref<4x10000xf32, #tpu.memory_space<vmem>>, vector<16xf32>,
      %mul3A_58 = arith.constant 16 : i32
      %mul3A_59 = arith.muli %scan3A_45, %mul3A_58 : i32
      %swap3A_60 = arith.constant 2 : i32
      %swap3A_61 = arith.index_cast %swap3A_60 : i32 to index
      %swap3A_62 = arith.index_cast %mul3A_59 : i32 to index
      %swap3A_63 = tpu.vector_load %arg6[%swap3A_61, %swap3A_62] {strides = array<i32>} : memref<4x10000xf32, #tpu.memory_space<vmem>>, vector<16xf32>,
      tpu.vector_store %arg6[%swap3A_61, %swap3A_62], %broadcast_in_dim3A_5 {strides = array<i32>} : memref<4x10000xf32, #tpu.memory_space<vmem>>, vector<16xf32>,
      %mul3A_64 = arith.constant 16 : i32
      %mul3A_65 = arith.muli %scan3A_45, %mul3A_64 : i32
      %swap3A_66 = arith.constant 3 : i32
      %swap3A_67 = arith.index_cast %swap3A_66 : i32 to index
      %swap3A_68 = arith.index_cast %mul3A_65 : i32 to index
      %swap3A_69 = tpu.vector_load %arg6[%swap3A_67, %swap3A_68] {strides = array<i32>} : memref<4x10000xf32, #tpu.memory_space<vmem>>, vector<16xf32>,
      tpu.vector_store %arg6[%swap3A_67, %swap3A_68], %broadcast_in_dim3A_5 {strides = array<i32>} : memref<4x10000xf32, #tpu.memory_space<vmem>>, vector<16xf32>,
      %scan3A_70 = arith.constant 0 : i32
      scf.yield %scan3A_70 : i32
    }
    %scan3A_11 = arith.constant 625 : i32
    %broadcast_in_dim3A_12 = arith.constant 0 : i32
    %broadcast_in_dim3A_13 = vector.broadcast %broadcast_in_dim3A_12 : i32 to vector<16xi32>
    %broadcast_in_dim3A_14 = arith.constant 1 : i32
    %broadcast_in_dim3A_15 = vector.broadcast %broadcast_in_dim3A_14 : i32 to vector<16xi32>
    %broadcast_in_dim3A_16 = arith.constant 0 : i32
    %broadcast_in_dim3A_17 = vector.broadcast %broadcast_in_dim3A_16 : i32 to vector<16xi32>
    %broadcast_in_dim3A_18 = arith.constant 1 : i32
    %broadcast_in_dim3A_19 = vector.broadcast %broadcast_in_dim3A_18 : i32 to vector<16xi32>
    %broadcast_in_dim3A_20 = arith.constant 2 : i32
    %broadcast_in_dim3A_21 = vector.broadcast %broadcast_in_dim3A_20 : i32 to vector<16xi32>
    %broadcast_in_dim3A_22 = arith.constant 3 : i32
    %broadcast_in_dim3A_23 = vector.broadcast %broadcast_in_dim3A_22 : i32 to vector<16xi32>
    %broadcast_in_dim3A_24 = arith.constant 65535 : i32
    %broadcast_in_dim3A_25 = vector.broadcast %broadcast_in_dim3A_24 : i32 to vector<16xi32>
    %broadcast_in_dim3A_26 = arith.constant -65536 : i32
    %broadcast_in_dim3A_27 = vector.broadcast %broadcast_in_dim3A_26 : i32 to vector<16xi32>
    %dma_start3A = arith.constant 0 : i32
    %dma_start3A_28 = arith.constant 0 : i32
    %dma_start3A_29 = tpu.memref_slice %arg7[%dma_start3A, %dma_start3A_28] : memref<2x10000xi32, #tpu.memory_space<vmem>> -> memref<1x10000xi32, #tpu.memory_space<vmem>>
    %dma_start3A_30 = tpu.memref_squeeze %dma_start3A_29 : memref<1x10000xi32, #tpu.memory_space<vmem>> -> memref<10000xi32, #tpu.memory_space<vmem>>
    %dma_start3A_31 = arith.constant 0 : i32
    %dma_start3A_32 = tpu.memref_slice %arg3[%dma_start3A_31] : memref<320000xi32, #tpu.memory_space<hbm>> -> memref<10000xi32, #tpu.memory_space<hbm>>
    %dma_start3A_33 = arith.constant 0 : i32
    %dma_start3A_34 = tpu.memref_slice %arg7[%dma_start3A, %dma_start3A_33] : memref<2x10000xi32, #tpu.memory_space<vmem>> -> memref<1x10000xi32, #tpu.memory_space<vmem>>
    %dma_start3A_35 = tpu.memref_squeeze %dma_start3A_34 : memref<1x10000xi32, #tpu.memory_space<vmem>> -> memref<10000xi32, #tpu.memory_space<vmem>>
    %dma_start3A_36 = arith.constant 0 : i32
    %dma_start3A_37 = tpu.memref_slice %arg3[%dma_start3A_36] : memref<320000xi32, #tpu.memory_space<hbm>> -> memref<10000xi32, #tpu.memory_space<hbm>>
    tpu.enqueue_dma source(%dma_start3A_37 : memref<10000xi32, #tpu.memory_space<hbm>>) target(%dma_start3A_35 : memref<10000xi32, #tpu.memory_space<vmem>>) target_semaphore(%arg8 : memref<!tpu.dma_semaphore, #tpu.memory_space<semaphore_mem>>)
    %scan3A_38 = arith.constant 0 : i32
    %scan3A_39 = arith.constant 0 : i32
    %scan3A_40 = arith.constant 16 : i32
    %scan3A_41 = arith.addi %scan3A_39, %scan3A_40 : i32
    %scan3A_42 = arith.constant 1 : i32
    %scan3A_43 = scf.for %scan3A_45 = %scan3A_39 to %scan3A_41 step %scan3A_42 iter_args(%scan3A_46 = %scan3A_38) -> (i32)  : i32 {
      %mul3A_47 = arith.constant 2 : i32
      %mul3A_48 = arith.muli %scan3A_45, %mul3A_47 : i32
      %add3A_49 = arith.constant 0 : i32
      %add3A_50 = arith.addi %mul3A_48, %add3A_49 : i32
      %add3A_51 = arith.constant 1 : i32
      %add3A_52 = arith.addi %add3A_50, %add3A_51 : i32
      %lt3A = arith.constant 32 : i32
      %lt3A_53 = arith.cmpi slt, %add3A_52, %lt3A : i32
      %convert_element_type3A = arith.extui %lt3A_53 : i1 to i32
      %cond3A = arith.constant 0 : i32
      %cond3A_54 = arith.cmpi ne, %convert_element_type3A, %cond3A : i32
      scf.if %cond3A_54 {
        %add3A_93 = arith.constant 1 : i32
        %add3A_94 = arith.addi %add3A_50, %add3A_93 : i32
        %mul3A_95 = arith.constant 10000 : i32
        %mul3A_96 = arith.muli %add3A_94, %mul3A_95 : i32
        %dma_start3A_97 = arith.constant 1 : i32
        %dma_start3A_98 = arith.constant 0 : i32
        %dma_start3A_99 = tpu.memref_slice %arg7[%dma_start3A_97, %dma_start3A_98] : memref<2x10000xi32, #tpu.memory_space<vmem>> -> memref<1x10000xi32, #tpu.memory_space<vmem>>
        %dma_start3A_100 = tpu.memref_squeeze %dma_start3A_99 : memref<1x10000xi32, #tpu.memory_space<vmem>> -> memref<10000xi32, #tpu.memory_space<vmem>>
        %dma_start3A_101 = tpu.memref_slice %arg3[%mul3A_96] : memref<320000xi32, #tpu.memory_space<hbm>> -> memref<10000xi32, #tpu.memory_space<hbm>>
        %dma_start3A_102 = arith.constant 0 : i32
        %dma_start3A_103 = tpu.memref_slice %arg7[%dma_start3A_97, %dma_start3A_102] : memref<2x10000xi32, #tpu.memory_space<vmem>> -> memref<1x10000xi32, #tpu.memory_space<vmem>>
        %dma_start3A_104 = tpu.memref_squeeze %dma_start3A_103 : memref<1x10000xi32, #tpu.memory_space<vmem>> -> memref<10000xi32, #tpu.memory_space<vmem>>
        %dma_start3A_105 = tpu.memref_slice %arg3[%mul3A_96] : memref<320000xi32, #tpu.memory_space<hbm>> -> memref<10000xi32, #tpu.memory_space<hbm>>
        tpu.enqueue_dma source(%dma_start3A_105 : memref<10000xi32, #tpu.memory_space<hbm>>) target(%dma_start3A_104 : memref<10000xi32, #tpu.memory_space<vmem>>) target_semaphore(%arg8 : memref<!tpu.dma_semaphore, #tpu.memory_space<semaphore_mem>>)
      } else {
      }
      %mul3A_55 = arith.constant 10000 : i32
      %mul3A_56 = arith.muli %add3A_50, %mul3A_55 : i32
      %dma_wait3A = arith.constant 0 : i32
      %dma_wait3A_57 = arith.constant 0 : i32
      %dma_wait3A_58 = tpu.memref_slice %arg7[%dma_wait3A, %dma_wait3A_57] : memref<2x10000xi32, #tpu.memory_space<vmem>> -> memref<1x10000xi32, #tpu.memory_space<vmem>>
      %dma_wait3A_59 = tpu.memref_squeeze %dma_wait3A_58 : memref<1x10000xi32, #tpu.memory_space<vmem>> -> memref<10000xi32, #tpu.memory_space<vmem>>
      %dma_wait3A_60 = tpu.memref_slice %arg3[%mul3A_56] : memref<320000xi32, #tpu.memory_space<hbm>> -> memref<10000xi32, #tpu.memory_space<hbm>>
      %dma_wait3A_61 = arith.constant 0 : i32
      %dma_wait3A_62 = tpu.memref_slice %arg7[%dma_wait3A, %dma_wait3A_61] : memref<2x10000xi32, #tpu.memory_space<vmem>> -> memref<1x10000xi32, #tpu.memory_space<vmem>>
      %dma_wait3A_63 = tpu.memref_squeeze %dma_wait3A_62 : memref<1x10000xi32, #tpu.memory_space<vmem>> -> memref<10000xi32, #tpu.memory_space<vmem>>
      %dma_wait3A_64 = tpu.memref_slice %arg3[%mul3A_56] : memref<320000xi32, #tpu.memory_space<hbm>> -> memref<10000xi32, #tpu.memory_space<hbm>>
      tpu.wait_dma2 semaphore(%arg8 : memref<!tpu.dma_semaphore, #tpu.memory_space<semaphore_mem>>) src(%dma_wait3A_64 : memref<10000xi32, #tpu.memory_space<hbm>>) dst(%dma_wait3A_63 : memref<10000xi32, #tpu.memory_space<vmem>>)
      %parallel_loop3A = arith.constant 0 : i32
      %parallel_loop3A_65 = arith.constant 625 : i32
      %parallel_loop3A_66 = arith.constant 1 : i32
      scf.for %parallel_loop3A_93 = %parallel_loop3A to %parallel_loop3A_65 step %parallel_loop3A_66  : i32 {
        %parallel_loop3A_94 = arith.constant 16 : i32
        %parallel_loop3A_95 = arith.muli %parallel_loop3A_93, %parallel_loop3A_94 : i32
        %parallel_loop3A_96 = arith.constant 0 : i32
        %parallel_loop3A_97 = arith.index_cast %parallel_loop3A_96 : i32 to index
        %parallel_loop3A_98 = arith.index_cast %parallel_loop3A_95 : i32 to index
        %parallel_loop3A_99 = tpu.vector_load %arg7[%parallel_loop3A_97, %parallel_loop3A_98] {strides = array<i32>} : memref<2x10000xi32, #tpu.memory_space<vmem>>, vector<16xi32>,
        %parallel_loop3A_100 = arith.andi %parallel_loop3A_99, %broadcast_in_dim3A_25 : vector<16xi32>
        %parallel_loop3A_101 = arith.constant 16 : i32
        %parallel_loop3A_102 = vector.broadcast %parallel_loop3A_101 : i32 to vector<16xi32>
        %parallel_loop3A_103 = arith.shrui %parallel_loop3A_99, %parallel_loop3A_102 : vector<16xi32>
        %parallel_loop3A_104 = tpu.vector_load_idx %arg5[%broadcast_in_dim3A_13, %parallel_loop3A_100] : memref<2x10000xi32, #tpu.memory_space<vmem>>[vector<16xi32>, vector<16xi32>], vector<16xi32>,
        %parallel_loop3A_105 = arith.constant 16 : i32
        %parallel_loop3A_106 = vector.broadcast %parallel_loop3A_105 : i32 to vector<16xi32>
        %parallel_loop3A_107 = arith.shli %parallel_loop3A_104, %parallel_loop3A_106 : vector<16xi32>
        %parallel_loop3A_108 = vector.bitcast %parallel_loop3A_107 : vector<16xi32> to vector<16xf32>
        %parallel_loop3A_109 = arith.andi %parallel_loop3A_104, %broadcast_in_dim3A_27 : vector<16xi32>
        %parallel_loop3A_110 = vector.bitcast %parallel_loop3A_109 : vector<16xi32> to vector<16xf32>
        tpu.vector_store_idx %arg6[%broadcast_in_dim3A_17, %parallel_loop3A_103], %parallel_loop3A_108 {add = true} : memref<4x10000xf32, #tpu.memory_space<vmem>>[vector<16xi32>, vector<16xi32>], vector<16xf32>,
        tpu.vector_store_idx %arg6[%broadcast_in_dim3A_19, %parallel_loop3A_103], %parallel_loop3A_110 {add = true} : memref<4x10000xf32, #tpu.memory_space<vmem>>[vector<16xi32>, vector<16xi32>], vector<16xf32>,
        %parallel_loop3A_111 = tpu.vector_load_idx %arg5[%broadcast_in_dim3A_15, %parallel_loop3A_100] : memref<2x10000xi32, #tpu.memory_space<vmem>>[vector<16xi32>, vector<16xi32>], vector<16xi32>,
        %parallel_loop3A_112 = arith.constant 16 : i32
        %parallel_loop3A_113 = vector.broadcast %parallel_loop3A_112 : i32 to vector<16xi32>
        %parallel_loop3A_114 = arith.shli %parallel_loop3A_111, %parallel_loop3A_113 : vector<16xi32>
        %parallel_loop3A_115 = vector.bitcast %parallel_loop3A_114 : vector<16xi32> to vector<16xf32>
        %parallel_loop3A_116 = arith.andi %parallel_loop3A_111, %broadcast_in_dim3A_27 : vector<16xi32>
        %parallel_loop3A_117 = vector.bitcast %parallel_loop3A_116 : vector<16xi32> to vector<16xf32>
        tpu.vector_store_idx %arg6[%broadcast_in_dim3A_21, %parallel_loop3A_103], %parallel_loop3A_115 {add = true} : memref<4x10000xf32, #tpu.memory_space<vmem>>[vector<16xi32>, vector<16xi32>], vector<16xf32>,
        tpu.vector_store_idx %arg6[%broadcast_in_dim3A_23, %parallel_loop3A_103], %parallel_loop3A_117 {add = true} : memref<4x10000xf32, #tpu.memory_space<vmem>>[vector<16xi32>, vector<16xi32>], vector<16xf32>,
      } {sc.loop_unroll_factor = 8 : i64, sc.parallel_access}
      %mul3A_67 = arith.constant 2 : i32
      %mul3A_68 = arith.muli %scan3A_45, %mul3A_67 : i32
      %add3A_69 = arith.constant 1 : i32
      %add3A_70 = arith.addi %mul3A_68, %add3A_69 : i32
      %add3A_71 = arith.constant 1 : i32
      %add3A_72 = arith.addi %add3A_70, %add3A_71 : i32
      %lt3A_73 = arith.constant 32 : i32
      %lt3A_74 = arith.cmpi slt, %add3A_72, %lt3A_73 : i32
      %convert_element_type3A_75 = arith.extui %lt3A_74 : i1 to i32
      %cond3A_76 = arith.constant 0 : i32
      %cond3A_77 = arith.cmpi ne, %convert_element_type3A_75, %cond3A_76 : i32
      scf.if %cond3A_77 {
        %add3A_93 = arith.constant 1 : i32
        %add3A_94 = arith.addi %add3A_70, %add3A_93 : i32
        %mul3A_95 = arith.constant 10000 : i32
        %mul3A_96 = arith.muli %add3A_94, %mul3A_95 : i32
        %dma_start3A_97 = arith.constant 0 : i32
        %dma_start3A_98 = arith.constant 0 : i32
        %dma_start3A_99 = tpu.memref_slice %arg7[%dma_start3A_97, %dma_start3A_98] : memref<2x10000xi32, #tpu.memory_space<vmem>> -> memref<1x10000xi32, #tpu.memory_space<vmem>>
        %dma_start3A_100 = tpu.memref_squeeze %dma_start3A_99 : memref<1x10000xi32, #tpu.memory_space<vmem>> -> memref<10000xi32, #tpu.memory_space<vmem>>
        %dma_start3A_101 = tpu.memref_slice %arg3[%mul3A_96] : memref<320000xi32, #tpu.memory_space<hbm>> -> memref<10000xi32, #tpu.memory_space<hbm>>
        %dma_start3A_102 = arith.constant 0 : i32
        %dma_start3A_103 = tpu.memref_slice %arg7[%dma_start3A_97, %dma_start3A_102] : memref<2x10000xi32, #tpu.memory_space<vmem>> -> memref<1x10000xi32, #tpu.memory_space<vmem>>
        %dma_start3A_104 = tpu.memref_squeeze %dma_start3A_103 : memref<1x10000xi32, #tpu.memory_space<vmem>> -> memref<10000xi32, #tpu.memory_space<vmem>>
        %dma_start3A_105 = tpu.memref_slice %arg3[%mul3A_96] : memref<320000xi32, #tpu.memory_space<hbm>> -> memref<10000xi32, #tpu.memory_space<hbm>>
        tpu.enqueue_dma source(%dma_start3A_105 : memref<10000xi32, #tpu.memory_space<hbm>>) target(%dma_start3A_104 : memref<10000xi32, #tpu.memory_space<vmem>>) target_semaphore(%arg8 : memref<!tpu.dma_semaphore, #tpu.memory_space<semaphore_mem>>)
      } else {
      }
      %mul3A_78 = arith.constant 10000 : i32
      %mul3A_79 = arith.muli %add3A_70, %mul3A_78 : i32
      %dma_wait3A_80 = arith.constant 1 : i32
      %dma_wait3A_81 = arith.constant 0 : i32
      %dma_wait3A_82 = tpu.memref_slice %arg7[%dma_wait3A_80, %dma_wait3A_81] : memref<2x10000xi32, #tpu.memory_space<vmem>> -> memref<1x10000xi32, #tpu.memory_space<vmem>>
      %dma_wait3A_83 = tpu.memref_squeeze %dma_wait3A_82 : memref<1x10000xi32, #tpu.memory_space<vmem>> -> memref<10000xi32, #tpu.memory_space<vmem>>
      %dma_wait3A_84 = tpu.memref_slice %arg3[%mul3A_79] : memref<320000xi32, #tpu.memory_space<hbm>> -> memref<10000xi32, #tpu.memory_space<hbm>>
      %dma_wait3A_85 = arith.constant 0 : i32
      %dma_wait3A_86 = tpu.memref_slice %arg7[%dma_wait3A_80, %dma_wait3A_85] : memref<2x10000xi32, #tpu.memory_space<vmem>> -> memref<1x10000xi32, #tpu.memory_space<vmem>>
      %dma_wait3A_87 = tpu.memref_squeeze %dma_wait3A_86 : memref<1x10000xi32, #tpu.memory_space<vmem>> -> memref<10000xi32, #tpu.memory_space<vmem>>
      %dma_wait3A_88 = tpu.memref_slice %arg3[%mul3A_79] : memref<320000xi32, #tpu.memory_space<hbm>> -> memref<10000xi32, #tpu.memory_space<hbm>>
      tpu.wait_dma2 semaphore(%arg8 : memref<!tpu.dma_semaphore, #tpu.memory_space<semaphore_mem>>) src(%dma_wait3A_88 : memref<10000xi32, #tpu.memory_space<hbm>>) dst(%dma_wait3A_87 : memref<10000xi32, #tpu.memory_space<vmem>>)
      %parallel_loop3A_89 = arith.constant 0 : i32
      %parallel_loop3A_90 = arith.constant 625 : i32
      %parallel_loop3A_91 = arith.constant 1 : i32
      scf.for %parallel_loop3A_93 = %parallel_loop3A_89 to %parallel_loop3A_90 step %parallel_loop3A_91  : i32 {
        %parallel_loop3A_94 = arith.constant 16 : i32
        %parallel_loop3A_95 = arith.muli %parallel_loop3A_93, %parallel_loop3A_94 : i32
        %parallel_loop3A_96 = arith.constant 1 : i32
        %parallel_loop3A_97 = arith.index_cast %parallel_loop3A_96 : i32 to index
        %parallel_loop3A_98 = arith.index_cast %parallel_loop3A_95 : i32 to index
        %parallel_loop3A_99 = tpu.vector_load %arg7[%parallel_loop3A_97, %parallel_loop3A_98] {strides = array<i32>} : memref<2x10000xi32, #tpu.memory_space<vmem>>, vector<16xi32>,
        %parallel_loop3A_100 = arith.andi %parallel_loop3A_99, %broadcast_in_dim3A_25 : vector<16xi32>
        %parallel_loop3A_101 = arith.constant 16 : i32
        %parallel_loop3A_102 = vector.broadcast %parallel_loop3A_101 : i32 to vector<16xi32>
        %parallel_loop3A_103 = arith.shrui %parallel_loop3A_99, %parallel_loop3A_102 : vector<16xi32>
        %parallel_loop3A_104 = tpu.vector_load_idx %arg5[%broadcast_in_dim3A_13, %parallel_loop3A_100] : memref<2x10000xi32, #tpu.memory_space<vmem>>[vector<16xi32>, vector<16xi32>], vector<16xi32>,
        %parallel_loop3A_105 = arith.constant 16 : i32
        %parallel_loop3A_106 = vector.broadcast %parallel_loop3A_105 : i32 to vector<16xi32>
        %parallel_loop3A_107 = arith.shli %parallel_loop3A_104, %parallel_loop3A_106 : vector<16xi32>
        %parallel_loop3A_108 = vector.bitcast %parallel_loop3A_107 : vector<16xi32> to vector<16xf32>
        %parallel_loop3A_109 = arith.andi %parallel_loop3A_104, %broadcast_in_dim3A_27 : vector<16xi32>
        %parallel_loop3A_110 = vector.bitcast %parallel_loop3A_109 : vector<16xi32> to vector<16xf32>
        tpu.vector_store_idx %arg6[%broadcast_in_dim3A_17, %parallel_loop3A_103], %parallel_loop3A_108 {add = true} : memref<4x10000xf32, #tpu.memory_space<vmem>>[vector<16xi32>, vector<16xi32>], vector<16xf32>,
        tpu.vector_store_idx %arg6[%broadcast_in_dim3A_19, %parallel_loop3A_103], %parallel_loop3A_110 {add = true} : memref<4x10000xf32, #tpu.memory_space<vmem>>[vector<16xi32>, vector<16xi32>], vector<16xf32>,
        %parallel_loop3A_111 = tpu.vector_load_idx %arg5[%broadcast_in_dim3A_15, %parallel_loop3A_100] : memref<2x10000xi32, #tpu.memory_space<vmem>>[vector<16xi32>, vector<16xi32>], vector<16xi32>,
        %parallel_loop3A_112 = arith.constant 16 : i32
        %parallel_loop3A_113 = vector.broadcast %parallel_loop3A_112 : i32 to vector<16xi32>
        %parallel_loop3A_114 = arith.shli %parallel_loop3A_111, %parallel_loop3A_113 : vector<16xi32>
        %parallel_loop3A_115 = vector.bitcast %parallel_loop3A_114 : vector<16xi32> to vector<16xf32>
        %parallel_loop3A_116 = arith.andi %parallel_loop3A_111, %broadcast_in_dim3A_27 : vector<16xi32>
        %parallel_loop3A_117 = vector.bitcast %parallel_loop3A_116 : vector<16xi32> to vector<16xf32>
        tpu.vector_store_idx %arg6[%broadcast_in_dim3A_21, %parallel_loop3A_103], %parallel_loop3A_115 {add = true} : memref<4x10000xf32, #tpu.memory_space<vmem>>[vector<16xi32>, vector<16xi32>], vector<16xf32>,
        tpu.vector_store_idx %arg6[%broadcast_in_dim3A_23, %parallel_loop3A_103], %parallel_loop3A_117 {add = true} : memref<4x10000xf32, #tpu.memory_space<vmem>>[vector<16xi32>, vector<16xi32>], vector<16xf32>,
      } {sc.loop_unroll_factor = 8 : i64, sc.parallel_access}
      %scan3A_92 = arith.constant 0 : i32
      scf.yield %scan3A_92 : i32
    }
    %scan3A_44 = arith.constant 16 : i32
    "tpu.region"() ({
      %run_scoped3A = tpu.sem_alloc : memref<!tpu.dma_semaphore, #tpu.memory_space<semaphore_mem>>
      %dma_start3A_45 = arith.constant 0 : i32
      %dma_start3A_46 = tpu.memref_slice %arg4[%mul3A_2, %dma_start3A_45] : memref<128x10000xf32, #tpu.memory_space<hbm>> -> memref<4x10000xf32, #tpu.memory_space<hbm>>
      %dma_start3A_47 = arith.constant 0 : i32
      %dma_start3A_48 = tpu.memref_slice %arg4[%mul3A_2, %dma_start3A_47] : memref<128x10000xf32, #tpu.memory_space<hbm>> -> memref<4x10000xf32, #tpu.memory_space<hbm>>
      tpu.enqueue_dma source(%arg6 : memref<4x10000xf32, #tpu.memory_space<vmem>>) target(%dma_start3A_48 : memref<4x10000xf32, #tpu.memory_space<hbm>>) target_semaphore(%run_scoped3A : memref<!tpu.dma_semaphore, #tpu.memory_space<semaphore_mem>>)
      %dma_wait3A = arith.constant 0 : i32
      %dma_wait3A_49 = tpu.memref_slice %arg4[%mul3A_2, %dma_wait3A] : memref<128x10000xf32, #tpu.memory_space<hbm>> -> memref<4x10000xf32, #tpu.memory_space<hbm>>
      %dma_wait3A_50 = arith.constant 0 : i32
      %dma_wait3A_51 = tpu.memref_slice %arg4[%mul3A_2, %dma_wait3A_50] : memref<128x10000xf32, #tpu.memory_space<hbm>> -> memref<4x10000xf32, #tpu.memory_space<hbm>>
      tpu.wait_dma2 semaphore(%run_scoped3A : memref<!tpu.dma_semaphore, #tpu.memory_space<semaphore_mem>>) src(%arg6 : memref<4x10000xf32, #tpu.memory_space<vmem>>) dst(%dma_wait3A_51 : memref<4x10000xf32, #tpu.memory_space<hbm>>)
      tpu.yield
    }) : () -> ()
    return
  }
}

#map = affine_map<(d0, d1) -> (0, 0)>
#map1 = affine_map<(d0, d1) -> (0)>
module attributes {stable_mosaic.version = 14 : i64} {
  func.func @_segsum_t_body(%arg0: i32, %arg1: i32, %arg2: memref<64x10000xi32, #tpu.memory_space<hbm>>, %arg3: memref<320000xi32, #tpu.memory_space<hbm>>, %arg4: memref<128x10000xf32, #tpu.memory_space<hbm>>, %arg5: memref<2x10000xi32, #tpu.memory_space<vmem>>, %arg6: memref<4x10000xf32, #tpu.memory_space<vmem>>, %arg7: memref<2x10000xi32, #tpu.memory_space<vmem>>, %arg8: memref<!tpu.dma_semaphore, #tpu.memory_space<semaphore_mem>>) attributes {dimension_semantics = [#tpu.dimension_semantics<core_parallel>, #tpu.dimension_semantics<subcore_parallel>], iteration_bounds = array<i64: 2, 16>, scalar_prefetch = 0 : i64, scratch_operands = 4 : i64, tpu.core_type = #tpu.core_type<sc_vector_subcore>, window_params = [{transform_indices = #map}, {transform_indices = #map1}, {transform_indices = #map}]} {
    %mul3A = arith.constant 2 : i32
    %mul3A_0 = arith.muli %arg1, %mul3A : i32
    %add3A = arith.addi %mul3A_0, %arg0 : i32
    %mul3A_1 = arith.constant 4 : i32
    %mul3A_2 = arith.muli %add3A, %mul3A_1 : i32
    %mul3A_3 = arith.constant 2 : i32
    %mul3A_4 = arith.muli %add3A, %mul3A_3 : i32
    "tpu.region"() ({
      %run_scoped3A = tpu.sem_alloc : memref<!tpu.dma_semaphore, #tpu.memory_space<semaphore_mem>>
      %dma_start3A_45 = arith.constant 0 : i32
      %dma_start3A_46 = tpu.memref_slice %arg2[%mul3A_4, %dma_start3A_45] : memref<64x10000xi32, #tpu.memory_space<hbm>> -> memref<2x10000xi32, #tpu.memory_space<hbm>>
      %dma_start3A_47 = arith.constant 0 : i32
      %dma_start3A_48 = tpu.memref_slice %arg2[%mul3A_4, %dma_start3A_47] : memref<64x10000xi32, #tpu.memory_space<hbm>> -> memref<2x10000xi32, #tpu.memory_space<hbm>>
      tpu.enqueue_dma source(%dma_start3A_48 : memref<2x10000xi32, #tpu.memory_space<hbm>>) target(%arg5 : memref<2x10000xi32, #tpu.memory_space<vmem>>) target_semaphore(%run_scoped3A : memref<!tpu.dma_semaphore, #tpu.memory_space<semaphore_mem>>)
      %dma_wait3A = arith.constant 0 : i32
      %dma_wait3A_49 = tpu.memref_slice %arg2[%mul3A_4, %dma_wait3A] : memref<64x10000xi32, #tpu.memory_space<hbm>> -> memref<2x10000xi32, #tpu.memory_space<hbm>>
      %dma_wait3A_50 = arith.constant 0 : i32
      %dma_wait3A_51 = tpu.memref_slice %arg2[%mul3A_4, %dma_wait3A_50] : memref<64x10000xi32, #tpu.memory_space<hbm>> -> memref<2x10000xi32, #tpu.memory_space<hbm>>
      tpu.wait_dma2 semaphore(%run_scoped3A : memref<!tpu.dma_semaphore, #tpu.memory_space<semaphore_mem>>) src(%dma_wait3A_51 : memref<2x10000xi32, #tpu.memory_space<hbm>>) dst(%arg5 : memref<2x10000xi32, #tpu.memory_space<vmem>>)
      tpu.yield
    }) : () -> ()
    %broadcast_in_dim3A = arith.constant 0.000000e+00 : f32
    %broadcast_in_dim3A_5 = vector.broadcast %broadcast_in_dim3A : f32 to vector<16xf32>
    %scan3A = arith.constant 0 : i32
    %scan3A_6 = arith.constant 0 : i32
    %scan3A_7 = arith.constant 625 : i32
    %scan3A_8 = arith.addi %scan3A_6, %scan3A_7 : i32
    %scan3A_9 = arith.constant 1 : i32
    %scan3A_10 = scf.for %scan3A_45 = %scan3A_6 to %scan3A_8 step %scan3A_9 iter_args(%scan3A_46 = %scan3A) -> (i32)  : i32 {
      %mul3A_47 = arith.constant 16 : i32
      %mul3A_48 = arith.muli %scan3A_45, %mul3A_47 : i32
      %swap3A = arith.constant 0 : i32
      %swap3A_49 = arith.index_cast %swap3A : i32 to index
      %swap3A_50 = arith.index_cast %mul3A_48 : i32 to index
      %swap3A_51 = tpu.vector_load %arg6[%swap3A_49, %swap3A_50] {strides = array<i32>} : memref<4x10000xf32, #tpu.memory_space<vmem>>, vector<16xf32>,
      tpu.vector_store %arg6[%swap3A_49, %swap3A_50], %broadcast_in_dim3A_5 {strides = array<i32>} : memref<4x10000xf32, #tpu.memory_space<vmem>>, vector<16xf32>,
      %mul3A_52 = arith.constant 16 : i32
      %mul3A_53 = arith.muli %scan3A_45, %mul3A_52 : i32
      %swap3A_54 = arith.constant 1 : i32
      %swap3A_55 = arith.index_cast %swap3A_54 : i32 to index
      %swap3A_56 = arith.index_cast %mul3A_53 : i32 to index
      %swap3A_57 = tpu.vector_load %arg6[%swap3A_55, %swap3A_56] {strides = array<i32>} : memref<4x10000xf32, #tpu.memory_space<vmem>>, vector<16xf32>,
      tpu.vector_store %arg6[%swap3A_55, %swap3A_56], %broadcast_in_dim3A_5 {strides = array<i32>} : memref<4x10000xf32, #tpu.memory_space<vmem>>, vector<16xf32>,
      %mul3A_58 = arith.constant 16 : i32
      %mul3A_59 = arith.muli %scan3A_45, %mul3A_58 : i32
      %swap3A_60 = arith.constant 2 : i32
      %swap3A_61 = arith.index_cast %swap3A_60 : i32 to index
      %swap3A_62 = arith.index_cast %mul3A_59 : i32 to index
      %swap3A_63 = tpu.vector_load %arg6[%swap3A_61, %swap3A_62] {strides = array<i32>} : memref<4x10000xf32, #tpu.memory_space<vmem>>, vector<16xf32>,
      tpu.vector_store %arg6[%swap3A_61, %swap3A_62], %broadcast_in_dim3A_5 {strides = array<i32>} : memref<4x10000xf32, #tpu.memory_space<vmem>>, vector<16xf32>,
      %mul3A_64 = arith.constant 16 : i32
      %mul3A_65 = arith.muli %scan3A_45, %mul3A_64 : i32
      %swap3A_66 = arith.constant 3 : i32
      %swap3A_67 = arith.index_cast %swap3A_66 : i32 to index
      %swap3A_68 = arith.index_cast %mul3A_65 : i32 to index
      %swap3A_69 = tpu.vector_load %arg6[%swap3A_67, %swap3A_68] {strides = array<i32>} : memref<4x10000xf32, #tpu.memory_space<vmem>>, vector<16xf32>,
      tpu.vector_store %arg6[%swap3A_67, %swap3A_68], %broadcast_in_dim3A_5 {strides = array<i32>} : memref<4x10000xf32, #tpu.memory_space<vmem>>, vector<16xf32>,
      %scan3A_70 = arith.constant 0 : i32
      scf.yield %scan3A_70 : i32
    }
    %scan3A_11 = arith.constant 625 : i32
    %broadcast_in_dim3A_12 = arith.constant 0 : i32
    %broadcast_in_dim3A_13 = vector.broadcast %broadcast_in_dim3A_12 : i32 to vector<16xi32>
    %broadcast_in_dim3A_14 = arith.constant 1 : i32
    %broadcast_in_dim3A_15 = vector.broadcast %broadcast_in_dim3A_14 : i32 to vector<16xi32>
    %broadcast_in_dim3A_16 = arith.constant 0 : i32
    %broadcast_in_dim3A_17 = vector.broadcast %broadcast_in_dim3A_16 : i32 to vector<16xi32>
    %broadcast_in_dim3A_18 = arith.constant 1 : i32
    %broadcast_in_dim3A_19 = vector.broadcast %broadcast_in_dim3A_18 : i32 to vector<16xi32>
    %broadcast_in_dim3A_20 = arith.constant 2 : i32
    %broadcast_in_dim3A_21 = vector.broadcast %broadcast_in_dim3A_20 : i32 to vector<16xi32>
    %broadcast_in_dim3A_22 = arith.constant 3 : i32
    %broadcast_in_dim3A_23 = vector.broadcast %broadcast_in_dim3A_22 : i32 to vector<16xi32>
    %broadcast_in_dim3A_24 = arith.constant 65535 : i32
    %broadcast_in_dim3A_25 = vector.broadcast %broadcast_in_dim3A_24 : i32 to vector<16xi32>
    %broadcast_in_dim3A_26 = arith.constant -65536 : i32
    %broadcast_in_dim3A_27 = vector.broadcast %broadcast_in_dim3A_26 : i32 to vector<16xi32>
    %dma_start3A = arith.constant 0 : i32
    %dma_start3A_28 = arith.constant 0 : i32
    %dma_start3A_29 = tpu.memref_slice %arg7[%dma_start3A, %dma_start3A_28] : memref<2x10000xi32, #tpu.memory_space<vmem>> -> memref<1x10000xi32, #tpu.memory_space<vmem>>
    %dma_start3A_30 = tpu.memref_squeeze %dma_start3A_29 : memref<1x10000xi32, #tpu.memory_space<vmem>> -> memref<10000xi32, #tpu.memory_space<vmem>>
    %dma_start3A_31 = arith.constant 0 : i32
    %dma_start3A_32 = tpu.memref_slice %arg3[%dma_start3A_31] : memref<320000xi32, #tpu.memory_space<hbm>> -> memref<10000xi32, #tpu.memory_space<hbm>>
    %dma_start3A_33 = arith.constant 0 : i32
    %dma_start3A_34 = tpu.memref_slice %arg7[%dma_start3A, %dma_start3A_33] : memref<2x10000xi32, #tpu.memory_space<vmem>> -> memref<1x10000xi32, #tpu.memory_space<vmem>>
    %dma_start3A_35 = tpu.memref_squeeze %dma_start3A_34 : memref<1x10000xi32, #tpu.memory_space<vmem>> -> memref<10000xi32, #tpu.memory_space<vmem>>
    %dma_start3A_36 = arith.constant 0 : i32
    %dma_start3A_37 = tpu.memref_slice %arg3[%dma_start3A_36] : memref<320000xi32, #tpu.memory_space<hbm>> -> memref<10000xi32, #tpu.memory_space<hbm>>
    tpu.enqueue_dma source(%dma_start3A_37 : memref<10000xi32, #tpu.memory_space<hbm>>) target(%dma_start3A_35 : memref<10000xi32, #tpu.memory_space<vmem>>) target_semaphore(%arg8 : memref<!tpu.dma_semaphore, #tpu.memory_space<semaphore_mem>>)
    %scan3A_38 = arith.constant 0 : i32
    %scan3A_39 = arith.constant 0 : i32
    %scan3A_40 = arith.constant 16 : i32
    %scan3A_41 = arith.addi %scan3A_39, %scan3A_40 : i32
    %scan3A_42 = arith.constant 1 : i32
    %scan3A_43 = scf.for %scan3A_45 = %scan3A_39 to %scan3A_41 step %scan3A_42 iter_args(%scan3A_46 = %scan3A_38) -> (i32)  : i32 {
      %mul3A_47 = arith.constant 2 : i32
      %mul3A_48 = arith.muli %scan3A_45, %mul3A_47 : i32
      %add3A_49 = arith.constant 0 : i32
      %add3A_50 = arith.addi %mul3A_48, %add3A_49 : i32
      %add3A_51 = arith.constant 1 : i32
      %add3A_52 = arith.addi %add3A_50, %add3A_51 : i32
      %lt3A = arith.constant 32 : i32
      %lt3A_53 = arith.cmpi slt, %add3A_52, %lt3A : i32
      %convert_element_type3A = arith.extui %lt3A_53 : i1 to i32
      %cond3A = arith.constant 0 : i32
      %cond3A_54 = arith.cmpi ne, %convert_element_type3A, %cond3A : i32
      scf.if %cond3A_54 {
        %add3A_93 = arith.constant 1 : i32
        %add3A_94 = arith.addi %add3A_50, %add3A_93 : i32
        %mul3A_95 = arith.constant 10000 : i32
        %mul3A_96 = arith.muli %add3A_94, %mul3A_95 : i32
        %dma_start3A_97 = arith.constant 1 : i32
        %dma_start3A_98 = arith.constant 0 : i32
        %dma_start3A_99 = tpu.memref_slice %arg7[%dma_start3A_97, %dma_start3A_98] : memref<2x10000xi32, #tpu.memory_space<vmem>> -> memref<1x10000xi32, #tpu.memory_space<vmem>>
        %dma_start3A_100 = tpu.memref_squeeze %dma_start3A_99 : memref<1x10000xi32, #tpu.memory_space<vmem>> -> memref<10000xi32, #tpu.memory_space<vmem>>
        %dma_start3A_101 = tpu.memref_slice %arg3[%mul3A_96] : memref<320000xi32, #tpu.memory_space<hbm>> -> memref<10000xi32, #tpu.memory_space<hbm>>
        %dma_start3A_102 = arith.constant 0 : i32
        %dma_start3A_103 = tpu.memref_slice %arg7[%dma_start3A_97, %dma_start3A_102] : memref<2x10000xi32, #tpu.memory_space<vmem>> -> memref<1x10000xi32, #tpu.memory_space<vmem>>
        %dma_start3A_104 = tpu.memref_squeeze %dma_start3A_103 : memref<1x10000xi32, #tpu.memory_space<vmem>> -> memref<10000xi32, #tpu.memory_space<vmem>>
        %dma_start3A_105 = tpu.memref_slice %arg3[%mul3A_96] : memref<320000xi32, #tpu.memory_space<hbm>> -> memref<10000xi32, #tpu.memory_space<hbm>>
        tpu.enqueue_dma source(%dma_start3A_105 : memref<10000xi32, #tpu.memory_space<hbm>>) target(%dma_start3A_104 : memref<10000xi32, #tpu.memory_space<vmem>>) target_semaphore(%arg8 : memref<!tpu.dma_semaphore, #tpu.memory_space<semaphore_mem>>)
      } else {
      }
      %mul3A_55 = arith.constant 10000 : i32
      %mul3A_56 = arith.muli %add3A_50, %mul3A_55 : i32
      %dma_wait3A = arith.constant 0 : i32
      %dma_wait3A_57 = arith.constant 0 : i32
      %dma_wait3A_58 = tpu.memref_slice %arg7[%dma_wait3A, %dma_wait3A_57] : memref<2x10000xi32, #tpu.memory_space<vmem>> -> memref<1x10000xi32, #tpu.memory_space<vmem>>
      %dma_wait3A_59 = tpu.memref_squeeze %dma_wait3A_58 : memref<1x10000xi32, #tpu.memory_space<vmem>> -> memref<10000xi32, #tpu.memory_space<vmem>>
      %dma_wait3A_60 = tpu.memref_slice %arg3[%mul3A_56] : memref<320000xi32, #tpu.memory_space<hbm>> -> memref<10000xi32, #tpu.memory_space<hbm>>
      %dma_wait3A_61 = arith.constant 0 : i32
      %dma_wait3A_62 = tpu.memref_slice %arg7[%dma_wait3A, %dma_wait3A_61] : memref<2x10000xi32, #tpu.memory_space<vmem>> -> memref<1x10000xi32, #tpu.memory_space<vmem>>
      %dma_wait3A_63 = tpu.memref_squeeze %dma_wait3A_62 : memref<1x10000xi32, #tpu.memory_space<vmem>> -> memref<10000xi32, #tpu.memory_space<vmem>>
      %dma_wait3A_64 = tpu.memref_slice %arg3[%mul3A_56] : memref<320000xi32, #tpu.memory_space<hbm>> -> memref<10000xi32, #tpu.memory_space<hbm>>
      tpu.wait_dma2 semaphore(%arg8 : memref<!tpu.dma_semaphore, #tpu.memory_space<semaphore_mem>>) src(%dma_wait3A_64 : memref<10000xi32, #tpu.memory_space<hbm>>) dst(%dma_wait3A_63 : memref<10000xi32, #tpu.memory_space<vmem>>)
      %parallel_loop3A = arith.constant 0 : i32
      %parallel_loop3A_65 = arith.constant 625 : i32
      %parallel_loop3A_66 = arith.constant 1 : i32
      scf.for %parallel_loop3A_93 = %parallel_loop3A to %parallel_loop3A_65 step %parallel_loop3A_66  : i32 {
        %parallel_loop3A_94 = arith.constant 16 : i32
        %parallel_loop3A_95 = arith.muli %parallel_loop3A_93, %parallel_loop3A_94 : i32
        %parallel_loop3A_96 = arith.constant 0 : i32
        %parallel_loop3A_97 = arith.index_cast %parallel_loop3A_96 : i32 to index
        %parallel_loop3A_98 = arith.index_cast %parallel_loop3A_95 : i32 to index
        %parallel_loop3A_99 = tpu.vector_load %arg7[%parallel_loop3A_97, %parallel_loop3A_98] {strides = array<i32>} : memref<2x10000xi32, #tpu.memory_space<vmem>>, vector<16xi32>,
        %parallel_loop3A_100 = arith.andi %parallel_loop3A_99, %broadcast_in_dim3A_25 : vector<16xi32>
        %parallel_loop3A_101 = arith.constant 16 : i32
        %parallel_loop3A_102 = vector.broadcast %parallel_loop3A_101 : i32 to vector<16xi32>
        %parallel_loop3A_103 = arith.shrui %parallel_loop3A_99, %parallel_loop3A_102 : vector<16xi32>
        %parallel_loop3A_104 = tpu.vector_load_idx %arg5[%broadcast_in_dim3A_13, %parallel_loop3A_100] : memref<2x10000xi32, #tpu.memory_space<vmem>>[vector<16xi32>, vector<16xi32>], vector<16xi32>,
        %parallel_loop3A_105 = arith.constant 16 : i32
        %parallel_loop3A_106 = vector.broadcast %parallel_loop3A_105 : i32 to vector<16xi32>
        %parallel_loop3A_107 = arith.shli %parallel_loop3A_104, %parallel_loop3A_106 : vector<16xi32>
        %parallel_loop3A_108 = vector.bitcast %parallel_loop3A_107 : vector<16xi32> to vector<16xf32>
        %parallel_loop3A_109 = arith.andi %parallel_loop3A_104, %broadcast_in_dim3A_27 : vector<16xi32>
        %parallel_loop3A_110 = vector.bitcast %parallel_loop3A_109 : vector<16xi32> to vector<16xf32>
        tpu.vector_store_idx %arg6[%broadcast_in_dim3A_17, %parallel_loop3A_103], %parallel_loop3A_108 {add = true} : memref<4x10000xf32, #tpu.memory_space<vmem>>[vector<16xi32>, vector<16xi32>], vector<16xf32>,
        tpu.vector_store_idx %arg6[%broadcast_in_dim3A_19, %parallel_loop3A_103], %parallel_loop3A_110 {add = true} : memref<4x10000xf32, #tpu.memory_space<vmem>>[vector<16xi32>, vector<16xi32>], vector<16xf32>,
        %parallel_loop3A_111 = tpu.vector_load_idx %arg5[%broadcast_in_dim3A_15, %parallel_loop3A_100] : memref<2x10000xi32, #tpu.memory_space<vmem>>[vector<16xi32>, vector<16xi32>], vector<16xi32>,
        %parallel_loop3A_112 = arith.constant 16 : i32
        %parallel_loop3A_113 = vector.broadcast %parallel_loop3A_112 : i32 to vector<16xi32>
        %parallel_loop3A_114 = arith.shli %parallel_loop3A_111, %parallel_loop3A_113 : vector<16xi32>
        %parallel_loop3A_115 = vector.bitcast %parallel_loop3A_114 : vector<16xi32> to vector<16xf32>
        %parallel_loop3A_116 = arith.andi %parallel_loop3A_111, %broadcast_in_dim3A_27 : vector<16xi32>
        %parallel_loop3A_117 = vector.bitcast %parallel_loop3A_116 : vector<16xi32> to vector<16xf32>
        tpu.vector_store_idx %arg6[%broadcast_in_dim3A_21, %parallel_loop3A_103], %parallel_loop3A_115 {add = true} : memref<4x10000xf32, #tpu.memory_space<vmem>>[vector<16xi32>, vector<16xi32>], vector<16xf32>,
        tpu.vector_store_idx %arg6[%broadcast_in_dim3A_23, %parallel_loop3A_103], %parallel_loop3A_117 {add = true} : memref<4x10000xf32, #tpu.memory_space<vmem>>[vector<16xi32>, vector<16xi32>], vector<16xf32>,
      } {sc.loop_unroll_factor = 8 : i64, sc.parallel_access}
      %mul3A_67 = arith.constant 2 : i32
      %mul3A_68 = arith.muli %scan3A_45, %mul3A_67 : i32
      %add3A_69 = arith.constant 1 : i32
      %add3A_70 = arith.addi %mul3A_68, %add3A_69 : i32
      %add3A_71 = arith.constant 1 : i32
      %add3A_72 = arith.addi %add3A_70, %add3A_71 : i32
      %lt3A_73 = arith.constant 32 : i32
      %lt3A_74 = arith.cmpi slt, %add3A_72, %lt3A_73 : i32
      %convert_element_type3A_75 = arith.extui %lt3A_74 : i1 to i32
      %cond3A_76 = arith.constant 0 : i32
      %cond3A_77 = arith.cmpi ne, %convert_element_type3A_75, %cond3A_76 : i32
      scf.if %cond3A_77 {
        %add3A_93 = arith.constant 1 : i32
        %add3A_94 = arith.addi %add3A_70, %add3A_93 : i32
        %mul3A_95 = arith.constant 10000 : i32
        %mul3A_96 = arith.muli %add3A_94, %mul3A_95 : i32
        %dma_start3A_97 = arith.constant 0 : i32
        %dma_start3A_98 = arith.constant 0 : i32
        %dma_start3A_99 = tpu.memref_slice %arg7[%dma_start3A_97, %dma_start3A_98] : memref<2x10000xi32, #tpu.memory_space<vmem>> -> memref<1x10000xi32, #tpu.memory_space<vmem>>
        %dma_start3A_100 = tpu.memref_squeeze %dma_start3A_99 : memref<1x10000xi32, #tpu.memory_space<vmem>> -> memref<10000xi32, #tpu.memory_space<vmem>>
        %dma_start3A_101 = tpu.memref_slice %arg3[%mul3A_96] : memref<320000xi32, #tpu.memory_space<hbm>> -> memref<10000xi32, #tpu.memory_space<hbm>>
        %dma_start3A_102 = arith.constant 0 : i32
        %dma_start3A_103 = tpu.memref_slice %arg7[%dma_start3A_97, %dma_start3A_102] : memref<2x10000xi32, #tpu.memory_space<vmem>> -> memref<1x10000xi32, #tpu.memory_space<vmem>>
        %dma_start3A_104 = tpu.memref_squeeze %dma_start3A_103 : memref<1x10000xi32, #tpu.memory_space<vmem>> -> memref<10000xi32, #tpu.memory_space<vmem>>
        %dma_start3A_105 = tpu.memref_slice %arg3[%mul3A_96] : memref<320000xi32, #tpu.memory_space<hbm>> -> memref<10000xi32, #tpu.memory_space<hbm>>
        tpu.enqueue_dma source(%dma_start3A_105 : memref<10000xi32, #tpu.memory_space<hbm>>) target(%dma_start3A_104 : memref<10000xi32, #tpu.memory_space<vmem>>) target_semaphore(%arg8 : memref<!tpu.dma_semaphore, #tpu.memory_space<semaphore_mem>>)
      } else {
      }
      %mul3A_78 = arith.constant 10000 : i32
      %mul3A_79 = arith.muli %add3A_70, %mul3A_78 : i32
      %dma_wait3A_80 = arith.constant 1 : i32
      %dma_wait3A_81 = arith.constant 0 : i32
      %dma_wait3A_82 = tpu.memref_slice %arg7[%dma_wait3A_80, %dma_wait3A_81] : memref<2x10000xi32, #tpu.memory_space<vmem>> -> memref<1x10000xi32, #tpu.memory_space<vmem>>
      %dma_wait3A_83 = tpu.memref_squeeze %dma_wait3A_82 : memref<1x10000xi32, #tpu.memory_space<vmem>> -> memref<10000xi32, #tpu.memory_space<vmem>>
      %dma_wait3A_84 = tpu.memref_slice %arg3[%mul3A_79] : memref<320000xi32, #tpu.memory_space<hbm>> -> memref<10000xi32, #tpu.memory_space<hbm>>
      %dma_wait3A_85 = arith.constant 0 : i32
      %dma_wait3A_86 = tpu.memref_slice %arg7[%dma_wait3A_80, %dma_wait3A_85] : memref<2x10000xi32, #tpu.memory_space<vmem>> -> memref<1x10000xi32, #tpu.memory_space<vmem>>
      %dma_wait3A_87 = tpu.memref_squeeze %dma_wait3A_86 : memref<1x10000xi32, #tpu.memory_space<vmem>> -> memref<10000xi32, #tpu.memory_space<vmem>>
      %dma_wait3A_88 = tpu.memref_slice %arg3[%mul3A_79] : memref<320000xi32, #tpu.memory_space<hbm>> -> memref<10000xi32, #tpu.memory_space<hbm>>
      tpu.wait_dma2 semaphore(%arg8 : memref<!tpu.dma_semaphore, #tpu.memory_space<semaphore_mem>>) src(%dma_wait3A_88 : memref<10000xi32, #tpu.memory_space<hbm>>) dst(%dma_wait3A_87 : memref<10000xi32, #tpu.memory_space<vmem>>)
      %parallel_loop3A_89 = arith.constant 0 : i32
      %parallel_loop3A_90 = arith.constant 625 : i32
      %parallel_loop3A_91 = arith.constant 1 : i32
      scf.for %parallel_loop3A_93 = %parallel_loop3A_89 to %parallel_loop3A_90 step %parallel_loop3A_91  : i32 {
        %parallel_loop3A_94 = arith.constant 16 : i32
        %parallel_loop3A_95 = arith.muli %parallel_loop3A_93, %parallel_loop3A_94 : i32
        %parallel_loop3A_96 = arith.constant 1 : i32
        %parallel_loop3A_97 = arith.index_cast %parallel_loop3A_96 : i32 to index
        %parallel_loop3A_98 = arith.index_cast %parallel_loop3A_95 : i32 to index
        %parallel_loop3A_99 = tpu.vector_load %arg7[%parallel_loop3A_97, %parallel_loop3A_98] {strides = array<i32>} : memref<2x10000xi32, #tpu.memory_space<vmem>>, vector<16xi32>,
        %parallel_loop3A_100 = arith.andi %parallel_loop3A_99, %broadcast_in_dim3A_25 : vector<16xi32>
        %parallel_loop3A_101 = arith.constant 16 : i32
        %parallel_loop3A_102 = vector.broadcast %parallel_loop3A_101 : i32 to vector<16xi32>
        %parallel_loop3A_103 = arith.shrui %parallel_loop3A_99, %parallel_loop3A_102 : vector<16xi32>
        %parallel_loop3A_104 = tpu.vector_load_idx %arg5[%broadcast_in_dim3A_13, %parallel_loop3A_100] : memref<2x10000xi32, #tpu.memory_space<vmem>>[vector<16xi32>, vector<16xi32>], vector<16xi32>,
        %parallel_loop3A_105 = arith.constant 16 : i32
        %parallel_loop3A_106 = vector.broadcast %parallel_loop3A_105 : i32 to vector<16xi32>
        %parallel_loop3A_107 = arith.shli %parallel_loop3A_104, %parallel_loop3A_106 : vector<16xi32>
        %parallel_loop3A_108 = vector.bitcast %parallel_loop3A_107 : vector<16xi32> to vector<16xf32>
        %parallel_loop3A_109 = arith.andi %parallel_loop3A_104, %broadcast_in_dim3A_27 : vector<16xi32>
        %parallel_loop3A_110 = vector.bitcast %parallel_loop3A_109 : vector<16xi32> to vector<16xf32>
        tpu.vector_store_idx %arg6[%broadcast_in_dim3A_17, %parallel_loop3A_103], %parallel_loop3A_108 {add = true} : memref<4x10000xf32, #tpu.memory_space<vmem>>[vector<16xi32>, vector<16xi32>], vector<16xf32>,
        tpu.vector_store_idx %arg6[%broadcast_in_dim3A_19, %parallel_loop3A_103], %parallel_loop3A_110 {add = true} : memref<4x10000xf32, #tpu.memory_space<vmem>>[vector<16xi32>, vector<16xi32>], vector<16xf32>,
        %parallel_loop3A_111 = tpu.vector_load_idx %arg5[%broadcast_in_dim3A_15, %parallel_loop3A_100] : memref<2x10000xi32, #tpu.memory_space<vmem>>[vector<16xi32>, vector<16xi32>], vector<16xi32>,
        %parallel_loop3A_112 = arith.constant 16 : i32
        %parallel_loop3A_113 = vector.broadcast %parallel_loop3A_112 : i32 to vector<16xi32>
        %parallel_loop3A_114 = arith.shli %parallel_loop3A_111, %parallel_loop3A_113 : vector<16xi32>
        %parallel_loop3A_115 = vector.bitcast %parallel_loop3A_114 : vector<16xi32> to vector<16xf32>
        %parallel_loop3A_116 = arith.andi %parallel_loop3A_111, %broadcast_in_dim3A_27 : vector<16xi32>
        %parallel_loop3A_117 = vector.bitcast %parallel_loop3A_116 : vector<16xi32> to vector<16xf32>
        tpu.vector_store_idx %arg6[%broadcast_in_dim3A_21, %parallel_loop3A_103], %parallel_loop3A_115 {add = true} : memref<4x10000xf32, #tpu.memory_space<vmem>>[vector<16xi32>, vector<16xi32>], vector<16xf32>,
        tpu.vector_store_idx %arg6[%broadcast_in_dim3A_23, %parallel_loop3A_103], %parallel_loop3A_117 {add = true} : memref<4x10000xf32, #tpu.memory_space<vmem>>[vector<16xi32>, vector<16xi32>], vector<16xf32>,
      } {sc.loop_unroll_factor = 8 : i64, sc.parallel_access}
      %scan3A_92 = arith.constant 0 : i32
      scf.yield %scan3A_92 : i32
    }
    %scan3A_44 = arith.constant 16 : i32
    "tpu.region"() ({
      %run_scoped3A = tpu.sem_alloc : memref<!tpu.dma_semaphore, #tpu.memory_space<semaphore_mem>>
      %dma_start3A_45 = arith.constant 0 : i32
      %dma_start3A_46 = tpu.memref_slice %arg4[%mul3A_2, %dma_start3A_45] : memref<128x10000xf32, #tpu.memory_space<hbm>> -> memref<4x10000xf32, #tpu.memory_space<hbm>>
      %dma_start3A_47 = arith.constant 0 : i32
      %dma_start3A_48 = tpu.memref_slice %arg4[%mul3A_2, %dma_start3A_47] : memref<128x10000xf32, #tpu.memory_space<hbm>> -> memref<4x10000xf32, #tpu.memory_space<hbm>>
      tpu.enqueue_dma source(%arg6 : memref<4x10000xf32, #tpu.memory_space<vmem>>) target(%dma_start3A_48 : memref<4x10000xf32, #tpu.memory_space<hbm>>) target_semaphore(%run_scoped3A : memref<!tpu.dma_semaphore, #tpu.memory_space<semaphore_mem>>)
      %dma_wait3A = arith.constant 0 : i32
      %dma_wait3A_49 = tpu.memref_slice %arg4[%mul3A_2, %dma_wait3A] : memref<128x10000xf32, #tpu.memory_space<hbm>> -> memref<4x10000xf32, #tpu.memory_space<hbm>>
      %dma_wait3A_50 = arith.constant 0 : i32
      %dma_wait3A_51 = tpu.memref_slice %arg4[%mul3A_2, %dma_wait3A_50] : memref<128x10000xf32, #tpu.memory_space<hbm>> -> memref<4x10000xf32, #tpu.memory_space<hbm>>
      tpu.wait_dma2 semaphore(%run_scoped3A : memref<!tpu.dma_semaphore, #tpu.memory_space<semaphore_mem>>) src(%arg6 : memref<4x10000xf32, #tpu.memory_space<vmem>>) dst(%dma_wait3A_51 : memref<4x10000xf32, #tpu.memory_space<hbm>>)
      tpu.yield
    }) : () -> ()
    return
  }
}

module attributes {stable_mosaic.version = 14 : i64} {
  func.func @_tc_half_body(%arg0: i32, %arg1: memref<1000x128xf32, #tpu.memory_space<vmem>>, %arg2: memref<1000x128xf32, #tpu.memory_space<vmem>>, %arg3: memref<1000x1xf32, #tpu.memory_space<vmem>>, %arg4: memref<256x128xf32, #tpu.memory_space<vmem>>, %arg5: memref<1x128xf32, #tpu.memory_space<vmem>>, %arg6: memref<256x256xf32, #tpu.memory_space<vmem>>, %arg7: memref<1x256xf32, #tpu.memory_space<vmem>>, %arg8: memref<256x128xf32, #tpu.memory_space<vmem>>, %arg9: memref<1x128xf32, #tpu.memory_space<vmem>>, %arg10: memref<1000x128xf32, #tpu.memory_space<vmem>>) attributes {dimension_semantics = [#tpu.dimension_semantics<arbitrary>], iteration_bounds = array<i64: 10>, scalar_prefetch = 0 : i64, scratch_operands = 0 : i64, tpu.core_type = #tpu.core_type<tc>, window_params = [{transform_indices = @transform_0, window_bounds = array<i64: 1000, 128>}, {transform_indices = @transform_1, window_bounds = array<i64: 1000, 128>}, {transform_indices = @transform_2, window_bounds = array<i64: 1000, 1>}, {pipeline_mode = #tpu.pipeline_mode<synchronous>, transform_indices = @transform_3, window_bounds = array<i64: 256, 128>}, {pipeline_mode = #tpu.pipeline_mode<synchronous>, transform_indices = @transform_4, window_bounds = array<i64: 1, 128>}, {pipeline_mode = #tpu.pipeline_mode<synchronous>, transform_indices = @transform_5, window_bounds = array<i64: 256, 256>}, {pipeline_mode = #tpu.pipeline_mode<synchronous>, transform_indices = @transform_6, window_bounds = array<i64: 1, 256>}, {pipeline_mode = #tpu.pipeline_mode<synchronous>, transform_indices = @transform_7, window_bounds = array<i64: 256, 128>}, {pipeline_mode = #tpu.pipeline_mode<synchronous>, transform_indices = @transform_8, window_bounds = array<i64: 1, 128>}, {transform_indices = @transform_9, window_bounds = array<i64: 1000, 128>}]} {
    %get3A = arith.constant 0 : index
    %get3A_0 = arith.constant 0 : index
    %get3A_1 = vector.load %arg1[%get3A, %get3A_0] : memref<1000x128xf32, #tpu.memory_space<vmem>>, vector<1000x128xf32>
    %get3A_2 = arith.constant 0 : index
    %get3A_3 = arith.constant 0 : index
    %get3A_4 = vector.load %arg3[%get3A_2, %get3A_3] : memref<1000x1xf32, #tpu.memory_space<vmem>>, vector<1000x1xf32>
    %max3A = arith.constant 1.000000e+00 : f32
    %max3A_5 = vector.broadcast %max3A : f32 to vector<1000x1xf32>
    %max3A_6 = arith.maximumf %get3A_4, %max3A_5 : vector<1000x1xf32>
    %div3A = arith.constant 1.000000e+00 : f32
    %div3A_7 = vector.broadcast %div3A : f32 to vector<1000x1xf32>
    %div3A_8 = arith.divf %div3A_7, %max3A_6 : vector<1000x1xf32>
    %get3A_9 = arith.constant 0 : index
    %get3A_10 = arith.constant 0 : index
    %get3A_11 = vector.load %arg2[%get3A_9, %get3A_10] : memref<1000x128xf32, #tpu.memory_space<vmem>>, vector<1000x128xf32>
    %mul3A = vector.broadcast %div3A_8 : vector<1000x1xf32> to vector<1000x128xf32>
    %mul3A_12 = arith.mulf %get3A_11, %mul3A : vector<1000x128xf32>
    %concatenate3A = tpu.concatenate %mul3A_12, %get3A_1 in 1 : vector<1000x128xf32>, vector<1000x128xf32> -> vector<1000x256xf32>
    %get3A_13 = arith.constant 0 : index
    %get3A_14 = arith.constant 0 : index
    %get3A_15 = vector.load %arg4[%get3A_13, %get3A_14] : memref<256x128xf32, #tpu.memory_space<vmem>>, vector<256x128xf32>
    %dot_general3A = arith.constant dense<0.000000e+00> : vector<1000x128xf32>
    %dot_general3A_16 = tpu.matmul %concatenate3A, %get3A_15, %dot_general3A {dimension_numbers = #tpu.dot_dimension_numbers<[1], [0], [0], [1], [0, 0, 1, 1], [], []>, precision = #tpu.contract_precision<fp32>, transpose_lhs_hint = false} : vector<1000x256xf32>, vector<256x128xf32>, vector<1000x128xf32> -> vector<1000x128xf32>
    %get3A_17 = arith.constant 0 : index
    %get3A_18 = arith.constant 0 : index
    %get3A_19 = vector.load %arg5[%get3A_17, %get3A_18] : memref<1x128xf32, #tpu.memory_space<vmem>>, vector<1x128xf32>
    %add3A = vector.broadcast %get3A_19 : vector<1x128xf32> to vector<1000x128xf32>
    %add3A_20 = arith.addf %dot_general3A_16, %add3A : vector<1000x128xf32>
    %max3A_21 = arith.constant 0.000000e+00 : f32
    %max3A_22 = vector.broadcast %max3A_21 : f32 to vector<1000x128xf32>
    %max3A_23 = arith.maximumf %add3A_20, %max3A_22 : vector<1000x128xf32>
    %max3A_24 = arith.constant 0.000000e+00 : f32
    %max3A_25 = vector.broadcast %max3A_24 : f32 to vector<1000x128xf32>
    %max3A_26 = arith.maximumf %get3A_1, %max3A_25 : vector<1000x128xf32>
    %concatenate3A_27 = tpu.concatenate %max3A_23, %max3A_26 in 1 : vector<1000x128xf32>, vector<1000x128xf32> -> vector<1000x256xf32>
    %get3A_28 = arith.constant 0 : index
    %get3A_29 = arith.constant 0 : index
    %get3A_30 = vector.load %arg6[%get3A_28, %get3A_29] : memref<256x256xf32, #tpu.memory_space<vmem>>, vector<256x256xf32>
    %dot_general3A_31 = arith.constant dense<0.000000e+00> : vector<1000x256xf32>
    %dot_general3A_32 = tpu.matmul %concatenate3A_27, %get3A_30, %dot_general3A_31 {dimension_numbers = #tpu.dot_dimension_numbers<[1], [0], [0], [1], [0, 0, 1, 1], [], []>, precision = #tpu.contract_precision<fp32>, transpose_lhs_hint = false} : vector<1000x256xf32>, vector<256x256xf32>, vector<1000x256xf32> -> vector<1000x256xf32>
    %get3A_33 = arith.constant 0 : index
    %get3A_34 = arith.constant 0 : index
    %get3A_35 = vector.load %arg7[%get3A_33, %get3A_34] : memref<1x256xf32, #tpu.memory_space<vmem>>, vector<1x256xf32>
    %add3A_36 = vector.broadcast %get3A_35 : vector<1x256xf32> to vector<1000x256xf32>
    %add3A_37 = arith.addf %dot_general3A_32, %add3A_36 : vector<1000x256xf32>
    %get3A_38 = arith.constant 0 : index
    %get3A_39 = arith.constant 0 : index
    %get3A_40 = vector.load %arg8[%get3A_38, %get3A_39] : memref<256x128xf32, #tpu.memory_space<vmem>>, vector<256x128xf32>
    %dot_general3A_41 = arith.constant dense<0.000000e+00> : vector<1000x128xf32>
    %dot_general3A_42 = tpu.matmul %add3A_37, %get3A_40, %dot_general3A_41 {dimension_numbers = #tpu.dot_dimension_numbers<[1], [0], [0], [1], [0, 0, 1, 1], [], []>, precision = #tpu.contract_precision<fp32>, transpose_lhs_hint = false} : vector<1000x256xf32>, vector<256x128xf32>, vector<1000x128xf32> -> vector<1000x128xf32>
    %get3A_43 = arith.constant 0 : index
    %get3A_44 = arith.constant 0 : index
    %get3A_45 = vector.load %arg9[%get3A_43, %get3A_44] : memref<1x128xf32, #tpu.memory_space<vmem>>, vector<1x128xf32>
    %add3A_46 = vector.broadcast %get3A_45 : vector<1x128xf32> to vector<1000x128xf32>
    %add3A_47 = arith.addf %dot_general3A_42, %add3A_46 : vector<1000x128xf32>
    %swap3A = arith.constant 0 : index
    %swap3A_48 = arith.constant 0 : index
    %swap3A_49 = vector.load %arg10[%swap3A, %swap3A_48] : memref<1000x128xf32, #tpu.memory_space<vmem>>, vector<1000x128xf32>
    tpu.vector_store %arg10[%swap3A, %swap3A_48], %add3A_47 {strides = array<i32>} : memref<1000x128xf32, #tpu.memory_space<vmem>>, vector<1000x128xf32>,
    return
  }
  func.func @transform_0(%arg0: i32) -> (i32, i32) {
    %c0_i32 = arith.constant 0 : i32
    %c0_i32_0 = arith.constant 0 : i32
    return %arg0, %c0_i32 : i32, i32
  }
  func.func @transform_1(%arg0: i32) -> (i32, i32) {
    %c0_i32 = arith.constant 0 : i32
    %c0_i32_0 = arith.constant 0 : i32
    return %arg0, %c0_i32 : i32, i32
  }
  func.func @transform_2(%arg0: i32) -> (i32, i32) {
    %c0_i32 = arith.constant 0 : i32
    %c0_i32_0 = arith.constant 0 : i32
    return %arg0, %c0_i32 : i32, i32
  }
  func.func @transform_3(%arg0: i32) -> (i32, i32) {
    %c0_i32 = arith.constant 0 : i32
    %c0_i32_0 = arith.constant 0 : i32
    %c0_i32_1 = arith.constant 0 : i32
    return %c0_i32, %c0_i32_0 : i32, i32
  }
  func.func @transform_4(%arg0: i32) -> (i32, i32) {
    %c0_i32 = arith.constant 0 : i32
    %c0_i32_0 = arith.constant 0 : i32
    %c0_i32_1 = arith.constant 0 : i32
    return %c0_i32, %c0_i32_0 : i32, i32
  }
  func.func @transform_5(%arg0: i32) -> (i32, i32) {
    %c0_i32 = arith.constant 0 : i32
    %c0_i32_0 = arith.constant 0 : i32
    %c0_i32_1 = arith.constant 0 : i32
    return %c0_i32, %c0_i32_0 : i32, i32
  }
  func.func @transform_6(%arg0: i32) -> (i32, i32) {
    %c0_i32 = arith.constant 0 : i32
    %c0_i32_0 = arith.constant 0 : i32
    %c0_i32_1 = arith.constant 0 : i32
    return %c0_i32, %c0_i32_0 : i32, i32
  }
  func.func @transform_7(%arg0: i32) -> (i32, i32) {
    %c0_i32 = arith.constant 0 : i32
    %c0_i32_0 = arith.constant 0 : i32
    %c0_i32_1 = arith.constant 0 : i32
    return %c0_i32, %c0_i32_0 : i32, i32
  }
  func.func @transform_8(%arg0: i32) -> (i32, i32) {
    %c0_i32 = arith.constant 0 : i32
    %c0_i32_0 = arith.constant 0 : i32
    %c0_i32_1 = arith.constant 0 : i32
    return %c0_i32, %c0_i32_0 : i32, i32
  }
  func.func @transform_9(%arg0: i32) -> (i32, i32) {
    %c0_i32 = arith.constant 0 : i32
    %c0_i32_0 = arith.constant 0 : i32
    return %arg0, %c0_i32 : i32, i32
  }
}

</mosaic_0001>

<sc_bundles>
// kernel: kernel.11.cloned.1.call-start
scs
__scs_entry_jumppad:
0x0: {  	(pc) =	sbr.rel $0x88, $3  }
0x1: {  	(tag) =	ssettag $0x0;
	lr =	simm.s32 $0x1  }
0x2: {  	[smem:$0x3F8F] =	sst lr;
	_ =	strace $0xD0000000  }
0x3: {  	_ = 	snop  }
0x4: {  	_ = 	snop  }
0x5: {  	_ = 	snop  }
0x6: {  	_ = 	snop  }
0x7: {  	_ = 	snop  }
__scs_overlays_trampoline_lowered:
0x8: {  	[smem:$0x3F9E] =	sst s0  }
0x9: {  	[smem:$0x3F9F] =	sst s1  }
0xa: {  	[smem:$0x3FA0] =	sst s2  }
0xb: {  	[smem:$0x3FA1] =	sst s3  }
0xc: {  	[smem:$0x3FA2] =	sst s4  }
0xd: {  	[smem:$0x3FA3] =	sst s5  }
0xe: {  	[smem:$0x3FA4] =	sst s6  }
0xf: {  	[smem:$0x3FA5] =	sst s7  }
0x10: {  	[smem:$0x3FA6] =	sst s8  }
0x11: {  	[smem:$0x3FA7] =	sst s9;
	s0 =	simm.s32 @!p0 $0x0  }
0x12: {  	s1 =	sld [smem:$0x3F8D];
	s0 =	simm.s32 @p0 $0x1  }
0x13: {  	[smem:$0x3FA8] =	sst s0;
	s0 =	simm.s32 @!p1 $0x0  }
0x14: {  	s2 =	sld [smem:$0x3F8C];
	s0 =	simm.s32 @p1 $0x1  }
0x15: {  	[smem:$0x3FA9] =	sst s0;
	s0 =	simm.s32 @!p2 $0x0  }
0x16: {  	s3 =	sld [smem:$0x3FDB];
	s0 =	simm.s32 @p2 $0x1  }
0x17: {  	s4 =	simm.s32 $0x1BF5;
	[smem:$0x3FAB] =	sst s0  }
0x18: {  	s0 =	sld [smem:$0x3F8E];
	_ =	swait.ge [sflag:s4], $0x0  }
0x19: {  	s7 =	sld [smem:$0x3F8F]  }
0x1a: {  	s8 =	sadd.s32 $0xFFFFE003, lr  }
0x1b: {  	s9 =	sadd.s32 $0xFFFFFEF7, lr;
	s5 =	simm.s32 $0xFFFFFFFF;
	p2 =	slt.u32 s8, $0xFFFFF086  }
0x1c: {  	p1 =	slt.u32 s9, $0xF7A;
	s5 =	simm.s32 @!p2 $0x0  }
0x1d: {  	s5 =	simm.s32 @p1 $0x1;
	p0 =	seq.s32 s7, s2  }
0x1e: {  	s7 =	smul.u32 @!p0 $0xF7A, s2;
	p2 =	seq.s32 @!p0 s5, $0x0  }
0x1f: {  	s9 =	smul.u32 $0xF7A, s1;
	s8 =	simm.s32 @!p0 $0x1BF5;
	p2 =	por !p2, p0  }
0x20: {  	[sflag:s8] =	ssyncset.s32 @!p0 $0xFFFFF086;
	s6 =	sadd.s32 @!p0 s3, s7;
	s7 =	simm.s32 @!p0 $0x108  }
0x21: {  	s3 =	sadd.s32 s3, s9;
	s6 =	sadd.s32 @!p0 $0x88, s6;
	s7 =	simm.s32 @p2 $0x1082  }
0x22: {  	[simem:s7], [sflag:s8] =	dma.local @!p0 [hbm:s6], $0xF7A  }
0x23: {  	s9 =	sor.u32 $0xD0000000, s2;
	s6 =	simm.s32 $0x108;
	_ =	swait.ge @!p0 [sflag:s8], $0x0  }
0x24: {  	s3 =	sadd.s32 $0x88, s3;
	s6 =	simm.s32 @!p1 $0x1082;
	[sflag:s4] =	ssyncset.s32 $0xFFFFF086  }
0x25: {  	[simem:s6], [sflag:s4] =	dma.local [hbm:s3], $0xF7A  }
0x26: {  	[smem:$0x3F8F] =	sst s1;
	(tag) =	ssettag s2;
	_ =	strace s9  }
0x27: {  	s1 =	sld [smem:$0x3F9F]  }
0x28: {  	s2 =	sld [smem:$0x3FA0]  }
0x29: {  	s4 =	sld [smem:$0x3FA2]  }
0x2a: {  	p0 =	seq.s32 s5, $0x0;
	s5 =	sld [smem:$0x3FA3]  }
0x2b: {  	s6 =	sld [smem:$0x3FA4]  }
0x2c: {  	s7 =	sld [smem:$0x3FA5]  }
0x2d: {  	s3 =	simm.s32 $0x108;
	s8 =	sld [smem:$0x3FA6]  }
0x2e: {  	s3 =	simm.s32 @!p0 $0x1082;
	s9 =	sld [smem:$0x3FA7]  }
0x2f: {  	lr =	sadd.s32 s0, s3;
	s0 =	sld [smem:$0x3F9E]  }
0x30: {  	s3 =	sld [smem:$0x3FA1]  }
0x31: {  	[smem:$0x3FAA] =	sst s10  }
0x32: {  	s10 =	sld [smem:$0x3FA8];
	_ =	sdelay $0x3  }
0x33: {  	p0 =	seq.s32 s10, $0x1;
	s10 =	sld [smem:$0x3FAA];
	_ =	sdelay $0x3  }
0x34: {  	[smem:$0x3FAA] =	sst s10  }
0x35: {  	s10 =	sld [smem:$0x3FA9];
	_ =	sdelay $0x3  }
0x36: {  	p1 =	seq.s32 s10, $0x1;
	s10 =	sld [smem:$0x3FAA];
	_ =	sdelay $0x3  }
0x37: {  	[smem:$0x3FAA] =	sst s10  }
0x38: {  	s10 =	sld [smem:$0x3FAB]  }
0x39: {  	_ = 	snop;
	(pc) =	sbr.ind lr, $3  }
0x3a: {  	_ = 	snop  }
0x3b: {  	_ = 	snop  }
0x3c: {  	p2 =	seq.s32 s10, $0x1;
	s10 =	sld [smem:$0x3FAA]  }
0x3d: {  	_ =	shalt  }
0x3e: {  	_ =	shalt  }
0x3f: {  	_ =	shalt  }
0x40: {  	_ =	shalt  }
0x41: {  	_ =	shalt  }
0x42: {  	_ =	shalt  }
0x43: {  	_ =	shalt  }
0x44: {  	_ =	shalt  }
0x45: {  	_ =	shalt  }
0x46: {  	_ =	shalt  }
0x47: {  	_ =	shalt  }
0x48: {  	_ =	shalt  }
0x49: {  	_ =	shalt  }
0x4a: {  	_ =	shalt  }
0x4b: {  	_ =	shalt  }
0x4c: {  	_ =	shalt  }
0x4d: {  	_ =	shalt  }
0x4e: {  	_ =	shalt  }
0x4f: {  	_ =	shalt  }
0x50: {  	_ =	shalt  }
0x51: {  	_ =	shalt  }
0x52: {  	_ =	shalt  }
0x53: {  	_ =	shalt  }
0x54: {  	_ =	shalt  }
0x55: {  	_ =	shalt  }
0x56: {  	_ =	shalt  }
0x57: {  	_ =	shalt  }
0x58: {  	_ =	shalt  }
0x59: {  	_ =	shalt  }
0x5a: {  	_ =	shalt  }
0x5b: {  	_ =	shalt  }
0x5c: {  	_ =	shalt  }
0x5d: {  	_ =	shalt  }
0x5e: {  	_ =	shalt  }
0x5f: {  	_ =	shalt  }
0x60: {  	_ =	shalt  }
0x61: {  	_ =	shalt  }
0x62: {  	_ =	shalt  }
0x63: {  	_ =	shalt  }
0x64: {  	_ =	shalt  }
0x65: {  	_ =	shalt  }
0x66: {  	_ =	shalt  }
0x67: {  	_ =	shalt  }
0x68: {  	_ =	shalt  }
0x69: {  	_ =	shalt  }
0x6a: {  	_ =	shalt  }
0x6b: {  	_ =	shalt  }
0x6c: {  	_ =	shalt  }
0x6d: {  	_ =	shalt  }
0x6e: {  	_ =	shalt  }
0x6f: {  	_ =	shalt  }
0x70: {  	_ =	shalt  }
0x71: {  	_ =	shalt  }
0x72: {  	_ =	shalt  }
0x73: {  	_ =	shalt  }
0x74: {  	_ =	shalt  }
0x75: {  	_ =	shalt  }
0x76: {  	_ =	shalt  }
0x77: {  	_ =	shalt  }
0x78: {  	_ =	shalt  }
0x79: {  	_ =	shalt  }
0x7a: {  	_ =	shalt  }
0x7b: {  	_ =	shalt  }
0x7c: {  	_ =	shalt  }
0x7d: {  	_ =	shalt  }
0x7e: {  	_ =	shalt  }
0x7f: {  	_ =	shalt  }
0x80: {  	_ =	shalt  }
0x81: {  	_ =	shalt  }
0x82: {  	_ =	shalt  }
0x83: {  	_ =	shalt  }
0x84: {  	_ =	shalt  }
0x85: {  	_ =	shalt  }
0x86: {  	_ =	shalt  }
0x87: {  	_ =	shalt  }
.Lfunc_end0:
.L_simem_size_0:
called_computation_lowered:
.L_overlay_start_0:
0x88: {  	s2 =	sld [smem:$0x3FD9]  }
0x89: {  	s3 =	sld [smem:$0x3FFE];
	_ =	sdelay $0x1  }
0x8a: {  	s1 =	srdreg.scid  }
0x8b: {  	s0 =	sand.u32 $0x1, s1  }
0x8c: {  	s16 =	sshll.u32 s0, $0xA;
	s2 =	sadd.s32 s3, s2  }
0x8d: {  	s2 =	sadd.s32 s2, s16  }
0x8e: {  	[smem:$0x3FB6] =	sst s2  }
0x8f: {  	_ = 	snop  }
0x90: {  	(tm) =	ssettm $0x1  }
0x91: {  	s17 =	sld [smem:$0x3FFB];
	_ =	sdelay $0x3  }
0x92: {  	_ =	strace s17  }
0x93: {  	s2 =	sld [smem:$0x3FFC];
	_ =	sdelay $0x3  }
0x94: {  	_ =	strace s2  }
0x95: {  	s2 =	sld [smem:$0x3FFD];
	_ =	sdelay $0x3  }
0x96: {  	_ =	strace s2  }
0x97: {  	_ =	strace $0x8FFFFFFF  }
0x98: {  	s18 =	sld [smem:$0x3FDB];
	_ =	sdelay $0x1  }
0x99: {  	s19 =	simm.s32 $_scs_section_size  }
0x9a: {  	s4 =	simm.s32 $_size__tile_overlayer_lowered;
	s5 =	simm.s32 $_tile_overlayer_lowered  }
0x9b: {  	s22 =	simm.s32 $0x1BFF;
	s21 =	sshll.u32 s5, $0x1;
	s2 =	sadd.s32 s19, s18  }
0x9c: {  	s6 =	simm.s32 $0x0;
	s20 =	sshll.u32 s4, $0x1;
	s4 =	sadd.s32 s21, s2  }
0x9d: {  	[timem:s6], [sflag:s22] =	dma.local [hbm:s4], s20  }
0x9e: {  	_ =	swait.ge [sflag:s22], s20  }
0x9f: {  	s3 =	ssub.s32 $0x0, s20;
	[sflag:s22] =	ssyncset.done $0x0  }
0xa0: {  	[sflag:s22] =	ssyncadd.s32 s3;
	_ =	sdelay $0x1  }
0xa1: {  	s23 =	simm.s32 $0x1B8B  }
0xa2: {  	_ =	swait.ge [sflag:s23], $0x1  }
0xa3: {  	[sflag:s23] =	ssyncset.done $0x0  }
0xa4: {  	s25 =	simm.s32 $0x1B8E;
	s24 =	sld [smem:$0x3FFE];
	[sflag:s23] =	ssyncadd.s32 $0xFFFFFFFF  }
0xa5: {  	s26 =	simm.s32 $execute0_lowered;
	[smem:$0x3FD2] =	sst s25  }
0xa6: {  	s4 =	sshll.u32 s26, $0x1;
	_ =	strace $0x80000046;
	[dreg:$0x1] =	wrdreg $0xFFFFFFFF  }
0xa7: {  	s28 =	simm.s32 $_size_execute0_lowered;
	s2 =	sadd.s32 s2, s4;
	[dreg:$0x0] =	wrdreg $0x0  }
0xa8: {  	s4 =	sshll.u32 s28, $0x1;
	[dreg:$0x2] =	wrdreg s2  }
0xa9: {  	[dreg:$0x3] =	wrdreg s4  }
0xaa: {  	[dreg:$0x4] =	wrdreg $0xC0  }
0xab: {  	_ =	task [dreg:s6], $0x5FFFF  }
0xac: {  	[dreg:$0x1] =	wrdreg $0xFFFFFFFF  }
0xad: {  	[dreg:$0x0] =	wrdreg $0x60  }
0xae: {  	[dreg:$0x2] =	wrdreg s24  }
0xaf: {  	[dreg:$0x3] =	wrdreg $0xA  }
0xb0: {  	_ =	task.clear_ibuf [dreg:s6], $0x4FFFF;
	_ =	strace $0x90000046  }
0xb1: {  	s29 =	simm.s32 $0xA;
	_ =	strace $0x80000048  }
0xb2: {  	_ =	swait.ge [sflag:s29], $0x1  }
0xb3: {  	[sflag:s29] =	ssyncadd.s32 $0xFFFFFFFF  }
0xb4: {  	_ =	strace $0x90000048  }
0xb5: {  	_ =	sfence  }
0xb6: {  	s30 =	sld [smem:$0x0];
	_ =	sdelay $0x2  }
0xb7: {  	s31 =	sshll.u32 s1, $0xD;
	s1 =	sshrl.u32 s1, $0x2  }
0xb8: {  	s3 =	sand.u32 $0x4000, s31;
	s1 =	sadd.s32 s1, s30  }
0xb9: {  	s0 =	sor.u32 s3, s0;
	s1 =	sshll.u32 s1, $0x11  }
0xba: {  	s0 =	sor.u32 s1, s0  }
0xbb: {  	s0 =	sadd.s32 $0x8F2B, s0  }
0xbc: {  	[sflag:s0] =	ssyncadd.remote.s32 $0x1  }
0xbd: {  	_ =	sfence.sel $0xFFFF  }
0xbe: {  	[dreg:$0x0] =	wrdreg $0xFFFFFFFF;
	(pc) =	sbr.abs _section_cstart, $3  }
0xbf: {  	[dreg:$0x1] =	wrdreg $0xFFFFFFFF  }
0xc0: {  	_ =	task.clear_ibuf [dreg:s6], $0x2FFFF;
	_ =	strace $0x9FFFFFFF  }
0xc1: {  	(tm) =	ssettm $0x7FFFFFFF  }
tec
execute0_lowered:
.L_overlay_start_1:
0x0: {  	(tag) =	ssettag $0x1  }
0x1: {  	s6 =	rddreg [dreg:$0x0]  }
0x2: {  	s0 =	rddreg [dreg:$0x1];
	s2 =	simm.s32 $0x0;
	s3 =	srdreg.scid  }
0x3: {  	s1 =	stileid.u32;
	s11 =	simm.s32 $0x1;
	s12 =	simm.s32 $0x2  }
0x4: {  	s13 =	simm.s32 $0x0;
	[smem:$0x7FF] =	sst s2;
	s4 =	sshll.u32 s1, $0x1  }
0x5: {  	s5 =	sand.u32 $0x1, s3;
	s3 =	sadd.s32 $0x6400, s6;
	s8 =	sand.u32 $0xE, s4  }
.Ltmp0:
0x6: {  	p0 =	slt.u32 s1, $0x8;
	s8 =	sor.u32 s5, s8;
	(pc) =	sbr.rel .LBB2_1-.Ltmp0, $4  }
0x7: {  	_ =	strace $0x80000047;
	s7 =	ssub.s32 $0x2, s5;
	s10 =	smul.u32 $0x280, s8  }
0x8: {  	s4 =	sadd.s32 $0x10200, s6;
	s9 =	sshrl.u32 s7, $0x1;
	s5 =	sadd.s32 $0x1A600, s6  }
0x9: {  	s6 =	sadd.s32 $0x1A000, s6;
	s9 =	ssub.s32 s7, s9;
	s7 =	smul.u32 $0x50, s8;
	v0 =	vmov s10  }
0xa: {  	v2 =	vimm.f32 $0.0e+00;
	v3 =	vimm.f32 $1.000000000e+00;
	s8 =	smax.u32 s9, $0x1;
	s9 =	simm.s32 $0x280;
	s10 =	simm.s32 $0x2990;
	v1 =	vadd.s32 $0x280, v0  }
.LBB2_16:
0xb: {  	s13 =	sadd.s32 $0x1, s13  }
0xc: {  	p1 =	sne.s32 s13, s8  }
.Ltmp1:
0xd: {  	s14 =	sadd.s32 s14, s7;
	(pc) =	sbr.rel @!p1 .LBB2_17-.Ltmp1, $4  }
0xe: {  	[hbm4b:s14+s2] =	stream.linear.scatter [tilespmem:s2], [sflag:$0x2], $0x280, $0x38;
	[tilespmem:$0x50A0] =	vst v63  }
0xf: {  	_ =	swait.ge [sflag:s12], $0x280  }
0x10: {  	[sflag:s12] =	ssyncset.done $0x0  }
0x11: {  	[sflag:s12] =	ssyncadd.s32 $0xFFFFFD80  }
.LBB2_1:
.Ltmp2:
0x12: {  	(pc) =	sbr.rel @!p0 .LBB2_2-.Ltmp2, $2  }
0x13: {  	_ =	sdelay $0x2  }
0x14: {  	[tilespmem:$0x0] =	vst v2  }
0x15: {  	[tilespmem:$0x10] =	vst v2  }
0x16: {  	[tilespmem:$0x20] =	vst v2  }
0x17: {  	[tilespmem:$0x30] =	vst v2  }
0x18: {  	[tilespmem:$0x40] =	vst v2  }
0x19: {  	[tilespmem:$0x50] =	vst v2  }
0x1a: {  	[tilespmem:$0x60] =	vst v2  }
0x1b: {  	[tilespmem:$0x70] =	vst v2  }
0x1c: {  	[tilespmem:$0x80] =	vst v2  }
0x1d: {  	[tilespmem:$0x90] =	vst v2  }
0x1e: {  	[tilespmem:$0xA0] =	vst v2  }
0x1f: {  	[tilespmem:$0xB0] =	vst v2  }
0x20: {  	[tilespmem:$0xC0] =	vst v2  }
0x21: {  	[tilespmem:$0xD0] =	vst v2  }
0x22: {  	[tilespmem:$0xE0] =	vst v2  }
0x23: {  	[tilespmem:$0xF0] =	vst v2  }
0x24: {  	[tilespmem:$0x100] =	vst v2  }
0x25: {  	[tilespmem:$0x110] =	vst v2  }
0x26: {  	[tilespmem:$0x120] =	vst v2  }
0x27: {  	[tilespmem:$0x130] =	vst v2  }
0x28: {  	[tilespmem:$0x140] =	vst v2  }
0x29: {  	[tilespmem:$0x150] =	vst v2  }
0x2a: {  	[tilespmem:$0x160] =	vst v2  }
0x2b: {  	[tilespmem:$0x170] =	vst v2  }
0x2c: {  	[tilespmem:$0x180] =	vst v2  }
0x2d: {  	[tilespmem:$0x190] =	vst v2  }
0x2e: {  	[tilespmem:$0x1A0] =	vst v2  }
0x2f: {  	[tilespmem:$0x1B0] =	vst v2  }
0x30: {  	[tilespmem:$0x1C0] =	vst v2  }
0x31: {  	[tilespmem:$0x1D0] =	vst v2  }
0x32: {  	[tilespmem:$0x1E0] =	vst v2  }
0x33: {  	[tilespmem:$0x1F0] =	vst v2  }
0x34: {  	[tilespmem:$0x200] =	vst v2  }
0x35: {  	[tilespmem:$0x210] =	vst v2  }
0x36: {  	[tilespmem:$0x220] =	vst v2  }
0x37: {  	[tilespmem:$0x230] =	vst v2  }
0x38: {  	[tilespmem:$0x240] =	vst v2  }
0x39: {  	[tilespmem:$0x250] =	vst v2  }
0x3a: {  	[tilespmem:$0x260] =	vst v2  }
0x3b: {  	[tilespmem:$0x270] =	vst v2;
	s14 =	simm.s32 $0x0  }
0x3c: {  	[tilespmem:s9], [sflag:$0x1] =	stream.linear.gather [hbm4b:s3+s14], $0x2710, $0x38;
	[tilespmem:$0x50A0] =	vst v63  }
.LBB2_10:
0x3d: {  	s15 =	smul.u32 $0x4E20, s14;
	_ =	sdelay $0x1  }
0x3e: {  	s16 =	sshrl.u32 s15, $0x3  }
0x3f: {  	s16 =	sadd.s32 s3, s16  }
0x40: {  	s16 =	sadd.s32 $0x4E2, s16  }
0x41: {  	[tilespmem:s10], [sflag:$0x1] =	stream.linear.gather [hbm4b:s16+s2], $0x2710, $0x38;
	[tilespmem:$0x50A0] =	vst v63  }
0x42: {  	_ =	swait.ge [sflag:s11], $0x2710  }
0x43: {  	[sflag:s11] =	ssyncset.done $0x0  }
0x44: {  	s17 =	simm.s32 $0x2C0;
	[sflag:s11] =	ssyncadd.s32 $0xFFFFD8F0  }
0x45: {  	v5 =	vld [tilespmem:s17+$0xFFFFFFC0]  }
0x46: {  	v8 =	vld [tilespmem:s17+$0x0]  }
0x47: {  	v7 =	vld [tilespmem:s17+$0x30]  }
0x48: {  	v4 =	vld [tilespmem:s17+$0xFFFFFFD0]  }
0x49: {  	v9 =	vld [tilespmem:s17+$0xFFFFFFF0]  }
0x4a: {  	vm0 =	vge.s32 v5, v0;
	vm1 =	vlt.s32 v5, v1  }
0x4b: {  	v5 =	vsub.s32 v5, v0;
	vm4 =	vge.s32 v8, v0;
	vm1 =	vmand vm0, vm1  }
0x4c: {  	vm5 =	vlt.s32 v8, v1;
	vm3 =	vlt.s32 v7, v1;
	v10 =	vnsel vm1, $0x0, v5;
	v5 =	vld [tilespmem:s17+$0xFFFFFFE0]  }
0x4d: {  	v6 =	vld [tilespmem:s17+$0x10];
	vm2 =	vlt.s32 v4, v1;
	vm6 =	vge.s32 v7, v0;
	vm0 =	vge.s32 v4, v0  }
0x4e: {  	vm7 =	vlt.s32 v9, v1;
	vm0 =	vmand vm0, vm2;
	vm2 =	vge.s32 v9, v0  }
0x4f: {  	v11 =	vsub.s32 v7, v0;
	v7 =	vsub.s32 v9, v0;
	vm2 =	vmand vm2, vm7  }
0x50: {  	v8 =	vsub.s32 v8, v0;
	vm3 =	vmand vm6, vm3;
	v9 =	vld [tilespmem:s17+$0x20];
	v7 =	vnsel vm2, $0x0, v7  }
0x51: {  	s16 =	simm.s32 $0x0;
	s17 =	simm.s32 $0x340;
	[tilespmem:v10+s2+$0x0] =	vst.idx.add.f32.msk vm1, v3;
	vm1 =	vmand vm4, vm5;
	vm4 =	vge.s32 v5, v0;
	v10 =	vnsel vm3, $0x0, v11  }
.LBB2_11:
0x52: {  	v11 =	vld [tilespmem:s17+$0x30];
	s16 =	sadd.s32 $0x8, s16;
	vm5 =	vlt.s32 v5, v1;
	vm6 =	vge.s32 v6, v0;
	vm7 =	vlt.s32 v6, v1  }
0x53: {  	v6 =	vsub.s32 v6, v0;
	v12 =	vld [tilespmem:s17+$0xFFFFFFC0];
	p1 =	slt.u32 s16, $0x268;
	vm4 =	vmand vm4, vm5;
	vm6 =	vmand vm6, vm7  }
0x54: {  	v8 =	vnsel vm1, $0x0, v8;
	v13 =	vld [tilespmem:s17+$0x0];
	v6 =	vnsel vm6, $0x0, v6  }
0x55: {  	v4 =	vsub.s32 v4, v0;
	v14 =	vld [tilespmem:s17+$0xFFFFFFF0]  }
0x56: {  	v15 =	vnsel vm0, $0x0, v4;
	vm5 =	vge.s32 v9, v0;
	vm7 =	vlt.s32 v9, v1;
	[tilespmem:v10+s2+$0x0] =	vst.idx.add.f32.msk vm3, v3  }
0x57: {  	v5 =	vsub.s32 v5, v0;
	v9 =	vsub.s32 v9, v0;
	v4 =	vld [tilespmem:s17+$0xFFFFFFD0];
	vm5 =	vmand vm5, vm7  }
0x58: {  	vm3 =	vge.s32 v12, v0;
	vm7 =	vlt.s32 v12, v1;
	[tilespmem:v7+s2+$0x0] =	vst.idx.add.f32.msk vm2, v3;
	v7 =	vnsel vm5, $0x0, v9  }
0x59: {  	v10 =	vnsel vm4, $0x0, v5;
	v9 =	vsub.s32 v12, v0;
	vm7 =	vmand vm3, vm7;
	[tilespmem:v6+s2+$0x0] =	vst.idx.add.f32.msk vm6, v3  }
0x5a: {  	vm6 =	vge.s32 v13, v0;
	vm8 =	vlt.s32 v13, v1;
	v9 =	vnsel vm7, $0x0, v9;
	v6 =	vld [tilespmem:s17+$0x10]  }
0x5b: {  	vm3 =	vlt.s32 v11, v1;
	[tilespmem:v15+s2+$0x0] =	vst.idx.add.f32.msk vm0, v3  }
0x5c: {  	vm9 =	vge.s32 v11, v0;
	vm0 =	vge.s32 v4, v0;
	vm2 =	vlt.s32 v4, v1;
	v5 =	vld [tilespmem:s17+$0xFFFFFFE0]  }
.Ltmp3:
0x5d: {  	v11 =	vsub.s32 v11, v0;
	vm0 =	vmand vm0, vm2;
	vm2 =	vge.s32 v14, v0;
	[tilespmem:v8+s2+$0x0] =	vst.idx.add.f32.msk vm1, v3;
	(pc) =	sbr.rel @p1 .LBB2_11-.Ltmp3, $4  }
0x5e: {  	vm1 =	vlt.s32 v14, v1;
	v8 =	vsub.s32 v13, v0;
	[tilespmem:v10+s2+$0x0] =	vst.idx.add.f32.msk vm4, v3  }
0x5f: {  	vm3 =	vmand vm9, vm3;
	vm2 =	vmand vm2, vm1;
	[tilespmem:v7+s2+$0x0] =	vst.idx.add.f32.msk vm5, v3  }
0x60: {  	vm1 =	vmand vm6, vm8;
	v7 =	vsub.s32 v14, v0;
	[tilespmem:v9+s2+$0x0] =	vst.idx.add.f32.msk vm7, v3  }
0x61: {  	v10 =	vnsel vm3, $0x0, v11;
	v7 =	vnsel vm2, $0x0, v7;
	vm4 =	vge.s32 v5, v0;
	v9 =	vld [tilespmem:s17+$0x20];
	s17 =	sadd.s32 $0x80, s17  }
0x62: {  	vm5 =	vge.s32 v6, v0  }
0x63: {  	vm6 =	vlt.s32 v6, v1;
	v6 =	vsub.s32 v6, v0;
	v4 =	vsub.s32 v4, v0  }
0x64: {  	v8 =	vnsel vm1, $0x0, v8;
	vm5 =	vmand vm5, vm6;
	vm6 =	vlt.s32 v5, v1  }
0x65: {  	v4 =	vnsel vm0, $0x0, v4;
	v5 =	vsub.s32 v5, v0;
	v6 =	vnsel vm5, $0x0, v6  }
0x66: {  	vm4 =	vmand vm4, vm6;
	vm6 =	vge.s32 v9, v0;
	vm7 =	vlt.s32 v9, v1  }
0x67: {  	[tilespmem:v10+s2+$0x0] =	vst.idx.add.f32.msk vm3, v3;
	v5 =	vnsel vm4, $0x0, v5;
	v9 =	vsub.s32 v9, v0;
	vm3 =	vmand vm6, vm7  }
0x68: {  	[tilespmem:v7+s2+$0x0] =	vst.idx.add.f32.msk vm2, v3;
	v7 =	vnsel vm3, $0x0, v9  }
0x69: {  	[tilespmem:v8+s2+$0x0] =	vst.idx.add.f32.msk vm1, v3  }
0x6a: {  	[tilespmem:v4+s2+$0x0] =	vst.idx.add.f32.msk vm0, v3  }
0x6b: {  	[tilespmem:v6+s2+$0x0] =	vst.idx.add.f32.msk vm5, v3  }
0x6c: {  	[tilespmem:v5+s2+$0x0] =	vst.idx.add.f32.msk vm4, v3  }
0x6d: {  	[tilespmem:v7+s2+$0x0] =	vst.idx.add.f32.msk vm3, v3  }
0x6e: {  	v4 =	vld [tilespmem:$0x2980];
	_ =	sdelay $0x4  }
0x6f: {  	vm0 =	vge.s32 v4, v0;
	vm1 =	vlt.s32 v4, v1  }
0x70: {  	v4 =	vsub.s32 v4, v0;
	vm0 =	vmand vm0, vm1  }
0x71: {  	v4 =	vnsel vm0, $0x0, v4;
	_ =	sdelay $0x1  }
0x72: {  	p1 =	seq.s32 s14, $0xF  }
0x73: {  	s15 =	sshrl.u32 @!p1 s15, $0x3  }
0x74: {  	s15 =	sadd.s32 @!p1 s3, s15  }
0x75: {  	s16 =	simm.s32 @!p1 $0x0;
	s17 =	simm.s32 @!p1 $0x280;
	s15 =	sadd.s32 @!p1 $0x9C4, s15;
	[tilespmem:v4+s2+$0x0] =	vst.idx.add.f32.msk vm0, v3  }
0x76: {  	[tilespmem:s17], [sflag:$0x1] =	stream.linear.gather @!p1 [hbm4b:s15+s16], $0x2710, $0x38;
	[tilespmem:$0x50A0] =	vst v63  }
0x77: {  	_ =	swait.ge [sflag:s11], $0x2710  }
0x78: {  	[sflag:s11] =	ssyncset.done $0x0  }
0x79: {  	s31 =	simm.s32 $0x2A00;
	[sflag:s11] =	ssyncadd.s32 $0xFFFFD8F0  }
0x7a: {  	v5 =	vld [tilespmem:s31+$0xFFFFFF90]  }
0x7b: {  	v8 =	vld [tilespmem:s31+$0xFFFFFFD0]  }
0x7c: {  	v7 =	vld [tilespmem:s31+$0x0]  }
0x7d: {  	v4 =	vld [tilespmem:s31+$0xFFFFFFA0]  }
0x7e: {  	v9 =	vld [tilespmem:s31+$0xFFFFFFC0]  }
0x7f: {  	vm0 =	vge.s32 v5, v0;
	vm1 =	vlt.s32 v5, v1  }
0x80: {  	v5 =	vsub.s32 v5, v0;
	vm4 =	vge.s32 v8, v0;
	vm1 =	vmand vm0, vm1  }
0x81: {  	vm5 =	vlt.s32 v8, v1;
	vm3 =	vlt.s32 v7, v1;
	v10 =	vnsel vm1, $0x0, v5;
	v5 =	vld [tilespmem:s31+$0xFFFFFFB0]  }
0x82: {  	v6 =	vld [tilespmem:s31+$0xFFFFFFE0];
	vm2 =	vlt.s32 v4, v1;
	vm6 =	vge.s32 v7, v0;
	vm0 =	vge.s32 v4, v0  }
0x83: {  	vm7 =	vlt.s32 v9, v1;
	vm0 =	vmand vm0, vm2;
	vm2 =	vge.s32 v9, v0  }
0x84: {  	v11 =	vsub.s32 v7, v0;
	v7 =	vsub.s32 v9, v0;
	vm2 =	vmand vm2, vm7  }
0x85: {  	v8 =	vsub.s32 v8, v0;
	vm3 =	vmand vm6, vm3;
	v9 =	vld [tilespmem:s31+$0xFFFFFFF0];
	v7 =	vnsel vm2, $0x0, v7  }
0x86: {  	s15 =	simm.s32 $0x0;
	s16 =	simm.s32 $0x2A80;
	[tilespmem:v10+s2+$0x0] =	vst.idx.add.f32.msk vm1, v3;
	vm1 =	vmand vm4, vm5;
	vm4 =	vge.s32 v5, v0;
	v10 =	vnsel vm3, $0x0, v11  }
.LBB2_13:
0x87: {  	v11 =	vld [tilespmem:s16+$0x0];
	s15 =	sadd.s32 $0x8, s15;
	vm5 =	vlt.s32 v5, v1;
	vm6 =	vge.s32 v6, v0;
	vm7 =	vlt.s32 v6, v1  }
0x88: {  	v6 =	vsub.s32 v6, v0;
	v12 =	vld [tilespmem:s16+$0xFFFFFF90];
	p1 =	slt.u32 s15, $0x268;
	vm4 =	vmand vm4, vm5;
	vm6 =	vmand vm6, vm7  }
0x89: {  	v8 =	vnsel vm1, $0x0, v8;
	v13 =	vld [tilespmem:s16+$0xFFFFFFD0];
	v6 =	vnsel vm6, $0x0, v6  }
0x8a: {  	v4 =	vsub.s32 v4, v0;
	v14 =	vld [tilespmem:s16+$0xFFFFFFC0]  }
0x8b: {  	v15 =	vnsel vm0, $0x0, v4;
	vm5 =	vge.s32 v9, v0;
	vm7 =	vlt.s32 v9, v1;
	[tilespmem:v10+s2+$0x0] =	vst.idx.add.f32.msk vm3, v3  }
0x8c: {  	v5 =	vsub.s32 v5, v0;
	v9 =	vsub.s32 v9, v0;
	v4 =	vld [tilespmem:s16+$0xFFFFFFA0];
	vm5 =	vmand vm5, vm7  }
0x8d: {  	vm3 =	vge.s32 v12, v0;
	vm7 =	vlt.s32 v12, v1;
	[tilespmem:v7+s2+$0x0] =	vst.idx.add.f32.msk vm2, v3;
	v7 =	vnsel vm5, $0x0, v9  }
0x8e: {  	v10 =	vnsel vm4, $0x0, v5;
	v9 =	vsub.s32 v12, v0;
	vm7 =	vmand vm3, vm7;
	[tilespmem:v6+s2+$0x0] =	vst.idx.add.f32.msk vm6, v3  }
0x8f: {  	vm6 =	vge.s32 v13, v0;
	vm8 =	vlt.s32 v13, v1;
	v9 =	vnsel vm7, $0x0, v9;
	v6 =	vld [tilespmem:s16+$0xFFFFFFE0]  }
0x90: {  	vm3 =	vlt.s32 v11, v1;
	[tilespmem:v15+s2+$0x0] =	vst.idx.add.f32.msk vm0, v3  }
0x91: {  	vm9 =	vge.s32 v11, v0;
	vm0 =	vge.s32 v4, v0;
	vm2 =	vlt.s32 v4, v1;
	v5 =	vld [tilespmem:s16+$0xFFFFFFB0]  }
.Ltmp4:
0x92: {  	v11 =	vsub.s32 v11, v0;
	vm0 =	vmand vm0, vm2;
	vm2 =	vge.s32 v14, v0;
	[tilespmem:v8+s2+$0x0] =	vst.idx.add.f32.msk vm1, v3;
	(pc) =	sbr.rel @p1 .LBB2_13-.Ltmp4, $4  }
0x93: {  	vm1 =	vlt.s32 v14, v1;
	v8 =	vsub.s32 v13, v0;
	[tilespmem:v10+s2+$0x0] =	vst.idx.add.f32.msk vm4, v3  }
0x94: {  	vm3 =	vmand vm9, vm3;
	vm2 =	vmand vm2, vm1;
	[tilespmem:v7+s2+$0x0] =	vst.idx.add.f32.msk vm5, v3  }
0x95: {  	vm1 =	vmand vm6, vm8;
	v7 =	vsub.s32 v14, v0;
	[tilespmem:v9+s2+$0x0] =	vst.idx.add.f32.msk vm7, v3  }
0x96: {  	v10 =	vnsel vm3, $0x0, v11;
	v7 =	vnsel vm2, $0x0, v7;
	vm4 =	vge.s32 v5, v0;
	v9 =	vld [tilespmem:s16+$0xFFFFFFF0];
	s16 =	sadd.s32 $0x80, s16  }
0x97: {  	vm5 =	vge.s32 v6, v0  }
0x98: {  	vm6 =	vlt.s32 v6, v1;
	v61 =	vsub.s32 v6, v0;
	vm11 =	vlt.s32 v5, v1  }
0x99: {  	v4 =	vsub.s32 v4, v0;
	v8 =	vnsel vm1, $0x0, v8;
	v5 =	vsub.s32 v5, v0  }
0x9a: {  	vm5 =	vmand vm5, vm6;
	vm4 =	vmand vm4, vm11;
	v4 =	vnsel vm0, $0x0, v4  }
0x9b: {  	v6 =	vnsel vm5, $0x0, v61;
	vm12 =	vge.s32 v9, v0;
	vm7 =	vlt.s32 v9, v1  }
0x9c: {  	[tilespmem:v10+s2+$0x0] =	vst.idx.add.f32.msk vm3, v3;
	v5 =	vnsel vm4, $0x0, v5;
	v62 =	vsub.s32 v9, v0;
	vm13 =	vmand vm12, vm7  }
0x9d: {  	[tilespmem:v7+s2+$0x0] =	vst.idx.add.f32.msk vm2, v3;
	v63 =	vnsel vm13, $0x0, v62  }
0x9e: {  	[tilespmem:v8+s2+$0x0] =	vst.idx.add.f32.msk vm1, v3  }
0x9f: {  	[tilespmem:v4+s2+$0x0] =	vst.idx.add.f32.msk vm0, v3  }
0xa0: {  	[tilespmem:v6+s2+$0x0] =	vst.idx.add.f32.msk vm5, v3  }
0xa1: {  	[tilespmem:v5+s2+$0x0] =	vst.idx.add.f32.msk vm4, v3  }
0xa2: {  	[tilespmem:v63+s2+$0x0] =	vst.idx.add.f32.msk vm13, v3  }
0xa3: {  	v4 =	vld [tilespmem:$0x5090];
	_ =	sdelay $0x4  }
0xa4: {  	vm14 =	vge.s32 v4, v0;
	vm15 =	vlt.s32 v4, v1  }
0xa5: {  	s14 =	sadd.s32 $0x1, s14;
	v4 =	vsub.s32 v4, v0;
	vm0 =	vmand vm14, vm15  }
0xa6: {  	p1 =	seq.s32 s14, $0x10;
	v4 =	vnsel vm0, $0x0, v4  }
.Ltmp5:
0xa7: {  	_ = 	snop;
	(pc) =	sbr.rel @!p1 .LBB2_10-.Ltmp5, $2  }
0xa8: {  	_ =	sdelay $0x2  }
0xa9: {  	[tilespmem:v4+s2+$0x0] =	vst.idx.add.f32.msk vm0, v3  }
.Ltmp6:
0xaa: {  	(pc) =	sbr.rel .LBB2_16-.Ltmp6, $2  }
0xab: {  	_ =	sdelay $0x2  }
0xac: {  	s14 =	smov.u32 s5  }
.LBB2_2:
0xad: {  	[tilespmem:$0x10] =	vst v2  }
0xae: {  	[tilespmem:$0x20] =	vst v2  }
0xaf: {  	[tilespmem:$0x30] =	vst v2  }
0xb0: {  	[tilespmem:$0x40] =	vst v2  }
0xb1: {  	[tilespmem:$0x50] =	vst v2  }
0xb2: {  	[tilespmem:$0x60] =	vst v2  }
0xb3: {  	[tilespmem:$0x70] =	vst v2  }
0xb4: {  	[tilespmem:$0x80] =	vst v2  }
0xb5: {  	[tilespmem:$0x90] =	vst v2  }
0xb6: {  	[tilespmem:$0xA0] =	vst v2  }
0xb7: {  	[tilespmem:$0xB0] =	vst v2  }
0xb8: {  	[tilespmem:$0xC0] =	vst v2  }
0xb9: {  	[tilespmem:$0xD0] =	vst v2  }
0xba: {  	[tilespmem:$0xE0] =	vst v2  }
0xbb: {  	[tilespmem:$0xF0] =	vst v2  }
0xbc: {  	[tilespmem:$0x100] =	vst v2  }
0xbd: {  	[tilespmem:$0x110] =	vst v2  }
0xbe: {  	[tilespmem:$0x120] =	vst v2  }
0xbf: {  	[tilespmem:$0x130] =	vst v2  }
0xc0: {  	[tilespmem:$0x140] =	vst v2  }
0xc1: {  	[tilespmem:$0x150] =	vst v2  }
0xc2: {  	[tilespmem:$0x160] =	vst v2  }
0xc3: {  	[tilespmem:$0x170] =	vst v2  }
0xc4: {  	[tilespmem:$0x180] =	vst v2  }
0xc5: {  	[tilespmem:$0x190] =	vst v2  }
0xc6: {  	[tilespmem:$0x1A0] =	vst v2  }
0xc7: {  	[tilespmem:$0x1B0] =	vst v2  }
0xc8: {  	[tilespmem:$0x1C0] =	vst v2  }
0xc9: {  	[tilespmem:$0x1D0] =	vst v2  }
0xca: {  	[tilespmem:$0x1E0] =	vst v2  }
0xcb: {  	[tilespmem:$0x1F0] =	vst v2  }
0xcc: {  	[tilespmem:$0x200] =	vst v2  }
0xcd: {  	[tilespmem:$0x210] =	vst v2  }
0xce: {  	[tilespmem:$0x220] =	vst v2  }
0xcf: {  	[tilespmem:$0x230] =	vst v2  }
0xd0: {  	[tilespmem:$0x240] =	vst v2  }
0xd1: {  	[tilespmem:$0x250] =	vst v2  }
0xd2: {  	[tilespmem:$0x260] =	vst v2  }
0xd3: {  	[tilespmem:$0x270] =	vst v2;
	s14 =	simm.s32 $0x0  }
0xd4: {  	[tilespmem:s9], [sflag:$0x1] =	stream.linear.gather [hbm4b:s4+s14], $0x2710, $0x38;
	[tilespmem:$0x50A0] =	vst v63  }
.LBB2_3:
0xd5: {  	s15 =	smul.u32 $0x4E20, s14;
	_ =	sdelay $0x1  }
0xd6: {  	s16 =	sshrl.u32 s15, $0x3  }
0xd7: {  	s16 =	sadd.s32 s4, s16  }
0xd8: {  	s16 =	sadd.s32 $0x4E2, s16  }
0xd9: {  	[tilespmem:s10], [sflag:$0x1] =	stream.linear.gather [hbm4b:s16+s2], $0x2710, $0x38;
	[tilespmem:$0x50A0] =	vst v63  }
0xda: {  	_ =	swait.ge [sflag:s11], $0x2710  }
0xdb: {  	[sflag:s11] =	ssyncset.done $0x0  }
0xdc: {  	s17 =	simm.s32 $0x2C0;
	[sflag:s11] =	ssyncadd.s32 $0xFFFFD8F0  }
0xdd: {  	v5 =	vld [tilespmem:s17+$0xFFFFFFC0]  }
0xde: {  	v8 =	vld [tilespmem:s17+$0x0]  }
0xdf: {  	v7 =	vld [tilespmem:s17+$0x30]  }
0xe0: {  	v4 =	vld [tilespmem:s17+$0xFFFFFFD0]  }
0xe1: {  	v9 =	vld [tilespmem:s17+$0xFFFFFFF0]  }
0xe2: {  	vm0 =	vge.s32 v5, v0;
	vm1 =	vlt.s32 v5, v1  }
0xe3: {  	v5 =	vsub.s32 v5, v0;
	vm4 =	vge.s32 v8, v0;
	vm1 =	vmand vm0, vm1  }
0xe4: {  	vm5 =	vlt.s32 v8, v1;
	vm3 =	vlt.s32 v7, v1;
	v10 =	vnsel vm1, $0x0, v5;
	v5 =	vld [tilespmem:s17+$0xFFFFFFE0]  }
0xe5: {  	v6 =	vld [tilespmem:s17+$0x10];
	vm2 =	vlt.s32 v4, v1;
	vm6 =	vge.s32 v7, v0;
	vm0 =	vge.s32 v4, v0  }
0xe6: {  	vm7 =	vlt.s32 v9, v1;
	vm0 =	vmand vm0, vm2;
	vm2 =	vge.s32 v9, v0  }
0xe7: {  	v11 =	vsub.s32 v7, v0;
	v7 =	vsub.s32 v9, v0;
	vm2 =	vmand vm2, vm7  }
0xe8: {  	v8 =	vsub.s32 v8, v0;
	vm3 =	vmand vm6, vm3;
	v9 =	vld [tilespmem:s17+$0x20];
	v7 =	vnsel vm2, $0x0, v7  }
0xe9: {  	s16 =	simm.s32 $0x0;
	s17 =	simm.s32 $0x340;
	[tilespmem:v10+s2+$0x0] =	vst.idx.add.f32.msk vm1, v3;
	vm1 =	vmand vm4, vm5;
	vm4 =	vge.s32 v5, v0;
	v10 =	vnsel vm3, $0x0, v11  }
.LBB2_4:
0xea: {  	v11 =	vld [tilespmem:s17+$0x30];
	s16 =	sadd.s32 $0x8, s16;
	vm5 =	vlt.s32 v5, v1;
	vm6 =	vge.s32 v6, v0;
	vm7 =	vlt.s32 v6, v1  }
0xeb: {  	v6 =	vsub.s32 v6, v0;
	v12 =	vld [tilespmem:s17+$0xFFFFFFC0];
	p1 =	slt.u32 s16, $0x268;
	vm4 =	vmand vm4, vm5;
	vm6 =	vmand vm6, vm7  }
0xec: {  	v8 =	vnsel vm1, $0x0, v8;
	v13 =	vld [tilespmem:s17+$0x0];
	v6 =	vnsel vm6, $0x0, v6  }
0xed: {  	v4 =	vsub.s32 v4, v0;
	v14 =	vld [tilespmem:s17+$0xFFFFFFF0]  }
0xee: {  	v15 =	vnsel vm0, $0x0, v4;
	vm5 =	vge.s32 v9, v0;
	vm7 =	vlt.s32 v9, v1;
	[tilespmem:v10+s2+$0x0] =	vst.idx.add.f32.msk vm3, v3  }
0xef: {  	v5 =	vsub.s32 v5, v0;
	v9 =	vsub.s32 v9, v0;
	v4 =	vld [tilespmem:s17+$0xFFFFFFD0];
	vm5 =	vmand vm5, vm7  }
0xf0: {  	vm3 =	vge.s32 v12, v0;
	vm7 =	vlt.s32 v12, v1;
	[tilespmem:v7+s2+$0x0] =	vst.idx.add.f32.msk vm2, v3;
	v7 =	vnsel vm5, $0x0, v9  }
0xf1: {  	v10 =	vnsel vm4, $0x0, v5;
	v9 =	vsub.s32 v12, v0;
	vm7 =	vmand vm3, vm7;
	[tilespmem:v6+s2+$0x0] =	vst.idx.add.f32.msk vm6, v3  }
0xf2: {  	vm6 =	vge.s32 v13, v0;
	vm8 =	vlt.s32 v13, v1;
	v9 =	vnsel vm7, $0x0, v9;
	v6 =	vld [tilespmem:s17+$0x10]  }
0xf3: {  	vm3 =	vlt.s32 v11, v1;
	[tilespmem:v15+s2+$0x0] =	vst.idx.add.f32.msk vm0, v3  }
0xf4: {  	vm9 =	vge.s32 v11, v0;
	vm0 =	vge.s32 v4, v0;
	vm2 =	vlt.s32 v4, v1;
	v5 =	vld [tilespmem:s17+$0xFFFFFFE0]  }
.Ltmp7:
0xf5: {  	v11 =	vsub.s32 v11, v0;
	vm0 =	vmand vm0, vm2;
	vm2 =	vge.s32 v14, v0;
	[tilespmem:v8+s2+$0x0] =	vst.idx.add.f32.msk vm1, v3;
	(pc) =	sbr.rel @p1 .LBB2_4-.Ltmp7, $4  }
0xf6: {  	vm1 =	vlt.s32 v14, v1;
	v8 =	vsub.s32 v13, v0;
	[tilespmem:v10+s2+$0x0] =	vst.idx.add.f32.msk vm4, v3  }
0xf7: {  	vm3 =	vmand vm9, vm3;
	vm2 =	vmand vm2, vm1;
	[tilespmem:v7+s2+$0x0] =	vst.idx.add.f32.msk vm5, v3  }
0xf8: {  	vm1 =	vmand vm6, vm8;
	v7 =	vsub.s32 v14, v0;
	[tilespmem:v9+s2+$0x0] =	vst.idx.add.f32.msk vm7, v3  }
0xf9: {  	v10 =	vnsel vm3, $0x0, v11;
	v7 =	vnsel vm2, $0x0, v7;
	vm4 =	vge.s32 v5, v0;
	v9 =	vld [tilespmem:s17+$0x20];
	s17 =	sadd.s32 $0x80, s17  }
0xfa: {  	vm5 =	vge.s32 v6, v0  }
0xfb: {  	vm6 =	vlt.s32 v6, v1;
	v6 =	vsub.s32 v6, v0;
	v4 =	vsub.s32 v4, v0  }
0xfc: {  	v8 =	vnsel vm1, $0x0, v8;
	vm5 =	vmand vm5, vm6;
	vm6 =	vlt.s32 v5, v1  }
0xfd: {  	v4 =	vnsel vm0, $0x0, v4;
	v5 =	vsub.s32 v5, v0;
	v6 =	vnsel vm5, $0x0, v6  }
0xfe: {  	vm4 =	vmand vm4, vm6;
	vm6 =	vge.s32 v9, v0;
	vm7 =	vlt.s32 v9, v1  }
0xff: {  	[tilespmem:v10+s2+$0x0] =	vst.idx.add.f32.msk vm3, v3;
	v5 =	vnsel vm4, $0x0, v5;
	v9 =	vsub.s32 v9, v0;
	vm3 =	vmand vm6, vm7  }
0x100: {  	[tilespmem:v7+s2+$0x0] =	vst.idx.add.f32.msk vm2, v3;
	v7 =	vnsel vm3, $0x0, v9  }
0x101: {  	[tilespmem:v8+s2+$0x0] =	vst.idx.add.f32.msk vm1, v3  }
0x102: {  	[tilespmem:v4+s2+$0x0] =	vst.idx.add.f32.msk vm0, v3  }
0x103: {  	[tilespmem:v6+s2+$0x0] =	vst.idx.add.f32.msk vm5, v3  }
0x104: {  	[tilespmem:v5+s2+$0x0] =	vst.idx.add.f32.msk vm4, v3  }
0x105: {  	[tilespmem:v7+s2+$0x0] =	vst.idx.add.f32.msk vm3, v3  }
0x106: {  	v4 =	vld [tilespmem:$0x2980];
	_ =	sdelay $0x4  }
0x107: {  	vm0 =	vge.s32 v4, v0;
	vm1 =	vlt.s32 v4, v1  }
0x108: {  	v4 =	vsub.s32 v4, v0;
	vm0 =	vmand vm0, vm1  }
0x109: {  	v4 =	vnsel vm0, $0x0, v4;
	_ =	sdelay $0x1  }
0x10a: {  	p1 =	seq.s32 s14, $0xF  }
0x10b: {  	s15 =	sshrl.u32 @!p1 s15, $0x3  }
0x10c: {  	s15 =	sadd.s32 @!p1 s4, s15  }
0x10d: {  	s16 =	simm.s32 @!p1 $0x0;
	s17 =	simm.s32 @!p1 $0x280;
	s15 =	sadd.s32 @!p1 $0x9C4, s15;
	[tilespmem:v4+s2+$0x0] =	vst.idx.add.f32.msk vm0, v3  }
0x10e: {  	[tilespmem:s17], [sflag:$0x1] =	stream.linear.gather @!p1 [hbm4b:s15+s16], $0x2710, $0x38;
	[tilespmem:$0x50A0] =	vst v63  }
0x10f: {  	_ =	swait.ge [sflag:s11], $0x2710  }
0x110: {  	[sflag:s11] =	ssyncset.done $0x0  }
0x111: {  	s31 =	simm.s32 $0x2A00;
	[sflag:s11] =	ssyncadd.s32 $0xFFFFD8F0  }
0x112: {  	v5 =	vld [tilespmem:s31+$0xFFFFFF90]  }
0x113: {  	v8 =	vld [tilespmem:s31+$0xFFFFFFD0]  }
0x114: {  	v7 =	vld [tilespmem:s31+$0x0]  }
0x115: {  	v4 =	vld [tilespmem:s31+$0xFFFFFFA0]  }
0x116: {  	v9 =	vld [tilespmem:s31+$0xFFFFFFC0]  }
0x117: {  	vm0 =	vge.s32 v5, v0;
	vm1 =	vlt.s32 v5, v1  }
0x118: {  	v5 =	vsub.s32 v5, v0;
	vm4 =	vge.s32 v8, v0;
	vm1 =	vmand vm0, vm1  }
0x119: {  	vm5 =	vlt.s32 v8, v1;
	vm3 =	vlt.s32 v7, v1;
	v10 =	vnsel vm1, $0x0, v5;
	v5 =	vld [tilespmem:s31+$0xFFFFFFB0]  }
0x11a: {  	v6 =	vld [tilespmem:s31+$0xFFFFFFE0];
	vm2 =	vlt.s32 v4, v1;
	vm6 =	vge.s32 v7, v0;
	vm0 =	vge.s32 v4, v0  }
0x11b: {  	vm7 =	vlt.s32 v9, v1;
	vm0 =	vmand vm0, vm2;
	vm2 =	vge.s32 v9, v0  }
0x11c: {  	v11 =	vsub.s32 v7, v0;
	v7 =	vsub.s32 v9, v0;
	vm2 =	vmand vm2, vm7  }
0x11d: {  	v8 =	vsub.s32 v8, v0;
	vm3 =	vmand vm6, vm3;
	v9 =	vld [tilespmem:s31+$0xFFFFFFF0];
	v7 =	vnsel vm2, $0x0, v7  }
0x11e: {  	s15 =	simm.s32 $0x0;
	s16 =	simm.s32 $0x2A80;
	[tilespmem:v10+s2+$0x0] =	vst.idx.add.f32.msk vm1, v3;
	vm1 =	vmand vm4, vm5;
	vm4 =	vge.s32 v5, v0;
	v10 =	vnsel vm3, $0x0, v11  }
.LBB2_6:
0x11f: {  	v11 =	vld [tilespmem:s16+$0x0];
	s15 =	sadd.s32 $0x8, s15;
	vm5 =	vlt.s32 v5, v1;
	vm6 =	vge.s32 v6, v0;
	vm7 =	vlt.s32 v6, v1  }
0x120: {  	v6 =	vsub.s32 v6, v0;
	v12 =	vld [tilespmem:s16+$0xFFFFFF90];
	p1 =	slt.u32 s15, $0x268;
	vm4 =	vmand vm4, vm5;
	vm6 =	vmand vm6, vm7  }
0x121: {  	v8 =	vnsel vm1, $0x0, v8;
	v13 =	vld [tilespmem:s16+$0xFFFFFFD0];
	v6 =	vnsel vm6, $0x0, v6  }
0x122: {  	v4 =	vsub.s32 v4, v0;
	v14 =	vld [tilespmem:s16+$0xFFFFFFC0]  }
0x123: {  	v15 =	vnsel vm0, $0x0, v4;
	vm5 =	vge.s32 v9, v0;
	vm7 =	vlt.s32 v9, v1;
	[tilespmem:v10+s2+$0x0] =	vst.idx.add.f32.msk vm3, v3  }
0x124: {  	v5 =	vsub.s32 v5, v0;
	v9 =	vsub.s32 v9, v0;
	v4 =	vld [tilespmem:s16+$0xFFFFFFA0];
	vm5 =	vmand vm5, vm7  }
0x125: {  	vm3 =	vge.s32 v12, v0;
	vm7 =	vlt.s32 v12, v1;
	[tilespmem:v7+s2+$0x0] =	vst.idx.add.f32.msk vm2, v3;
	v7 =	vnsel vm5, $0x0, v9  }
0x126: {  	v10 =	vnsel vm4, $0x0, v5;
	v9 =	vsub.s32 v12, v0;
	vm7 =	vmand vm3, vm7;
	[tilespmem:v6+s2+$0x0] =	vst.idx.add.f32.msk vm6, v3  }
0x127: {  	vm6 =	vge.s32 v13, v0;
	vm8 =	vlt.s32 v13, v1;
	v9 =	vnsel vm7, $0x0, v9;
	v6 =	vld [tilespmem:s16+$0xFFFFFFE0]  }
0x128: {  	vm3 =	vlt.s32 v11, v1;
	[tilespmem:v15+s2+$0x0] =	vst.idx.add.f32.msk vm0, v3  }
0x129: {  	vm9 =	vge.s32 v11, v0;
	vm0 =	vge.s32 v4, v0;
	vm2 =	vlt.s32 v4, v1;
	v5 =	vld [tilespmem:s16+$0xFFFFFFB0]  }
.Ltmp8:
0x12a: {  	v11 =	vsub.s32 v11, v0;
	vm0 =	vmand vm0, vm2;
	vm2 =	vge.s32 v14, v0;
	[tilespmem:v8+s2+$0x0] =	vst.idx.add.f32.msk vm1, v3;
	(pc) =	sbr.rel @p1 .LBB2_6-.Ltmp8, $4  }
0x12b: {  	vm1 =	vlt.s32 v14, v1;
	v8 =	vsub.s32 v13, v0;
	[tilespmem:v10+s2+$0x0] =	vst.idx.add.f32.msk vm4, v3  }
0x12c: {  	vm3 =	vmand vm9, vm3;
	vm2 =	vmand vm2, vm1;
	[tilespmem:v7+s2+$0x0] =	vst.idx.add.f32.msk vm5, v3  }
0x12d: {  	vm1 =	vmand vm6, vm8;
	v7 =	vsub.s32 v14, v0;
	[tilespmem:v9+s2+$0x0] =	vst.idx.add.f32.msk vm7, v3  }
0x12e: {  	v10 =	vnsel vm3, $0x0, v11;
	v7 =	vnsel vm2, $0x0, v7;
	vm4 =	vge.s32 v5, v0;
	v9 =	vld [tilespmem:s16+$0xFFFFFFF0];
	s16 =	sadd.s32 $0x80, s16  }
0x12f: {  	vm5 =	vge.s32 v6, v0  }
0x130: {  	vm6 =	vlt.s32 v6, v1;
	v61 =	vsub.s32 v6, v0;
	vm11 =	vlt.s32 v5, v1  }
0x131: {  	v4 =	vsub.s32 v4, v0;
	v8 =	vnsel vm1, $0x0, v8;
	v5 =	vsub.s32 v5, v0  }
0x132: {  	vm5 =	vmand vm5, vm6;
	vm4 =	vmand vm4, vm11;
	v4 =	vnsel vm0, $0x0, v4  }
0x133: {  	v6 =	vnsel vm5, $0x0, v61;
	vm12 =	vge.s32 v9, v0;
	vm7 =	vlt.s32 v9, v1  }
0x134: {  	[tilespmem:v10+s2+$0x0] =	vst.idx.add.f32.msk vm3, v3;
	v5 =	vnsel vm4, $0x0, v5;
	v62 =	vsub.s32 v9, v0;
	vm13 =	vmand vm12, vm7  }
0x135: {  	[tilespmem:v7+s2+$0x0] =	vst.idx.add.f32.msk vm2, v3;
	v63 =	vnsel vm13, $0x0, v62  }
0x136: {  	[tilespmem:v8+s2+$0x0] =	vst.idx.add.f32.msk vm1, v3  }
0x137: {  	[tilespmem:v4+s2+$0x0] =	vst.idx.add.f32.msk vm0, v3  }
0x138: {  	[tilespmem:v6+s2+$0x0] =	vst.idx.add.f32.msk vm5, v3  }
0x139: {  	[tilespmem:v5+s2+$0x0] =	vst.idx.add.f32.msk vm4, v3  }
0x13a: {  	[tilespmem:v63+s2+$0x0] =	vst.idx.add.f32.msk vm13, v3  }
0x13b: {  	v4 =	vld [tilespmem:$0x5090];
	_ =	sdelay $0x4  }
0x13c: {  	vm14 =	vge.s32 v4, v0;
	vm15 =	vlt.s32 v4, v1  }
0x13d: {  	s14 =	sadd.s32 $0x1, s14;
	v4 =	vsub.s32 v4, v0;
	vm0 =	vmand vm14, vm15  }
0x13e: {  	p1 =	sne.s32 s14, $0x10;
	v4 =	vnsel vm0, $0x0, v4  }
.Ltmp9:
0x13f: {  	_ = 	snop;
	(pc) =	sbr.rel @p1 .LBB2_3-.Ltmp9, $2  }
0x140: {  	_ =	sdelay $0x2  }
0x141: {  	[tilespmem:v4+s2+$0x0] =	vst.idx.add.f32.msk vm0, v3  }
.Ltmp10:
0x142: {  	(pc) =	sbr.rel .LBB2_16-.Ltmp10, $2  }
0x143: {  	_ =	sdelay $0x2  }
0x144: {  	s14 =	smov.u32 s6  }
.LBB2_17:
0x145: {  	_ =	sfence.sel $0x180000  }
0x146: {  	[bflag:$0x0] =	sbarrier.arrive $0xFFFF  }
0x147: {  	p0 =	sne.s32 s1, $0x0;
	_ =	strace $0x90000047  }
0x148: {  	s0 =	sadd.s32 @!p0 $0x100000, s0;
	[bflag:$0x2] =	sbarrier.arrive $0xFFFF  }
0x149: {  	[sflag:s0] =	ssyncadd.tile.s32 @!p0 $0x1;
	_ =	shalt  }
.Lfunc_end2:
_tile_overlayer_lowered:
.L_overlay_start_2:
0x14a: {  	(tag) =	ssettag $0x2  }
0x14b: {  	s0 =	rddreg [dreg:$0x0];
	s2 =	stileid.u32  }
0x14c: {  	s1 =	rddreg [dreg:$0x1];
	p0 =	sne.s32 s2, $0x0  }
0x14d: {  	s3 =	rddreg [dreg:$0x2];
	[bflag:$0x3] =	sbarrier.arrive $0xFFFF;
	s2 =	simm.s32 @!p0 $0x1C02  }
0x14e: {  	[timem:s3], [sflag:s2] =	dma.local @!p0 [hbm:s0], s1  }
0x14f: {  	s0 =	simm.s32 @!p0 $0x2  }
0x150: {  	_ =	swait.ge @!p0 [sflag:s0], s1  }
0x151: {  	s1 =	ssub.s32 @!p0 $0x0, s1;
	[sflag:s0] =	ssyncset.done @!p0 $0x0  }
0x152: {  	[sflag:s0] =	ssyncadd.s32 @!p0 s1  }
0x153: {  	[bflag:$0x3] =	sbarrier.arrive $0xFFFF  }
0x154: {  	_ =	shalt  }

// kernel: kernel.14.cloned.1.call-start
scs
__scs_entry_jumppad:
0x0: {  	(pc) =	sbr.rel $0x88, $3  }
0x1: {  	(tag) =	ssettag $0x0;
	lr =	simm.s32 $0x1  }
0x2: {  	[smem:$0x3F8F] =	sst lr;
	_ =	strace $0xD0000000  }
0x3: {  	_ = 	snop  }
0x4: {  	_ = 	snop  }
0x5: {  	_ = 	snop  }
0x6: {  	_ = 	snop  }
0x7: {  	_ = 	snop  }
__scs_overlays_trampoline_lowered:
0x8: {  	[smem:$0x3F9E] =	sst s0  }
0x9: {  	[smem:$0x3F9F] =	sst s1  }
0xa: {  	[smem:$0x3FA0] =	sst s2  }
0xb: {  	[smem:$0x3FA1] =	sst s3  }
0xc: {  	[smem:$0x3FA2] =	sst s4  }
0xd: {  	[smem:$0x3FA3] =	sst s5  }
0xe: {  	[smem:$0x3FA4] =	sst s6  }
0xf: {  	[smem:$0x3FA5] =	sst s7  }
0x10: {  	[smem:$0x3FA6] =	sst s8  }
0x11: {  	[smem:$0x3FA7] =	sst s9;
	s0 =	simm.s32 @!p0 $0x0  }
0x12: {  	s1 =	sld [smem:$0x3F8D];
	s0 =	simm.s32 @p0 $0x1  }
0x13: {  	[smem:$0x3FA8] =	sst s0;
	s0 =	simm.s32 @!p1 $0x0  }
0x14: {  	s2 =	sld [smem:$0x3F8C];
	s0 =	simm.s32 @p1 $0x1  }
0x15: {  	[smem:$0x3FA9] =	sst s0;
	s0 =	simm.s32 @!p2 $0x0  }
0x16: {  	s3 =	sld [smem:$0x3FDB];
	s0 =	simm.s32 @p2 $0x1  }
0x17: {  	s4 =	simm.s32 $0x1BF5;
	[smem:$0x3FAB] =	sst s0  }
0x18: {  	s0 =	sld [smem:$0x3F8E];
	_ =	swait.ge [sflag:s4], $0x0  }
0x19: {  	s7 =	sld [smem:$0x3F8F]  }
0x1a: {  	s8 =	sadd.s32 $0xFFFFE003, lr  }
0x1b: {  	s9 =	sadd.s32 $0xFFFFFEF7, lr;
	s5 =	simm.s32 $0xFFFFFFFF;
	p2 =	slt.u32 s8, $0xFFFFF086  }
0x1c: {  	p1 =	slt.u32 s9, $0xF7A;
	s5 =	simm.s32 @!p2 $0x0  }
0x1d: {  	s5 =	simm.s32 @p1 $0x1;
	p0 =	seq.s32 s7, s2  }
0x1e: {  	s7 =	smul.u32 @!p0 $0xF7A, s2;
	p2 =	seq.s32 @!p0 s5, $0x0  }
0x1f: {  	s9 =	smul.u32 $0xF7A, s1;
	s8 =	simm.s32 @!p0 $0x1BF5;
	p2 =	por !p2, p0  }
0x20: {  	[sflag:s8] =	ssyncset.s32 @!p0 $0xFFFFF086;
	s6 =	sadd.s32 @!p0 s3, s7;
	s7 =	simm.s32 @!p0 $0x108  }
0x21: {  	s3 =	sadd.s32 s3, s9;
	s6 =	sadd.s32 @!p0 $0x88, s6;
	s7 =	simm.s32 @p2 $0x1082  }
0x22: {  	[simem:s7], [sflag:s8] =	dma.local @!p0 [hbm:s6], $0xF7A  }
0x23: {  	s9 =	sor.u32 $0xD0000000, s2;
	s6 =	simm.s32 $0x108;
	_ =	swait.ge @!p0 [sflag:s8], $0x0  }
0x24: {  	s3 =	sadd.s32 $0x88, s3;
	s6 =	simm.s32 @!p1 $0x1082;
	[sflag:s4] =	ssyncset.s32 $0xFFFFF086  }
0x25: {  	[simem:s6], [sflag:s4] =	dma.local [hbm:s3], $0xF7A  }
0x26: {  	[smem:$0x3F8F] =	sst s1;
	(tag) =	ssettag s2;
	_ =	strace s9  }
0x27: {  	s1 =	sld [smem:$0x3F9F]  }
0x28: {  	s2 =	sld [smem:$0x3FA0]  }
0x29: {  	s4 =	sld [smem:$0x3FA2]  }
0x2a: {  	p0 =	seq.s32 s5, $0x0;
	s5 =	sld [smem:$0x3FA3]  }
0x2b: {  	s6 =	sld [smem:$0x3FA4]  }
0x2c: {  	s7 =	sld [smem:$0x3FA5]  }
0x2d: {  	s3 =	simm.s32 $0x108;
	s8 =	sld [smem:$0x3FA6]  }
0x2e: {  	s3 =	simm.s32 @!p0 $0x1082;
	s9 =	sld [smem:$0x3FA7]  }
0x2f: {  	lr =	sadd.s32 s0, s3;
	s0 =	sld [smem:$0x3F9E]  }
0x30: {  	s3 =	sld [smem:$0x3FA1]  }
0x31: {  	[smem:$0x3FAA] =	sst s10  }
0x32: {  	s10 =	sld [smem:$0x3FA8];
	_ =	sdelay $0x3  }
0x33: {  	p0 =	seq.s32 s10, $0x1;
	s10 =	sld [smem:$0x3FAA];
	_ =	sdelay $0x3  }
0x34: {  	[smem:$0x3FAA] =	sst s10  }
0x35: {  	s10 =	sld [smem:$0x3FA9];
	_ =	sdelay $0x3  }
0x36: {  	p1 =	seq.s32 s10, $0x1;
	s10 =	sld [smem:$0x3FAA];
	_ =	sdelay $0x3  }
0x37: {  	[smem:$0x3FAA] =	sst s10  }
0x38: {  	s10 =	sld [smem:$0x3FAB]  }
0x39: {  	_ = 	snop;
	(pc) =	sbr.ind lr, $3  }
0x3a: {  	_ = 	snop  }
0x3b: {  	_ = 	snop  }
0x3c: {  	p2 =	seq.s32 s10, $0x1;
	s10 =	sld [smem:$0x3FAA]  }
0x3d: {  	_ =	shalt  }
0x3e: {  	_ =	shalt  }
0x3f: {  	_ =	shalt  }
0x40: {  	_ =	shalt  }
0x41: {  	_ =	shalt  }
0x42: {  	_ =	shalt  }
0x43: {  	_ =	shalt  }
0x44: {  	_ =	shalt  }
0x45: {  	_ =	shalt  }
0x46: {  	_ =	shalt  }
0x47: {  	_ =	shalt  }
0x48: {  	_ =	shalt  }
0x49: {  	_ =	shalt  }
0x4a: {  	_ =	shalt  }
0x4b: {  	_ =	shalt  }
0x4c: {  	_ =	shalt  }
0x4d: {  	_ =	shalt  }
0x4e: {  	_ =	shalt  }
0x4f: {  	_ =	shalt  }
0x50: {  	_ =	shalt  }
0x51: {  	_ =	shalt  }
0x52: {  	_ =	shalt  }
0x53: {  	_ =	shalt  }
0x54: {  	_ =	shalt  }
0x55: {  	_ =	shalt  }
0x56: {  	_ =	shalt  }
0x57: {  	_ =	shalt  }
0x58: {  	_ =	shalt  }
0x59: {  	_ =	shalt  }
0x5a: {  	_ =	shalt  }
0x5b: {  	_ =	shalt  }
0x5c: {  	_ =	shalt  }
0x5d: {  	_ =	shalt  }
0x5e: {  	_ =	shalt  }
0x5f: {  	_ =	shalt  }
0x60: {  	_ =	shalt  }
0x61: {  	_ =	shalt  }
0x62: {  	_ =	shalt  }
0x63: {  	_ =	shalt  }
0x64: {  	_ =	shalt  }
0x65: {  	_ =	shalt  }
0x66: {  	_ =	shalt  }
0x67: {  	_ =	shalt  }
0x68: {  	_ =	shalt  }
0x69: {  	_ =	shalt  }
0x6a: {  	_ =	shalt  }
0x6b: {  	_ =	shalt  }
0x6c: {  	_ =	shalt  }
0x6d: {  	_ =	shalt  }
0x6e: {  	_ =	shalt  }
0x6f: {  	_ =	shalt  }
0x70: {  	_ =	shalt  }
0x71: {  	_ =	shalt  }
0x72: {  	_ =	shalt  }
0x73: {  	_ =	shalt  }
0x74: {  	_ =	shalt  }
0x75: {  	_ =	shalt  }
0x76: {  	_ =	shalt  }
0x77: {  	_ =	shalt  }
0x78: {  	_ =	shalt  }
0x79: {  	_ =	shalt  }
0x7a: {  	_ =	shalt  }
0x7b: {  	_ =	shalt  }
0x7c: {  	_ =	shalt  }
0x7d: {  	_ =	shalt  }
0x7e: {  	_ =	shalt  }
0x7f: {  	_ =	shalt  }
0x80: {  	_ =	shalt  }
0x81: {  	_ =	shalt  }
0x82: {  	_ =	shalt  }
0x83: {  	_ =	shalt  }
0x84: {  	_ =	shalt  }
0x85: {  	_ =	shalt  }
0x86: {  	_ =	shalt  }
0x87: {  	_ =	shalt  }
.Lfunc_end0:
.L_simem_size_0:
called_computation.1_lowered:
.L_overlay_start_0:
0x88: {  	s2 =	sld [smem:$0x3FD9]  }
0x89: {  	s3 =	sld [smem:$0x3FFE];
	_ =	sdelay $0x1  }
0x8a: {  	s1 =	srdreg.scid  }
0x8b: {  	s0 =	sand.u32 $0x1, s1  }
0x8c: {  	s17 =	sshll.u32 s0, $0xA;
	s2 =	sadd.s32 s3, s2  }
0x8d: {  	s2 =	sadd.s32 s2, s17  }
0x8e: {  	[smem:$0x3FB6] =	sst s2  }
0x8f: {  	_ = 	snop  }
0x90: {  	(tm) =	ssettm $0x1  }
0x91: {  	s18 =	sld [smem:$0x3FFB];
	_ =	sdelay $0x3  }
0x92: {  	_ =	strace s18  }
0x93: {  	s2 =	sld [smem:$0x3FFC];
	_ =	sdelay $0x3  }
0x94: {  	_ =	strace s2  }
0x95: {  	s2 =	sld [smem:$0x3FFD];
	_ =	sdelay $0x3  }
0x96: {  	_ =	strace s2  }
0x97: {  	_ =	strace $0x8FFFFFFF  }
0x98: {  	s19 =	sld [smem:$0x3FDB];
	_ =	sdelay $0x1  }
0x99: {  	s20 =	simm.s32 $_scs_section_size  }
0x9a: {  	s4 =	simm.s32 $_size__tile_overlayer_lowered;
	s5 =	simm.s32 $_tile_overlayer_lowered  }
0x9b: {  	s6 =	simm.s32 $0x1BFF;
	s21 =	sshll.u32 s5, $0x1;
	s3 =	sadd.s32 s20, s19  }
0x9c: {  	s22 =	simm.s32 $0x0;
	s4 =	sshll.u32 s4, $0x1;
	s5 =	sadd.s32 s21, s3  }
0x9d: {  	[timem:s22], [sflag:s6] =	dma.local [hbm:s5], s4  }
0x9e: {  	_ =	swait.ge [sflag:s6], s4  }
0x9f: {  	s4 =	ssub.s32 $0x0, s4;
	[sflag:s6] =	ssyncset.done $0x0  }
0xa0: {  	[sflag:s6] =	ssyncadd.s32 s4;
	_ =	sdelay $0x1  }
0xa1: {  	s23 =	simm.s32 $0x1B8B  }
0xa2: {  	_ =	swait.ge [sflag:s23], $0x1  }
0xa3: {  	[sflag:s23] =	ssyncset.done $0x0  }
0xa4: {  	[sflag:s23] =	ssyncadd.s32 $0xFFFFFFFF  }
0xa5: {  	s4 =	sld [smem:$0x0]  }
0xa6: {  	s5 =	sand.u32 $0xFFFFFFFE, s1  }
0xa7: {  	p0 =	sne.s32 s1, s5  }
0xa8: {  	s5 =	sshll.u32 @p0 s5, $0xE  }
0xa9: {  	s5 =	sadd.s32 @p0 $0x11B8D, s5;
	s6 =	sshll.u32 @p0 s4, $0x11  }
0xaa: {  	s5 =	sor.u32 @p0 s6, s5  }
0xab: {  	[sflag:s5] =	ssyncadd.remote.s32 @p0 $0x1;
	_ =	sdelay $0x1  }
0xac: {  	s5 =	simm.s32 @p0 $0x1B8D  }
0xad: {  	_ =	swait.eq @p0 [sflag:s5], $0x1  }
0xae: {  	[sflag:s5] =	ssyncadd.s32 @p0 $0xFFFFFFFF  }
0xaf: {  	s6 =	sshll.u32 @!p0 s1, $0xE  }
0xb0: {  	s6 =	sor.u32 @!p0 $0x4000, s6;
	s5 =	simm.s32 @!p0 $0x1B8D  }
0xb1: {  	s4 =	sshll.u32 @!p0 s4, $0x11;
	s6 =	sadd.s32 @!p0 $0x11B8D, s6;
	_ =	swait.eq @!p0 [sflag:s5], $0x1  }
0xb2: {  	s4 =	sor.u32 @!p0 s4, s6;
	[sflag:s5] =	ssyncadd.s32 @!p0 $0xFFFFFFFF  }
0xb3: {  	s25 =	simm.s32 $0x1B8E;
	s24 =	sld [smem:$0x3FFE];
	[sflag:s4] =	ssyncadd.remote.s32 @!p0 $0x1  }
0xb4: {  	s26 =	simm.s32 $execute0_lowered;
	[smem:$0x3FD2] =	sst s25  }
0xb5: {  	s5 =	sshll.u32 s26, $0x1;
	_ =	strace $0x8000004C;
	[dreg:$0x1] =	wrdreg $0xFFFFFFFF  }
0xb6: {  	s28 =	simm.s32 $_size_execute0_lowered;
	s3 =	sadd.s32 s3, s5;
	[dreg:$0x0] =	wrdreg $0x0  }
0xb7: {  	s5 =	sshll.u32 s28, $0x1;
	[dreg:$0x2] =	wrdreg s3  }
0xb8: {  	[dreg:$0x3] =	wrdreg s5  }
0xb9: {  	[dreg:$0x4] =	wrdreg $0xC0  }
0xba: {  	_ =	task [dreg:s22], $0x5FFFF  }
0xbb: {  	[dreg:$0x1] =	wrdreg $0xFFFFFFFF  }
0xbc: {  	[dreg:$0x0] =	wrdreg $0x60  }
0xbd: {  	[dreg:$0x2] =	wrdreg s24  }
0xbe: {  	[dreg:$0x3] =	wrdreg $0x9  }
0xbf: {  	_ =	task.clear_ibuf [dreg:s22], $0x4FFFF;
	_ =	strace $0x9000004C  }
0xc0: {  	s29 =	simm.s32 $0x9;
	_ =	strace $0x8000004E  }
0xc1: {  	_ =	swait.ge [sflag:s29], $0x1  }
0xc2: {  	[sflag:s29] =	ssyncadd.s32 $0xFFFFFFFF  }
0xc3: {  	_ =	strace $0x9000004E  }
0xc4: {  	_ =	sfence  }
0xc5: {  	s30 =	sld [smem:$0x0];
	_ =	sdelay $0x2  }
0xc6: {  	s31 =	sshll.u32 s1, $0xD;
	s1 =	sshrl.u32 s1, $0x2  }
0xc7: {  	s4 =	sand.u32 $0x4000, s31;
	s1 =	sadd.s32 s1, s30  }
0xc8: {  	s0 =	sor.u32 s4, s0;
	s1 =	sshll.u32 s1, $0x11  }
0xc9: {  	s0 =	sor.u32 s1, s0  }
0xca: {  	s0 =	sadd.s32 $0x8F2B, s0  }
0xcb: {  	[sflag:s0] =	ssyncadd.remote.s32 $0x1  }
0xcc: {  	_ =	sfence.sel $0xFFFF  }
0xcd: {  	[dreg:$0x0] =	wrdreg $0xFFFFFFFF;
	(pc) =	sbr.abs _section_cstart, $3  }
0xce: {  	[dreg:$0x1] =	wrdreg $0xFFFFFFFF  }
0xcf: {  	_ =	task.clear_ibuf [dreg:s22], $0x2FFFF;
	_ =	strace $0x9FFFFFFF  }
0xd0: {  	(tm) =	ssettm $0x7FFFFFFF  }
0xd1: {  	_ =	shalt  }
tec
execute0_lowered:
.L_overlay_start_1:
0x0: {  	(tag) =	ssettag $0x1  }
0x1: {  	s1 =	srdreg.scid  }
0x2: {  	s0 =	stileid.u32;
	s4 =	rddreg [dreg:$0x0]  }
0x3: {  	s2 =	simm.s32 $0x0;
	s9 =	simm.s32 $0x11170;
	s10 =	simm.s32 $0x1  }
0x4: {  	s11 =	simm.s32 $0x4E20;
	s3 =	sand.u32 $0x1, s1;
	s31 =	sshll.u32 s0, $0x1  }
0x5: {  	s12 =	simm.s32 $0x0;
	s1 =	rddreg [dreg:$0x1];
	s5 =	sor.u32 s3, s31  }
0x6: {  	[smem:$0x7FF] =	sst s2;
	s7 =	ssub.s32 $0x2, s3;
	s6 =	smul.u32 $0x9C4, s5  }
0x7: {  	_ =	strace $0x8000004D;
	s5 =	smul.u32 $0x1388, s5;
	s8 =	sshrl.u32 s7, $0x1  }
0x8: {  	s3 =	sadd.s32 $0x5F600, s4;
	s7 =	ssub.s32 s7, s8;
	s6 =	sadd.s32 s6, s4  }
0x9: {  	s8 =	simm.s32 $0xEA60;
	s5 =	sadd.s32 s5, s4;
	s4 =	sadd.s32 $0x4BC00, s6  }
0xa: {  	v0 =	vimm.f32 $0.0e+00;
	s5 =	sadd.s32 $0x69400, s5;
	s6 =	smax.u32 s7, $0x1;
	s7 =	simm.s32 $0x2  }
.LBB2_1:
0xb: {  	[tilespmem:s2], [sflag:$0x2] =	stream.linear.gather [hbm4b:s4+s2], $0x4E20, $0x38;
	[tilespmem:$0x13880] =	vst v63  }
0xc: {  	_ =	swait.ge [sflag:s7], $0x4E20  }
0xd: {  	[sflag:s7] =	ssyncset.done $0x0  }
0xe: {  	s14 =	simm.s32 $0x40;
	s13 =	simm.s32 $0x0;
	[sflag:s7] =	ssyncadd.s32 $0xFFFFB1E0  }
.LBB2_2:
0xf: {  	p0 =	sne.s32 s14, $0x9C00;
	[tilespmem:s13+$0xC350] =	vst v0;
	s15 =	smov.u32 s14;
	s14 =	sadd.s32 $0x40, s14  }
.Ltmp0:
0x10: {  	[tilespmem:s13+$0x9C40] =	vst v0;
	(pc) =	sbr.rel @p0 .LBB2_2-.Ltmp0, $3  }
0x11: {  	[tilespmem:s13+$0x4E20] =	vst v0  }
0x12: {  	[tilespmem:s13+$0x7530] =	vst v0;
	_ =	sdelay $0x1  }
0x13: {  	s13 =	sshra.s32 s15, $0x2  }
0x14: {  	[tilespmem:s13+$0xC350] =	vst v0  }
0x15: {  	[tilespmem:s13+$0x9C40] =	vst v0  }
0x16: {  	[tilespmem:s13+$0x4E20] =	vst v0  }
0x17: {  	[tilespmem:s13+$0x7530] =	vst v0;
	s13 =	simm.s32 $0x0  }
0x18: {  	[tilespmem:s8], [sflag:$0x1] =	stream.linear.gather [hbm4b:s3+s13], $0x2710, $0x38;
	[tilespmem:$0x13880] =	vst v63  }
.LBB2_4:
0x19: {  	s14 =	smul.u32 $0x4E20, s13;
	_ =	sdelay $0x1  }
0x1a: {  	s15 =	sshrl.u32 s14, $0x3  }
0x1b: {  	s15 =	sadd.s32 s3, s15  }
0x1c: {  	s15 =	sadd.s32 $0x4E2, s15  }
0x1d: {  	[tilespmem:s9], [sflag:$0x1] =	stream.linear.gather [hbm4b:s15+s2], $0x2710, $0x38;
	[tilespmem:$0x13880] =	vst v63  }
0x1e: {  	_ =	swait.ge [sflag:s10], $0x2710  }
0x1f: {  	[sflag:s10] =	ssyncset.done $0x0  }
0x20: {  	s31 =	simm.s32 $0xEAA0;
	[sflag:s10] =	ssyncadd.s32 $0xFFFFD8F0  }
0x21: {  	v1 =	vld [tilespmem:s31+$0x30]  }
0x22: {  	v2 =	vld [tilespmem:s31+$0xFFFFFFD0]  }
0x23: {  	v3 =	vld [tilespmem:s31+$0xFFFFFFE0]  }
0x24: {  	v4 =	vld [tilespmem:s31+$0xFFFFFFF0]  }
0x25: {  	v5 =	vld [tilespmem:s31+$0x0]  }
0x26: {  	v6 =	vld [tilespmem:s31+$0x10];
	v7 =	vand.u32 $0xFFFF, v1  }
0x27: {  	v12 =	vld [tilespmem:s31+$0xFFFFFFC0];
	v8 =	vand.u32 $0xFFFF, v2  }
0x28: {  	v9 =	vld [tilespmem:s31+$0x20];
	v10 =	vand.u32 $0xFFFF, v3  }
0x29: {  	v11 =	vand.u32 $0xFFFF, v4  }
0x2a: {  	v13 =	vand.u32 $0xFFFF, v5  }
0x2b: {  	v14 =	vand.u32 $0xFFFF, v6;
	v15 =	vld.idx.msk [tilespmem:v7+s2+$0x0], $0xffff  }
0x2c: {  	v22 =	vand.u32 $0xFFFF, v12;
	v16 =	vld.idx.msk [tilespmem:v8+s2+$0x0], $0xffff  }
0x2d: {  	v17 =	vand.u32 $0xFFFF, v9;
	v18 =	vld.idx.msk [tilespmem:v10+s2+$0x0], $0xffff  }
0x2e: {  	v1 =	vshrl.u32 v1, $0x10;
	v19 =	vld.idx.msk [tilespmem:v11+s2+$0x0], $0xffff  }
0x2f: {  	v2 =	vshrl.u32 v2, $0x10;
	v21 =	vld.idx.msk [tilespmem:v13+s2+$0x0], $0xffff  }
0x30: {  	v3 =	vshrl.u32 v3, $0x10;
	v23 =	vld.idx.msk [tilespmem:v14+s2+$0x0], $0xffff  }
0x31: {  	v4 =	vshrl.u32 v4, $0x10;
	v35 =	vld.idx.msk [tilespmem:v22+s2+$0x0], $0xffff  }
0x32: {  	v12 =	vshrl.u32 v12, $0x10;
	v24 =	vld.idx.msk [tilespmem:v17+s2+$0x0], $0xffff;
	v25 =	vshll.u32 v15, $0x10  }
0x33: {  	v5 =	vshrl.u32 v5, $0x10;
	v34 =	vshll.u32 v16, $0x10;
	[tilespmem:v1+s11+$0x0] =	vst.idx.add.f32.msk $0xffff, v25  }
0x34: {  	v20 =	vadd.s32 $0x2710, v1;
	v27 =	vshll.u32 v18, $0x10;
	[tilespmem:v2+s11+$0x0] =	vst.idx.add.f32.msk $0xffff, v34  }
0x35: {  	v26 =	vadd.s32 $0x2710, v2;
	v39 =	vshll.u32 v19, $0x10;
	[tilespmem:v3+s11+$0x0] =	vst.idx.add.f32.msk $0xffff, v27  }
0x36: {  	v33 =	vadd.s32 $0x2710, v3;
	v43 =	vshll.u32 v35, $0x10;
	[tilespmem:v4+s11+$0x0] =	vst.idx.add.f32.msk $0xffff, v39  }
0x37: {  	v7 =	vadd.s32 $0x2710, v7;
	v44 =	vshll.u32 v21, $0x10;
	[tilespmem:v12+s11+$0x0] =	vst.idx.add.f32.msk $0xffff, v43  }
0x38: {  	v8 =	vadd.s32 $0x2710, v8;
	v15 =	vand.u32 $0xFFFF0000, v15;
	[tilespmem:v5+s11+$0x0] =	vst.idx.add.f32.msk $0xffff, v44  }
0x39: {  	v40 =	vadd.s32 $0x2710, v4;
	v16 =	vand.u32 $0xFFFF0000, v16;
	[tilespmem:v20+s11+$0x0] =	vst.idx.add.f32.msk $0xffff, v15  }
0x3a: {  	v10 =	vadd.s32 $0x2710, v10;
	v37 =	vand.u32 $0xFFFF0000, v18;
	[tilespmem:v26+s11+$0x0] =	vst.idx.add.f32.msk $0xffff, v16  }
0x3b: {  	v42 =	vadd.s32 $0x2710, v5;
	[tilespmem:v33+s11+$0x0] =	vst.idx.add.f32.msk $0xffff, v37  }
0x3c: {  	v13 =	vadd.s32 $0x2710, v13;
	v7 =	vld.idx.msk [tilespmem:v7+s2+$0x0], $0xffff  }
0x3d: {  	v36 =	vadd.s32 $0x4E20, v1;
	v19 =	vand.u32 $0xFFFF0000, v19;
	v8 =	vld.idx.msk [tilespmem:v8+s2+$0x0], $0xffff  }
0x3e: {  	v55 =	vadd.s32 $0x4E20, v2;
	[tilespmem:v40+s11+$0x0] =	vst.idx.add.f32.msk $0xffff, v19  }
0x3f: {  	v46 =	vand.u32 $0xFFFF0000, v21;
	v1 =	vadd.s32 $0x7530, v1;
	v10 =	vld.idx.msk [tilespmem:v10+s2+$0x0], $0xffff  }
0x40: {  	v56 =	vadd.s32 $0x4E20, v3;
	[tilespmem:v42+s11+$0x0] =	vst.idx.add.f32.msk $0xffff, v46  }
0x41: {  	v2 =	vadd.s32 $0x7530, v2;
	v13 =	vld.idx.msk [tilespmem:v13+s2+$0x0], $0xffff;
	v41 =	vshll.u32 v7, $0x10  }
0x42: {  	v38 =	vadd.s32 $0x2710, v12;
	v59 =	vshll.u32 v8, $0x10;
	[tilespmem:v36+s11+$0x0] =	vst.idx.add.f32.msk $0xffff, v41  }
0x43: {  	v3 =	vadd.s32 $0x7530, v3;
	v7 =	vand.u32 $0xFFFF0000, v7;
	[tilespmem:v55+s11+$0x0] =	vst.idx.add.f32.msk $0xffff, v59  }
0x44: {  	v61 =	vshll.u32 v10, $0x10;
	[tilespmem:v1+s11+$0x0] =	vst.idx.add.f32.msk $0xffff, v7;
	v1 =	vshrl.u32 v6, $0x10  }
0x45: {  	v8 =	vand.u32 $0xFFFF0000, v8;
	[tilespmem:v56+s11+$0x0] =	vst.idx.add.f32.msk $0xffff, v61;
	v7 =	vadd.s32 $0x2710, v1  }
0x46: {  	v47 =	vadd.s32 $0x2710, v22;
	v6 =	vand.u32 $0xFFFF0000, v35;
	[tilespmem:v2+s11+$0x0] =	vst.idx.add.f32.msk $0xffff, v8  }
0x47: {  	v60 =	vadd.s32 $0x4E20, v5;
	v2 =	vadd.s32 $0x7530, v5;
	v5 =	vand.u32 $0xFFFF0000, v10;
	[tilespmem:v38+s11+$0x0] =	vst.idx.add.f32.msk $0xffff, v6  }
0x48: {  	v48 =	vshll.u32 v23, $0x10;
	v6 =	vshrl.u32 v9, $0x10;
	[tilespmem:v3+s11+$0x0] =	vst.idx.add.f32.msk $0xffff, v5  }
0x49: {  	v52 =	vadd.s32 $0x2710, v14;
	v49 =	vand.u32 $0xFFFF0000, v23;
	[tilespmem:v1+s11+$0x0] =	vst.idx.add.f32.msk $0xffff, v48  }
0x4a: {  	[tilespmem:v7+s11+$0x0] =	vst.idx.add.f32.msk $0xffff, v49;
	v7 =	vadd.s32 $0x2710, v11  }
0x4b: {  	v3 =	vshll.u32 v13, $0x10;
	v45 =	vadd.s32 $0x2710, v6;
	v9 =	vld.idx.msk [tilespmem:v47+s2+$0x0], $0xffff  }
0x4c: {  	v53 =	vadd.s32 $0x2710, v17;
	v50 =	vshll.u32 v24, $0x10;
	[tilespmem:v60+s11+$0x0] =	vst.idx.add.f32.msk $0xffff, v3  }
0x4d: {  	v54 =	vadd.s32 $0x4E20, v12;
	[tilespmem:v6+s11+$0x0] =	vst.idx.add.f32.msk $0xffff, v50  }
0x4e: {  	v12 =	vadd.s32 $0x7530, v12;
	v11 =	vld.idx.msk [tilespmem:v52+s2+$0x0], $0xffff  }
0x4f: {  	v51 =	vand.u32 $0xFFFF0000, v24;
	v62 =	vadd.s32 $0x4E20, v1;
	v7 =	vld.idx.msk [tilespmem:v7+s2+$0x0], $0xffff  }
0x50: {  	v58 =	vadd.s32 $0x4E20, v4;
	[tilespmem:v45+s11+$0x0] =	vst.idx.add.f32.msk $0xffff, v51  }
0x51: {  	v5 =	vadd.s32 $0x7530, v1;
	v57 =	vshll.u32 v9, $0x10;
	v14 =	vld.idx.msk [tilespmem:v53+s2+$0x0], $0xffff  }
0x52: {  	v4 =	vadd.s32 $0x7530, v4;
	v9 =	vand.u32 $0xFFFF0000, v9;
	[tilespmem:v54+s11+$0x0] =	vst.idx.add.f32.msk $0xffff, v57  }
0x53: {  	[tilespmem:v12+s11+$0x0] =	vst.idx.add.f32.msk $0xffff, v9;
	v3 =	vshll.u32 v11, $0x10  }
0x54: {  	[tilespmem:v62+s11+$0x0] =	vst.idx.add.f32.msk $0xffff, v3;
	v63 =	vshll.u32 v7, $0x10  }
0x55: {  	v1 =	vand.u32 $0xFFFF0000, v7;
	v7 =	vand.u32 $0xFFFF0000, v11;
	[tilespmem:v58+s11+$0x0] =	vst.idx.add.f32.msk $0xffff, v63  }
0x56: {  	[tilespmem:v5+s11+$0x0] =	vst.idx.add.f32.msk $0xffff, v7  }
0x57: {  	v3 =	vand.u32 $0xFFFF0000, v14;
	[tilespmem:v4+s11+$0x0] =	vst.idx.add.f32.msk $0xffff, v1;
	v1 =	vand.u32 $0xFFFF0000, v13  }
0x58: {  	s16 =	simm.s32 $0xEB20;
	s15 =	simm.s32 $0x0;
	v4 =	vshll.u32 v14, $0x10;
	[tilespmem:v2+s11+$0x0] =	vst.idx.add.f32.msk $0xffff, v1;
	v2 =	vadd.s32 $0x4E20, v6;
	v1 =	vadd.s32 $0x7530, v6  }
.LBB2_5:
0x59: {  	v5 =	vld [tilespmem:s16+$0x30]  }
0x5a: {  	v6 =	vld [tilespmem:s16+$0xFFFFFFD0]  }
0x5b: {  	s15 =	sadd.s32 $0x8, s15;
	v7 =	vld [tilespmem:s16+$0xFFFFFFE0]  }
0x5c: {  	p0 =	slt.u32 s15, $0x268;
	v8 =	vld [tilespmem:s16+$0xFFFFFFF0]  }
0x5d: {  	v9 =	vld [tilespmem:s16+$0x0]  }
0x5e: {  	v10 =	vld [tilespmem:s16+$0x10];
	v11 =	vand.u32 $0xFFFF, v5  }
0x5f: {  	v12 =	vshrl.u32 v6, $0x10;
	v6 =	vand.u32 $0xFFFF, v6;
	v13 =	vld [tilespmem:s16+$0x20]  }
0x60: {  	v14 =	vld [tilespmem:s16+$0xFFFFFFC0];
	v15 =	vadd.s32 $0x2710, v12;
	v16 =	vshrl.u32 v7, $0x10;
	v7 =	vand.u32 $0xFFFF, v7  }
0x61: {  	v17 =	vadd.s32 $0x2710, v16;
	v18 =	vshrl.u32 v8, $0x10;
	v8 =	vand.u32 $0xFFFF, v8;
	[tilespmem:v2+s11+$0x0] =	vst.idx.add.f32.msk $0xffff, v4  }
0x62: {  	v4 =	vadd.s32 $0x2710, v18;
	v19 =	vshrl.u32 v9, $0x10;
	v2 =	vand.u32 $0xFFFF, v9;
	[tilespmem:v1+s11+$0x0] =	vst.idx.add.f32.msk $0xffff, v3  }
0x63: {  	v3 =	vadd.s32 $0x2710, v19;
	v9 =	vshrl.u32 v10, $0x10;
	v1 =	vand.u32 $0xFFFF, v10;
	v10 =	vld.idx.msk [tilespmem:v11+s2+$0x0], $0xffff  }
0x64: {  	v20 =	vld.idx.msk [tilespmem:v6+s2+$0x0], $0xffff;
	v21 =	vadd.s32 $0x2710, v9;
	v22 =	vshrl.u32 v13, $0x10;
	v13 =	vand.u32 $0xFFFF, v13  }
0x65: {  	v5 =	vshrl.u32 v5, $0x10;
	v23 =	vshrl.u32 v14, $0x10;
	v14 =	vand.u32 $0xFFFF, v14;
	v24 =	vld.idx.msk [tilespmem:v7+s2+$0x0], $0xffff  }
0x66: {  	v28 =	vadd.s32 $0x2710, v5;
	v27 =	vadd.s32 $0x2710, v22;
	v25 =	vadd.s32 $0x2710, v23;
	v26 =	vld.idx.msk [tilespmem:v8+s2+$0x0], $0xffff  }
0x67: {  	v11 =	vadd.s32 $0x2710, v11;
	v6 =	vadd.s32 $0x2710, v6;
	v29 =	vadd.s32 $0x2710, v14;
	v30 =	vld.idx.msk [tilespmem:v2+s2+$0x0], $0xffff  }
0x68: {  	v31 =	vadd.s32 $0x2710, v2;
	v7 =	vadd.s32 $0x2710, v7;
	v8 =	vadd.s32 $0x2710, v8;
	v2 =	vld.idx.msk [tilespmem:v1+s2+$0x0], $0xffff  }
0x69: {  	v32 =	vadd.s32 $0x2710, v1;
	v33 =	vshll.u32 v10, $0x10;
	v1 =	vld.idx.msk [tilespmem:v13+s2+$0x0], $0xffff;
	v13 =	vadd.s32 $0x2710, v13  }
0x6a: {  	v10 =	vand.u32 $0xFFFF0000, v10;
	v34 =	vshll.u32 v20, $0x10;
	v20 =	vand.u32 $0xFFFF0000, v20;
	[tilespmem:v5+s11+$0x0] =	vst.idx.add.f32.msk $0xffff, v33  }
0x6b: {  	v33 =	vadd.s32 $0x4E20, v23;
	v35 =	vshll.u32 v24, $0x10;
	v24 =	vand.u32 $0xFFFF0000, v24;
	[tilespmem:v28+s11+$0x0] =	vst.idx.add.f32.msk $0xffff, v10  }
0x6c: {  	v10 =	vadd.s32 $0x7530, v23;
	v28 =	vshll.u32 v26, $0x10;
	v26 =	vand.u32 $0xFFFF0000, v26;
	v11 =	vld.idx.msk [tilespmem:v11+s2+$0x0], $0xffff  }
0x6d: {  	v36 =	vadd.s32 $0x4E20, v12;
	v37 =	vshll.u32 v30, $0x10;
	v30 =	vand.u32 $0xFFFF0000, v30;
	v14 =	vld.idx.msk [tilespmem:v14+s2+$0x0], $0xffff  }
0x6e: {  	v38 =	vand.u32 $0xFFFF0000, v2;
	[tilespmem:v12+s11+$0x0] =	vst.idx.add.f32.msk $0xffff, v34;
	v34 =	vshll.u32 v2, $0x10;
	v2 =	vadd.s32 $0x4E20, v5  }
0x6f: {  	v5 =	vadd.s32 $0x7530, v5;
	[tilespmem:v15+s11+$0x0] =	vst.idx.add.f32.msk $0xffff, v20;
	v15 =	vshll.u32 v1, $0x10;
	v20 =	vand.u32 $0xFFFF0000, v1  }
0x70: {  	v12 =	vadd.s32 $0x7530, v12;
	[tilespmem:v16+s11+$0x0] =	vst.idx.add.f32.msk $0xffff, v35;
	v35 =	vadd.s32 $0x4E20, v16;
	v16 =	vadd.s32 $0x7530, v16  }
0x71: {  	v39 =	vadd.s32 $0x4E20, v19;
	[tilespmem:v17+s11+$0x0] =	vst.idx.add.f32.msk $0xffff, v24;
	v17 =	vadd.s32 $0x4E20, v18;
	v24 =	vadd.s32 $0x7530, v18  }
0x72: {  	v1 =	vshll.u32 v11, $0x10;
	[tilespmem:v18+s11+$0x0] =	vst.idx.add.f32.msk $0xffff, v28;
	v18 =	vadd.s32 $0x7530, v19;
	v28 =	vadd.s32 $0x4E20, v9  }
0x73: {  	v11 =	vand.u32 $0xFFFF0000, v11;
	v40 =	vshll.u32 v14, $0x10;
	v14 =	vand.u32 $0xFFFF0000, v14;
	[tilespmem:v2+s11+$0x0] =	vst.idx.add.f32.msk $0xffff, v1  }
0x74: {  	v41 =	vadd.s32 $0x7530, v9;
	v2 =	vadd.s32 $0x4E20, v22;
	v1 =	vadd.s32 $0x7530, v22;
	[tilespmem:v5+s11+$0x0] =	vst.idx.add.f32.msk $0xffff, v11  }
0x75: {  	[tilespmem:v23+s11+$0x0] =	vst.idx.add.f32.msk $0xffff, v40  }
0x76: {  	[tilespmem:v25+s11+$0x0] =	vst.idx.add.f32.msk $0xffff, v14  }
0x77: {  	[tilespmem:v4+s11+$0x0] =	vst.idx.add.f32.msk $0xffff, v26  }
0x78: {  	[tilespmem:v19+s11+$0x0] =	vst.idx.add.f32.msk $0xffff, v37  }
0x79: {  	[tilespmem:v3+s11+$0x0] =	vst.idx.add.f32.msk $0xffff, v30  }
0x7a: {  	[tilespmem:v9+s11+$0x0] =	vst.idx.add.f32.msk $0xffff, v34  }
0x7b: {  	[tilespmem:v21+s11+$0x0] =	vst.idx.add.f32.msk $0xffff, v38  }
0x7c: {  	[tilespmem:v22+s11+$0x0] =	vst.idx.add.f32.msk $0xffff, v15  }
0x7d: {  	[tilespmem:v27+s11+$0x0] =	vst.idx.add.f32.msk $0xffff, v20  }
0x7e: {  	v3 =	vld.idx.msk [tilespmem:v29+s2+$0x0], $0xffff  }
0x7f: {  	v4 =	vld.idx.msk [tilespmem:v6+s2+$0x0], $0xffff  }
0x80: {  	v5 =	vld.idx.msk [tilespmem:v7+s2+$0x0], $0xffff  }
0x81: {  	v6 =	vld.idx.msk [tilespmem:v8+s2+$0x0], $0xffff  }
0x82: {  	v7 =	vld.idx.msk [tilespmem:v31+s2+$0x0], $0xffff  }
0x83: {  	v8 =	vld.idx.msk [tilespmem:v32+s2+$0x0], $0xffff  }
0x84: {  	v9 =	vshll.u32 v3, $0x10;
	v3 =	vand.u32 $0xFFFF0000, v3;
	v11 =	vld.idx.msk [tilespmem:v13+s2+$0x0], $0xffff  }
0x85: {  	[tilespmem:v33+s11+$0x0] =	vst.idx.add.f32.msk $0xffff, v9;
	v9 =	vshll.u32 v4, $0x10;
	v4 =	vand.u32 $0xFFFF0000, v4  }
0x86: {  	[tilespmem:v10+s11+$0x0] =	vst.idx.add.f32.msk $0xffff, v3;
	v3 =	vshll.u32 v5, $0x10;
	v5 =	vand.u32 $0xFFFF0000, v5  }
0x87: {  	[tilespmem:v36+s11+$0x0] =	vst.idx.add.f32.msk $0xffff, v9;
	v9 =	vshll.u32 v6, $0x10;
	v6 =	vand.u32 $0xFFFF0000, v6  }
0x88: {  	v10 =	vshll.u32 v7, $0x10;
	v7 =	vand.u32 $0xFFFF0000, v7;
	[tilespmem:v12+s11+$0x0] =	vst.idx.add.f32.msk $0xffff, v4  }
0x89: {  	v12 =	vshll.u32 v8, $0x10;
	v8 =	vand.u32 $0xFFFF0000, v8;
	[tilespmem:v35+s11+$0x0] =	vst.idx.add.f32.msk $0xffff, v3  }
0x8a: {  	v4 =	vshll.u32 v11, $0x10;
	v3 =	vand.u32 $0xFFFF0000, v11;
	[tilespmem:v16+s11+$0x0] =	vst.idx.add.f32.msk $0xffff, v5  }
0x8b: {  	[tilespmem:v17+s11+$0x0] =	vst.idx.add.f32.msk $0xffff, v9  }
.Ltmp1:
0x8c: {  	[tilespmem:v24+s11+$0x0] =	vst.idx.add.f32.msk $0xffff, v6;
	(pc) =	sbr.rel @p0 .LBB2_5-.Ltmp1, $4  }
0x8d: {  	[tilespmem:v39+s11+$0x0] =	vst.idx.add.f32.msk $0xffff, v10  }
0x8e: {  	[tilespmem:v18+s11+$0x0] =	vst.idx.add.f32.msk $0xffff, v7  }
0x8f: {  	[tilespmem:v28+s11+$0x0] =	vst.idx.add.f32.msk $0xffff, v12  }
0x90: {  	s16 =	sadd.s32 $0x80, s16;
	[tilespmem:v41+s11+$0x0] =	vst.idx.add.f32.msk $0xffff, v8  }
0x91: {  	_ =	sdelay $0x3  }
0x92: {  	[tilespmem:v2+s11+$0x0] =	vst.idx.add.f32.msk $0xffff, v4  }
0x93: {  	[tilespmem:v1+s11+$0x0] =	vst.idx.add.f32.msk $0xffff, v3  }
0x94: {  	v1 =	vld [tilespmem:$0x11160];
	_ =	sdelay $0x4  }
0x95: {  	v2 =	vand.u32 $0xFFFF, v1;
	_ =	sdelay $0x4  }
0x96: {  	v3 =	vld.idx.msk [tilespmem:v2+s2+$0x0], $0xffff  }
0x97: {  	v1 =	vshrl.u32 v1, $0x10  }
0x98: {  	v4 =	vadd.s32 $0x2710, v1  }
0x99: {  	v2 =	vadd.s32 $0x2710, v2;
	_ =	sdelay $0x1  }
0x9a: {  	v5 =	vshll.u32 v3, $0x10  }
0x9b: {  	v3 =	vand.u32 $0xFFFF0000, v3;
	[tilespmem:v1+s11+$0x0] =	vst.idx.add.f32.msk $0xffff, v5  }
0x9c: {  	[tilespmem:v4+s11+$0x0] =	vst.idx.add.f32.msk $0xffff, v3  }
0x9d: {  	v2 =	vld.idx.msk [tilespmem:v2+s2+$0x0], $0xffff  }
0x9e: {  	v3 =	vadd.s32 $0x4E20, v1  }
0x9f: {  	v1 =	vadd.s32 $0x7530, v1;
	_ =	sdelay $0x1  }
0xa0: {  	p0 =	seq.s32 s13, $0xF  }
0xa1: {  	s14 =	sshrl.u32 @!p0 s14, $0x3;
	v4 =	vshll.u32 v2, $0x10  }
0xa2: {  	s14 =	sadd.s32 @!p0 s3, s14;
	v2 =	vand.u32 $0xFFFF0000, v2;
	[tilespmem:v3+s11+$0x0] =	vst.idx.add.f32.msk $0xffff, v4  }
0xa3: {  	s15 =	simm.s32 @!p0 $0x0;
	s16 =	simm.s32 @!p0 $0xEA60;
	s14 =	sadd.s32 @!p0 $0x9C4, s14;
	[tilespmem:v1+s11+$0x0] =	vst.idx.add.f32.msk $0xffff, v2  }
0xa4: {  	[tilespmem:s16], [sflag:$0x1] =	stream.linear.gather @!p0 [hbm4b:s14+s15], $0x2710, $0x38;
	[tilespmem:$0x13880] =	vst v63  }
0xa5: {  	_ =	swait.ge [sflag:s10], $0x2710  }
0xa6: {  	[sflag:s10] =	ssyncset.done $0x0  }
0xa7: {  	s31 =	simm.s32 $0x111E0;
	[sflag:s10] =	ssyncadd.s32 $0xFFFFD8F0  }
0xa8: {  	v1 =	vld [tilespmem:s31+$0x0]  }
0xa9: {  	v2 =	vld [tilespmem:s31+$0xFFFFFFA0]  }
0xaa: {  	v3 =	vld [tilespmem:s31+$0xFFFFFFB0]  }
0xab: {  	v4 =	vld [tilespmem:s31+$0xFFFFFFC0]  }
0xac: {  	v5 =	vld [tilespmem:s31+$0xFFFFFFD0]  }
0xad: {  	v6 =	vld [tilespmem:s31+$0xFFFFFFE0];
	v7 =	vand.u32 $0xFFFF, v1  }
0xae: {  	v12 =	vld [tilespmem:s31+$0xFFFFFF90];
	v8 =	vand.u32 $0xFFFF, v2  }
0xaf: {  	v9 =	vld [tilespmem:s31+$0xFFFFFFF0];
	v10 =	vand.u32 $0xFFFF, v3  }
0xb0: {  	v11 =	vand.u32 $0xFFFF, v4  }
0xb1: {  	v13 =	vand.u32 $0xFFFF, v5  }
0xb2: {  	v14 =	vand.u32 $0xFFFF, v6;
	v15 =	vld.idx.msk [tilespmem:v7+s2+$0x0], $0xffff  }
0xb3: {  	v22 =	vand.u32 $0xFFFF, v12;
	v16 =	vld.idx.msk [tilespmem:v8+s2+$0x0], $0xffff  }
0xb4: {  	v17 =	vand.u32 $0xFFFF, v9;
	v18 =	vld.idx.msk [tilespmem:v10+s2+$0x0], $0xffff  }
0xb5: {  	v1 =	vshrl.u32 v1, $0x10;
	v19 =	vld.idx.msk [tilespmem:v11+s2+$0x0], $0xffff  }
0xb6: {  	v2 =	vshrl.u32 v2, $0x10;
	v21 =	vld.idx.msk [tilespmem:v13+s2+$0x0], $0xffff  }
0xb7: {  	v3 =	vshrl.u32 v3, $0x10;
	v23 =	vld.idx.msk [tilespmem:v14+s2+$0x0], $0xffff  }
0xb8: {  	v4 =	vshrl.u32 v4, $0x10;
	v35 =	vld.idx.msk [tilespmem:v22+s2+$0x0], $0xffff  }
0xb9: {  	v12 =	vshrl.u32 v12, $0x10;
	v24 =	vld.idx.msk [tilespmem:v17+s2+$0x0], $0xffff;
	v25 =	vshll.u32 v15, $0x10  }
0xba: {  	v5 =	vshrl.u32 v5, $0x10;
	v34 =	vshll.u32 v16, $0x10;
	[tilespmem:v1+s11+$0x0] =	vst.idx.add.f32.msk $0xffff, v25  }
0xbb: {  	v20 =	vadd.s32 $0x2710, v1;
	v27 =	vshll.u32 v18, $0x10;
	[tilespmem:v2+s11+$0x0] =	vst.idx.add.f32.msk $0xffff, v34  }
0xbc: {  	v26 =	vadd.s32 $0x2710, v2;
	v39 =	vshll.u32 v19, $0x10;
	[tilespmem:v3+s11+$0x0] =	vst.idx.add.f32.msk $0xffff, v27  }
0xbd: {  	v33 =	vadd.s32 $0x2710, v3;
	v43 =	vshll.u32 v35, $0x10;
	[tilespmem:v4+s11+$0x0] =	vst.idx.add.f32.msk $0xffff, v39  }
0xbe: {  	v7 =	vadd.s32 $0x2710, v7;
	v44 =	vshll.u32 v21, $0x10;
	[tilespmem:v12+s11+$0x0] =	vst.idx.add.f32.msk $0xffff, v43  }
0xbf: {  	v8 =	vadd.s32 $0x2710, v8;
	v15 =	vand.u32 $0xFFFF0000, v15;
	[tilespmem:v5+s11+$0x0] =	vst.idx.add.f32.msk $0xffff, v44  }
0xc0: {  	v40 =	vadd.s32 $0x2710, v4;
	v16 =	vand.u32 $0xFFFF0000, v16;
	[tilespmem:v20+s11+$0x0] =	vst.idx.add.f32.msk $0xffff, v15  }
0xc1: {  	v10 =	vadd.s32 $0x2710, v10;
	v37 =	vand.u32 $0xFFFF0000, v18;
	[tilespmem:v26+s11+$0x0] =	vst.idx.add.f32.msk $0xffff, v16  }
0xc2: {  	v42 =	vadd.s32 $0x2710, v5;
	[tilespmem:v33+s11+$0x0] =	vst.idx.add.f32.msk $0xffff, v37  }
0xc3: {  	v13 =	vadd.s32 $0x2710, v13;
	v7 =	vld.idx.msk [tilespmem:v7+s2+$0x0], $0xffff  }
0xc4: {  	v36 =	vadd.s32 $0x4E20, v1;
	v19 =	vand.u32 $0xFFFF0000, v19;
	v8 =	vld.idx.msk [tilespmem:v8+s2+$0x0], $0xffff  }
0xc5: {  	v55 =	vadd.s32 $0x4E20, v2;
	[tilespmem:v40+s11+$0x0] =	vst.idx.add.f32.msk $0xffff, v19  }
0xc6: {  	v46 =	vand.u32 $0xFFFF0000, v21;
	v1 =	vadd.s32 $0x7530, v1;
	v10 =	vld.idx.msk [tilespmem:v10+s2+$0x0], $0xffff  }
0xc7: {  	v56 =	vadd.s32 $0x4E20, v3;
	[tilespmem:v42+s11+$0x0] =	vst.idx.add.f32.msk $0xffff, v46  }
0xc8: {  	v2 =	vadd.s32 $0x7530, v2;
	v13 =	vld.idx.msk [tilespmem:v13+s2+$0x0], $0xffff;
	v41 =	vshll.u32 v7, $0x10  }
0xc9: {  	v38 =	vadd.s32 $0x2710, v12;
	v59 =	vshll.u32 v8, $0x10;
	[tilespmem:v36+s11+$0x0] =	vst.idx.add.f32.msk $0xffff, v41  }
0xca: {  	v3 =	vadd.s32 $0x7530, v3;
	v7 =	vand.u32 $0xFFFF0000, v7;
	[tilespmem:v55+s11+$0x0] =	vst.idx.add.f32.msk $0xffff, v59  }
0xcb: {  	v61 =	vshll.u32 v10, $0x10;
	[tilespmem:v1+s11+$0x0] =	vst.idx.add.f32.msk $0xffff, v7;
	v1 =	vshrl.u32 v6, $0x10  }
0xcc: {  	v8 =	vand.u32 $0xFFFF0000, v8;
	[tilespmem:v56+s11+$0x0] =	vst.idx.add.f32.msk $0xffff, v61;
	v7 =	vadd.s32 $0x2710, v1  }
0xcd: {  	v47 =	vadd.s32 $0x2710, v22;
	v6 =	vand.u32 $0xFFFF0000, v35;
	[tilespmem:v2+s11+$0x0] =	vst.idx.add.f32.msk $0xffff, v8  }
0xce: {  	v60 =	vadd.s32 $0x4E20, v5;
	v2 =	vadd.s32 $0x7530, v5;
	v5 =	vand.u32 $0xFFFF0000, v10;
	[tilespmem:v38+s11+$0x0] =	vst.idx.add.f32.msk $0xffff, v6  }
0xcf: {  	v48 =	vshll.u32 v23, $0x10;
	v6 =	vshrl.u32 v9, $0x10;
	[tilespmem:v3+s11+$0x0] =	vst.idx.add.f32.msk $0xffff, v5  }
0xd0: {  	v52 =	vadd.s32 $0x2710, v14;
	v49 =	vand.u32 $0xFFFF0000, v23;
	[tilespmem:v1+s11+$0x0] =	vst.idx.add.f32.msk $0xffff, v48  }
0xd1: {  	[tilespmem:v7+s11+$0x0] =	vst.idx.add.f32.msk $0xffff, v49;
	v7 =	vadd.s32 $0x2710, v11  }
0xd2: {  	v3 =	vshll.u32 v13, $0x10;
	v45 =	vadd.s32 $0x2710, v6;
	v9 =	vld.idx.msk [tilespmem:v47+s2+$0x0], $0xffff  }
0xd3: {  	v53 =	vadd.s32 $0x2710, v17;
	v50 =	vshll.u32 v24, $0x10;
	[tilespmem:v60+s11+$0x0] =	vst.idx.add.f32.msk $0xffff, v3  }
0xd4: {  	v54 =	vadd.s32 $0x4E20, v12;
	[tilespmem:v6+s11+$0x0] =	vst.idx.add.f32.msk $0xffff, v50  }
0xd5: {  	v12 =	vadd.s32 $0x7530, v12;
	v11 =	vld.idx.msk [tilespmem:v52+s2+$0x0], $0xffff  }
0xd6: {  	v51 =	vand.u32 $0xFFFF0000, v24;
	v62 =	vadd.s32 $0x4E20, v1;
	v7 =	vld.idx.msk [tilespmem:v7+s2+$0x0], $0xffff  }
0xd7: {  	v58 =	vadd.s32 $0x4E20, v4;
	[tilespmem:v45+s11+$0x0] =	vst.idx.add.f32.msk $0xffff, v51  }
0xd8: {  	v5 =	vadd.s32 $0x7530, v1;
	v57 =	vshll.u32 v9, $0x10;
	v14 =	vld.idx.msk [tilespmem:v53+s2+$0x0], $0xffff  }
0xd9: {  	v4 =	vadd.s32 $0x7530, v4;
	v9 =	vand.u32 $0xFFFF0000, v9;
	[tilespmem:v54+s11+$0x0] =	vst.idx.add.f32.msk $0xffff, v57  }
0xda: {  	[tilespmem:v12+s11+$0x0] =	vst.idx.add.f32.msk $0xffff, v9;
	v3 =	vshll.u32 v11, $0x10  }
0xdb: {  	[tilespmem:v62+s11+$0x0] =	vst.idx.add.f32.msk $0xffff, v3;
	v63 =	vshll.u32 v7, $0x10  }
0xdc: {  	v1 =	vand.u32 $0xFFFF0000, v7;
	v7 =	vand.u32 $0xFFFF0000, v11;
	[tilespmem:v58+s11+$0x0] =	vst.idx.add.f32.msk $0xffff, v63  }
0xdd: {  	[tilespmem:v5+s11+$0x0] =	vst.idx.add.f32.msk $0xffff, v7  }
0xde: {  	v3 =	vand.u32 $0xFFFF0000, v14;
	[tilespmem:v4+s11+$0x0] =	vst.idx.add.f32.msk $0xffff, v1;
	v1 =	vand.u32 $0xFFFF0000, v13  }
0xdf: {  	s14 =	simm.s32 $0x0;
	s15 =	simm.s32 $0x11260;
	v4 =	vshll.u32 v14, $0x10;
	[tilespmem:v2+s11+$0x0] =	vst.idx.add.f32.msk $0xffff, v1;
	v2 =	vadd.s32 $0x4E20, v6;
	v1 =	vadd.s32 $0x7530, v6  }
.LBB2_7:
0xe0: {  	v5 =	vld [tilespmem:s15+$0x0]  }
0xe1: {  	v6 =	vld [tilespmem:s15+$0xFFFFFFA0]  }
0xe2: {  	s14 =	sadd.s32 $0x8, s14;
	v7 =	vld [tilespmem:s15+$0xFFFFFFB0]  }
0xe3: {  	p0 =	slt.u32 s14, $0x268;
	v8 =	vld [tilespmem:s15+$0xFFFFFFC0]  }
0xe4: {  	v9 =	vld [tilespmem:s15+$0xFFFFFFD0]  }
0xe5: {  	v10 =	vld [tilespmem:s15+$0xFFFFFFE0];
	v11 =	vand.u32 $0xFFFF, v5  }
0xe6: {  	v12 =	vshrl.u32 v6, $0x10;
	v6 =	vand.u32 $0xFFFF, v6;
	v13 =	vld [tilespmem:s15+$0xFFFFFFF0]  }
0xe7: {  	v14 =	vld [tilespmem:s15+$0xFFFFFF90];
	v15 =	vadd.s32 $0x2710, v12;
	v16 =	vshrl.u32 v7, $0x10;
	v7 =	vand.u32 $0xFFFF, v7  }
0xe8: {  	v17 =	vadd.s32 $0x2710, v16;
	v18 =	vshrl.u32 v8, $0x10;
	v8 =	vand.u32 $0xFFFF, v8;
	[tilespmem:v2+s11+$0x0] =	vst.idx.add.f32.msk $0xffff, v4  }
0xe9: {  	v4 =	vadd.s32 $0x2710, v18;
	v19 =	vshrl.u32 v9, $0x10;
	v2 =	vand.u32 $0xFFFF, v9;
	[tilespmem:v1+s11+$0x0] =	vst.idx.add.f32.msk $0xffff, v3  }
0xea: {  	v3 =	vadd.s32 $0x2710, v19;
	v9 =	vshrl.u32 v10, $0x10;
	v1 =	vand.u32 $0xFFFF, v10;
	v10 =	vld.idx.msk [tilespmem:v11+s2+$0x0], $0xffff  }
0xeb: {  	v20 =	vld.idx.msk [tilespmem:v6+s2+$0x0], $0xffff;
	v21 =	vadd.s32 $0x2710, v9;
	v22 =	vshrl.u32 v13, $0x10;
	v13 =	vand.u32 $0xFFFF, v13  }
0xec: {  	v5 =	vshrl.u32 v5, $0x10;
	v23 =	vshrl.u32 v14, $0x10;
	v14 =	vand.u32 $0xFFFF, v14;
	v24 =	vld.idx.msk [tilespmem:v7+s2+$0x0], $0xffff  }
0xed: {  	v28 =	vadd.s32 $0x2710, v5;
	v27 =	vadd.s32 $0x2710, v22;
	v25 =	vadd.s32 $0x2710, v23;
	v26 =	vld.idx.msk [tilespmem:v8+s2+$0x0], $0xffff  }
0xee: {  	v11 =	vadd.s32 $0x2710, v11;
	v6 =	vadd.s32 $0x2710, v6;
	v29 =	vadd.s32 $0x2710, v14;
	v30 =	vld.idx.msk [tilespmem:v2+s2+$0x0], $0xffff  }
0xef: {  	v31 =	vadd.s32 $0x2710, v2;
	v7 =	vadd.s32 $0x2710, v7;
	v8 =	vadd.s32 $0x2710, v8;
	v2 =	vld.idx.msk [tilespmem:v1+s2+$0x0], $0xffff  }
0xf0: {  	v32 =	vadd.s32 $0x2710, v1;
	v33 =	vshll.u32 v10, $0x10;
	v1 =	vld.idx.msk [tilespmem:v13+s2+$0x0], $0xffff;
	v13 =	vadd.s32 $0x2710, v13  }
0xf1: {  	v10 =	vand.u32 $0xFFFF0000, v10;
	v34 =	vshll.u32 v20, $0x10;
	v20 =	vand.u32 $0xFFFF0000, v20;
	[tilespmem:v5+s11+$0x0] =	vst.idx.add.f32.msk $0xffff, v33  }
0xf2: {  	v33 =	vadd.s32 $0x4E20, v23;
	v35 =	vshll.u32 v24, $0x10;
	v24 =	vand.u32 $0xFFFF0000, v24;
	[tilespmem:v28+s11+$0x0] =	vst.idx.add.f32.msk $0xffff, v10  }
0xf3: {  	v10 =	vadd.s32 $0x7530, v23;
	v28 =	vshll.u32 v26, $0x10;
	v26 =	vand.u32 $0xFFFF0000, v26;
	v11 =	vld.idx.msk [tilespmem:v11+s2+$0x0], $0xffff  }
0xf4: {  	v36 =	vadd.s32 $0x4E20, v12;
	v37 =	vshll.u32 v30, $0x10;
	v30 =	vand.u32 $0xFFFF0000, v30;
	v14 =	vld.idx.msk [tilespmem:v14+s2+$0x0], $0xffff  }
0xf5: {  	v38 =	vand.u32 $0xFFFF0000, v2;
	[tilespmem:v12+s11+$0x0] =	vst.idx.add.f32.msk $0xffff, v34;
	v34 =	vshll.u32 v2, $0x10;
	v2 =	vadd.s32 $0x4E20, v5  }
0xf6: {  	v5 =	vadd.s32 $0x7530, v5;
	[tilespmem:v15+s11+$0x0] =	vst.idx.add.f32.msk $0xffff, v20;
	v15 =	vshll.u32 v1, $0x10;
	v20 =	vand.u32 $0xFFFF0000, v1  }
0xf7: {  	v12 =	vadd.s32 $0x7530, v12;
	[tilespmem:v16+s11+$0x0] =	vst.idx.add.f32.msk $0xffff, v35;
	v35 =	vadd.s32 $0x4E20, v16;
	v16 =	vadd.s32 $0x7530, v16  }
0xf8: {  	v39 =	vadd.s32 $0x4E20, v19;
	[tilespmem:v17+s11+$0x0] =	vst.idx.add.f32.msk $0xffff, v24;
	v17 =	vadd.s32 $0x4E20, v18;
	v24 =	vadd.s32 $0x7530, v18  }
0xf9: {  	v1 =	vshll.u32 v11, $0x10;
	[tilespmem:v18+s11+$0x0] =	vst.idx.add.f32.msk $0xffff, v28;
	v18 =	vadd.s32 $0x7530, v19;
	v28 =	vadd.s32 $0x4E20, v9  }
0xfa: {  	v11 =	vand.u32 $0xFFFF0000, v11;
	v40 =	vshll.u32 v14, $0x10;
	v14 =	vand.u32 $0xFFFF0000, v14;
	[tilespmem:v2+s11+$0x0] =	vst.idx.add.f32.msk $0xffff, v1  }
0xfb: {  	v41 =	vadd.s32 $0x7530, v9;
	v2 =	vadd.s32 $0x4E20, v22;
	v1 =	vadd.s32 $0x7530, v22;
	[tilespmem:v5+s11+$0x0] =	vst.idx.add.f32.msk $0xffff, v11  }
0xfc: {  	[tilespmem:v23+s11+$0x0] =	vst.idx.add.f32.msk $0xffff, v40  }
0xfd: {  	[tilespmem:v25+s11+$0x0] =	vst.idx.add.f32.msk $0xffff, v14  }
0xfe: {  	[tilespmem:v4+s11+$0x0] =	vst.idx.add.f32.msk $0xffff, v26  }
0xff: {  	[tilespmem:v19+s11+$0x0] =	vst.idx.add.f32.msk $0xffff, v37  }
0x100: {  	[tilespmem:v3+s11+$0x0] =	vst.idx.add.f32.msk $0xffff, v30  }
0x101: {  	[tilespmem:v9+s11+$0x0] =	vst.idx.add.f32.msk $0xffff, v34  }
0x102: {  	[tilespmem:v21+s11+$0x0] =	vst.idx.add.f32.msk $0xffff, v38  }
0x103: {  	[tilespmem:v22+s11+$0x0] =	vst.idx.add.f32.msk $0xffff, v15  }
0x104: {  	[tilespmem:v27+s11+$0x0] =	vst.idx.add.f32.msk $0xffff, v20  }
0x105: {  	v3 =	vld.idx.msk [tilespmem:v29+s2+$0x0], $0xffff  }
0x106: {  	v4 =	vld.idx.msk [tilespmem:v6+s2+$0x0], $0xffff  }
0x107: {  	v5 =	vld.idx.msk [tilespmem:v7+s2+$0x0], $0xffff  }
0x108: {  	v6 =	vld.idx.msk [tilespmem:v8+s2+$0x0], $0xffff  }
0x109: {  	v7 =	vld.idx.msk [tilespmem:v31+s2+$0x0], $0xffff  }
0x10a: {  	v8 =	vld.idx.msk [tilespmem:v32+s2+$0x0], $0xffff  }
0x10b: {  	v9 =	vshll.u32 v3, $0x10;
	v3 =	vand.u32 $0xFFFF0000, v3;
	v11 =	vld.idx.msk [tilespmem:v13+s2+$0x0], $0xffff  }
0x10c: {  	[tilespmem:v33+s11+$0x0] =	vst.idx.add.f32.msk $0xffff, v9;
	v9 =	vshll.u32 v4, $0x10;
	v4 =	vand.u32 $0xFFFF0000, v4  }
0x10d: {  	[tilespmem:v10+s11+$0x0] =	vst.idx.add.f32.msk $0xffff, v3;
	v3 =	vshll.u32 v5, $0x10;
	v5 =	vand.u32 $0xFFFF0000, v5  }
0x10e: {  	[tilespmem:v36+s11+$0x0] =	vst.idx.add.f32.msk $0xffff, v9;
	v9 =	vshll.u32 v6, $0x10;
	v6 =	vand.u32 $0xFFFF0000, v6  }
0x10f: {  	v10 =	vshll.u32 v7, $0x10;
	v7 =	vand.u32 $0xFFFF0000, v7;
	[tilespmem:v12+s11+$0x0] =	vst.idx.add.f32.msk $0xffff, v4  }
0x110: {  	v12 =	vshll.u32 v8, $0x10;
	v8 =	vand.u32 $0xFFFF0000, v8;
	[tilespmem:v35+s11+$0x0] =	vst.idx.add.f32.msk $0xffff, v3  }
0x111: {  	v4 =	vshll.u32 v11, $0x10;
	v3 =	vand.u32 $0xFFFF0000, v11;
	[tilespmem:v16+s11+$0x0] =	vst.idx.add.f32.msk $0xffff, v5  }
0x112: {  	[tilespmem:v17+s11+$0x0] =	vst.idx.add.f32.msk $0xffff, v9  }
.Ltmp2:
0x113: {  	[tilespmem:v24+s11+$0x0] =	vst.idx.add.f32.msk $0xffff, v6;
	(pc) =	sbr.rel @p0 .LBB2_7-.Ltmp2, $4  }
0x114: {  	[tilespmem:v39+s11+$0x0] =	vst.idx.add.f32.msk $0xffff, v10  }
0x115: {  	[tilespmem:v18+s11+$0x0] =	vst.idx.add.f32.msk $0xffff, v7  }
0x116: {  	[tilespmem:v28+s11+$0x0] =	vst.idx.add.f32.msk $0xffff, v12  }
0x117: {  	s15 =	sadd.s32 $0x80, s15;
	[tilespmem:v41+s11+$0x0] =	vst.idx.add.f32.msk $0xffff, v8  }
0x118: {  	_ =	sdelay $0x3  }
0x119: {  	[tilespmem:v2+s11+$0x0] =	vst.idx.add.f32.msk $0xffff, v4  }
0x11a: {  	[tilespmem:v1+s11+$0x0] =	vst.idx.add.f32.msk $0xffff, v3  }
0x11b: {  	v1 =	vld [tilespmem:$0x13870];
	_ =	sdelay $0x4  }
0x11c: {  	v2 =	vand.u32 $0xFFFF, v1;
	_ =	sdelay $0x4  }
0x11d: {  	v3 =	vld.idx.msk [tilespmem:v2+s2+$0x0], $0xffff  }
0x11e: {  	v1 =	vshrl.u32 v1, $0x10  }
0x11f: {  	v62 =	vadd.s32 $0x2710, v1  }
0x120: {  	v2 =	vadd.s32 $0x2710, v2;
	_ =	sdelay $0x1  }
0x121: {  	v5 =	vshll.u32 v3, $0x10  }
0x122: {  	v3 =	vand.u32 $0xFFFF0000, v3;
	[tilespmem:v1+s11+$0x0] =	vst.idx.add.f32.msk $0xffff, v5  }
0x123: {  	[tilespmem:v62+s11+$0x0] =	vst.idx.add.f32.msk $0xffff, v3  }
0x124: {  	v2 =	vld.idx.msk [tilespmem:v2+s2+$0x0], $0xffff  }
0x125: {  	s13 =	sadd.s32 $0x1, s13;
	v3 =	vadd.s32 $0x4E20, v1  }
0x126: {  	p0 =	sne.s32 s13, $0x10;
	v1 =	vadd.s32 $0x7530, v1  }
.Ltmp3:
0x127: {  	_ = 	snop;
	(pc) =	sbr.rel @p0 .LBB2_4-.Ltmp3, $4  }
0x128: {  	_ = 	snop  }
0x129: {  	v63 =	vshll.u32 v2, $0x10  }
0x12a: {  	v2 =	vand.u32 $0xFFFF0000, v2;
	[tilespmem:v3+s11+$0x0] =	vst.idx.add.f32.msk $0xffff, v63  }
0x12b: {  	[tilespmem:v1+s11+$0x0] =	vst.idx.add.f32.msk $0xffff, v2  }
0x12c: {  	s12 =	sadd.s32 $0x1, s12  }
0x12d: {  	p0 =	sne.s32 s12, s6  }
.Ltmp4:
0x12e: {  	_ = 	snop;
	(pc) =	sbr.rel @p0 .LBB2_1-.Ltmp4, $4  }
0x12f: {  	[hbm4b:s5+s2] =	stream.linear.scatter [tilespmem:s11], [sflag:$0x2], $0x9C40, $0x38;
	[tilespmem:$0x13880] =	vst v63  }
0x130: {  	_ =	swait.ge [sflag:s7], $0x9C40  }
0x131: {  	[sflag:s7] =	ssyncset.done $0x0  }
0x132: {  	[sflag:s7] =	ssyncadd.s32 $0xFFFF63C0  }
0x133: {  	_ =	sfence.sel $0x180000  }
0x134: {  	[bflag:$0x0] =	sbarrier.arrive $0xFFFF  }
0x135: {  	p0 =	sne.s32 s0, $0x0;
	_ =	strace $0x9000004D  }
0x136: {  	s0 =	sadd.s32 @!p0 $0x100000, s1;
	[bflag:$0x2] =	sbarrier.arrive $0xFFFF  }
0x137: {  	[sflag:s0] =	ssyncadd.tile.s32 @!p0 $0x1;
	_ =	shalt  }
.Lfunc_end2:
_tile_overlayer_lowered:
.L_overlay_start_2:
0x138: {  	(tag) =	ssettag $0x2  }
0x139: {  	s0 =	rddreg [dreg:$0x0];
	s2 =	stileid.u32  }
0x13a: {  	s1 =	rddreg [dreg:$0x1];
	p0 =	sne.s32 s2, $0x0  }
0x13b: {  	s3 =	rddreg [dreg:$0x2];
	[bflag:$0x3] =	sbarrier.arrive $0xFFFF;
	s2 =	simm.s32 @!p0 $0x1C02  }
0x13c: {  	[timem:s3], [sflag:s2] =	dma.local @!p0 [hbm:s0], s1  }
0x13d: {  	s0 =	simm.s32 @!p0 $0x2  }
0x13e: {  	_ =	swait.ge @!p0 [sflag:s0], s1  }
0x13f: {  	s1 =	ssub.s32 @!p0 $0x0, s1;
	[sflag:s0] =	ssyncset.done @!p0 $0x0  }
0x140: {  	[sflag:s0] =	ssyncadd.s32 @!p0 s1  }
0x141: {  	[bflag:$0x3] =	sbarrier.arrive $0xFFFF  }
0x142: {  	_ =	shalt  }

// kernel: kernel.17.cloned.1.call-start
scs
__scs_entry_jumppad:
0x0: {  	(pc) =	sbr.rel $0x88, $3  }
0x1: {  	(tag) =	ssettag $0x0;
	lr =	simm.s32 $0x1  }
0x2: {  	[smem:$0x3F8F] =	sst lr;
	_ =	strace $0xD0000000  }
0x3: {  	_ = 	snop  }
0x4: {  	_ = 	snop  }
0x5: {  	_ = 	snop  }
0x6: {  	_ = 	snop  }
0x7: {  	_ = 	snop  }
__scs_overlays_trampoline_lowered:
0x8: {  	[smem:$0x3F9E] =	sst s0  }
0x9: {  	[smem:$0x3F9F] =	sst s1  }
0xa: {  	[smem:$0x3FA0] =	sst s2  }
0xb: {  	[smem:$0x3FA1] =	sst s3  }
0xc: {  	[smem:$0x3FA2] =	sst s4  }
0xd: {  	[smem:$0x3FA3] =	sst s5  }
0xe: {  	[smem:$0x3FA4] =	sst s6  }
0xf: {  	[smem:$0x3FA5] =	sst s7  }
0x10: {  	[smem:$0x3FA6] =	sst s8  }
0x11: {  	[smem:$0x3FA7] =	sst s9;
	s0 =	simm.s32 @!p0 $0x0  }
0x12: {  	s1 =	sld [smem:$0x3F8D];
	s0 =	simm.s32 @p0 $0x1  }
0x13: {  	[smem:$0x3FA8] =	sst s0;
	s0 =	simm.s32 @!p1 $0x0  }
0x14: {  	s2 =	sld [smem:$0x3F8C];
	s0 =	simm.s32 @p1 $0x1  }
0x15: {  	[smem:$0x3FA9] =	sst s0;
	s0 =	simm.s32 @!p2 $0x0  }
0x16: {  	s3 =	sld [smem:$0x3FDB];
	s0 =	simm.s32 @p2 $0x1  }
0x17: {  	s4 =	simm.s32 $0x1BF5;
	[smem:$0x3FAB] =	sst s0  }
0x18: {  	s0 =	sld [smem:$0x3F8E];
	_ =	swait.ge [sflag:s4], $0x0  }
0x19: {  	s7 =	sld [smem:$0x3F8F]  }
0x1a: {  	s8 =	sadd.s32 $0xFFFFE003, lr  }
0x1b: {  	s9 =	sadd.s32 $0xFFFFFEF7, lr;
	s5 =	simm.s32 $0xFFFFFFFF;
	p2 =	slt.u32 s8, $0xFFFFF086  }
0x1c: {  	p1 =	slt.u32 s9, $0xF7A;
	s5 =	simm.s32 @!p2 $0x0  }
0x1d: {  	s5 =	simm.s32 @p1 $0x1;
	p0 =	seq.s32 s7, s2  }
0x1e: {  	s7 =	smul.u32 @!p0 $0xF7A, s2;
	p2 =	seq.s32 @!p0 s5, $0x0  }
0x1f: {  	s9 =	smul.u32 $0xF7A, s1;
	s8 =	simm.s32 @!p0 $0x1BF5;
	p2 =	por !p2, p0  }
0x20: {  	[sflag:s8] =	ssyncset.s32 @!p0 $0xFFFFF086;
	s6 =	sadd.s32 @!p0 s3, s7;
	s7 =	simm.s32 @!p0 $0x108  }
0x21: {  	s3 =	sadd.s32 s3, s9;
	s6 =	sadd.s32 @!p0 $0x88, s6;
	s7 =	simm.s32 @p2 $0x1082  }
0x22: {  	[simem:s7], [sflag:s8] =	dma.local @!p0 [hbm:s6], $0xF7A  }
0x23: {  	s9 =	sor.u32 $0xD0000000, s2;
	s6 =	simm.s32 $0x108;
	_ =	swait.ge @!p0 [sflag:s8], $0x0  }
0x24: {  	s3 =	sadd.s32 $0x88, s3;
	s6 =	simm.s32 @!p1 $0x1082;
	[sflag:s4] =	ssyncset.s32 $0xFFFFF086  }
0x25: {  	[simem:s6], [sflag:s4] =	dma.local [hbm:s3], $0xF7A  }
0x26: {  	[smem:$0x3F8F] =	sst s1;
	(tag) =	ssettag s2;
	_ =	strace s9  }
0x27: {  	s1 =	sld [smem:$0x3F9F]  }
0x28: {  	s2 =	sld [smem:$0x3FA0]  }
0x29: {  	s4 =	sld [smem:$0x3FA2]  }
0x2a: {  	p0 =	seq.s32 s5, $0x0;
	s5 =	sld [smem:$0x3FA3]  }
0x2b: {  	s6 =	sld [smem:$0x3FA4]  }
0x2c: {  	s7 =	sld [smem:$0x3FA5]  }
0x2d: {  	s3 =	simm.s32 $0x108;
	s8 =	sld [smem:$0x3FA6]  }
0x2e: {  	s3 =	simm.s32 @!p0 $0x1082;
	s9 =	sld [smem:$0x3FA7]  }
0x2f: {  	lr =	sadd.s32 s0, s3;
	s0 =	sld [smem:$0x3F9E]  }
0x30: {  	s3 =	sld [smem:$0x3FA1]  }
0x31: {  	[smem:$0x3FAA] =	sst s10  }
0x32: {  	s10 =	sld [smem:$0x3FA8];
	_ =	sdelay $0x3  }
0x33: {  	p0 =	seq.s32 s10, $0x1;
	s10 =	sld [smem:$0x3FAA];
	_ =	sdelay $0x3  }
0x34: {  	[smem:$0x3FAA] =	sst s10  }
0x35: {  	s10 =	sld [smem:$0x3FA9];
	_ =	sdelay $0x3  }
0x36: {  	p1 =	seq.s32 s10, $0x1;
	s10 =	sld [smem:$0x3FAA];
	_ =	sdelay $0x3  }
0x37: {  	[smem:$0x3FAA] =	sst s10  }
0x38: {  	s10 =	sld [smem:$0x3FAB]  }
0x39: {  	_ = 	snop;
	(pc) =	sbr.ind lr, $3  }
0x3a: {  	_ = 	snop  }
0x3b: {  	_ = 	snop  }
0x3c: {  	p2 =	seq.s32 s10, $0x1;
	s10 =	sld [smem:$0x3FAA]  }
0x3d: {  	_ =	shalt  }
0x3e: {  	_ =	shalt  }
0x3f: {  	_ =	shalt  }
0x40: {  	_ =	shalt  }
0x41: {  	_ =	shalt  }
0x42: {  	_ =	shalt  }
0x43: {  	_ =	shalt  }
0x44: {  	_ =	shalt  }
0x45: {  	_ =	shalt  }
0x46: {  	_ =	shalt  }
0x47: {  	_ =	shalt  }
0x48: {  	_ =	shalt  }
0x49: {  	_ =	shalt  }
0x4a: {  	_ =	shalt  }
0x4b: {  	_ =	shalt  }
0x4c: {  	_ =	shalt  }
0x4d: {  	_ =	shalt  }
0x4e: {  	_ =	shalt  }
0x4f: {  	_ =	shalt  }
0x50: {  	_ =	shalt  }
0x51: {  	_ =	shalt  }
0x52: {  	_ =	shalt  }
0x53: {  	_ =	shalt  }
0x54: {  	_ =	shalt  }
0x55: {  	_ =	shalt  }
0x56: {  	_ =	shalt  }
0x57: {  	_ =	shalt  }
0x58: {  	_ =	shalt  }
0x59: {  	_ =	shalt  }
0x5a: {  	_ =	shalt  }
0x5b: {  	_ =	shalt  }
0x5c: {  	_ =	shalt  }
0x5d: {  	_ =	shalt  }
0x5e: {  	_ =	shalt  }
0x5f: {  	_ =	shalt  }
0x60: {  	_ =	shalt  }
0x61: {  	_ =	shalt  }
0x62: {  	_ =	shalt  }
0x63: {  	_ =	shalt  }
0x64: {  	_ =	shalt  }
0x65: {  	_ =	shalt  }
0x66: {  	_ =	shalt  }
0x67: {  	_ =	shalt  }
0x68: {  	_ =	shalt  }
0x69: {  	_ =	shalt  }
0x6a: {  	_ =	shalt  }
0x6b: {  	_ =	shalt  }
0x6c: {  	_ =	shalt  }
0x6d: {  	_ =	shalt  }
0x6e: {  	_ =	shalt  }
0x6f: {  	_ =	shalt  }
0x70: {  	_ =	shalt  }
0x71: {  	_ =	shalt  }
0x72: {  	_ =	shalt  }
0x73: {  	_ =	shalt  }
0x74: {  	_ =	shalt  }
0x75: {  	_ =	shalt  }
0x76: {  	_ =	shalt  }
0x77: {  	_ =	shalt  }
0x78: {  	_ =	shalt  }
0x79: {  	_ =	shalt  }
0x7a: {  	_ =	shalt  }
0x7b: {  	_ =	shalt  }
0x7c: {  	_ =	shalt  }
0x7d: {  	_ =	shalt  }
0x7e: {  	_ =	shalt  }
0x7f: {  	_ =	shalt  }
0x80: {  	_ =	shalt  }
0x81: {  	_ =	shalt  }
0x82: {  	_ =	shalt  }
0x83: {  	_ =	shalt  }
0x84: {  	_ =	shalt  }
0x85: {  	_ =	shalt  }
0x86: {  	_ =	shalt  }
0x87: {  	_ =	shalt  }
.Lfunc_end0:
.L_simem_size_0:
called_computation.2_lowered:
.L_overlay_start_0:
0x88: {  	s2 =	sld [smem:$0x3FD9]  }
0x89: {  	s3 =	sld [smem:$0x3FFE];
	_ =	sdelay $0x1  }
0x8a: {  	s1 =	srdreg.scid  }
0x8b: {  	s0 =	sand.u32 $0x1, s1  }
0x8c: {  	s17 =	sshll.u32 s0, $0xA;
	s2 =	sadd.s32 s3, s2  }
0x8d: {  	s2 =	sadd.s32 s2, s17  }
0x8e: {  	[smem:$0x3FB6] =	sst s2  }
0x8f: {  	_ = 	snop  }
0x90: {  	s18 =	sld [smem:$0x3FD0];
	(tm) =	ssettm $0x1  }
0x91: {  	s19 =	sld [smem:$0x3FFB];
	_ =	sdelay $0x3  }
0x92: {  	_ =	strace s19  }
0x93: {  	s2 =	sld [smem:$0x3FFC];
	_ =	sdelay $0x3  }
0x94: {  	_ =	strace s2  }
0x95: {  	s2 =	sld [smem:$0x3FFD];
	_ =	sdelay $0x3  }
0x96: {  	_ =	strace s2  }
0x97: {  	_ =	strace $0x8FFFFFFF  }
0x98: {  	s20 =	sld [smem:$0x3FDB];
	_ =	sdelay $0x1  }
0x99: {  	s4 =	simm.s32 $_scs_section_size  }
0x9a: {  	s5 =	simm.s32 $_size__tile_overlayer_lowered;
	s6 =	simm.s32 $_tile_overlayer_lowered  }
0x9b: {  	s7 =	simm.s32 $0x1BFF;
	s21 =	sshll.u32 s6, $0x1;
	s4 =	sadd.s32 s4, s20  }
0x9c: {  	s22 =	simm.s32 $0x0;
	s5 =	sshll.u32 s5, $0x1;
	s6 =	sadd.s32 s21, s4  }
0x9d: {  	[timem:s22], [sflag:s7] =	dma.local [hbm:s6], s5  }
0x9e: {  	_ =	swait.ge [sflag:s7], s5  }
0x9f: {  	s5 =	ssub.s32 $0x0, s5;
	[sflag:s7] =	ssyncset.done $0x0  }
0xa0: {  	[sflag:s7] =	ssyncadd.s32 s5;
	_ =	sdelay $0x1  }
0xa1: {  	s23 =	simm.s32 $0x1B8B  }
0xa2: {  	_ =	swait.ge [sflag:s23], $0x1  }
0xa3: {  	[sflag:s23] =	ssyncset.done $0x0  }
0xa4: {  	[sflag:s23] =	ssyncadd.s32 $0xFFFFFFFF  }
0xa5: {  	s5 =	sld [smem:$0x0]  }
0xa6: {  	s6 =	sand.u32 $0xFFFFFFFE, s1  }
0xa7: {  	p0 =	sne.s32 s1, s6  }
0xa8: {  	s6 =	sshll.u32 @p0 s6, $0xE  }
0xa9: {  	s6 =	sadd.s32 @p0 $0x11B8D, s6;
	s7 =	sshll.u32 @p0 s5, $0x11  }
0xaa: {  	s6 =	sor.u32 @p0 s7, s6  }
0xab: {  	[sflag:s6] =	ssyncadd.remote.s32 @p0 $0x1;
	_ =	sdelay $0x1  }
0xac: {  	s6 =	simm.s32 @p0 $0x1B8D  }
0xad: {  	_ =	swait.eq @p0 [sflag:s6], $0x1  }
0xae: {  	[sflag:s6] =	ssyncadd.s32 @p0 $0xFFFFFFFF  }
0xaf: {  	s7 =	sshll.u32 @!p0 s1, $0xE  }
0xb0: {  	s7 =	sor.u32 @!p0 $0x4000, s7;
	s6 =	simm.s32 @!p0 $0x1B8D  }
0xb1: {  	s5 =	sshll.u32 @!p0 s5, $0x11;
	s7 =	sadd.s32 @!p0 $0x11B8D, s7;
	_ =	swait.eq @!p0 [sflag:s6], $0x1  }
0xb2: {  	s5 =	sor.u32 @!p0 s5, s7;
	[sflag:s6] =	ssyncadd.s32 @!p0 $0xFFFFFFFF  }
0xb3: {  	s25 =	simm.s32 $0x1B8E;
	s24 =	sld [smem:$0x3FFE];
	[sflag:s5] =	ssyncadd.remote.s32 @!p0 $0x1  }
0xb4: {  	s26 =	simm.s32 $execute0_lowered;
	[smem:$0x3FD2] =	sst s25  }
0xb5: {  	s6 =	sshll.u32 s26, $0x1;
	_ =	strace $0x80000049;
	[dreg:$0x1] =	wrdreg $0xFFFFFFFF  }
0xb6: {  	s28 =	simm.s32 $_size_execute0_lowered;
	s4 =	sadd.s32 s4, s6;
	[dreg:$0x0] =	wrdreg $0x0  }
0xb7: {  	s6 =	sshll.u32 s28, $0x1;
	[dreg:$0x2] =	wrdreg s4  }
0xb8: {  	[dreg:$0x3] =	wrdreg s6  }
0xb9: {  	[dreg:$0x4] =	wrdreg $0xC0  }
0xba: {  	_ =	task [dreg:s22], $0x5FFFF  }
0xbb: {  	[dreg:$0x1] =	wrdreg $0xFFFFFFFF  }
0xbc: {  	[dreg:$0x0] =	wrdreg $0x60  }
0xbd: {  	[dreg:$0x2] =	wrdreg s18  }
0xbe: {  	[dreg:$0x3] =	wrdreg s24  }
0xbf: {  	[dreg:$0x4] =	wrdreg $0xB  }
0xc0: {  	_ =	task.clear_ibuf [dreg:s22], $0x5FFFF;
	_ =	strace $0x90000049  }
0xc1: {  	s29 =	simm.s32 $0xB;
	_ =	strace $0x8000004B  }
0xc2: {  	_ =	swait.ge [sflag:s29], $0x1  }
0xc3: {  	[sflag:s29] =	ssyncadd.s32 $0xFFFFFFFF  }
0xc4: {  	_ =	strace $0x9000004B  }
0xc5: {  	_ =	sfence  }
0xc6: {  	s30 =	sld [smem:$0x0];
	_ =	sdelay $0x2  }
0xc7: {  	s31 =	sshll.u32 s1, $0xD;
	s1 =	sshrl.u32 s1, $0x2  }
0xc8: {  	s4 =	sand.u32 $0x4000, s31;
	s1 =	sadd.s32 s1, s30  }
0xc9: {  	s0 =	sor.u32 s4, s0;
	s1 =	sshll.u32 s1, $0x11  }
0xca: {  	s0 =	sor.u32 s1, s0  }
0xcb: {  	s0 =	sadd.s32 $0x8F2B, s0  }
0xcc: {  	[sflag:s0] =	ssyncadd.remote.s32 $0x1  }
0xcd: {  	_ =	sfence.sel $0xFFFF  }
0xce: {  	[dreg:$0x0] =	wrdreg $0xFFFFFFFF;
	(pc) =	sbr.abs _section_cstart, $3  }
0xcf: {  	[dreg:$0x1] =	wrdreg $0xFFFFFFFF  }
0xd0: {  	_ =	task.clear_ibuf [dreg:s22], $0x2FFFF;
	_ =	strace $0x9FFFFFFF  }
0xd1: {  	(tm) =	ssettm $0x7FFFFFFF  }
tec
execute0_lowered:
.L_overlay_start_1:
0x0: {  	(tag) =	ssettag $0x1  }
0x1: {  	s4 =	rddreg [dreg:$0x0]  }
0x2: {  	s1 =	srdreg.scid;
	s0 =	stileid.u32  }
0x3: {  	s5 =	rddreg [dreg:$0x1];
	s2 =	simm.s32 $0x0;
	s10 =	simm.s32 $0x1  }
0x4: {  	s11 =	simm.s32 $0x4E20;
	s3 =	sand.u32 $0x1, s1;
	s6 =	sshll.u32 s0, $0x1  }
0x5: {  	s12 =	simm.s32 $0x0;
	s1 =	rddreg [dreg:$0x2];
	s6 =	sor.u32 s3, s6  }
0x6: {  	[smem:$0x7FF] =	sst s2;
	s8 =	ssub.s32 $0x2, s3;
	s7 =	smul.u32 $0x1388, s6  }
0x7: {  	_ =	strace $0x8000004A;
	s9 =	sshrl.u32 s8, $0x1;
	s6 =	smul.u32 $0x9C4, s6  }
0x8: {  	s3 =	sadd.s32 $0x1AC00, s5;
	s31 =	ssub.s32 s8, s9;
	s8 =	simm.s32 $0xEA60  }
0x9: {  	s9 =	simm.s32 $0x11170;
	s5 =	sadd.s32 s7, s5;
	s4 =	sadd.s32 s4, s6  }
0xa: {  	v0 =	vimm.f32 $0.0e+00;
	s6 =	smax.u32 s31, $0x1;
	s7 =	simm.s32 $0x2;
	s5 =	sadd.s32 $0x24A00, s5  }
.LBB2_1:
0xb: {  	[tilespmem:s2], [sflag:$0x2] =	stream.linear.gather [hbm4b:s4+s2], $0x4E20, $0x38;
	[tilespmem:$0x13880] =	vst v63  }
0xc: {  	_ =	swait.ge [sflag:s7], $0x4E20  }
0xd: {  	[sflag:s7] =	ssyncset.done $0x0  }
0xe: {  	s14 =	simm.s32 $0x40;
	s13 =	simm.s32 $0x0;
	[sflag:s7] =	ssyncadd.s32 $0xFFFFB1E0  }
.LBB2_2:
0xf: {  	p0 =	sne.s32 s14, $0x9C00;
	[tilespmem:s13+$0xC350] =	vst v0;
	s15 =	smov.u32 s14;
	s14 =	sadd.s32 $0x40, s14  }
.Ltmp0:
0x10: {  	[tilespmem:s13+$0x9C40] =	vst v0;
	(pc) =	sbr.rel @p0 .LBB2_2-.Ltmp0, $3  }
0x11: {  	[tilespmem:s13+$0x4E20] =	vst v0  }
0x12: {  	[tilespmem:s13+$0x7530] =	vst v0;
	_ =	sdelay $0x1  }
0x13: {  	s13 =	sshra.s32 s15, $0x2  }
0x14: {  	[tilespmem:s13+$0xC350] =	vst v0  }
0x15: {  	[tilespmem:s13+$0x9C40] =	vst v0  }
0x16: {  	[tilespmem:s13+$0x4E20] =	vst v0  }
0x17: {  	[tilespmem:s13+$0x7530] =	vst v0;
	s13 =	simm.s32 $0x0  }
0x18: {  	[tilespmem:s8], [sflag:$0x1] =	stream.linear.gather [hbm4b:s3+s13], $0x2710, $0x38;
	[tilespmem:$0x13880] =	vst v63  }
.LBB2_4:
0x19: {  	s14 =	smul.u32 $0x4E20, s13;
	_ =	sdelay $0x1  }
0x1a: {  	s15 =	sshrl.u32 s14, $0x3  }
0x1b: {  	s15 =	sadd.s32 s3, s15  }
0x1c: {  	s15 =	sadd.s32 $0x4E2, s15  }
0x1d: {  	[tilespmem:s9], [sflag:$0x1] =	stream.linear.gather [hbm4b:s15+s2], $0x2710, $0x38;
	[tilespmem:$0x13880] =	vst v63  }
0x1e: {  	_ =	swait.ge [sflag:s10], $0x2710  }
0x1f: {  	[sflag:s10] =	ssyncset.done $0x0  }
0x20: {  	s31 =	simm.s32 $0xEAA0;
	[sflag:s10] =	ssyncadd.s32 $0xFFFFD8F0  }
0x21: {  	v1 =	vld [tilespmem:s31+$0x30]  }
0x22: {  	v2 =	vld [tilespmem:s31+$0xFFFFFFD0]  }
0x23: {  	v3 =	vld [tilespmem:s31+$0xFFFFFFE0]  }
0x24: {  	v4 =	vld [tilespmem:s31+$0xFFFFFFF0]  }
0x25: {  	v5 =	vld [tilespmem:s31+$0x0]  }
0x26: {  	v6 =	vld [tilespmem:s31+$0x10];
	v7 =	vand.u32 $0xFFFF, v1  }
0x27: {  	v12 =	vld [tilespmem:s31+$0xFFFFFFC0];
	v8 =	vand.u32 $0xFFFF, v2  }
0x28: {  	v9 =	vld [tilespmem:s31+$0x20];
	v10 =	vand.u32 $0xFFFF, v3  }
0x29: {  	v11 =	vand.u32 $0xFFFF, v4  }
0x2a: {  	v13 =	vand.u32 $0xFFFF, v5  }
0x2b: {  	v14 =	vand.u32 $0xFFFF, v6;
	v15 =	vld.idx.msk [tilespmem:v7+s2+$0x0], $0xffff  }
0x2c: {  	v22 =	vand.u32 $0xFFFF, v12;
	v16 =	vld.idx.msk [tilespmem:v8+s2+$0x0], $0xffff  }
0x2d: {  	v17 =	vand.u32 $0xFFFF, v9;
	v18 =	vld.idx.msk [tilespmem:v10+s2+$0x0], $0xffff  }
0x2e: {  	v1 =	vshrl.u32 v1, $0x10;
	v19 =	vld.idx.msk [tilespmem:v11+s2+$0x0], $0xffff  }
0x2f: {  	v2 =	vshrl.u32 v2, $0x10;
	v21 =	vld.idx.msk [tilespmem:v13+s2+$0x0], $0xffff  }
0x30: {  	v3 =	vshrl.u32 v3, $0x10;
	v23 =	vld.idx.msk [tilespmem:v14+s2+$0x0], $0xffff  }
0x31: {  	v4 =	vshrl.u32 v4, $0x10;
	v35 =	vld.idx.msk [tilespmem:v22+s2+$0x0], $0xffff  }
0x32: {  	v12 =	vshrl.u32 v12, $0x10;
	v24 =	vld.idx.msk [tilespmem:v17+s2+$0x0], $0xffff;
	v25 =	vshll.u32 v15, $0x10  }
0x33: {  	v5 =	vshrl.u32 v5, $0x10;
	v34 =	vshll.u32 v16, $0x10;
	[tilespmem:v1+s11+$0x0] =	vst.idx.add.f32.msk $0xffff, v25  }
0x34: {  	v20 =	vadd.s32 $0x2710, v1;
	v27 =	vshll.u32 v18, $0x10;
	[tilespmem:v2+s11+$0x0] =	vst.idx.add.f32.msk $0xffff, v34  }
0x35: {  	v26 =	vadd.s32 $0x2710, v2;
	v39 =	vshll.u32 v19, $0x10;
	[tilespmem:v3+s11+$0x0] =	vst.idx.add.f32.msk $0xffff, v27  }
0x36: {  	v33 =	vadd.s32 $0x2710, v3;
	v43 =	vshll.u32 v35, $0x10;
	[tilespmem:v4+s11+$0x0] =	vst.idx.add.f32.msk $0xffff, v39  }
0x37: {  	v7 =	vadd.s32 $0x2710, v7;
	v44 =	vshll.u32 v21, $0x10;
	[tilespmem:v12+s11+$0x0] =	vst.idx.add.f32.msk $0xffff, v43  }
0x38: {  	v8 =	vadd.s32 $0x2710, v8;
	v15 =	vand.u32 $0xFFFF0000, v15;
	[tilespmem:v5+s11+$0x0] =	vst.idx.add.f32.msk $0xffff, v44  }
0x39: {  	v40 =	vadd.s32 $0x2710, v4;
	v16 =	vand.u32 $0xFFFF0000, v16;
	[tilespmem:v20+s11+$0x0] =	vst.idx.add.f32.msk $0xffff, v15  }
0x3a: {  	v10 =	vadd.s32 $0x2710, v10;
	v37 =	vand.u32 $0xFFFF0000, v18;
	[tilespmem:v26+s11+$0x0] =	vst.idx.add.f32.msk $0xffff, v16  }
0x3b: {  	v42 =	vadd.s32 $0x2710, v5;
	[tilespmem:v33+s11+$0x0] =	vst.idx.add.f32.msk $0xffff, v37  }
0x3c: {  	v13 =	vadd.s32 $0x2710, v13;
	v7 =	vld.idx.msk [tilespmem:v7+s2+$0x0], $0xffff  }
0x3d: {  	v36 =	vadd.s32 $0x4E20, v1;
	v19 =	vand.u32 $0xFFFF0000, v19;
	v8 =	vld.idx.msk [tilespmem:v8+s2+$0x0], $0xffff  }
0x3e: {  	v55 =	vadd.s32 $0x4E20, v2;
	[tilespmem:v40+s11+$0x0] =	vst.idx.add.f32.msk $0xffff, v19  }
0x3f: {  	v46 =	vand.u32 $0xFFFF0000, v21;
	v1 =	vadd.s32 $0x7530, v1;
	v10 =	vld.idx.msk [tilespmem:v10+s2+$0x0], $0xffff  }
0x40: {  	v56 =	vadd.s32 $0x4E20, v3;
	[tilespmem:v42+s11+$0x0] =	vst.idx.add.f32.msk $0xffff, v46  }
0x41: {  	v2 =	vadd.s32 $0x7530, v2;
	v13 =	vld.idx.msk [tilespmem:v13+s2+$0x0], $0xffff;
	v41 =	vshll.u32 v7, $0x10  }
0x42: {  	v38 =	vadd.s32 $0x2710, v12;
	v59 =	vshll.u32 v8, $0x10;
	[tilespmem:v36+s11+$0x0] =	vst.idx.add.f32.msk $0xffff, v41  }
0x43: {  	v3 =	vadd.s32 $0x7530, v3;
	v7 =	vand.u32 $0xFFFF0000, v7;
	[tilespmem:v55+s11+$0x0] =	vst.idx.add.f32.msk $0xffff, v59  }
0x44: {  	v61 =	vshll.u32 v10, $0x10;
	[tilespmem:v1+s11+$0x0] =	vst.idx.add.f32.msk $0xffff, v7;
	v1 =	vshrl.u32 v6, $0x10  }
0x45: {  	v8 =	vand.u32 $0xFFFF0000, v8;
	[tilespmem:v56+s11+$0x0] =	vst.idx.add.f32.msk $0xffff, v61;
	v7 =	vadd.s32 $0x2710, v1  }
0x46: {  	v47 =	vadd.s32 $0x2710, v22;
	v6 =	vand.u32 $0xFFFF0000, v35;
	[tilespmem:v2+s11+$0x0] =	vst.idx.add.f32.msk $0xffff, v8  }
0x47: {  	v60 =	vadd.s32 $0x4E20, v5;
	v2 =	vadd.s32 $0x7530, v5;
	v5 =	vand.u32 $0xFFFF0000, v10;
	[tilespmem:v38+s11+$0x0] =	vst.idx.add.f32.msk $0xffff, v6  }
0x48: {  	v48 =	vshll.u32 v23, $0x10;
	v6 =	vshrl.u32 v9, $0x10;
	[tilespmem:v3+s11+$0x0] =	vst.idx.add.f32.msk $0xffff, v5  }
0x49: {  	v52 =	vadd.s32 $0x2710, v14;
	v49 =	vand.u32 $0xFFFF0000, v23;
	[tilespmem:v1+s11+$0x0] =	vst.idx.add.f32.msk $0xffff, v48  }
0x4a: {  	[tilespmem:v7+s11+$0x0] =	vst.idx.add.f32.msk $0xffff, v49;
	v7 =	vadd.s32 $0x2710, v11  }
0x4b: {  	v3 =	vshll.u32 v13, $0x10;
	v45 =	vadd.s32 $0x2710, v6;
	v9 =	vld.idx.msk [tilespmem:v47+s2+$0x0], $0xffff  }
0x4c: {  	v53 =	vadd.s32 $0x2710, v17;
	v50 =	vshll.u32 v24, $0x10;
	[tilespmem:v60+s11+$0x0] =	vst.idx.add.f32.msk $0xffff, v3  }
0x4d: {  	v54 =	vadd.s32 $0x4E20, v12;
	[tilespmem:v6+s11+$0x0] =	vst.idx.add.f32.msk $0xffff, v50  }
0x4e: {  	v12 =	vadd.s32 $0x7530, v12;
	v11 =	vld.idx.msk [tilespmem:v52+s2+$0x0], $0xffff  }
0x4f: {  	v51 =	vand.u32 $0xFFFF0000, v24;
	v62 =	vadd.s32 $0x4E20, v1;
	v7 =	vld.idx.msk [tilespmem:v7+s2+$0x0], $0xffff  }
0x50: {  	v58 =	vadd.s32 $0x4E20, v4;
	[tilespmem:v45+s11+$0x0] =	vst.idx.add.f32.msk $0xffff, v51  }
0x51: {  	v5 =	vadd.s32 $0x7530, v1;
	v57 =	vshll.u32 v9, $0x10;
	v14 =	vld.idx.msk [tilespmem:v53+s2+$0x0], $0xffff  }
0x52: {  	v4 =	vadd.s32 $0x7530, v4;
	v9 =	vand.u32 $0xFFFF0000, v9;
	[tilespmem:v54+s11+$0x0] =	vst.idx.add.f32.msk $0xffff, v57  }
0x53: {  	[tilespmem:v12+s11+$0x0] =	vst.idx.add.f32.msk $0xffff, v9;
	v3 =	vshll.u32 v11, $0x10  }
0x54: {  	[tilespmem:v62+s11+$0x0] =	vst.idx.add.f32.msk $0xffff, v3;
	v63 =	vshll.u32 v7, $0x10  }
0x55: {  	v1 =	vand.u32 $0xFFFF0000, v7;
	v7 =	vand.u32 $0xFFFF0000, v11;
	[tilespmem:v58+s11+$0x0] =	vst.idx.add.f32.msk $0xffff, v63  }
0x56: {  	[tilespmem:v5+s11+$0x0] =	vst.idx.add.f32.msk $0xffff, v7  }
0x57: {  	v3 =	vand.u32 $0xFFFF0000, v14;
	[tilespmem:v4+s11+$0x0] =	vst.idx.add.f32.msk $0xffff, v1;
	v1 =	vand.u32 $0xFFFF0000, v13  }
0x58: {  	s16 =	simm.s32 $0xEB20;
	s15 =	simm.s32 $0x0;
	v4 =	vshll.u32 v14, $0x10;
	[tilespmem:v2+s11+$0x0] =	vst.idx.add.f32.msk $0xffff, v1;
	v2 =	vadd.s32 $0x4E20, v6;
	v1 =	vadd.s32 $0x7530, v6  }
.LBB2_5:
0x59: {  	v5 =	vld [tilespmem:s16+$0x30]  }
0x5a: {  	v6 =	vld [tilespmem:s16+$0xFFFFFFD0]  }
0x5b: {  	s15 =	sadd.s32 $0x8, s15;
	v7 =	vld [tilespmem:s16+$0xFFFFFFE0]  }
0x5c: {  	p0 =	slt.u32 s15, $0x268;
	v8 =	vld [tilespmem:s16+$0xFFFFFFF0]  }
0x5d: {  	v9 =	vld [tilespmem:s16+$0x0]  }
0x5e: {  	v10 =	vld [tilespmem:s16+$0x10];
	v11 =	vand.u32 $0xFFFF, v5  }
0x5f: {  	v12 =	vshrl.u32 v6, $0x10;
	v6 =	vand.u32 $0xFFFF, v6;
	v13 =	vld [tilespmem:s16+$0x20]  }
0x60: {  	v14 =	vld [tilespmem:s16+$0xFFFFFFC0];
	v15 =	vadd.s32 $0x2710, v12;
	v16 =	vshrl.u32 v7, $0x10;
	v7 =	vand.u32 $0xFFFF, v7  }
0x61: {  	v17 =	vadd.s32 $0x2710, v16;
	v18 =	vshrl.u32 v8, $0x10;
	v8 =	vand.u32 $0xFFFF, v8;
	[tilespmem:v2+s11+$0x0] =	vst.idx.add.f32.msk $0xffff, v4  }
0x62: {  	v4 =	vadd.s32 $0x2710, v18;
	v19 =	vshrl.u32 v9, $0x10;
	v2 =	vand.u32 $0xFFFF, v9;
	[tilespmem:v1+s11+$0x0] =	vst.idx.add.f32.msk $0xffff, v3  }
0x63: {  	v3 =	vadd.s32 $0x2710, v19;
	v9 =	vshrl.u32 v10, $0x10;
	v1 =	vand.u32 $0xFFFF, v10;
	v10 =	vld.idx.msk [tilespmem:v11+s2+$0x0], $0xffff  }
0x64: {  	v20 =	vld.idx.msk [tilespmem:v6+s2+$0x0], $0xffff;
	v21 =	vadd.s32 $0x2710, v9;
	v22 =	vshrl.u32 v13, $0x10;
	v13 =	vand.u32 $0xFFFF, v13  }
0x65: {  	v5 =	vshrl.u32 v5, $0x10;
	v23 =	vshrl.u32 v14, $0x10;
	v14 =	vand.u32 $0xFFFF, v14;
	v24 =	vld.idx.msk [tilespmem:v7+s2+$0x0], $0xffff  }
0x66: {  	v28 =	vadd.s32 $0x2710, v5;
	v27 =	vadd.s32 $0x2710, v22;
	v25 =	vadd.s32 $0x2710, v23;
	v26 =	vld.idx.msk [tilespmem:v8+s2+$0x0], $0xffff  }
0x67: {  	v11 =	vadd.s32 $0x2710, v11;
	v6 =	vadd.s32 $0x2710, v6;
	v29 =	vadd.s32 $0x2710, v14;
	v30 =	vld.idx.msk [tilespmem:v2+s2+$0x0], $0xffff  }
0x68: {  	v31 =	vadd.s32 $0x2710, v2;
	v7 =	vadd.s32 $0x2710, v7;
	v8 =	vadd.s32 $0x2710, v8;
	v2 =	vld.idx.msk [tilespmem:v1+s2+$0x0], $0xffff  }
0x69: {  	v32 =	vadd.s32 $0x2710, v1;
	v33 =	vshll.u32 v10, $0x10;
	v1 =	vld.idx.msk [tilespmem:v13+s2+$0x0], $0xffff;
	v13 =	vadd.s32 $0x2710, v13  }
0x6a: {  	v10 =	vand.u32 $0xFFFF0000, v10;
	v34 =	vshll.u32 v20, $0x10;
	v20 =	vand.u32 $0xFFFF0000, v20;
	[tilespmem:v5+s11+$0x0] =	vst.idx.add.f32.msk $0xffff, v33  }
0x6b: {  	v33 =	vadd.s32 $0x4E20, v23;
	v35 =	vshll.u32 v24, $0x10;
	v24 =	vand.u32 $0xFFFF0000, v24;
	[tilespmem:v28+s11+$0x0] =	vst.idx.add.f32.msk $0xffff, v10  }
0x6c: {  	v10 =	vadd.s32 $0x7530, v23;
	v28 =	vshll.u32 v26, $0x10;
	v26 =	vand.u32 $0xFFFF0000, v26;
	v11 =	vld.idx.msk [tilespmem:v11+s2+$0x0], $0xffff  }
0x6d: {  	v36 =	vadd.s32 $0x4E20, v12;
	v37 =	vshll.u32 v30, $0x10;
	v30 =	vand.u32 $0xFFFF0000, v30;
	v14 =	vld.idx.msk [tilespmem:v14+s2+$0x0], $0xffff  }
0x6e: {  	v38 =	vand.u32 $0xFFFF0000, v2;
	[tilespmem:v12+s11+$0x0] =	vst.idx.add.f32.msk $0xffff, v34;
	v34 =	vshll.u32 v2, $0x10;
	v2 =	vadd.s32 $0x4E20, v5  }
0x6f: {  	v5 =	vadd.s32 $0x7530, v5;
	[tilespmem:v15+s11+$0x0] =	vst.idx.add.f32.msk $0xffff, v20;
	v15 =	vshll.u32 v1, $0x10;
	v20 =	vand.u32 $0xFFFF0000, v1  }
0x70: {  	v12 =	vadd.s32 $0x7530, v12;
	[tilespmem:v16+s11+$0x0] =	vst.idx.add.f32.msk $0xffff, v35;
	v35 =	vadd.s32 $0x4E20, v16;
	v16 =	vadd.s32 $0x7530, v16  }
0x71: {  	v39 =	vadd.s32 $0x4E20, v19;
	[tilespmem:v17+s11+$0x0] =	vst.idx.add.f32.msk $0xffff, v24;
	v17 =	vadd.s32 $0x4E20, v18;
	v24 =	vadd.s32 $0x7530, v18  }
0x72: {  	v1 =	vshll.u32 v11, $0x10;
	[tilespmem:v18+s11+$0x0] =	vst.idx.add.f32.msk $0xffff, v28;
	v18 =	vadd.s32 $0x7530, v19;
	v28 =	vadd.s32 $0x4E20, v9  }
0x73: {  	v11 =	vand.u32 $0xFFFF0000, v11;
	v40 =	vshll.u32 v14, $0x10;
	v14 =	vand.u32 $0xFFFF0000, v14;
	[tilespmem:v2+s11+$0x0] =	vst.idx.add.f32.msk $0xffff, v1  }
0x74: {  	v41 =	vadd.s32 $0x7530, v9;
	v2 =	vadd.s32 $0x4E20, v22;
	v1 =	vadd.s32 $0x7530, v22;
	[tilespmem:v5+s11+$0x0] =	vst.idx.add.f32.msk $0xffff, v11  }
0x75: {  	[tilespmem:v23+s11+$0x0] =	vst.idx.add.f32.msk $0xffff, v40  }
0x76: {  	[tilespmem:v25+s11+$0x0] =	vst.idx.add.f32.msk $0xffff, v14  }
0x77: {  	[tilespmem:v4+s11+$0x0] =	vst.idx.add.f32.msk $0xffff, v26  }
0x78: {  	[tilespmem:v19+s11+$0x0] =	vst.idx.add.f32.msk $0xffff, v37  }
0x79: {  	[tilespmem:v3+s11+$0x0] =	vst.idx.add.f32.msk $0xffff, v30  }
0x7a: {  	[tilespmem:v9+s11+$0x0] =	vst.idx.add.f32.msk $0xffff, v34  }
0x7b: {  	[tilespmem:v21+s11+$0x0] =	vst.idx.add.f32.msk $0xffff, v38  }
0x7c: {  	[tilespmem:v22+s11+$0x0] =	vst.idx.add.f32.msk $0xffff, v15  }
0x7d: {  	[tilespmem:v27+s11+$0x0] =	vst.idx.add.f32.msk $0xffff, v20  }
0x7e: {  	v3 =	vld.idx.msk [tilespmem:v29+s2+$0x0], $0xffff  }
0x7f: {  	v4 =	vld.idx.msk [tilespmem:v6+s2+$0x0], $0xffff  }
0x80: {  	v5 =	vld.idx.msk [tilespmem:v7+s2+$0x0], $0xffff  }
0x81: {  	v6 =	vld.idx.msk [tilespmem:v8+s2+$0x0], $0xffff  }
0x82: {  	v7 =	vld.idx.msk [tilespmem:v31+s2+$0x0], $0xffff  }
0x83: {  	v8 =	vld.idx.msk [tilespmem:v32+s2+$0x0], $0xffff  }
0x84: {  	v9 =	vshll.u32 v3, $0x10;
	v3 =	vand.u32 $0xFFFF0000, v3;
	v11 =	vld.idx.msk [tilespmem:v13+s2+$0x0], $0xffff  }
0x85: {  	[tilespmem:v33+s11+$0x0] =	vst.idx.add.f32.msk $0xffff, v9;
	v9 =	vshll.u32 v4, $0x10;
	v4 =	vand.u32 $0xFFFF0000, v4  }
0x86: {  	[tilespmem:v10+s11+$0x0] =	vst.idx.add.f32.msk $0xffff, v3;
	v3 =	vshll.u32 v5, $0x10;
	v5 =	vand.u32 $0xFFFF0000, v5  }
0x87: {  	[tilespmem:v36+s11+$0x0] =	vst.idx.add.f32.msk $0xffff, v9;
	v9 =	vshll.u32 v6, $0x10;
	v6 =	vand.u32 $0xFFFF0000, v6  }
0x88: {  	v10 =	vshll.u32 v7, $0x10;
	v7 =	vand.u32 $0xFFFF0000, v7;
	[tilespmem:v12+s11+$0x0] =	vst.idx.add.f32.msk $0xffff, v4  }
0x89: {  	v12 =	vshll.u32 v8, $0x10;
	v8 =	vand.u32 $0xFFFF0000, v8;
	[tilespmem:v35+s11+$0x0] =	vst.idx.add.f32.msk $0xffff, v3  }
0x8a: {  	v4 =	vshll.u32 v11, $0x10;
	v3 =	vand.u32 $0xFFFF0000, v11;
	[tilespmem:v16+s11+$0x0] =	vst.idx.add.f32.msk $0xffff, v5  }
0x8b: {  	[tilespmem:v17+s11+$0x0] =	vst.idx.add.f32.msk $0xffff, v9  }
.Ltmp1:
0x8c: {  	[tilespmem:v24+s11+$0x0] =	vst.idx.add.f32.msk $0xffff, v6;
	(pc) =	sbr.rel @p0 .LBB2_5-.Ltmp1, $4  }
0x8d: {  	[tilespmem:v39+s11+$0x0] =	vst.idx.add.f32.msk $0xffff, v10  }
0x8e: {  	[tilespmem:v18+s11+$0x0] =	vst.idx.add.f32.msk $0xffff, v7  }
0x8f: {  	[tilespmem:v28+s11+$0x0] =	vst.idx.add.f32.msk $0xffff, v12  }
0x90: {  	s16 =	sadd.s32 $0x80, s16;
	[tilespmem:v41+s11+$0x0] =	vst.idx.add.f32.msk $0xffff, v8  }
0x91: {  	_ =	sdelay $0x3  }
0x92: {  	[tilespmem:v2+s11+$0x0] =	vst.idx.add.f32.msk $0xffff, v4  }
0x93: {  	[tilespmem:v1+s11+$0x0] =	vst.idx.add.f32.msk $0xffff, v3  }
0x94: {  	v1 =	vld [tilespmem:$0x11160];
	_ =	sdelay $0x4  }
0x95: {  	v2 =	vand.u32 $0xFFFF, v1;
	_ =	sdelay $0x4  }
0x96: {  	v3 =	vld.idx.msk [tilespmem:v2+s2+$0x0], $0xffff  }
0x97: {  	v1 =	vshrl.u32 v1, $0x10  }
0x98: {  	v4 =	vadd.s32 $0x2710, v1  }
0x99: {  	v2 =	vadd.s32 $0x2710, v2;
	_ =	sdelay $0x1  }
0x9a: {  	v5 =	vshll.u32 v3, $0x10  }
0x9b: {  	v3 =	vand.u32 $0xFFFF0000, v3;
	[tilespmem:v1+s11+$0x0] =	vst.idx.add.f32.msk $0xffff, v5  }
0x9c: {  	[tilespmem:v4+s11+$0x0] =	vst.idx.add.f32.msk $0xffff, v3  }
0x9d: {  	v2 =	vld.idx.msk [tilespmem:v2+s2+$0x0], $0xffff  }
0x9e: {  	v3 =	vadd.s32 $0x4E20, v1  }
0x9f: {  	v1 =	vadd.s32 $0x7530, v1;
	_ =	sdelay $0x1  }
0xa0: {  	p0 =	seq.s32 s13, $0xF  }
0xa1: {  	s14 =	sshrl.u32 @!p0 s14, $0x3;
	v4 =	vshll.u32 v2, $0x10  }
0xa2: {  	s14 =	sadd.s32 @!p0 s3, s14;
	v2 =	vand.u32 $0xFFFF0000, v2;
	[tilespmem:v3+s11+$0x0] =	vst.idx.add.f32.msk $0xffff, v4  }
0xa3: {  	s15 =	simm.s32 @!p0 $0x0;
	s16 =	simm.s32 @!p0 $0xEA60;
	s14 =	sadd.s32 @!p0 $0x9C4, s14;
	[tilespmem:v1+s11+$0x0] =	vst.idx.add.f32.msk $0xffff, v2  }
0xa4: {  	[tilespmem:s16], [sflag:$0x1] =	stream.linear.gather @!p0 [hbm4b:s14+s15], $0x2710, $0x38;
	[tilespmem:$0x13880] =	vst v63  }
0xa5: {  	_ =	swait.ge [sflag:s10], $0x2710  }
0xa6: {  	[sflag:s10] =	ssyncset.done $0x0  }
0xa7: {  	s31 =	simm.s32 $0x111E0;
	[sflag:s10] =	ssyncadd.s32 $0xFFFFD8F0  }
0xa8: {  	v1 =	vld [tilespmem:s31+$0x0]  }
0xa9: {  	v2 =	vld [tilespmem:s31+$0xFFFFFFA0]  }
0xaa: {  	v3 =	vld [tilespmem:s31+$0xFFFFFFB0]  }
0xab: {  	v4 =	vld [tilespmem:s31+$0xFFFFFFC0]  }
0xac: {  	v5 =	vld [tilespmem:s31+$0xFFFFFFD0]  }
0xad: {  	v6 =	vld [tilespmem:s31+$0xFFFFFFE0];
	v7 =	vand.u32 $0xFFFF, v1  }
0xae: {  	v12 =	vld [tilespmem:s31+$0xFFFFFF90];
	v8 =	vand.u32 $0xFFFF, v2  }
0xaf: {  	v9 =	vld [tilespmem:s31+$0xFFFFFFF0];
	v10 =	vand.u32 $0xFFFF, v3  }
0xb0: {  	v11 =	vand.u32 $0xFFFF, v4  }
0xb1: {  	v13 =	vand.u32 $0xFFFF, v5  }
0xb2: {  	v14 =	vand.u32 $0xFFFF, v6;
	v15 =	vld.idx.msk [tilespmem:v7+s2+$0x0], $0xffff  }
0xb3: {  	v22 =	vand.u32 $0xFFFF, v12;
	v16 =	vld.idx.msk [tilespmem:v8+s2+$0x0], $0xffff  }
0xb4: {  	v17 =	vand.u32 $0xFFFF, v9;
	v18 =	vld.idx.msk [tilespmem:v10+s2+$0x0], $0xffff  }
0xb5: {  	v1 =	vshrl.u32 v1, $0x10;
	v19 =	vld.idx.msk [tilespmem:v11+s2+$0x0], $0xffff  }
0xb6: {  	v2 =	vshrl.u32 v2, $0x10;
	v21 =	vld.idx.msk [tilespmem:v13+s2+$0x0], $0xffff  }
0xb7: {  	v3 =	vshrl.u32 v3, $0x10;
	v23 =	vld.idx.msk [tilespmem:v14+s2+$0x0], $0xffff  }
0xb8: {  	v4 =	vshrl.u32 v4, $0x10;
	v35 =	vld.idx.msk [tilespmem:v22+s2+$0x0], $0xffff  }
0xb9: {  	v12 =	vshrl.u32 v12, $0x10;
	v24 =	vld.idx.msk [tilespmem:v17+s2+$0x0], $0xffff;
	v25 =	vshll.u32 v15, $0x10  }
0xba: {  	v5 =	vshrl.u32 v5, $0x10;
	v34 =	vshll.u32 v16, $0x10;
	[tilespmem:v1+s11+$0x0] =	vst.idx.add.f32.msk $0xffff, v25  }
0xbb: {  	v20 =	vadd.s32 $0x2710, v1;
	v27 =	vshll.u32 v18, $0x10;
	[tilespmem:v2+s11+$0x0] =	vst.idx.add.f32.msk $0xffff, v34  }
0xbc: {  	v26 =	vadd.s32 $0x2710, v2;
	v39 =	vshll.u32 v19, $0x10;
	[tilespmem:v3+s11+$0x0] =	vst.idx.add.f32.msk $0xffff, v27  }
0xbd: {  	v33 =	vadd.s32 $0x2710, v3;
	v43 =	vshll.u32 v35, $0x10;
	[tilespmem:v4+s11+$0x0] =	vst.idx.add.f32.msk $0xffff, v39  }
0xbe: {  	v7 =	vadd.s32 $0x2710, v7;
	v44 =	vshll.u32 v21, $0x10;
	[tilespmem:v12+s11+$0x0] =	vst.idx.add.f32.msk $0xffff, v43  }
0xbf: {  	v8 =	vadd.s32 $0x2710, v8;
	v15 =	vand.u32 $0xFFFF0000, v15;
	[tilespmem:v5+s11+$0x0] =	vst.idx.add.f32.msk $0xffff, v44  }
0xc0: {  	v40 =	vadd.s32 $0x2710, v4;
	v16 =	vand.u32 $0xFFFF0000, v16;
	[tilespmem:v20+s11+$0x0] =	vst.idx.add.f32.msk $0xffff, v15  }
0xc1: {  	v10 =	vadd.s32 $0x2710, v10;
	v37 =	vand.u32 $0xFFFF0000, v18;
	[tilespmem:v26+s11+$0x0] =	vst.idx.add.f32.msk $0xffff, v16  }
0xc2: {  	v42 =	vadd.s32 $0x2710, v5;
	[tilespmem:v33+s11+$0x0] =	vst.idx.add.f32.msk $0xffff, v37  }
0xc3: {  	v13 =	vadd.s32 $0x2710, v13;
	v7 =	vld.idx.msk [tilespmem:v7+s2+$0x0], $0xffff  }
0xc4: {  	v36 =	vadd.s32 $0x4E20, v1;
	v19 =	vand.u32 $0xFFFF0000, v19;
	v8 =	vld.idx.msk [tilespmem:v8+s2+$0x0], $0xffff  }
0xc5: {  	v55 =	vadd.s32 $0x4E20, v2;
	[tilespmem:v40+s11+$0x0] =	vst.idx.add.f32.msk $0xffff, v19  }
0xc6: {  	v46 =	vand.u32 $0xFFFF0000, v21;
	v1 =	vadd.s32 $0x7530, v1;
	v10 =	vld.idx.msk [tilespmem:v10+s2+$0x0], $0xffff  }
0xc7: {  	v56 =	vadd.s32 $0x4E20, v3;
	[tilespmem:v42+s11+$0x0] =	vst.idx.add.f32.msk $0xffff, v46  }
0xc8: {  	v2 =	vadd.s32 $0x7530, v2;
	v13 =	vld.idx.msk [tilespmem:v13+s2+$0x0], $0xffff;
	v41 =	vshll.u32 v7, $0x10  }
0xc9: {  	v38 =	vadd.s32 $0x2710, v12;
	v59 =	vshll.u32 v8, $0x10;
	[tilespmem:v36+s11+$0x0] =	vst.idx.add.f32.msk $0xffff, v41  }
0xca: {  	v3 =	vadd.s32 $0x7530, v3;
	v7 =	vand.u32 $0xFFFF0000, v7;
	[tilespmem:v55+s11+$0x0] =	vst.idx.add.f32.msk $0xffff, v59  }
0xcb: {  	v61 =	vshll.u32 v10, $0x10;
	[tilespmem:v1+s11+$0x0] =	vst.idx.add.f32.msk $0xffff, v7;
	v1 =	vshrl.u32 v6, $0x10  }
0xcc: {  	v8 =	vand.u32 $0xFFFF0000, v8;
	[tilespmem:v56+s11+$0x0] =	vst.idx.add.f32.msk $0xffff, v61;
	v7 =	vadd.s32 $0x2710, v1  }
0xcd: {  	v47 =	vadd.s32 $0x2710, v22;
	v6 =	vand.u32 $0xFFFF0000, v35;
	[tilespmem:v2+s11+$0x0] =	vst.idx.add.f32.msk $0xffff, v8  }
0xce: {  	v60 =	vadd.s32 $0x4E20, v5;
	v2 =	vadd.s32 $0x7530, v5;
	v5 =	vand.u32 $0xFFFF0000, v10;
	[tilespmem:v38+s11+$0x0] =	vst.idx.add.f32.msk $0xffff, v6  }
0xcf: {  	v48 =	vshll.u32 v23, $0x10;
	v6 =	vshrl.u32 v9, $0x10;
	[tilespmem:v3+s11+$0x0] =	vst.idx.add.f32.msk $0xffff, v5  }
0xd0: {  	v52 =	vadd.s32 $0x2710, v14;
	v49 =	vand.u32 $0xFFFF0000, v23;
	[tilespmem:v1+s11+$0x0] =	vst.idx.add.f32.msk $0xffff, v48  }
0xd1: {  	[tilespmem:v7+s11+$0x0] =	vst.idx.add.f32.msk $0xffff, v49;
	v7 =	vadd.s32 $0x2710, v11  }
0xd2: {  	v3 =	vshll.u32 v13, $0x10;
	v45 =	vadd.s32 $0x2710, v6;
	v9 =	vld.idx.msk [tilespmem:v47+s2+$0x0], $0xffff  }
0xd3: {  	v53 =	vadd.s32 $0x2710, v17;
	v50 =	vshll.u32 v24, $0x10;
	[tilespmem:v60+s11+$0x0] =	vst.idx.add.f32.msk $0xffff, v3  }
0xd4: {  	v54 =	vadd.s32 $0x4E20, v12;
	[tilespmem:v6+s11+$0x0] =	vst.idx.add.f32.msk $0xffff, v50  }
0xd5: {  	v12 =	vadd.s32 $0x7530, v12;
	v11 =	vld.idx.msk [tilespmem:v52+s2+$0x0], $0xffff  }
0xd6: {  	v51 =	vand.u32 $0xFFFF0000, v24;
	v62 =	vadd.s32 $0x4E20, v1;
	v7 =	vld.idx.msk [tilespmem:v7+s2+$0x0], $0xffff  }
0xd7: {  	v58 =	vadd.s32 $0x4E20, v4;
	[tilespmem:v45+s11+$0x0] =	vst.idx.add.f32.msk $0xffff, v51  }
0xd8: {  	v5 =	vadd.s32 $0x7530, v1;
	v57 =	vshll.u32 v9, $0x10;
	v14 =	vld.idx.msk [tilespmem:v53+s2+$0x0], $0xffff  }
0xd9: {  	v4 =	vadd.s32 $0x7530, v4;
	v9 =	vand.u32 $0xFFFF0000, v9;
	[tilespmem:v54+s11+$0x0] =	vst.idx.add.f32.msk $0xffff, v57  }
0xda: {  	[tilespmem:v12+s11+$0x0] =	vst.idx.add.f32.msk $0xffff, v9;
	v3 =	vshll.u32 v11, $0x10  }
0xdb: {  	[tilespmem:v62+s11+$0x0] =	vst.idx.add.f32.msk $0xffff, v3;
	v63 =	vshll.u32 v7, $0x10  }
0xdc: {  	v1 =	vand.u32 $0xFFFF0000, v7;
	v7 =	vand.u32 $0xFFFF0000, v11;
	[tilespmem:v58+s11+$0x0] =	vst.idx.add.f32.msk $0xffff, v63  }
0xdd: {  	[tilespmem:v5+s11+$0x0] =	vst.idx.add.f32.msk $0xffff, v7  }
0xde: {  	v3 =	vand.u32 $0xFFFF0000, v14;
	[tilespmem:v4+s11+$0x0] =	vst.idx.add.f32.msk $0xffff, v1;
	v1 =	vand.u32 $0xFFFF0000, v13  }
0xdf: {  	s14 =	simm.s32 $0x0;
	s15 =	simm.s32 $0x11260;
	v4 =	vshll.u32 v14, $0x10;
	[tilespmem:v2+s11+$0x0] =	vst.idx.add.f32.msk $0xffff, v1;
	v2 =	vadd.s32 $0x4E20, v6;
	v1 =	vadd.s32 $0x7530, v6  }
.LBB2_7:
0xe0: {  	v5 =	vld [tilespmem:s15+$0x0]  }
0xe1: {  	v6 =	vld [tilespmem:s15+$0xFFFFFFA0]  }
0xe2: {  	s14 =	sadd.s32 $0x8, s14;
	v7 =	vld [tilespmem:s15+$0xFFFFFFB0]  }
0xe3: {  	p0 =	slt.u32 s14, $0x268;
	v8 =	vld [tilespmem:s15+$0xFFFFFFC0]  }
0xe4: {  	v9 =	vld [tilespmem:s15+$0xFFFFFFD0]  }
0xe5: {  	v10 =	vld [tilespmem:s15+$0xFFFFFFE0];
	v11 =	vand.u32 $0xFFFF, v5  }
0xe6: {  	v12 =	vshrl.u32 v6, $0x10;
	v6 =	vand.u32 $0xFFFF, v6;
	v13 =	vld [tilespmem:s15+$0xFFFFFFF0]  }
0xe7: {  	v14 =	vld [tilespmem:s15+$0xFFFFFF90];
	v15 =	vadd.s32 $0x2710, v12;
	v16 =	vshrl.u32 v7, $0x10;
	v7 =	vand.u32 $0xFFFF, v7  }
0xe8: {  	v17 =	vadd.s32 $0x2710, v16;
	v18 =	vshrl.u32 v8, $0x10;
	v8 =	vand.u32 $0xFFFF, v8;
	[tilespmem:v2+s11+$0x0] =	vst.idx.add.f32.msk $0xffff, v4  }
0xe9: {  	v4 =	vadd.s32 $0x2710, v18;
	v19 =	vshrl.u32 v9, $0x10;
	v2 =	vand.u32 $0xFFFF, v9;
	[tilespmem:v1+s11+$0x0] =	vst.idx.add.f32.msk $0xffff, v3  }
0xea: {  	v3 =	vadd.s32 $0x2710, v19;
	v9 =	vshrl.u32 v10, $0x10;
	v1 =	vand.u32 $0xFFFF, v10;
	v10 =	vld.idx.msk [tilespmem:v11+s2+$0x0], $0xffff  }
0xeb: {  	v20 =	vld.idx.msk [tilespmem:v6+s2+$0x0], $0xffff;
	v21 =	vadd.s32 $0x2710, v9;
	v22 =	vshrl.u32 v13, $0x10;
	v13 =	vand.u32 $0xFFFF, v13  }
0xec: {  	v5 =	vshrl.u32 v5, $0x10;
	v23 =	vshrl.u32 v14, $0x10;
	v14 =	vand.u32 $0xFFFF, v14;
	v24 =	vld.idx.msk [tilespmem:v7+s2+$0x0], $0xffff  }
0xed: {  	v28 =	vadd.s32 $0x2710, v5;
	v27 =	vadd.s32 $0x2710, v22;
	v25 =	vadd.s32 $0x2710, v23;
	v26 =	vld.idx.msk [tilespmem:v8+s2+$0x0], $0xffff  }
0xee: {  	v11 =	vadd.s32 $0x2710, v11;
	v6 =	vadd.s32 $0x2710, v6;
	v29 =	vadd.s32 $0x2710, v14;
	v30 =	vld.idx.msk [tilespmem:v2+s2+$0x0], $0xffff  }
0xef: {  	v31 =	vadd.s32 $0x2710, v2;
	v7 =	vadd.s32 $0x2710, v7;
	v8 =	vadd.s32 $0x2710, v8;
	v2 =	vld.idx.msk [tilespmem:v1+s2+$0x0], $0xffff  }
0xf0: {  	v32 =	vadd.s32 $0x2710, v1;
	v33 =	vshll.u32 v10, $0x10;
	v1 =	vld.idx.msk [tilespmem:v13+s2+$0x0], $0xffff;
	v13 =	vadd.s32 $0x2710, v13  }
0xf1: {  	v10 =	vand.u32 $0xFFFF0000, v10;
	v34 =	vshll.u32 v20, $0x10;
	v20 =	vand.u32 $0xFFFF0000, v20;
	[tilespmem:v5+s11+$0x0] =	vst.idx.add.f32.msk $0xffff, v33  }
0xf2: {  	v33 =	vadd.s32 $0x4E20, v23;
	v35 =	vshll.u32 v24, $0x10;
	v24 =	vand.u32 $0xFFFF0000, v24;
	[tilespmem:v28+s11+$0x0] =	vst.idx.add.f32.msk $0xffff, v10  }
0xf3: {  	v10 =	vadd.s32 $0x7530, v23;
	v28 =	vshll.u32 v26, $0x10;
	v26 =	vand.u32 $0xFFFF0000, v26;
	v11 =	vld.idx.msk [tilespmem:v11+s2+$0x0], $0xffff  }
0xf4: {  	v36 =	vadd.s32 $0x4E20, v12;
	v37 =	vshll.u32 v30, $0x10;
	v30 =	vand.u32 $0xFFFF0000, v30;
	v14 =	vld.idx.msk [tilespmem:v14+s2+$0x0], $0xffff  }
0xf5: {  	v38 =	vand.u32 $0xFFFF0000, v2;
	[tilespmem:v12+s11+$0x0] =	vst.idx.add.f32.msk $0xffff, v34;
	v34 =	vshll.u32 v2, $0x10;
	v2 =	vadd.s32 $0x4E20, v5  }
0xf6: {  	v5 =	vadd.s32 $0x7530, v5;
	[tilespmem:v15+s11+$0x0] =	vst.idx.add.f32.msk $0xffff, v20;
	v15 =	vshll.u32 v1, $0x10;
	v20 =	vand.u32 $0xFFFF0000, v1  }
0xf7: {  	v12 =	vadd.s32 $0x7530, v12;
	[tilespmem:v16+s11+$0x0] =	vst.idx.add.f32.msk $0xffff, v35;
	v35 =	vadd.s32 $0x4E20, v16;
	v16 =	vadd.s32 $0x7530, v16  }
0xf8: {  	v39 =	vadd.s32 $0x4E20, v19;
	[tilespmem:v17+s11+$0x0] =	vst.idx.add.f32.msk $0xffff, v24;
	v17 =	vadd.s32 $0x4E20, v18;
	v24 =	vadd.s32 $0x7530, v18  }
0xf9: {  	v1 =	vshll.u32 v11, $0x10;
	[tilespmem:v18+s11+$0x0] =	vst.idx.add.f32.msk $0xffff, v28;
	v18 =	vadd.s32 $0x7530, v19;
	v28 =	vadd.s32 $0x4E20, v9  }
0xfa: {  	v11 =	vand.u32 $0xFFFF0000, v11;
	v40 =	vshll.u32 v14, $0x10;
	v14 =	vand.u32 $0xFFFF0000, v14;
	[tilespmem:v2+s11+$0x0] =	vst.idx.add.f32.msk $0xffff, v1  }
0xfb: {  	v41 =	vadd.s32 $0x7530, v9;
	v2 =	vadd.s32 $0x4E20, v22;
	v1 =	vadd.s32 $0x7530, v22;
	[tilespmem:v5+s11+$0x0] =	vst.idx.add.f32.msk $0xffff, v11  }
0xfc: {  	[tilespmem:v23+s11+$0x0] =	vst.idx.add.f32.msk $0xffff, v40  }
0xfd: {  	[tilespmem:v25+s11+$0x0] =	vst.idx.add.f32.msk $0xffff, v14  }
0xfe: {  	[tilespmem:v4+s11+$0x0] =	vst.idx.add.f32.msk $0xffff, v26  }
0xff: {  	[tilespmem:v19+s11+$0x0] =	vst.idx.add.f32.msk $0xffff, v37  }
0x100: {  	[tilespmem:v3+s11+$0x0] =	vst.idx.add.f32.msk $0xffff, v30  }
0x101: {  	[tilespmem:v9+s11+$0x0] =	vst.idx.add.f32.msk $0xffff, v34  }
0x102: {  	[tilespmem:v21+s11+$0x0] =	vst.idx.add.f32.msk $0xffff, v38  }
0x103: {  	[tilespmem:v22+s11+$0x0] =	vst.idx.add.f32.msk $0xffff, v15  }
0x104: {  	[tilespmem:v27+s11+$0x0] =	vst.idx.add.f32.msk $0xffff, v20  }
0x105: {  	v3 =	vld.idx.msk [tilespmem:v29+s2+$0x0], $0xffff  }
0x106: {  	v4 =	vld.idx.msk [tilespmem:v6+s2+$0x0], $0xffff  }
0x107: {  	v5 =	vld.idx.msk [tilespmem:v7+s2+$0x0], $0xffff  }
0x108: {  	v6 =	vld.idx.msk [tilespmem:v8+s2+$0x0], $0xffff  }
0x109: {  	v7 =	vld.idx.msk [tilespmem:v31+s2+$0x0], $0xffff  }
0x10a: {  	v8 =	vld.idx.msk [tilespmem:v32+s2+$0x0], $0xffff  }
0x10b: {  	v9 =	vshll.u32 v3, $0x10;
	v3 =	vand.u32 $0xFFFF0000, v3;
	v11 =	vld.idx.msk [tilespmem:v13+s2+$0x0], $0xffff  }
0x10c: {  	[tilespmem:v33+s11+$0x0] =	vst.idx.add.f32.msk $0xffff, v9;
	v9 =	vshll.u32 v4, $0x10;
	v4 =	vand.u32 $0xFFFF0000, v4  }
0x10d: {  	[tilespmem:v10+s11+$0x0] =	vst.idx.add.f32.msk $0xffff, v3;
	v3 =	vshll.u32 v5, $0x10;
	v5 =	vand.u32 $0xFFFF0000, v5  }
0x10e: {  	[tilespmem:v36+s11+$0x0] =	vst.idx.add.f32.msk $0xffff, v9;
	v9 =	vshll.u32 v6, $0x10;
	v6 =	vand.u32 $0xFFFF0000, v6  }
0x10f: {  	v10 =	vshll.u32 v7, $0x10;
	v7 =	vand.u32 $0xFFFF0000, v7;
	[tilespmem:v12+s11+$0x0] =	vst.idx.add.f32.msk $0xffff, v4  }
0x110: {  	v12 =	vshll.u32 v8, $0x10;
	v8 =	vand.u32 $0xFFFF0000, v8;
	[tilespmem:v35+s11+$0x0] =	vst.idx.add.f32.msk $0xffff, v3  }
0x111: {  	v4 =	vshll.u32 v11, $0x10;
	v3 =	vand.u32 $0xFFFF0000, v11;
	[tilespmem:v16+s11+$0x0] =	vst.idx.add.f32.msk $0xffff, v5  }
0x112: {  	[tilespmem:v17+s11+$0x0] =	vst.idx.add.f32.msk $0xffff, v9  }
.Ltmp2:
0x113: {  	[tilespmem:v24+s11+$0x0] =	vst.idx.add.f32.msk $0xffff, v6;
	(pc) =	sbr.rel @p0 .LBB2_7-.Ltmp2, $4  }
0x114: {  	[tilespmem:v39+s11+$0x0] =	vst.idx.add.f32.msk $0xffff, v10  }
0x115: {  	[tilespmem:v18+s11+$0x0] =	vst.idx.add.f32.msk $0xffff, v7  }
0x116: {  	[tilespmem:v28+s11+$0x0] =	vst.idx.add.f32.msk $0xffff, v12  }
0x117: {  	s15 =	sadd.s32 $0x80, s15;
	[tilespmem:v41+s11+$0x0] =	vst.idx.add.f32.msk $0xffff, v8  }
0x118: {  	_ =	sdelay $0x3  }
0x119: {  	[tilespmem:v2+s11+$0x0] =	vst.idx.add.f32.msk $0xffff, v4  }
0x11a: {  	[tilespmem:v1+s11+$0x0] =	vst.idx.add.f32.msk $0xffff, v3  }
0x11b: {  	v1 =	vld [tilespmem:$0x13870];
	_ =	sdelay $0x4  }
0x11c: {  	v2 =	vand.u32 $0xFFFF, v1;
	_ =	sdelay $0x4  }
0x11d: {  	v3 =	vld.idx.msk [tilespmem:v2+s2+$0x0], $0xffff  }
0x11e: {  	v1 =	vshrl.u32 v1, $0x10  }
0x11f: {  	v62 =	vadd.s32 $0x2710, v1  }
0x120: {  	v2 =	vadd.s32 $0x2710, v2;
	_ =	sdelay $0x1  }
0x121: {  	v5 =	vshll.u32 v3, $0x10  }
0x122: {  	v3 =	vand.u32 $0xFFFF0000, v3;
	[tilespmem:v1+s11+$0x0] =	vst.idx.add.f32.msk $0xffff, v5  }
0x123: {  	[tilespmem:v62+s11+$0x0] =	vst.idx.add.f32.msk $0xffff, v3  }
0x124: {  	v2 =	vld.idx.msk [tilespmem:v2+s2+$0x0], $0xffff  }
0x125: {  	s13 =	sadd.s32 $0x1, s13;
	v3 =	vadd.s32 $0x4E20, v1  }
0x126: {  	p0 =	sne.s32 s13, $0x10;
	v1 =	vadd.s32 $0x7530, v1  }
.Ltmp3:
0x127: {  	_ = 	snop;
	(pc) =	sbr.rel @p0 .LBB2_4-.Ltmp3, $4  }
0x128: {  	_ = 	snop  }
0x129: {  	v63 =	vshll.u32 v2, $0x10  }
0x12a: {  	v2 =	vand.u32 $0xFFFF0000, v2;
	[tilespmem:v3+s11+$0x0] =	vst.idx.add.f32.msk $0xffff, v63  }
0x12b: {  	[tilespmem:v1+s11+$0x0] =	vst.idx.add.f32.msk $0xffff, v2  }
0x12c: {  	s12 =	sadd.s32 $0x1, s12  }
0x12d: {  	p0 =	sne.s32 s12, s6  }
.Ltmp4:
0x12e: {  	_ = 	snop;
	(pc) =	sbr.rel @p0 .LBB2_1-.Ltmp4, $4  }
0x12f: {  	[hbm4b:s5+s2] =	stream.linear.scatter [tilespmem:s11], [sflag:$0x2], $0x9C40, $0x38;
	[tilespmem:$0x13880] =	vst v63  }
0x130: {  	_ =	swait.ge [sflag:s7], $0x9C40  }
0x131: {  	[sflag:s7] =	ssyncset.done $0x0  }
0x132: {  	[sflag:s7] =	ssyncadd.s32 $0xFFFF63C0  }
0x133: {  	_ =	sfence.sel $0x180000  }
0x134: {  	[bflag:$0x0] =	sbarrier.arrive $0xFFFF  }
0x135: {  	p0 =	sne.s32 s0, $0x0;
	_ =	strace $0x9000004A  }
0x136: {  	s0 =	sadd.s32 @!p0 $0x100000, s1;
	[bflag:$0x2] =	sbarrier.arrive $0xFFFF  }
0x137: {  	[sflag:s0] =	ssyncadd.tile.s32 @!p0 $0x1;
	_ =	shalt  }
.Lfunc_end2:
_tile_overlayer_lowered:
.L_overlay_start_2:
0x138: {  	(tag) =	ssettag $0x2  }
0x139: {  	s0 =	rddreg [dreg:$0x0];
	s2 =	stileid.u32  }
0x13a: {  	s1 =	rddreg [dreg:$0x1];
	p0 =	sne.s32 s2, $0x0  }
0x13b: {  	s3 =	rddreg [dreg:$0x2];
	[bflag:$0x3] =	sbarrier.arrive $0xFFFF;
	s2 =	simm.s32 @!p0 $0x1C02  }
0x13c: {  	[timem:s3], [sflag:s2] =	dma.local @!p0 [hbm:s0], s1  }
0x13d: {  	s0 =	simm.s32 @!p0 $0x2  }
0x13e: {  	_ =	swait.ge @!p0 [sflag:s0], s1  }
0x13f: {  	s1 =	ssub.s32 @!p0 $0x0, s1;
	[sflag:s0] =	ssyncset.done @!p0 $0x0  }
0x140: {  	[sflag:s0] =	ssyncadd.s32 @!p0 s1  }
0x141: {  	[bflag:$0x3] =	sbarrier.arrive $0xFFFF  }
0x142: {  	_ =	shalt  }

// kernel: kernel.20.cloned.1.call-start
scs
__scs_entry_jumppad:
0x0: {  	(pc) =	sbr.rel $0x88, $3  }
0x1: {  	(tag) =	ssettag $0x0;
	lr =	simm.s32 $0x1  }
0x2: {  	[smem:$0x3F8F] =	sst lr;
	_ =	strace $0xD0000000  }
0x3: {  	_ = 	snop  }
0x4: {  	_ = 	snop  }
0x5: {  	_ = 	snop  }
0x6: {  	_ = 	snop  }
0x7: {  	_ = 	snop  }
__scs_overlays_trampoline_lowered:
0x8: {  	[smem:$0x3F9E] =	sst s0  }
0x9: {  	[smem:$0x3F9F] =	sst s1  }
0xa: {  	[smem:$0x3FA0] =	sst s2  }
0xb: {  	[smem:$0x3FA1] =	sst s3  }
0xc: {  	[smem:$0x3FA2] =	sst s4  }
0xd: {  	[smem:$0x3FA3] =	sst s5  }
0xe: {  	[smem:$0x3FA4] =	sst s6  }
0xf: {  	[smem:$0x3FA5] =	sst s7  }
0x10: {  	[smem:$0x3FA6] =	sst s8  }
0x11: {  	[smem:$0x3FA7] =	sst s9;
	s0 =	simm.s32 @!p0 $0x0  }
0x12: {  	s1 =	sld [smem:$0x3F8D];
	s0 =	simm.s32 @p0 $0x1  }
0x13: {  	[smem:$0x3FA8] =	sst s0;
	s0 =	simm.s32 @!p1 $0x0  }
0x14: {  	s2 =	sld [smem:$0x3F8C];
	s0 =	simm.s32 @p1 $0x1  }
0x15: {  	[smem:$0x3FA9] =	sst s0;
	s0 =	simm.s32 @!p2 $0x0  }
0x16: {  	s3 =	sld [smem:$0x3FDB];
	s0 =	simm.s32 @p2 $0x1  }
0x17: {  	s4 =	simm.s32 $0x1BF5;
	[smem:$0x3FAB] =	sst s0  }
0x18: {  	s0 =	sld [smem:$0x3F8E];
	_ =	swait.ge [sflag:s4], $0x0  }
0x19: {  	s7 =	sld [smem:$0x3F8F]  }
0x1a: {  	s8 =	sadd.s32 $0xFFFFE003, lr  }
0x1b: {  	s9 =	sadd.s32 $0xFFFFFEF7, lr;
	s5 =	simm.s32 $0xFFFFFFFF;
	p2 =	slt.u32 s8, $0xFFFFF086  }
0x1c: {  	p1 =	slt.u32 s9, $0xF7A;
	s5 =	simm.s32 @!p2 $0x0  }
0x1d: {  	s5 =	simm.s32 @p1 $0x1;
	p0 =	seq.s32 s7, s2  }
0x1e: {  	s7 =	smul.u32 @!p0 $0xF7A, s2;
	p2 =	seq.s32 @!p0 s5, $0x0  }
0x1f: {  	s9 =	smul.u32 $0xF7A, s1;
	s8 =	simm.s32 @!p0 $0x1BF5;
	p2 =	por !p2, p0  }
0x20: {  	[sflag:s8] =	ssyncset.s32 @!p0 $0xFFFFF086;
	s6 =	sadd.s32 @!p0 s3, s7;
	s7 =	simm.s32 @!p0 $0x108  }
0x21: {  	s3 =	sadd.s32 s3, s9;
	s6 =	sadd.s32 @!p0 $0x88, s6;
	s7 =	simm.s32 @p2 $0x1082  }
0x22: {  	[simem:s7], [sflag:s8] =	dma.local @!p0 [hbm:s6], $0xF7A  }
0x23: {  	s9 =	sor.u32 $0xD0000000, s2;
	s6 =	simm.s32 $0x108;
	_ =	swait.ge @!p0 [sflag:s8], $0x0  }
0x24: {  	s3 =	sadd.s32 $0x88, s3;
	s6 =	simm.s32 @!p1 $0x1082;
	[sflag:s4] =	ssyncset.s32 $0xFFFFF086  }
0x25: {  	[simem:s6], [sflag:s4] =	dma.local [hbm:s3], $0xF7A  }
0x26: {  	[smem:$0x3F8F] =	sst s1;
	(tag) =	ssettag s2;
	_ =	strace s9  }
0x27: {  	s1 =	sld [smem:$0x3F9F]  }
0x28: {  	s2 =	sld [smem:$0x3FA0]  }
0x29: {  	s4 =	sld [smem:$0x3FA2]  }
0x2a: {  	p0 =	seq.s32 s5, $0x0;
	s5 =	sld [smem:$0x3FA3]  }
0x2b: {  	s6 =	sld [smem:$0x3FA4]  }
0x2c: {  	s7 =	sld [smem:$0x3FA5]  }
0x2d: {  	s3 =	simm.s32 $0x108;
	s8 =	sld [smem:$0x3FA6]  }
0x2e: {  	s3 =	simm.s32 @!p0 $0x1082;
	s9 =	sld [smem:$0x3FA7]  }
0x2f: {  	lr =	sadd.s32 s0, s3;
	s0 =	sld [smem:$0x3F9E]  }
0x30: {  	s3 =	sld [smem:$0x3FA1]  }
0x31: {  	[smem:$0x3FAA] =	sst s10  }
0x32: {  	s10 =	sld [smem:$0x3FA8];
	_ =	sdelay $0x3  }
0x33: {  	p0 =	seq.s32 s10, $0x1;
	s10 =	sld [smem:$0x3FAA];
	_ =	sdelay $0x3  }
0x34: {  	[smem:$0x3FAA] =	sst s10  }
0x35: {  	s10 =	sld [smem:$0x3FA9];
	_ =	sdelay $0x3  }
0x36: {  	p1 =	seq.s32 s10, $0x1;
	s10 =	sld [smem:$0x3FAA];
	_ =	sdelay $0x3  }
0x37: {  	[smem:$0x3FAA] =	sst s10  }
0x38: {  	s10 =	sld [smem:$0x3FAB]  }
0x39: {  	_ = 	snop;
	(pc) =	sbr.ind lr, $3  }
0x3a: {  	_ = 	snop  }
0x3b: {  	_ = 	snop  }
0x3c: {  	p2 =	seq.s32 s10, $0x1;
	s10 =	sld [smem:$0x3FAA]  }
0x3d: {  	_ =	shalt  }
0x3e: {  	_ =	shalt  }
0x3f: {  	_ =	shalt  }
0x40: {  	_ =	shalt  }
0x41: {  	_ =	shalt  }
0x42: {  	_ =	shalt  }
0x43: {  	_ =	shalt  }
0x44: {  	_ =	shalt  }
0x45: {  	_ =	shalt  }
0x46: {  	_ =	shalt  }
0x47: {  	_ =	shalt  }
0x48: {  	_ =	shalt  }
0x49: {  	_ =	shalt  }
0x4a: {  	_ =	shalt  }
0x4b: {  	_ =	shalt  }
0x4c: {  	_ =	shalt  }
0x4d: {  	_ =	shalt  }
0x4e: {  	_ =	shalt  }
0x4f: {  	_ =	shalt  }
0x50: {  	_ =	shalt  }
0x51: {  	_ =	shalt  }
0x52: {  	_ =	shalt  }
0x53: {  	_ =	shalt  }
0x54: {  	_ =	shalt  }
0x55: {  	_ =	shalt  }
0x56: {  	_ =	shalt  }
0x57: {  	_ =	shalt  }
0x58: {  	_ =	shalt  }
0x59: {  	_ =	shalt  }
0x5a: {  	_ =	shalt  }
0x5b: {  	_ =	shalt  }
0x5c: {  	_ =	shalt  }
0x5d: {  	_ =	shalt  }
0x5e: {  	_ =	shalt  }
0x5f: {  	_ =	shalt  }
0x60: {  	_ =	shalt  }
0x61: {  	_ =	shalt  }
0x62: {  	_ =	shalt  }
0x63: {  	_ =	shalt  }
0x64: {  	_ =	shalt  }
0x65: {  	_ =	shalt  }
0x66: {  	_ =	shalt  }
0x67: {  	_ =	shalt  }
0x68: {  	_ =	shalt  }
0x69: {  	_ =	shalt  }
0x6a: {  	_ =	shalt  }
0x6b: {  	_ =	shalt  }
0x6c: {  	_ =	shalt  }
0x6d: {  	_ =	shalt  }
0x6e: {  	_ =	shalt  }
0x6f: {  	_ =	shalt  }
0x70: {  	_ =	shalt  }
0x71: {  	_ =	shalt  }
0x72: {  	_ =	shalt  }
0x73: {  	_ =	shalt  }
0x74: {  	_ =	shalt  }
0x75: {  	_ =	shalt  }
0x76: {  	_ =	shalt  }
0x77: {  	_ =	shalt  }
0x78: {  	_ =	shalt  }
0x79: {  	_ =	shalt  }
0x7a: {  	_ =	shalt  }
0x7b: {  	_ =	shalt  }
0x7c: {  	_ =	shalt  }
0x7d: {  	_ =	shalt  }
0x7e: {  	_ =	shalt  }
0x7f: {  	_ =	shalt  }
0x80: {  	_ =	shalt  }
0x81: {  	_ =	shalt  }
0x82: {  	_ =	shalt  }
0x83: {  	_ =	shalt  }
0x84: {  	_ =	shalt  }
0x85: {  	_ =	shalt  }
0x86: {  	_ =	shalt  }
0x87: {  	_ =	shalt  }
.Lfunc_end0:
.L_simem_size_0:
called_computation.3_lowered:
.L_overlay_start_0:
0x88: {  	s2 =	sld [smem:$0x3FD9]  }
0x89: {  	s3 =	sld [smem:$0x3FFE];
	_ =	sdelay $0x1  }
0x8a: {  	s1 =	srdreg.scid  }
0x8b: {  	s0 =	sand.u32 $0x1, s1  }
0x8c: {  	s17 =	sshll.u32 s0, $0xA;
	s2 =	sadd.s32 s3, s2  }
0x8d: {  	s2 =	sadd.s32 s2, s17  }
0x8e: {  	[smem:$0x3FB6] =	sst s2  }
0x8f: {  	_ = 	snop  }
0x90: {  	(tm) =	ssettm $0x1  }
0x91: {  	s18 =	sld [smem:$0x3FFB];
	_ =	sdelay $0x3  }
0x92: {  	_ =	strace s18  }
0x93: {  	s2 =	sld [smem:$0x3FFC];
	_ =	sdelay $0x3  }
0x94: {  	_ =	strace s2  }
0x95: {  	s2 =	sld [smem:$0x3FFD];
	_ =	sdelay $0x3  }
0x96: {  	_ =	strace s2  }
0x97: {  	_ =	strace $0x8FFFFFFF  }
0x98: {  	s19 =	sld [smem:$0x3FDB];
	_ =	sdelay $0x1  }
0x99: {  	s20 =	simm.s32 $_scs_section_size  }
0x9a: {  	s4 =	simm.s32 $_size__tile_overlayer_lowered;
	s5 =	simm.s32 $_tile_overlayer_lowered  }
0x9b: {  	s6 =	simm.s32 $0x1BFF;
	s21 =	sshll.u32 s5, $0x1;
	s3 =	sadd.s32 s20, s19  }
0x9c: {  	s22 =	simm.s32 $0x0;
	s4 =	sshll.u32 s4, $0x1;
	s5 =	sadd.s32 s21, s3  }
0x9d: {  	[timem:s22], [sflag:s6] =	dma.local [hbm:s5], s4  }
0x9e: {  	_ =	swait.ge [sflag:s6], s4  }
0x9f: {  	s4 =	ssub.s32 $0x0, s4;
	[sflag:s6] =	ssyncset.done $0x0  }
0xa0: {  	[sflag:s6] =	ssyncadd.s32 s4;
	_ =	sdelay $0x1  }
0xa1: {  	s23 =	simm.s32 $0x1B8B  }
0xa2: {  	_ =	swait.ge [sflag:s23], $0x1  }
0xa3: {  	[sflag:s23] =	ssyncset.done $0x0  }
0xa4: {  	[sflag:s23] =	ssyncadd.s32 $0xFFFFFFFF  }
0xa5: {  	s4 =	sld [smem:$0x0]  }
0xa6: {  	s5 =	sand.u32 $0xFFFFFFFE, s1  }
0xa7: {  	p0 =	sne.s32 s1, s5  }
0xa8: {  	s5 =	sshll.u32 @p0 s5, $0xE  }
0xa9: {  	s5 =	sadd.s32 @p0 $0x11B8D, s5;
	s6 =	sshll.u32 @p0 s4, $0x11  }
0xaa: {  	s5 =	sor.u32 @p0 s6, s5  }
0xab: {  	[sflag:s5] =	ssyncadd.remote.s32 @p0 $0x1;
	_ =	sdelay $0x1  }
0xac: {  	s5 =	simm.s32 @p0 $0x1B8D  }
0xad: {  	_ =	swait.eq @p0 [sflag:s5], $0x1  }
0xae: {  	[sflag:s5] =	ssyncadd.s32 @p0 $0xFFFFFFFF  }
0xaf: {  	s6 =	sshll.u32 @!p0 s1, $0xE  }
0xb0: {  	s6 =	sor.u32 @!p0 $0x4000, s6;
	s5 =	simm.s32 @!p0 $0x1B8D  }
0xb1: {  	s4 =	sshll.u32 @!p0 s4, $0x11;
	s6 =	sadd.s32 @!p0 $0x11B8D, s6;
	_ =	swait.eq @!p0 [sflag:s5], $0x1  }
0xb2: {  	s4 =	sor.u32 @!p0 s4, s6;
	[sflag:s5] =	ssyncadd.s32 @!p0 $0xFFFFFFFF  }
0xb3: {  	s25 =	simm.s32 $0x1B8E;
	s24 =	sld [smem:$0x3FFE];
	[sflag:s4] =	ssyncadd.remote.s32 @!p0 $0x1  }
0xb4: {  	s26 =	simm.s32 $execute0_lowered;
	[smem:$0x3FD2] =	sst s25  }
0xb5: {  	s5 =	sshll.u32 s26, $0x1;
	_ =	strace $0x80000052;
	[dreg:$0x1] =	wrdreg $0xFFFFFFFF  }
0xb6: {  	s28 =	simm.s32 $_size_execute0_lowered;
	s3 =	sadd.s32 s3, s5;
	[dreg:$0x0] =	wrdreg $0x0  }
0xb7: {  	s5 =	sshll.u32 s28, $0x1;
	[dreg:$0x2] =	wrdreg s3  }
0xb8: {  	[dreg:$0x3] =	wrdreg s5  }
0xb9: {  	[dreg:$0x4] =	wrdreg $0xC0  }
0xba: {  	_ =	task [dreg:s22], $0x5FFFF  }
0xbb: {  	[dreg:$0x1] =	wrdreg $0xFFFFFFFF  }
0xbc: {  	[dreg:$0x0] =	wrdreg $0x60  }
0xbd: {  	[dreg:$0x2] =	wrdreg s24  }
0xbe: {  	[dreg:$0x3] =	wrdreg $0x9  }
0xbf: {  	_ =	task.clear_ibuf [dreg:s22], $0x4FFFF;
	_ =	strace $0x90000052  }
0xc0: {  	s29 =	simm.s32 $0x9;
	_ =	strace $0x80000054  }
0xc1: {  	_ =	swait.ge [sflag:s29], $0x1  }
0xc2: {  	[sflag:s29] =	ssyncadd.s32 $0xFFFFFFFF  }
0xc3: {  	_ =	strace $0x90000054  }
0xc4: {  	_ =	sfence  }
0xc5: {  	s30 =	sld [smem:$0x0];
	_ =	sdelay $0x2  }
0xc6: {  	s31 =	sshll.u32 s1, $0xD;
	s1 =	sshrl.u32 s1, $0x2  }
0xc7: {  	s4 =	sand.u32 $0x4000, s31;
	s1 =	sadd.s32 s1, s30  }
0xc8: {  	s0 =	sor.u32 s4, s0;
	s1 =	sshll.u32 s1, $0x11  }
0xc9: {  	s0 =	sor.u32 s1, s0  }
0xca: {  	s0 =	sadd.s32 $0x8F2B, s0  }
0xcb: {  	[sflag:s0] =	ssyncadd.remote.s32 $0x1  }
0xcc: {  	_ =	sfence.sel $0xFFFF  }
0xcd: {  	[dreg:$0x0] =	wrdreg $0xFFFFFFFF;
	(pc) =	sbr.abs _section_cstart, $3  }
0xce: {  	[dreg:$0x1] =	wrdreg $0xFFFFFFFF  }
0xcf: {  	_ =	task.clear_ibuf [dreg:s22], $0x2FFFF;
	_ =	strace $0x9FFFFFFF  }
0xd0: {  	(tm) =	ssettm $0x7FFFFFFF  }
0xd1: {  	_ =	shalt  }
tec
execute0_lowered:
.L_overlay_start_1:
0x0: {  	(tag) =	ssettag $0x1  }
0x1: {  	s1 =	srdreg.scid  }
0x2: {  	s0 =	stileid.u32;
	s4 =	rddreg [dreg:$0x0]  }
0x3: {  	s2 =	simm.s32 $0x0;
	s9 =	simm.s32 $0x11170;
	s10 =	simm.s32 $0x1  }
0x4: {  	s11 =	simm.s32 $0x4E20;
	s3 =	sand.u32 $0x1, s1;
	s31 =	sshll.u32 s0, $0x1  }
0x5: {  	s12 =	simm.s32 $0x0;
	s1 =	rddreg [dreg:$0x1];
	s5 =	sor.u32 s3, s31  }
0x6: {  	[smem:$0x7FF] =	sst s2;
	s7 =	ssub.s32 $0x2, s3;
	s6 =	smul.u32 $0x9C4, s5  }
0x7: {  	_ =	strace $0x80000053;
	s5 =	smul.u32 $0x1388, s5;
	s8 =	sshrl.u32 s7, $0x1  }
0x8: {  	s3 =	sadd.s32 $0x1AC00, s4;
	s7 =	ssub.s32 s7, s8;
	s6 =	sadd.s32 s6, s4  }
0x9: {  	s8 =	simm.s32 $0xEA60;
	s5 =	sadd.s32 s5, s4;
	s4 =	sadd.s32 $0x4BC00, s6  }
0xa: {  	v0 =	vimm.f32 $0.0e+00;
	s5 =	sadd.s32 $0x69400, s5;
	s6 =	smax.u32 s7, $0x1;
	s7 =	simm.s32 $0x2  }
.LBB2_1:
0xb: {  	[tilespmem:s2], [sflag:$0x2] =	stream.linear.gather [hbm4b:s4+s2], $0x4E20, $0x38;
	[tilespmem:$0x13880] =	vst v63  }
0xc: {  	_ =	swait.ge [sflag:s7], $0x4E20  }
0xd: {  	[sflag:s7] =	ssyncset.done $0x0  }
0xe: {  	s14 =	simm.s32 $0x40;
	s13 =	simm.s32 $0x0;
	[sflag:s7] =	ssyncadd.s32 $0xFFFFB1E0  }
.LBB2_2:
0xf: {  	p0 =	sne.s32 s14, $0x9C00;
	[tilespmem:s13+$0xC350] =	vst v0;
	s15 =	smov.u32 s14;
	s14 =	sadd.s32 $0x40, s14  }
.Ltmp0:
0x10: {  	[tilespmem:s13+$0x9C40] =	vst v0;
	(pc) =	sbr.rel @p0 .LBB2_2-.Ltmp0, $3  }
0x11: {  	[tilespmem:s13+$0x4E20] =	vst v0  }
0x12: {  	[tilespmem:s13+$0x7530] =	vst v0;
	_ =	sdelay $0x1  }
0x13: {  	s13 =	sshra.s32 s15, $0x2  }
0x14: {  	[tilespmem:s13+$0xC350] =	vst v0  }
0x15: {  	[tilespmem:s13+$0x9C40] =	vst v0  }
0x16: {  	[tilespmem:s13+$0x4E20] =	vst v0  }
0x17: {  	[tilespmem:s13+$0x7530] =	vst v0;
	s13 =	simm.s32 $0x0  }
0x18: {  	[tilespmem:s8], [sflag:$0x1] =	stream.linear.gather [hbm4b:s3+s13], $0x2710, $0x38;
	[tilespmem:$0x13880] =	vst v63  }
.LBB2_4:
0x19: {  	s14 =	smul.u32 $0x4E20, s13;
	_ =	sdelay $0x1  }
0x1a: {  	s15 =	sshrl.u32 s14, $0x3  }
0x1b: {  	s15 =	sadd.s32 s3, s15  }
0x1c: {  	s15 =	sadd.s32 $0x4E2, s15  }
0x1d: {  	[tilespmem:s9], [sflag:$0x1] =	stream.linear.gather [hbm4b:s15+s2], $0x2710, $0x38;
	[tilespmem:$0x13880] =	vst v63  }
0x1e: {  	_ =	swait.ge [sflag:s10], $0x2710  }
0x1f: {  	[sflag:s10] =	ssyncset.done $0x0  }
0x20: {  	s31 =	simm.s32 $0xEAA0;
	[sflag:s10] =	ssyncadd.s32 $0xFFFFD8F0  }
0x21: {  	v1 =	vld [tilespmem:s31+$0x30]  }
0x22: {  	v2 =	vld [tilespmem:s31+$0xFFFFFFD0]  }
0x23: {  	v3 =	vld [tilespmem:s31+$0xFFFFFFE0]  }
0x24: {  	v4 =	vld [tilespmem:s31+$0xFFFFFFF0]  }
0x25: {  	v5 =	vld [tilespmem:s31+$0x0]  }
0x26: {  	v6 =	vld [tilespmem:s31+$0x10];
	v7 =	vand.u32 $0xFFFF, v1  }
0x27: {  	v12 =	vld [tilespmem:s31+$0xFFFFFFC0];
	v8 =	vand.u32 $0xFFFF, v2  }
0x28: {  	v9 =	vld [tilespmem:s31+$0x20];
	v10 =	vand.u32 $0xFFFF, v3  }
0x29: {  	v11 =	vand.u32 $0xFFFF, v4  }
0x2a: {  	v13 =	vand.u32 $0xFFFF, v5  }
0x2b: {  	v14 =	vand.u32 $0xFFFF, v6;
	v15 =	vld.idx.msk [tilespmem:v7+s2+$0x0], $0xffff  }
0x2c: {  	v22 =	vand.u32 $0xFFFF, v12;
	v16 =	vld.idx.msk [tilespmem:v8+s2+$0x0], $0xffff  }
0x2d: {  	v17 =	vand.u32 $0xFFFF, v9;
	v18 =	vld.idx.msk [tilespmem:v10+s2+$0x0], $0xffff  }
0x2e: {  	v1 =	vshrl.u32 v1, $0x10;
	v19 =	vld.idx.msk [tilespmem:v11+s2+$0x0], $0xffff  }
0x2f: {  	v2 =	vshrl.u32 v2, $0x10;
	v21 =	vld.idx.msk [tilespmem:v13+s2+$0x0], $0xffff  }
0x30: {  	v3 =	vshrl.u32 v3, $0x10;
	v23 =	vld.idx.msk [tilespmem:v14+s2+$0x0], $0xffff  }
0x31: {  	v4 =	vshrl.u32 v4, $0x10;
	v35 =	vld.idx.msk [tilespmem:v22+s2+$0x0], $0xffff  }
0x32: {  	v12 =	vshrl.u32 v12, $0x10;
	v24 =	vld.idx.msk [tilespmem:v17+s2+$0x0], $0xffff;
	v25 =	vshll.u32 v15, $0x10  }
0x33: {  	v5 =	vshrl.u32 v5, $0x10;
	v34 =	vshll.u32 v16, $0x10;
	[tilespmem:v1+s11+$0x0] =	vst.idx.add.f32.msk $0xffff, v25  }
0x34: {  	v20 =	vadd.s32 $0x2710, v1;
	v27 =	vshll.u32 v18, $0x10;
	[tilespmem:v2+s11+$0x0] =	vst.idx.add.f32.msk $0xffff, v34  }
0x35: {  	v26 =	vadd.s32 $0x2710, v2;
	v39 =	vshll.u32 v19, $0x10;
	[tilespmem:v3+s11+$0x0] =	vst.idx.add.f32.msk $0xffff, v27  }
0x36: {  	v33 =	vadd.s32 $0x2710, v3;
	v43 =	vshll.u32 v35, $0x10;
	[tilespmem:v4+s11+$0x0] =	vst.idx.add.f32.msk $0xffff, v39  }
0x37: {  	v7 =	vadd.s32 $0x2710, v7;
	v44 =	vshll.u32 v21, $0x10;
	[tilespmem:v12+s11+$0x0] =	vst.idx.add.f32.msk $0xffff, v43  }
0x38: {  	v8 =	vadd.s32 $0x2710, v8;
	v15 =	vand.u32 $0xFFFF0000, v15;
	[tilespmem:v5+s11+$0x0] =	vst.idx.add.f32.msk $0xffff, v44  }
0x39: {  	v40 =	vadd.s32 $0x2710, v4;
	v16 =	vand.u32 $0xFFFF0000, v16;
	[tilespmem:v20+s11+$0x0] =	vst.idx.add.f32.msk $0xffff, v15  }
0x3a: {  	v10 =	vadd.s32 $0x2710, v10;
	v37 =	vand.u32 $0xFFFF0000, v18;
	[tilespmem:v26+s11+$0x0] =	vst.idx.add.f32.msk $0xffff, v16  }
0x3b: {  	v42 =	vadd.s32 $0x2710, v5;
	[tilespmem:v33+s11+$0x0] =	vst.idx.add.f32.msk $0xffff, v37  }
0x3c: {  	v13 =	vadd.s32 $0x2710, v13;
	v7 =	vld.idx.msk [tilespmem:v7+s2+$0x0], $0xffff  }
0x3d: {  	v36 =	vadd.s32 $0x4E20, v1;
	v19 =	vand.u32 $0xFFFF0000, v19;
	v8 =	vld.idx.msk [tilespmem:v8+s2+$0x0], $0xffff  }
0x3e: {  	v55 =	vadd.s32 $0x4E20, v2;
	[tilespmem:v40+s11+$0x0] =	vst.idx.add.f32.msk $0xffff, v19  }
0x3f: {  	v46 =	vand.u32 $0xFFFF0000, v21;
	v1 =	vadd.s32 $0x7530, v1;
	v10 =	vld.idx.msk [tilespmem:v10+s2+$0x0], $0xffff  }
0x40: {  	v56 =	vadd.s32 $0x4E20, v3;
	[tilespmem:v42+s11+$0x0] =	vst.idx.add.f32.msk $0xffff, v46  }
0x41: {  	v2 =	vadd.s32 $0x7530, v2;
	v13 =	vld.idx.msk [tilespmem:v13+s2+$0x0], $0xffff;
	v41 =	vshll.u32 v7, $0x10  }
0x42: {  	v38 =	vadd.s32 $0x2710, v12;
	v59 =	vshll.u32 v8, $0x10;
	[tilespmem:v36+s11+$0x0] =	vst.idx.add.f32.msk $0xffff, v41  }
0x43: {  	v3 =	vadd.s32 $0x7530, v3;
	v7 =	vand.u32 $0xFFFF0000, v7;
	[tilespmem:v55+s11+$0x0] =	vst.idx.add.f32.msk $0xffff, v59  }
0x44: {  	v61 =	vshll.u32 v10, $0x10;
	[tilespmem:v1+s11+$0x0] =	vst.idx.add.f32.msk $0xffff, v7;
	v1 =	vshrl.u32 v6, $0x10  }
0x45: {  	v8 =	vand.u32 $0xFFFF0000, v8;
	[tilespmem:v56+s11+$0x0] =	vst.idx.add.f32.msk $0xffff, v61;
	v7 =	vadd.s32 $0x2710, v1  }
0x46: {  	v47 =	vadd.s32 $0x2710, v22;
	v6 =	vand.u32 $0xFFFF0000, v35;
	[tilespmem:v2+s11+$0x0] =	vst.idx.add.f32.msk $0xffff, v8  }
0x47: {  	v60 =	vadd.s32 $0x4E20, v5;
	v2 =	vadd.s32 $0x7530, v5;
	v5 =	vand.u32 $0xFFFF0000, v10;
	[tilespmem:v38+s11+$0x0] =	vst.idx.add.f32.msk $0xffff, v6  }
0x48: {  	v48 =	vshll.u32 v23, $0x10;
	v6 =	vshrl.u32 v9, $0x10;
	[tilespmem:v3+s11+$0x0] =	vst.idx.add.f32.msk $0xffff, v5  }
0x49: {  	v52 =	vadd.s32 $0x2710, v14;
	v49 =	vand.u32 $0xFFFF0000, v23;
	[tilespmem:v1+s11+$0x0] =	vst.idx.add.f32.msk $0xffff, v48  }
0x4a: {  	[tilespmem:v7+s11+$0x0] =	vst.idx.add.f32.msk $0xffff, v49;
	v7 =	vadd.s32 $0x2710, v11  }
0x4b: {  	v3 =	vshll.u32 v13, $0x10;
	v45 =	vadd.s32 $0x2710, v6;
	v9 =	vld.idx.msk [tilespmem:v47+s2+$0x0], $0xffff  }
0x4c: {  	v53 =	vadd.s32 $0x2710, v17;
	v50 =	vshll.u32 v24, $0x10;
	[tilespmem:v60+s11+$0x0] =	vst.idx.add.f32.msk $0xffff, v3  }
0x4d: {  	v54 =	vadd.s32 $0x4E20, v12;
	[tilespmem:v6+s11+$0x0] =	vst.idx.add.f32.msk $0xffff, v50  }
0x4e: {  	v12 =	vadd.s32 $0x7530, v12;
	v11 =	vld.idx.msk [tilespmem:v52+s2+$0x0], $0xffff  }
0x4f: {  	v51 =	vand.u32 $0xFFFF0000, v24;
	v62 =	vadd.s32 $0x4E20, v1;
	v7 =	vld.idx.msk [tilespmem:v7+s2+$0x0], $0xffff  }
0x50: {  	v58 =	vadd.s32 $0x4E20, v4;
	[tilespmem:v45+s11+$0x0] =	vst.idx.add.f32.msk $0xffff, v51  }
0x51: {  	v5 =	vadd.s32 $0x7530, v1;
	v57 =	vshll.u32 v9, $0x10;
	v14 =	vld.idx.msk [tilespmem:v53+s2+$0x0], $0xffff  }
0x52: {  	v4 =	vadd.s32 $0x7530, v4;
	v9 =	vand.u32 $0xFFFF0000, v9;
	[tilespmem:v54+s11+$0x0] =	vst.idx.add.f32.msk $0xffff, v57  }
0x53: {  	[tilespmem:v12+s11+$0x0] =	vst.idx.add.f32.msk $0xffff, v9;
	v3 =	vshll.u32 v11, $0x10  }
0x54: {  	[tilespmem:v62+s11+$0x0] =	vst.idx.add.f32.msk $0xffff, v3;
	v63 =	vshll.u32 v7, $0x10  }
0x55: {  	v1 =	vand.u32 $0xFFFF0000, v7;
	v7 =	vand.u32 $0xFFFF0000, v11;
	[tilespmem:v58+s11+$0x0] =	vst.idx.add.f32.msk $0xffff, v63  }
0x56: {  	[tilespmem:v5+s11+$0x0] =	vst.idx.add.f32.msk $0xffff, v7  }
0x57: {  	v3 =	vand.u32 $0xFFFF0000, v14;
	[tilespmem:v4+s11+$0x0] =	vst.idx.add.f32.msk $0xffff, v1;
	v1 =	vand.u32 $0xFFFF0000, v13  }
0x58: {  	s16 =	simm.s32 $0xEB20;
	s15 =	simm.s32 $0x0;
	v4 =	vshll.u32 v14, $0x10;
	[tilespmem:v2+s11+$0x0] =	vst.idx.add.f32.msk $0xffff, v1;
	v2 =	vadd.s32 $0x4E20, v6;
	v1 =	vadd.s32 $0x7530, v6  }
.LBB2_5:
0x59: {  	v5 =	vld [tilespmem:s16+$0x30]  }
0x5a: {  	v6 =	vld [tilespmem:s16+$0xFFFFFFD0]  }
0x5b: {  	s15 =	sadd.s32 $0x8, s15;
	v7 =	vld [tilespmem:s16+$0xFFFFFFE0]  }
0x5c: {  	p0 =	slt.u32 s15, $0x268;
	v8 =	vld [tilespmem:s16+$0xFFFFFFF0]  }
0x5d: {  	v9 =	vld [tilespmem:s16+$0x0]  }
0x5e: {  	v10 =	vld [tilespmem:s16+$0x10];
	v11 =	vand.u32 $0xFFFF, v5  }
0x5f: {  	v12 =	vshrl.u32 v6, $0x10;
	v6 =	vand.u32 $0xFFFF, v6;
	v13 =	vld [tilespmem:s16+$0x20]  }
0x60: {  	v14 =	vld [tilespmem:s16+$0xFFFFFFC0];
	v15 =	vadd.s32 $0x2710, v12;
	v16 =	vshrl.u32 v7, $0x10;
	v7 =	vand.u32 $0xFFFF, v7  }
0x61: {  	v17 =	vadd.s32 $0x2710, v16;
	v18 =	vshrl.u32 v8, $0x10;
	v8 =	vand.u32 $0xFFFF, v8;
	[tilespmem:v2+s11+$0x0] =	vst.idx.add.f32.msk $0xffff, v4  }
0x62: {  	v4 =	vadd.s32 $0x2710, v18;
	v19 =	vshrl.u32 v9, $0x10;
	v2 =	vand.u32 $0xFFFF, v9;
	[tilespmem:v1+s11+$0x0] =	vst.idx.add.f32.msk $0xffff, v3  }
0x63: {  	v3 =	vadd.s32 $0x2710, v19;
	v9 =	vshrl.u32 v10, $0x10;
	v1 =	vand.u32 $0xFFFF, v10;
	v10 =	vld.idx.msk [tilespmem:v11+s2+$0x0], $0xffff  }
0x64: {  	v20 =	vld.idx.msk [tilespmem:v6+s2+$0x0], $0xffff;
	v21 =	vadd.s32 $0x2710, v9;
	v22 =	vshrl.u32 v13, $0x10;
	v13 =	vand.u32 $0xFFFF, v13  }
0x65: {  	v5 =	vshrl.u32 v5, $0x10;
	v23 =	vshrl.u32 v14, $0x10;
	v14 =	vand.u32 $0xFFFF, v14;
	v24 =	vld.idx.msk [tilespmem:v7+s2+$0x0], $0xffff  }
0x66: {  	v28 =	vadd.s32 $0x2710, v5;
	v27 =	vadd.s32 $0x2710, v22;
	v25 =	vadd.s32 $0x2710, v23;
	v26 =	vld.idx.msk [tilespmem:v8+s2+$0x0], $0xffff  }
0x67: {  	v11 =	vadd.s32 $0x2710, v11;
	v6 =	vadd.s32 $0x2710, v6;
	v29 =	vadd.s32 $0x2710, v14;
	v30 =	vld.idx.msk [tilespmem:v2+s2+$0x0], $0xffff  }
0x68: {  	v31 =	vadd.s32 $0x2710, v2;
	v7 =	vadd.s32 $0x2710, v7;
	v8 =	vadd.s32 $0x2710, v8;
	v2 =	vld.idx.msk [tilespmem:v1+s2+$0x0], $0xffff  }
0x69: {  	v32 =	vadd.s32 $0x2710, v1;
	v33 =	vshll.u32 v10, $0x10;
	v1 =	vld.idx.msk [tilespmem:v13+s2+$0x0], $0xffff;
	v13 =	vadd.s32 $0x2710, v13  }
0x6a: {  	v10 =	vand.u32 $0xFFFF0000, v10;
	v34 =	vshll.u32 v20, $0x10;
	v20 =	vand.u32 $0xFFFF0000, v20;
	[tilespmem:v5+s11+$0x0] =	vst.idx.add.f32.msk $0xffff, v33  }
0x6b: {  	v33 =	vadd.s32 $0x4E20, v23;
	v35 =	vshll.u32 v24, $0x10;
	v24 =	vand.u32 $0xFFFF0000, v24;
	[tilespmem:v28+s11+$0x0] =	vst.idx.add.f32.msk $0xffff, v10  }
0x6c: {  	v10 =	vadd.s32 $0x7530, v23;
	v28 =	vshll.u32 v26, $0x10;
	v26 =	vand.u32 $0xFFFF0000, v26;
	v11 =	vld.idx.msk [tilespmem:v11+s2+$0x0], $0xffff  }
0x6d: {  	v36 =	vadd.s32 $0x4E20, v12;
	v37 =	vshll.u32 v30, $0x10;
	v30 =	vand.u32 $0xFFFF0000, v30;
	v14 =	vld.idx.msk [tilespmem:v14+s2+$0x0], $0xffff  }
0x6e: {  	v38 =	vand.u32 $0xFFFF0000, v2;
	[tilespmem:v12+s11+$0x0] =	vst.idx.add.f32.msk $0xffff, v34;
	v34 =	vshll.u32 v2, $0x10;
	v2 =	vadd.s32 $0x4E20, v5  }
0x6f: {  	v5 =	vadd.s32 $0x7530, v5;
	[tilespmem:v15+s11+$0x0] =	vst.idx.add.f32.msk $0xffff, v20;
	v15 =	vshll.u32 v1, $0x10;
	v20 =	vand.u32 $0xFFFF0000, v1  }
0x70: {  	v12 =	vadd.s32 $0x7530, v12;
	[tilespmem:v16+s11+$0x0] =	vst.idx.add.f32.msk $0xffff, v35;
	v35 =	vadd.s32 $0x4E20, v16;
	v16 =	vadd.s32 $0x7530, v16  }
0x71: {  	v39 =	vadd.s32 $0x4E20, v19;
	[tilespmem:v17+s11+$0x0] =	vst.idx.add.f32.msk $0xffff, v24;
	v17 =	vadd.s32 $0x4E20, v18;
	v24 =	vadd.s32 $0x7530, v18  }
0x72: {  	v1 =	vshll.u32 v11, $0x10;
	[tilespmem:v18+s11+$0x0] =	vst.idx.add.f32.msk $0xffff, v28;
	v18 =	vadd.s32 $0x7530, v19;
	v28 =	vadd.s32 $0x4E20, v9  }
0x73: {  	v11 =	vand.u32 $0xFFFF0000, v11;
	v40 =	vshll.u32 v14, $0x10;
	v14 =	vand.u32 $0xFFFF0000, v14;
	[tilespmem:v2+s11+$0x0] =	vst.idx.add.f32.msk $0xffff, v1  }
0x74: {  	v41 =	vadd.s32 $0x7530, v9;
	v2 =	vadd.s32 $0x4E20, v22;
	v1 =	vadd.s32 $0x7530, v22;
	[tilespmem:v5+s11+$0x0] =	vst.idx.add.f32.msk $0xffff, v11  }
0x75: {  	[tilespmem:v23+s11+$0x0] =	vst.idx.add.f32.msk $0xffff, v40  }
0x76: {  	[tilespmem:v25+s11+$0x0] =	vst.idx.add.f32.msk $0xffff, v14  }
0x77: {  	[tilespmem:v4+s11+$0x0] =	vst.idx.add.f32.msk $0xffff, v26  }
0x78: {  	[tilespmem:v19+s11+$0x0] =	vst.idx.add.f32.msk $0xffff, v37  }
0x79: {  	[tilespmem:v3+s11+$0x0] =	vst.idx.add.f32.msk $0xffff, v30  }
0x7a: {  	[tilespmem:v9+s11+$0x0] =	vst.idx.add.f32.msk $0xffff, v34  }
0x7b: {  	[tilespmem:v21+s11+$0x0] =	vst.idx.add.f32.msk $0xffff, v38  }
0x7c: {  	[tilespmem:v22+s11+$0x0] =	vst.idx.add.f32.msk $0xffff, v15  }
0x7d: {  	[tilespmem:v27+s11+$0x0] =	vst.idx.add.f32.msk $0xffff, v20  }
0x7e: {  	v3 =	vld.idx.msk [tilespmem:v29+s2+$0x0], $0xffff  }
0x7f: {  	v4 =	vld.idx.msk [tilespmem:v6+s2+$0x0], $0xffff  }
0x80: {  	v5 =	vld.idx.msk [tilespmem:v7+s2+$0x0], $0xffff  }
0x81: {  	v6 =	vld.idx.msk [tilespmem:v8+s2+$0x0], $0xffff  }
0x82: {  	v7 =	vld.idx.msk [tilespmem:v31+s2+$0x0], $0xffff  }
0x83: {  	v8 =	vld.idx.msk [tilespmem:v32+s2+$0x0], $0xffff  }
0x84: {  	v9 =	vshll.u32 v3, $0x10;
	v3 =	vand.u32 $0xFFFF0000, v3;
	v11 =	vld.idx.msk [tilespmem:v13+s2+$0x0], $0xffff  }
0x85: {  	[tilespmem:v33+s11+$0x0] =	vst.idx.add.f32.msk $0xffff, v9;
	v9 =	vshll.u32 v4, $0x10;
	v4 =	vand.u32 $0xFFFF0000, v4  }
0x86: {  	[tilespmem:v10+s11+$0x0] =	vst.idx.add.f32.msk $0xffff, v3;
	v3 =	vshll.u32 v5, $0x10;
	v5 =	vand.u32 $0xFFFF0000, v5  }
0x87: {  	[tilespmem:v36+s11+$0x0] =	vst.idx.add.f32.msk $0xffff, v9;
	v9 =	vshll.u32 v6, $0x10;
	v6 =	vand.u32 $0xFFFF0000, v6  }
0x88: {  	v10 =	vshll.u32 v7, $0x10;
	v7 =	vand.u32 $0xFFFF0000, v7;
	[tilespmem:v12+s11+$0x0] =	vst.idx.add.f32.msk $0xffff, v4  }
0x89: {  	v12 =	vshll.u32 v8, $0x10;
	v8 =	vand.u32 $0xFFFF0000, v8;
	[tilespmem:v35+s11+$0x0] =	vst.idx.add.f32.msk $0xffff, v3  }
0x8a: {  	v4 =	vshll.u32 v11, $0x10;
	v3 =	vand.u32 $0xFFFF0000, v11;
	[tilespmem:v16+s11+$0x0] =	vst.idx.add.f32.msk $0xffff, v5  }
0x8b: {  	[tilespmem:v17+s11+$0x0] =	vst.idx.add.f32.msk $0xffff, v9  }
.Ltmp1:
0x8c: {  	[tilespmem:v24+s11+$0x0] =	vst.idx.add.f32.msk $0xffff, v6;
	(pc) =	sbr.rel @p0 .LBB2_5-.Ltmp1, $4  }
0x8d: {  	[tilespmem:v39+s11+$0x0] =	vst.idx.add.f32.msk $0xffff, v10  }
0x8e: {  	[tilespmem:v18+s11+$0x0] =	vst.idx.add.f32.msk $0xffff, v7  }
0x8f: {  	[tilespmem:v28+s11+$0x0] =	vst.idx.add.f32.msk $0xffff, v12  }
0x90: {  	s16 =	sadd.s32 $0x80, s16;
	[tilespmem:v41+s11+$0x0] =	vst.idx.add.f32.msk $0xffff, v8  }
0x91: {  	_ =	sdelay $0x3  }
0x92: {  	[tilespmem:v2+s11+$0x0] =	vst.idx.add.f32.msk $0xffff, v4  }
0x93: {  	[tilespmem:v1+s11+$0x0] =	vst.idx.add.f32.msk $0xffff, v3  }
0x94: {  	v1 =	vld [tilespmem:$0x11160];
	_ =	sdelay $0x4  }
0x95: {  	v2 =	vand.u32 $0xFFFF, v1;
	_ =	sdelay $0x4  }
0x96: {  	v3 =	vld.idx.msk [tilespmem:v2+s2+$0x0], $0xffff  }
0x97: {  	v1 =	vshrl.u32 v1, $0x10  }
0x98: {  	v4 =	vadd.s32 $0x2710, v1  }
0x99: {  	v2 =	vadd.s32 $0x2710, v2;
	_ =	sdelay $0x1  }
0x9a: {  	v5 =	vshll.u32 v3, $0x10  }
0x9b: {  	v3 =	vand.u32 $0xFFFF0000, v3;
	[tilespmem:v1+s11+$0x0] =	vst.idx.add.f32.msk $0xffff, v5  }
0x9c: {  	[tilespmem:v4+s11+$0x0] =	vst.idx.add.f32.msk $0xffff, v3  }
0x9d: {  	v2 =	vld.idx.msk [tilespmem:v2+s2+$0x0], $0xffff  }
0x9e: {  	v3 =	vadd.s32 $0x4E20, v1  }
0x9f: {  	v1 =	vadd.s32 $0x7530, v1;
	_ =	sdelay $0x1  }
0xa0: {  	p0 =	seq.s32 s13, $0xF  }
0xa1: {  	s14 =	sshrl.u32 @!p0 s14, $0x3;
	v4 =	vshll.u32 v2, $0x10  }
0xa2: {  	s14 =	sadd.s32 @!p0 s3, s14;
	v2 =	vand.u32 $0xFFFF0000, v2;
	[tilespmem:v3+s11+$0x0] =	vst.idx.add.f32.msk $0xffff, v4  }
0xa3: {  	s15 =	simm.s32 @!p0 $0x0;
	s16 =	simm.s32 @!p0 $0xEA60;
	s14 =	sadd.s32 @!p0 $0x9C4, s14;
	[tilespmem:v1+s11+$0x0] =	vst.idx.add.f32.msk $0xffff, v2  }
0xa4: {  	[tilespmem:s16], [sflag:$0x1] =	stream.linear.gather @!p0 [hbm4b:s14+s15], $0x2710, $0x38;
	[tilespmem:$0x13880] =	vst v63  }
0xa5: {  	_ =	swait.ge [sflag:s10], $0x2710  }
0xa6: {  	[sflag:s10] =	ssyncset.done $0x0  }
0xa7: {  	s31 =	simm.s32 $0x111E0;
	[sflag:s10] =	ssyncadd.s32 $0xFFFFD8F0  }
0xa8: {  	v1 =	vld [tilespmem:s31+$0x0]  }
0xa9: {  	v2 =	vld [tilespmem:s31+$0xFFFFFFA0]  }
0xaa: {  	v3 =	vld [tilespmem:s31+$0xFFFFFFB0]  }
0xab: {  	v4 =	vld [tilespmem:s31+$0xFFFFFFC0]  }
0xac: {  	v5 =	vld [tilespmem:s31+$0xFFFFFFD0]  }
0xad: {  	v6 =	vld [tilespmem:s31+$0xFFFFFFE0];
	v7 =	vand.u32 $0xFFFF, v1  }
0xae: {  	v12 =	vld [tilespmem:s31+$0xFFFFFF90];
	v8 =	vand.u32 $0xFFFF, v2  }
0xaf: {  	v9 =	vld [tilespmem:s31+$0xFFFFFFF0];
	v10 =	vand.u32 $0xFFFF, v3  }
0xb0: {  	v11 =	vand.u32 $0xFFFF, v4  }
0xb1: {  	v13 =	vand.u32 $0xFFFF, v5  }
0xb2: {  	v14 =	vand.u32 $0xFFFF, v6;
	v15 =	vld.idx.msk [tilespmem:v7+s2+$0x0], $0xffff  }
0xb3: {  	v22 =	vand.u32 $0xFFFF, v12;
	v16 =	vld.idx.msk [tilespmem:v8+s2+$0x0], $0xffff  }
0xb4: {  	v17 =	vand.u32 $0xFFFF, v9;
	v18 =	vld.idx.msk [tilespmem:v10+s2+$0x0], $0xffff  }
0xb5: {  	v1 =	vshrl.u32 v1, $0x10;
	v19 =	vld.idx.msk [tilespmem:v11+s2+$0x0], $0xffff  }
0xb6: {  	v2 =	vshrl.u32 v2, $0x10;
	v21 =	vld.idx.msk [tilespmem:v13+s2+$0x0], $0xffff  }
0xb7: {  	v3 =	vshrl.u32 v3, $0x10;
	v23 =	vld.idx.msk [tilespmem:v14+s2+$0x0], $0xffff  }
0xb8: {  	v4 =	vshrl.u32 v4, $0x10;
	v35 =	vld.idx.msk [tilespmem:v22+s2+$0x0], $0xffff  }
0xb9: {  	v12 =	vshrl.u32 v12, $0x10;
	v24 =	vld.idx.msk [tilespmem:v17+s2+$0x0], $0xffff;
	v25 =	vshll.u32 v15, $0x10  }
0xba: {  	v5 =	vshrl.u32 v5, $0x10;
	v34 =	vshll.u32 v16, $0x10;
	[tilespmem:v1+s11+$0x0] =	vst.idx.add.f32.msk $0xffff, v25  }
0xbb: {  	v20 =	vadd.s32 $0x2710, v1;
	v27 =	vshll.u32 v18, $0x10;
	[tilespmem:v2+s11+$0x0] =	vst.idx.add.f32.msk $0xffff, v34  }
0xbc: {  	v26 =	vadd.s32 $0x2710, v2;
	v39 =	vshll.u32 v19, $0x10;
	[tilespmem:v3+s11+$0x0] =	vst.idx.add.f32.msk $0xffff, v27  }
0xbd: {  	v33 =	vadd.s32 $0x2710, v3;
	v43 =	vshll.u32 v35, $0x10;
	[tilespmem:v4+s11+$0x0] =	vst.idx.add.f32.msk $0xffff, v39  }
0xbe: {  	v7 =	vadd.s32 $0x2710, v7;
	v44 =	vshll.u32 v21, $0x10;
	[tilespmem:v12+s11+$0x0] =	vst.idx.add.f32.msk $0xffff, v43  }
0xbf: {  	v8 =	vadd.s32 $0x2710, v8;
	v15 =	vand.u32 $0xFFFF0000, v15;
	[tilespmem:v5+s11+$0x0] =	vst.idx.add.f32.msk $0xffff, v44  }
0xc0: {  	v40 =	vadd.s32 $0x2710, v4;
	v16 =	vand.u32 $0xFFFF0000, v16;
	[tilespmem:v20+s11+$0x0] =	vst.idx.add.f32.msk $0xffff, v15  }
0xc1: {  	v10 =	vadd.s32 $0x2710, v10;
	v37 =	vand.u32 $0xFFFF0000, v18;
	[tilespmem:v26+s11+$0x0] =	vst.idx.add.f32.msk $0xffff, v16  }
0xc2: {  	v42 =	vadd.s32 $0x2710, v5;
	[tilespmem:v33+s11+$0x0] =	vst.idx.add.f32.msk $0xffff, v37  }
0xc3: {  	v13 =	vadd.s32 $0x2710, v13;
	v7 =	vld.idx.msk [tilespmem:v7+s2+$0x0], $0xffff  }
0xc4: {  	v36 =	vadd.s32 $0x4E20, v1;
	v19 =	vand.u32 $0xFFFF0000, v19;
	v8 =	vld.idx.msk [tilespmem:v8+s2+$0x0], $0xffff  }
0xc5: {  	v55 =	vadd.s32 $0x4E20, v2;
	[tilespmem:v40+s11+$0x0] =	vst.idx.add.f32.msk $0xffff, v19  }
0xc6: {  	v46 =	vand.u32 $0xFFFF0000, v21;
	v1 =	vadd.s32 $0x7530, v1;
	v10 =	vld.idx.msk [tilespmem:v10+s2+$0x0], $0xffff  }
0xc7: {  	v56 =	vadd.s32 $0x4E20, v3;
	[tilespmem:v42+s11+$0x0] =	vst.idx.add.f32.msk $0xffff, v46  }
0xc8: {  	v2 =	vadd.s32 $0x7530, v2;
	v13 =	vld.idx.msk [tilespmem:v13+s2+$0x0], $0xffff;
	v41 =	vshll.u32 v7, $0x10  }
0xc9: {  	v38 =	vadd.s32 $0x2710, v12;
	v59 =	vshll.u32 v8, $0x10;
	[tilespmem:v36+s11+$0x0] =	vst.idx.add.f32.msk $0xffff, v41  }
0xca: {  	v3 =	vadd.s32 $0x7530, v3;
	v7 =	vand.u32 $0xFFFF0000, v7;
	[tilespmem:v55+s11+$0x0] =	vst.idx.add.f32.msk $0xffff, v59  }
0xcb: {  	v61 =	vshll.u32 v10, $0x10;
	[tilespmem:v1+s11+$0x0] =	vst.idx.add.f32.msk $0xffff, v7;
	v1 =	vshrl.u32 v6, $0x10  }
0xcc: {  	v8 =	vand.u32 $0xFFFF0000, v8;
	[tilespmem:v56+s11+$0x0] =	vst.idx.add.f32.msk $0xffff, v61;
	v7 =	vadd.s32 $0x2710, v1  }
0xcd: {  	v47 =	vadd.s32 $0x2710, v22;
	v6 =	vand.u32 $0xFFFF0000, v35;
	[tilespmem:v2+s11+$0x0] =	vst.idx.add.f32.msk $0xffff, v8  }
0xce: {  	v60 =	vadd.s32 $0x4E20, v5;
	v2 =	vadd.s32 $0x7530, v5;
	v5 =	vand.u32 $0xFFFF0000, v10;
	[tilespmem:v38+s11+$0x0] =	vst.idx.add.f32.msk $0xffff, v6  }
0xcf: {  	v48 =	vshll.u32 v23, $0x10;
	v6 =	vshrl.u32 v9, $0x10;
	[tilespmem:v3+s11+$0x0] =	vst.idx.add.f32.msk $0xffff, v5  }
0xd0: {  	v52 =	vadd.s32 $0x2710, v14;
	v49 =	vand.u32 $0xFFFF0000, v23;
	[tilespmem:v1+s11+$0x0] =	vst.idx.add.f32.msk $0xffff, v48  }
0xd1: {  	[tilespmem:v7+s11+$0x0] =	vst.idx.add.f32.msk $0xffff, v49;
	v7 =	vadd.s32 $0x2710, v11  }
0xd2: {  	v3 =	vshll.u32 v13, $0x10;
	v45 =	vadd.s32 $0x2710, v6;
	v9 =	vld.idx.msk [tilespmem:v47+s2+$0x0], $0xffff  }
0xd3: {  	v53 =	vadd.s32 $0x2710, v17;
	v50 =	vshll.u32 v24, $0x10;
	[tilespmem:v60+s11+$0x0] =	vst.idx.add.f32.msk $0xffff, v3  }
0xd4: {  	v54 =	vadd.s32 $0x4E20, v12;
	[tilespmem:v6+s11+$0x0] =	vst.idx.add.f32.msk $0xffff, v50  }
0xd5: {  	v12 =	vadd.s32 $0x7530, v12;
	v11 =	vld.idx.msk [tilespmem:v52+s2+$0x0], $0xffff  }
0xd6: {  	v51 =	vand.u32 $0xFFFF0000, v24;
	v62 =	vadd.s32 $0x4E20, v1;
	v7 =	vld.idx.msk [tilespmem:v7+s2+$0x0], $0xffff  }
0xd7: {  	v58 =	vadd.s32 $0x4E20, v4;
	[tilespmem:v45+s11+$0x0] =	vst.idx.add.f32.msk $0xffff, v51  }
0xd8: {  	v5 =	vadd.s32 $0x7530, v1;
	v57 =	vshll.u32 v9, $0x10;
	v14 =	vld.idx.msk [tilespmem:v53+s2+$0x0], $0xffff  }
0xd9: {  	v4 =	vadd.s32 $0x7530, v4;
	v9 =	vand.u32 $0xFFFF0000, v9;
	[tilespmem:v54+s11+$0x0] =	vst.idx.add.f32.msk $0xffff, v57  }
0xda: {  	[tilespmem:v12+s11+$0x0] =	vst.idx.add.f32.msk $0xffff, v9;
	v3 =	vshll.u32 v11, $0x10  }
0xdb: {  	[tilespmem:v62+s11+$0x0] =	vst.idx.add.f32.msk $0xffff, v3;
	v63 =	vshll.u32 v7, $0x10  }
0xdc: {  	v1 =	vand.u32 $0xFFFF0000, v7;
	v7 =	vand.u32 $0xFFFF0000, v11;
	[tilespmem:v58+s11+$0x0] =	vst.idx.add.f32.msk $0xffff, v63  }
0xdd: {  	[tilespmem:v5+s11+$0x0] =	vst.idx.add.f32.msk $0xffff, v7  }
0xde: {  	v3 =	vand.u32 $0xFFFF0000, v14;
	[tilespmem:v4+s11+$0x0] =	vst.idx.add.f32.msk $0xffff, v1;
	v1 =	vand.u32 $0xFFFF0000, v13  }
0xdf: {  	s14 =	simm.s32 $0x0;
	s15 =	simm.s32 $0x11260;
	v4 =	vshll.u32 v14, $0x10;
	[tilespmem:v2+s11+$0x0] =	vst.idx.add.f32.msk $0xffff, v1;
	v2 =	vadd.s32 $0x4E20, v6;
	v1 =	vadd.s32 $0x7530, v6  }
.LBB2_7:
0xe0: {  	v5 =	vld [tilespmem:s15+$0x0]  }
0xe1: {  	v6 =	vld [tilespmem:s15+$0xFFFFFFA0]  }
0xe2: {  	s14 =	sadd.s32 $0x8, s14;
	v7 =	vld [tilespmem:s15+$0xFFFFFFB0]  }
0xe3: {  	p0 =	slt.u32 s14, $0x268;
	v8 =	vld [tilespmem:s15+$0xFFFFFFC0]  }
0xe4: {  	v9 =	vld [tilespmem:s15+$0xFFFFFFD0]  }
0xe5: {  	v10 =	vld [tilespmem:s15+$0xFFFFFFE0];
	v11 =	vand.u32 $0xFFFF, v5  }
0xe6: {  	v12 =	vshrl.u32 v6, $0x10;
	v6 =	vand.u32 $0xFFFF, v6;
	v13 =	vld [tilespmem:s15+$0xFFFFFFF0]  }
0xe7: {  	v14 =	vld [tilespmem:s15+$0xFFFFFF90];
	v15 =	vadd.s32 $0x2710, v12;
	v16 =	vshrl.u32 v7, $0x10;
	v7 =	vand.u32 $0xFFFF, v7  }
0xe8: {  	v17 =	vadd.s32 $0x2710, v16;
	v18 =	vshrl.u32 v8, $0x10;
	v8 =	vand.u32 $0xFFFF, v8;
	[tilespmem:v2+s11+$0x0] =	vst.idx.add.f32.msk $0xffff, v4  }
0xe9: {  	v4 =	vadd.s32 $0x2710, v18;
	v19 =	vshrl.u32 v9, $0x10;
	v2 =	vand.u32 $0xFFFF, v9;
	[tilespmem:v1+s11+$0x0] =	vst.idx.add.f32.msk $0xffff, v3  }
0xea: {  	v3 =	vadd.s32 $0x2710, v19;
	v9 =	vshrl.u32 v10, $0x10;
	v1 =	vand.u32 $0xFFFF, v10;
	v10 =	vld.idx.msk [tilespmem:v11+s2+$0x0], $0xffff  }
0xeb: {  	v20 =	vld.idx.msk [tilespmem:v6+s2+$0x0], $0xffff;
	v21 =	vadd.s32 $0x2710, v9;
	v22 =	vshrl.u32 v13, $0x10;
	v13 =	vand.u32 $0xFFFF, v13  }
0xec: {  	v5 =	vshrl.u32 v5, $0x10;
	v23 =	vshrl.u32 v14, $0x10;
	v14 =	vand.u32 $0xFFFF, v14;
	v24 =	vld.idx.msk [tilespmem:v7+s2+$0x0], $0xffff  }
0xed: {  	v28 =	vadd.s32 $0x2710, v5;
	v27 =	vadd.s32 $0x2710, v22;
	v25 =	vadd.s32 $0x2710, v23;
	v26 =	vld.idx.msk [tilespmem:v8+s2+$0x0], $0xffff  }
0xee: {  	v11 =	vadd.s32 $0x2710, v11;
	v6 =	vadd.s32 $0x2710, v6;
	v29 =	vadd.s32 $0x2710, v14;
	v30 =	vld.idx.msk [tilespmem:v2+s2+$0x0], $0xffff  }
0xef: {  	v31 =	vadd.s32 $0x2710, v2;
	v7 =	vadd.s32 $0x2710, v7;
	v8 =	vadd.s32 $0x2710, v8;
	v2 =	vld.idx.msk [tilespmem:v1+s2+$0x0], $0xffff  }
0xf0: {  	v32 =	vadd.s32 $0x2710, v1;
	v33 =	vshll.u32 v10, $0x10;
	v1 =	vld.idx.msk [tilespmem:v13+s2+$0x0], $0xffff;
	v13 =	vadd.s32 $0x2710, v13  }
0xf1: {  	v10 =	vand.u32 $0xFFFF0000, v10;
	v34 =	vshll.u32 v20, $0x10;
	v20 =	vand.u32 $0xFFFF0000, v20;
	[tilespmem:v5+s11+$0x0] =	vst.idx.add.f32.msk $0xffff, v33  }
0xf2: {  	v33 =	vadd.s32 $0x4E20, v23;
	v35 =	vshll.u32 v24, $0x10;
	v24 =	vand.u32 $0xFFFF0000, v24;
	[tilespmem:v28+s11+$0x0] =	vst.idx.add.f32.msk $0xffff, v10  }
0xf3: {  	v10 =	vadd.s32 $0x7530, v23;
	v28 =	vshll.u32 v26, $0x10;
	v26 =	vand.u32 $0xFFFF0000, v26;
	v11 =	vld.idx.msk [tilespmem:v11+s2+$0x0], $0xffff  }
0xf4: {  	v36 =	vadd.s32 $0x4E20, v12;
	v37 =	vshll.u32 v30, $0x10;
	v30 =	vand.u32 $0xFFFF0000, v30;
	v14 =	vld.idx.msk [tilespmem:v14+s2+$0x0], $0xffff  }
0xf5: {  	v38 =	vand.u32 $0xFFFF0000, v2;
	[tilespmem:v12+s11+$0x0] =	vst.idx.add.f32.msk $0xffff, v34;
	v34 =	vshll.u32 v2, $0x10;
	v2 =	vadd.s32 $0x4E20, v5  }
0xf6: {  	v5 =	vadd.s32 $0x7530, v5;
	[tilespmem:v15+s11+$0x0] =	vst.idx.add.f32.msk $0xffff, v20;
	v15 =	vshll.u32 v1, $0x10;
	v20 =	vand.u32 $0xFFFF0000, v1  }
0xf7: {  	v12 =	vadd.s32 $0x7530, v12;
	[tilespmem:v16+s11+$0x0] =	vst.idx.add.f32.msk $0xffff, v35;
	v35 =	vadd.s32 $0x4E20, v16;
	v16 =	vadd.s32 $0x7530, v16  }
0xf8: {  	v39 =	vadd.s32 $0x4E20, v19;
	[tilespmem:v17+s11+$0x0] =	vst.idx.add.f32.msk $0xffff, v24;
	v17 =	vadd.s32 $0x4E20, v18;
	v24 =	vadd.s32 $0x7530, v18  }
0xf9: {  	v1 =	vshll.u32 v11, $0x10;
	[tilespmem:v18+s11+$0x0] =	vst.idx.add.f32.msk $0xffff, v28;
	v18 =	vadd.s32 $0x7530, v19;
	v28 =	vadd.s32 $0x4E20, v9  }
0xfa: {  	v11 =	vand.u32 $0xFFFF0000, v11;
	v40 =	vshll.u32 v14, $0x10;
	v14 =	vand.u32 $0xFFFF0000, v14;
	[tilespmem:v2+s11+$0x0] =	vst.idx.add.f32.msk $0xffff, v1  }
0xfb: {  	v41 =	vadd.s32 $0x7530, v9;
	v2 =	vadd.s32 $0x4E20, v22;
	v1 =	vadd.s32 $0x7530, v22;
	[tilespmem:v5+s11+$0x0] =	vst.idx.add.f32.msk $0xffff, v11  }
0xfc: {  	[tilespmem:v23+s11+$0x0] =	vst.idx.add.f32.msk $0xffff, v40  }
0xfd: {  	[tilespmem:v25+s11+$0x0] =	vst.idx.add.f32.msk $0xffff, v14  }
0xfe: {  	[tilespmem:v4+s11+$0x0] =	vst.idx.add.f32.msk $0xffff, v26  }
0xff: {  	[tilespmem:v19+s11+$0x0] =	vst.idx.add.f32.msk $0xffff, v37  }
0x100: {  	[tilespmem:v3+s11+$0x0] =	vst.idx.add.f32.msk $0xffff, v30  }
0x101: {  	[tilespmem:v9+s11+$0x0] =	vst.idx.add.f32.msk $0xffff, v34  }
0x102: {  	[tilespmem:v21+s11+$0x0] =	vst.idx.add.f32.msk $0xffff, v38  }
0x103: {  	[tilespmem:v22+s11+$0x0] =	vst.idx.add.f32.msk $0xffff, v15  }
0x104: {  	[tilespmem:v27+s11+$0x0] =	vst.idx.add.f32.msk $0xffff, v20  }
0x105: {  	v3 =	vld.idx.msk [tilespmem:v29+s2+$0x0], $0xffff  }
0x106: {  	v4 =	vld.idx.msk [tilespmem:v6+s2+$0x0], $0xffff  }
0x107: {  	v5 =	vld.idx.msk [tilespmem:v7+s2+$0x0], $0xffff  }
0x108: {  	v6 =	vld.idx.msk [tilespmem:v8+s2+$0x0], $0xffff  }
0x109: {  	v7 =	vld.idx.msk [tilespmem:v31+s2+$0x0], $0xffff  }
0x10a: {  	v8 =	vld.idx.msk [tilespmem:v32+s2+$0x0], $0xffff  }
0x10b: {  	v9 =	vshll.u32 v3, $0x10;
	v3 =	vand.u32 $0xFFFF0000, v3;
	v11 =	vld.idx.msk [tilespmem:v13+s2+$0x0], $0xffff  }
0x10c: {  	[tilespmem:v33+s11+$0x0] =	vst.idx.add.f32.msk $0xffff, v9;
	v9 =	vshll.u32 v4, $0x10;
	v4 =	vand.u32 $0xFFFF0000, v4  }
0x10d: {  	[tilespmem:v10+s11+$0x0] =	vst.idx.add.f32.msk $0xffff, v3;
	v3 =	vshll.u32 v5, $0x10;
	v5 =	vand.u32 $0xFFFF0000, v5  }
0x10e: {  	[tilespmem:v36+s11+$0x0] =	vst.idx.add.f32.msk $0xffff, v9;
	v9 =	vshll.u32 v6, $0x10;
	v6 =	vand.u32 $0xFFFF0000, v6  }
0x10f: {  	v10 =	vshll.u32 v7, $0x10;
	v7 =	vand.u32 $0xFFFF0000, v7;
	[tilespmem:v12+s11+$0x0] =	vst.idx.add.f32.msk $0xffff, v4  }
0x110: {  	v12 =	vshll.u32 v8, $0x10;
	v8 =	vand.u32 $0xFFFF0000, v8;
	[tilespmem:v35+s11+$0x0] =	vst.idx.add.f32.msk $0xffff, v3  }
0x111: {  	v4 =	vshll.u32 v11, $0x10;
	v3 =	vand.u32 $0xFFFF0000, v11;
	[tilespmem:v16+s11+$0x0] =	vst.idx.add.f32.msk $0xffff, v5  }
0x112: {  	[tilespmem:v17+s11+$0x0] =	vst.idx.add.f32.msk $0xffff, v9  }
.Ltmp2:
0x113: {  	[tilespmem:v24+s11+$0x0] =	vst.idx.add.f32.msk $0xffff, v6;
	(pc) =	sbr.rel @p0 .LBB2_7-.Ltmp2, $4  }
0x114: {  	[tilespmem:v39+s11+$0x0] =	vst.idx.add.f32.msk $0xffff, v10  }
0x115: {  	[tilespmem:v18+s11+$0x0] =	vst.idx.add.f32.msk $0xffff, v7  }
0x116: {  	[tilespmem:v28+s11+$0x0] =	vst.idx.add.f32.msk $0xffff, v12  }
0x117: {  	s15 =	sadd.s32 $0x80, s15;
	[tilespmem:v41+s11+$0x0] =	vst.idx.add.f32.msk $0xffff, v8  }
0x118: {  	_ =	sdelay $0x3  }
0x119: {  	[tilespmem:v2+s11+$0x0] =	vst.idx.add.f32.msk $0xffff, v4  }
0x11a: {  	[tilespmem:v1+s11+$0x0] =	vst.idx.add.f32.msk $0xffff, v3  }
0x11b: {  	v1 =	vld [tilespmem:$0x13870];
	_ =	sdelay $0x4  }
0x11c: {  	v2 =	vand.u32 $0xFFFF, v1;
	_ =	sdelay $0x4  }
0x11d: {  	v3 =	vld.idx.msk [tilespmem:v2+s2+$0x0], $0xffff  }
0x11e: {  	v1 =	vshrl.u32 v1, $0x10  }
0x11f: {  	v62 =	vadd.s32 $0x2710, v1  }
0x120: {  	v2 =	vadd.s32 $0x2710, v2;
	_ =	sdelay $0x1  }
0x121: {  	v5 =	vshll.u32 v3, $0x10  }
0x122: {  	v3 =	vand.u32 $0xFFFF0000, v3;
	[tilespmem:v1+s11+$0x0] =	vst.idx.add.f32.msk $0xffff, v5  }
0x123: {  	[tilespmem:v62+s11+$0x0] =	vst.idx.add.f32.msk $0xffff, v3  }
0x124: {  	v2 =	vld.idx.msk [tilespmem:v2+s2+$0x0], $0xffff  }
0x125: {  	s13 =	sadd.s32 $0x1, s13;
	v3 =	vadd.s32 $0x4E20, v1  }
0x126: {  	p0 =	sne.s32 s13, $0x10;
	v1 =	vadd.s32 $0x7530, v1  }
.Ltmp3:
0x127: {  	_ = 	snop;
	(pc) =	sbr.rel @p0 .LBB2_4-.Ltmp3, $4  }
0x128: {  	_ = 	snop  }
0x129: {  	v63 =	vshll.u32 v2, $0x10  }
0x12a: {  	v2 =	vand.u32 $0xFFFF0000, v2;
	[tilespmem:v3+s11+$0x0] =	vst.idx.add.f32.msk $0xffff, v63  }
0x12b: {  	[tilespmem:v1+s11+$0x0] =	vst.idx.add.f32.msk $0xffff, v2  }
0x12c: {  	s12 =	sadd.s32 $0x1, s12  }
0x12d: {  	p0 =	sne.s32 s12, s6  }
.Ltmp4:
0x12e: {  	_ = 	snop;
	(pc) =	sbr.rel @p0 .LBB2_1-.Ltmp4, $4  }
0x12f: {  	[hbm4b:s5+s2] =	stream.linear.scatter [tilespmem:s11], [sflag:$0x2], $0x9C40, $0x38;
	[tilespmem:$0x13880] =	vst v63  }
0x130: {  	_ =	swait.ge [sflag:s7], $0x9C40  }
0x131: {  	[sflag:s7] =	ssyncset.done $0x0  }
0x132: {  	[sflag:s7] =	ssyncadd.s32 $0xFFFF63C0  }
0x133: {  	_ =	sfence.sel $0x180000  }
0x134: {  	[bflag:$0x0] =	sbarrier.arrive $0xFFFF  }
0x135: {  	p0 =	sne.s32 s0, $0x0;
	_ =	strace $0x90000053  }
0x136: {  	s0 =	sadd.s32 @!p0 $0x100000, s1;
	[bflag:$0x2] =	sbarrier.arrive $0xFFFF  }
0x137: {  	[sflag:s0] =	ssyncadd.tile.s32 @!p0 $0x1;
	_ =	shalt  }
.Lfunc_end2:
_tile_overlayer_lowered:
.L_overlay_start_2:
0x138: {  	(tag) =	ssettag $0x2  }
0x139: {  	s0 =	rddreg [dreg:$0x0];
	s2 =	stileid.u32  }
0x13a: {  	s1 =	rddreg [dreg:$0x1];
	p0 =	sne.s32 s2, $0x0  }
0x13b: {  	s3 =	rddreg [dreg:$0x2];
	[bflag:$0x3] =	sbarrier.arrive $0xFFFF;
	s2 =	simm.s32 @!p0 $0x1C02  }
0x13c: {  	[timem:s3], [sflag:s2] =	dma.local @!p0 [hbm:s0], s1  }
0x13d: {  	s0 =	simm.s32 @!p0 $0x2  }
0x13e: {  	_ =	swait.ge @!p0 [sflag:s0], s1  }
0x13f: {  	s1 =	ssub.s32 @!p0 $0x0, s1;
	[sflag:s0] =	ssyncset.done @!p0 $0x0  }
0x140: {  	[sflag:s0] =	ssyncadd.s32 @!p0 s1  }
0x141: {  	[bflag:$0x3] =	sbarrier.arrive $0xFFFF  }
0x142: {  	_ =	shalt  }

// kernel: kernel.23.cloned.1.call-start
scs
__scs_entry_jumppad:
0x0: {  	(pc) =	sbr.rel $0x88, $3  }
0x1: {  	(tag) =	ssettag $0x0;
	lr =	simm.s32 $0x1  }
0x2: {  	[smem:$0x3F8F] =	sst lr;
	_ =	strace $0xD0000000  }
0x3: {  	_ = 	snop  }
0x4: {  	_ = 	snop  }
0x5: {  	_ = 	snop  }
0x6: {  	_ = 	snop  }
0x7: {  	_ = 	snop  }
__scs_overlays_trampoline_lowered:
0x8: {  	[smem:$0x3F9E] =	sst s0  }
0x9: {  	[smem:$0x3F9F] =	sst s1  }
0xa: {  	[smem:$0x3FA0] =	sst s2  }
0xb: {  	[smem:$0x3FA1] =	sst s3  }
0xc: {  	[smem:$0x3FA2] =	sst s4  }
0xd: {  	[smem:$0x3FA3] =	sst s5  }
0xe: {  	[smem:$0x3FA4] =	sst s6  }
0xf: {  	[smem:$0x3FA5] =	sst s7  }
0x10: {  	[smem:$0x3FA6] =	sst s8  }
0x11: {  	[smem:$0x3FA7] =	sst s9;
	s0 =	simm.s32 @!p0 $0x0  }
0x12: {  	s1 =	sld [smem:$0x3F8D];
	s0 =	simm.s32 @p0 $0x1  }
0x13: {  	[smem:$0x3FA8] =	sst s0;
	s0 =	simm.s32 @!p1 $0x0  }
0x14: {  	s2 =	sld [smem:$0x3F8C];
	s0 =	simm.s32 @p1 $0x1  }
0x15: {  	[smem:$0x3FA9] =	sst s0;
	s0 =	simm.s32 @!p2 $0x0  }
0x16: {  	s3 =	sld [smem:$0x3FDB];
	s0 =	simm.s32 @p2 $0x1  }
0x17: {  	s4 =	simm.s32 $0x1BF5;
	[smem:$0x3FAB] =	sst s0  }
0x18: {  	s0 =	sld [smem:$0x3F8E];
	_ =	swait.ge [sflag:s4], $0x0  }
0x19: {  	s7 =	sld [smem:$0x3F8F]  }
0x1a: {  	s8 =	sadd.s32 $0xFFFFE003, lr  }
0x1b: {  	s9 =	sadd.s32 $0xFFFFFEF7, lr;
	s5 =	simm.s32 $0xFFFFFFFF;
	p2 =	slt.u32 s8, $0xFFFFF086  }
0x1c: {  	p1 =	slt.u32 s9, $0xF7A;
	s5 =	simm.s32 @!p2 $0x0  }
0x1d: {  	s5 =	simm.s32 @p1 $0x1;
	p0 =	seq.s32 s7, s2  }
0x1e: {  	s7 =	smul.u32 @!p0 $0xF7A, s2;
	p2 =	seq.s32 @!p0 s5, $0x0  }
0x1f: {  	s9 =	smul.u32 $0xF7A, s1;
	s8 =	simm.s32 @!p0 $0x1BF5;
	p2 =	por !p2, p0  }
0x20: {  	[sflag:s8] =	ssyncset.s32 @!p0 $0xFFFFF086;
	s6 =	sadd.s32 @!p0 s3, s7;
	s7 =	simm.s32 @!p0 $0x108  }
0x21: {  	s3 =	sadd.s32 s3, s9;
	s6 =	sadd.s32 @!p0 $0x88, s6;
	s7 =	simm.s32 @p2 $0x1082  }
0x22: {  	[simem:s7], [sflag:s8] =	dma.local @!p0 [hbm:s6], $0xF7A  }
0x23: {  	s9 =	sor.u32 $0xD0000000, s2;
	s6 =	simm.s32 $0x108;
	_ =	swait.ge @!p0 [sflag:s8], $0x0  }
0x24: {  	s3 =	sadd.s32 $0x88, s3;
	s6 =	simm.s32 @!p1 $0x1082;
	[sflag:s4] =	ssyncset.s32 $0xFFFFF086  }
0x25: {  	[simem:s6], [sflag:s4] =	dma.local [hbm:s3], $0xF7A  }
0x26: {  	[smem:$0x3F8F] =	sst s1;
	(tag) =	ssettag s2;
	_ =	strace s9  }
0x27: {  	s1 =	sld [smem:$0x3F9F]  }
0x28: {  	s2 =	sld [smem:$0x3FA0]  }
0x29: {  	s4 =	sld [smem:$0x3FA2]  }
0x2a: {  	p0 =	seq.s32 s5, $0x0;
	s5 =	sld [smem:$0x3FA3]  }
0x2b: {  	s6 =	sld [smem:$0x3FA4]  }
0x2c: {  	s7 =	sld [smem:$0x3FA5]  }
0x2d: {  	s3 =	simm.s32 $0x108;
	s8 =	sld [smem:$0x3FA6]  }
0x2e: {  	s3 =	simm.s32 @!p0 $0x1082;
	s9 =	sld [smem:$0x3FA7]  }
0x2f: {  	lr =	sadd.s32 s0, s3;
	s0 =	sld [smem:$0x3F9E]  }
0x30: {  	s3 =	sld [smem:$0x3FA1]  }
0x31: {  	[smem:$0x3FAA] =	sst s10  }
0x32: {  	s10 =	sld [smem:$0x3FA8];
	_ =	sdelay $0x3  }
0x33: {  	p0 =	seq.s32 s10, $0x1;
	s10 =	sld [smem:$0x3FAA];
	_ =	sdelay $0x3  }
0x34: {  	[smem:$0x3FAA] =	sst s10  }
0x35: {  	s10 =	sld [smem:$0x3FA9];
	_ =	sdelay $0x3  }
0x36: {  	p1 =	seq.s32 s10, $0x1;
	s10 =	sld [smem:$0x3FAA];
	_ =	sdelay $0x3  }
0x37: {  	[smem:$0x3FAA] =	sst s10  }
0x38: {  	s10 =	sld [smem:$0x3FAB]  }
0x39: {  	_ = 	snop;
	(pc) =	sbr.ind lr, $3  }
0x3a: {  	_ = 	snop  }
0x3b: {  	_ = 	snop  }
0x3c: {  	p2 =	seq.s32 s10, $0x1;
	s10 =	sld [smem:$0x3FAA]  }
0x3d: {  	_ =	shalt  }
0x3e: {  	_ =	shalt  }
0x3f: {  	_ =	shalt  }
0x40: {  	_ =	shalt  }
0x41: {  	_ =	shalt  }
0x42: {  	_ =	shalt  }
0x43: {  	_ =	shalt  }
0x44: {  	_ =	shalt  }
0x45: {  	_ =	shalt  }
0x46: {  	_ =	shalt  }
0x47: {  	_ =	shalt  }
0x48: {  	_ =	shalt  }
0x49: {  	_ =	shalt  }
0x4a: {  	_ =	shalt  }
0x4b: {  	_ =	shalt  }
0x4c: {  	_ =	shalt  }
0x4d: {  	_ =	shalt  }
0x4e: {  	_ =	shalt  }
0x4f: {  	_ =	shalt  }
0x50: {  	_ =	shalt  }
0x51: {  	_ =	shalt  }
0x52: {  	_ =	shalt  }
0x53: {  	_ =	shalt  }
0x54: {  	_ =	shalt  }
0x55: {  	_ =	shalt  }
0x56: {  	_ =	shalt  }
0x57: {  	_ =	shalt  }
0x58: {  	_ =	shalt  }
0x59: {  	_ =	shalt  }
0x5a: {  	_ =	shalt  }
0x5b: {  	_ =	shalt  }
0x5c: {  	_ =	shalt  }
0x5d: {  	_ =	shalt  }
0x5e: {  	_ =	shalt  }
0x5f: {  	_ =	shalt  }
0x60: {  	_ =	shalt  }
0x61: {  	_ =	shalt  }
0x62: {  	_ =	shalt  }
0x63: {  	_ =	shalt  }
0x64: {  	_ =	shalt  }
0x65: {  	_ =	shalt  }
0x66: {  	_ =	shalt  }
0x67: {  	_ =	shalt  }
0x68: {  	_ =	shalt  }
0x69: {  	_ =	shalt  }
0x6a: {  	_ =	shalt  }
0x6b: {  	_ =	shalt  }
0x6c: {  	_ =	shalt  }
0x6d: {  	_ =	shalt  }
0x6e: {  	_ =	shalt  }
0x6f: {  	_ =	shalt  }
0x70: {  	_ =	shalt  }
0x71: {  	_ =	shalt  }
0x72: {  	_ =	shalt  }
0x73: {  	_ =	shalt  }
0x74: {  	_ =	shalt  }
0x75: {  	_ =	shalt  }
0x76: {  	_ =	shalt  }
0x77: {  	_ =	shalt  }
0x78: {  	_ =	shalt  }
0x79: {  	_ =	shalt  }
0x7a: {  	_ =	shalt  }
0x7b: {  	_ =	shalt  }
0x7c: {  	_ =	shalt  }
0x7d: {  	_ =	shalt  }
0x7e: {  	_ =	shalt  }
0x7f: {  	_ =	shalt  }
0x80: {  	_ =	shalt  }
0x81: {  	_ =	shalt  }
0x82: {  	_ =	shalt  }
0x83: {  	_ =	shalt  }
0x84: {  	_ =	shalt  }
0x85: {  	_ =	shalt  }
0x86: {  	_ =	shalt  }
0x87: {  	_ =	shalt  }
.Lfunc_end0:
.L_simem_size_0:
called_computation.4_lowered:
.L_overlay_start_0:
0x88: {  	s2 =	sld [smem:$0x3FD9]  }
0x89: {  	s3 =	sld [smem:$0x3FFE];
	_ =	sdelay $0x1  }
0x8a: {  	s1 =	srdreg.scid  }
0x8b: {  	s0 =	sand.u32 $0x1, s1  }
0x8c: {  	s17 =	sshll.u32 s0, $0xA;
	s2 =	sadd.s32 s3, s2  }
0x8d: {  	s2 =	sadd.s32 s2, s17  }
0x8e: {  	[smem:$0x3FB6] =	sst s2  }
0x8f: {  	_ = 	snop  }
0x90: {  	(tm) =	ssettm $0x1  }
0x91: {  	s18 =	sld [smem:$0x3FFB];
	_ =	sdelay $0x3  }
0x92: {  	_ =	strace s18  }
0x93: {  	s2 =	sld [smem:$0x3FFC];
	_ =	sdelay $0x3  }
0x94: {  	_ =	strace s2  }
0x95: {  	s2 =	sld [smem:$0x3FFD];
	_ =	sdelay $0x3  }
0x96: {  	_ =	strace s2  }
0x97: {  	_ =	strace $0x8FFFFFFF  }
0x98: {  	s19 =	sld [smem:$0x3FDB];
	_ =	sdelay $0x1  }
0x99: {  	s20 =	simm.s32 $_scs_section_size  }
0x9a: {  	s4 =	simm.s32 $_size__tile_overlayer_lowered;
	s5 =	simm.s32 $_tile_overlayer_lowered  }
0x9b: {  	s6 =	simm.s32 $0x1BFF;
	s21 =	sshll.u32 s5, $0x1;
	s3 =	sadd.s32 s20, s19  }
0x9c: {  	s22 =	simm.s32 $0x0;
	s4 =	sshll.u32 s4, $0x1;
	s5 =	sadd.s32 s21, s3  }
0x9d: {  	[timem:s22], [sflag:s6] =	dma.local [hbm:s5], s4  }
0x9e: {  	_ =	swait.ge [sflag:s6], s4  }
0x9f: {  	s4 =	ssub.s32 $0x0, s4;
	[sflag:s6] =	ssyncset.done $0x0  }
0xa0: {  	[sflag:s6] =	ssyncadd.s32 s4;
	_ =	sdelay $0x1  }
0xa1: {  	s23 =	simm.s32 $0x1B8B  }
0xa2: {  	_ =	swait.ge [sflag:s23], $0x1  }
0xa3: {  	[sflag:s23] =	ssyncset.done $0x0  }
0xa4: {  	[sflag:s23] =	ssyncadd.s32 $0xFFFFFFFF  }
0xa5: {  	s4 =	sld [smem:$0x0]  }
0xa6: {  	s5 =	sand.u32 $0xFFFFFFFE, s1  }
0xa7: {  	p0 =	sne.s32 s1, s5  }
0xa8: {  	s5 =	sshll.u32 @p0 s5, $0xE  }
0xa9: {  	s5 =	sadd.s32 @p0 $0x11B8D, s5;
	s6 =	sshll.u32 @p0 s4, $0x11  }
0xaa: {  	s5 =	sor.u32 @p0 s6, s5  }
0xab: {  	[sflag:s5] =	ssyncadd.remote.s32 @p0 $0x1;
	_ =	sdelay $0x1  }
0xac: {  	s5 =	simm.s32 @p0 $0x1B8D  }
0xad: {  	_ =	swait.eq @p0 [sflag:s5], $0x1  }
0xae: {  	[sflag:s5] =	ssyncadd.s32 @p0 $0xFFFFFFFF  }
0xaf: {  	s6 =	sshll.u32 @!p0 s1, $0xE  }
0xb0: {  	s6 =	sor.u32 @!p0 $0x4000, s6;
	s5 =	simm.s32 @!p0 $0x1B8D  }
0xb1: {  	s4 =	sshll.u32 @!p0 s4, $0x11;
	s6 =	sadd.s32 @!p0 $0x11B8D, s6;
	_ =	swait.eq @!p0 [sflag:s5], $0x1  }
0xb2: {  	s4 =	sor.u32 @!p0 s4, s6;
	[sflag:s5] =	ssyncadd.s32 @!p0 $0xFFFFFFFF  }
0xb3: {  	s25 =	simm.s32 $0x1B8E;
	s24 =	sld [smem:$0x3FFE];
	[sflag:s4] =	ssyncadd.remote.s32 @!p0 $0x1  }
0xb4: {  	s26 =	simm.s32 $execute0_lowered;
	[smem:$0x3FD2] =	sst s25  }
0xb5: {  	s5 =	sshll.u32 s26, $0x1;
	_ =	strace $0x8000004F;
	[dreg:$0x1] =	wrdreg $0xFFFFFFFF  }
0xb6: {  	s28 =	simm.s32 $_size_execute0_lowered;
	s3 =	sadd.s32 s3, s5;
	[dreg:$0x0] =	wrdreg $0x0  }
0xb7: {  	s5 =	sshll.u32 s28, $0x1;
	[dreg:$0x2] =	wrdreg s3  }
0xb8: {  	[dreg:$0x3] =	wrdreg s5  }
0xb9: {  	[dreg:$0x4] =	wrdreg $0xC0  }
0xba: {  	_ =	task [dreg:s22], $0x5FFFF  }
0xbb: {  	[dreg:$0x1] =	wrdreg $0xFFFFFFFF  }
0xbc: {  	[dreg:$0x0] =	wrdreg $0x60  }
0xbd: {  	[dreg:$0x2] =	wrdreg s24  }
0xbe: {  	[dreg:$0x3] =	wrdreg $0xA  }
0xbf: {  	_ =	task.clear_ibuf [dreg:s22], $0x4FFFF;
	_ =	strace $0x9000004F  }
0xc0: {  	s29 =	simm.s32 $0xA;
	_ =	strace $0x80000051  }
0xc1: {  	_ =	swait.ge [sflag:s29], $0x1  }
0xc2: {  	[sflag:s29] =	ssyncadd.s32 $0xFFFFFFFF  }
0xc3: {  	_ =	strace $0x90000051  }
0xc4: {  	_ =	sfence  }
0xc5: {  	s30 =	sld [smem:$0x0];
	_ =	sdelay $0x2  }
0xc6: {  	s31 =	sshll.u32 s1, $0xD;
	s1 =	sshrl.u32 s1, $0x2  }
0xc7: {  	s4 =	sand.u32 $0x4000, s31;
	s1 =	sadd.s32 s1, s30  }
0xc8: {  	s0 =	sor.u32 s4, s0;
	s1 =	sshll.u32 s1, $0x11  }
0xc9: {  	s0 =	sor.u32 s1, s0  }
0xca: {  	s0 =	sadd.s32 $0x8F2B, s0  }
0xcb: {  	[sflag:s0] =	ssyncadd.remote.s32 $0x1  }
0xcc: {  	_ =	sfence.sel $0xFFFF  }
0xcd: {  	[dreg:$0x0] =	wrdreg $0xFFFFFFFF;
	(pc) =	sbr.abs _section_cstart, $3  }
0xce: {  	[dreg:$0x1] =	wrdreg $0xFFFFFFFF  }
0xcf: {  	_ =	task.clear_ibuf [dreg:s22], $0x2FFFF;
	_ =	strace $0x9FFFFFFF  }
0xd0: {  	(tm) =	ssettm $0x7FFFFFFF  }
0xd1: {  	_ =	shalt  }
tec
execute0_lowered:
.L_overlay_start_1:
0x0: {  	(tag) =	ssettag $0x1  }
0x1: {  	s1 =	srdreg.scid  }
0x2: {  	s0 =	stileid.u32;
	s4 =	rddreg [dreg:$0x0]  }
0x3: {  	s2 =	simm.s32 $0x0;
	s9 =	simm.s32 $0x11170;
	s10 =	simm.s32 $0x1  }
0x4: {  	s11 =	simm.s32 $0x4E20;
	s3 =	sand.u32 $0x1, s1;
	s31 =	sshll.u32 s0, $0x1  }
0x5: {  	s12 =	simm.s32 $0x0;
	s1 =	rddreg [dreg:$0x1];
	s5 =	sor.u32 s3, s31  }
0x6: {  	[smem:$0x7FF] =	sst s2;
	s7 =	ssub.s32 $0x2, s3;
	s6 =	smul.u32 $0x9C4, s5  }
0x7: {  	_ =	strace $0x80000050;
	s5 =	smul.u32 $0x1388, s5;
	s8 =	sshrl.u32 s7, $0x1  }
0x8: {  	s3 =	sadd.s32 $0x5F600, s4;
	s7 =	ssub.s32 s7, s8;
	s6 =	sadd.s32 s6, s4  }
0x9: {  	s8 =	simm.s32 $0xEA60;
	s5 =	sadd.s32 s5, s4;
	s4 =	sadd.s32 $0x6400, s6  }
0xa: {  	v0 =	vimm.f32 $0.0e+00;
	s5 =	sadd.s32 $0x24A00, s5;
	s6 =	smax.u32 s7, $0x1;
	s7 =	simm.s32 $0x2  }
.LBB2_1:
0xb: {  	[tilespmem:s2], [sflag:$0x2] =	stream.linear.gather [hbm4b:s4+s2], $0x4E20, $0x38;
	[tilespmem:$0x13880] =	vst v63  }
0xc: {  	_ =	swait.ge [sflag:s7], $0x4E20  }
0xd: {  	[sflag:s7] =	ssyncset.done $0x0  }
0xe: {  	s14 =	simm.s32 $0x40;
	s13 =	simm.s32 $0x0;
	[sflag:s7] =	ssyncadd.s32 $0xFFFFB1E0  }
.LBB2_2:
0xf: {  	p0 =	sne.s32 s14, $0x9C00;
	[tilespmem:s13+$0xC350] =	vst v0;
	s15 =	smov.u32 s14;
	s14 =	sadd.s32 $0x40, s14  }
.Ltmp0:
0x10: {  	[tilespmem:s13+$0x9C40] =	vst v0;
	(pc) =	sbr.rel @p0 .LBB2_2-.Ltmp0, $3  }
0x11: {  	[tilespmem:s13+$0x4E20] =	vst v0  }
0x12: {  	[tilespmem:s13+$0x7530] =	vst v0;
	_ =	sdelay $0x1  }
0x13: {  	s13 =	sshra.s32 s15, $0x2  }
0x14: {  	[tilespmem:s13+$0xC350] =	vst v0  }
0x15: {  	[tilespmem:s13+$0x9C40] =	vst v0  }
0x16: {  	[tilespmem:s13+$0x4E20] =	vst v0  }
0x17: {  	[tilespmem:s13+$0x7530] =	vst v0;
	s13 =	simm.s32 $0x0  }
0x18: {  	[tilespmem:s8], [sflag:$0x1] =	stream.linear.gather [hbm4b:s3+s13], $0x2710, $0x38;
	[tilespmem:$0x13880] =	vst v63  }
.LBB2_4:
0x19: {  	s14 =	smul.u32 $0x4E20, s13;
	_ =	sdelay $0x1  }
0x1a: {  	s15 =	sshrl.u32 s14, $0x3  }
0x1b: {  	s15 =	sadd.s32 s3, s15  }
0x1c: {  	s15 =	sadd.s32 $0x4E2, s15  }
0x1d: {  	[tilespmem:s9], [sflag:$0x1] =	stream.linear.gather [hbm4b:s15+s2], $0x2710, $0x38;
	[tilespmem:$0x13880] =	vst v63  }
0x1e: {  	_ =	swait.ge [sflag:s10], $0x2710  }
0x1f: {  	[sflag:s10] =	ssyncset.done $0x0  }
0x20: {  	s31 =	simm.s32 $0xEAA0;
	[sflag:s10] =	ssyncadd.s32 $0xFFFFD8F0  }
0x21: {  	v1 =	vld [tilespmem:s31+$0x30]  }
0x22: {  	v2 =	vld [tilespmem:s31+$0xFFFFFFD0]  }
0x23: {  	v3 =	vld [tilespmem:s31+$0xFFFFFFE0]  }
0x24: {  	v4 =	vld [tilespmem:s31+$0xFFFFFFF0]  }
0x25: {  	v5 =	vld [tilespmem:s31+$0x0]  }
0x26: {  	v6 =	vld [tilespmem:s31+$0x10];
	v7 =	vand.u32 $0xFFFF, v1  }
0x27: {  	v12 =	vld [tilespmem:s31+$0xFFFFFFC0];
	v8 =	vand.u32 $0xFFFF, v2  }
0x28: {  	v9 =	vld [tilespmem:s31+$0x20];
	v10 =	vand.u32 $0xFFFF, v3  }
0x29: {  	v11 =	vand.u32 $0xFFFF, v4  }
0x2a: {  	v13 =	vand.u32 $0xFFFF, v5  }
0x2b: {  	v14 =	vand.u32 $0xFFFF, v6;
	v15 =	vld.idx.msk [tilespmem:v7+s2+$0x0], $0xffff  }
0x2c: {  	v22 =	vand.u32 $0xFFFF, v12;
	v16 =	vld.idx.msk [tilespmem:v8+s2+$0x0], $0xffff  }
0x2d: {  	v17 =	vand.u32 $0xFFFF, v9;
	v18 =	vld.idx.msk [tilespmem:v10+s2+$0x0], $0xffff  }
0x2e: {  	v1 =	vshrl.u32 v1, $0x10;
	v19 =	vld.idx.msk [tilespmem:v11+s2+$0x0], $0xffff  }
0x2f: {  	v2 =	vshrl.u32 v2, $0x10;
	v21 =	vld.idx.msk [tilespmem:v13+s2+$0x0], $0xffff  }
0x30: {  	v3 =	vshrl.u32 v3, $0x10;
	v23 =	vld.idx.msk [tilespmem:v14+s2+$0x0], $0xffff  }
0x31: {  	v4 =	vshrl.u32 v4, $0x10;
	v35 =	vld.idx.msk [tilespmem:v22+s2+$0x0], $0xffff  }
0x32: {  	v12 =	vshrl.u32 v12, $0x10;
	v24 =	vld.idx.msk [tilespmem:v17+s2+$0x0], $0xffff;
	v25 =	vshll.u32 v15, $0x10  }
0x33: {  	v5 =	vshrl.u32 v5, $0x10;
	v34 =	vshll.u32 v16, $0x10;
	[tilespmem:v1+s11+$0x0] =	vst.idx.add.f32.msk $0xffff, v25  }
0x34: {  	v20 =	vadd.s32 $0x2710, v1;
	v27 =	vshll.u32 v18, $0x10;
	[tilespmem:v2+s11+$0x0] =	vst.idx.add.f32.msk $0xffff, v34  }
0x35: {  	v26 =	vadd.s32 $0x2710, v2;
	v39 =	vshll.u32 v19, $0x10;
	[tilespmem:v3+s11+$0x0] =	vst.idx.add.f32.msk $0xffff, v27  }
0x36: {  	v33 =	vadd.s32 $0x2710, v3;
	v43 =	vshll.u32 v35, $0x10;
	[tilespmem:v4+s11+$0x0] =	vst.idx.add.f32.msk $0xffff, v39  }
0x37: {  	v7 =	vadd.s32 $0x2710, v7;
	v44 =	vshll.u32 v21, $0x10;
	[tilespmem:v12+s11+$0x0] =	vst.idx.add.f32.msk $0xffff, v43  }
0x38: {  	v8 =	vadd.s32 $0x2710, v8;
	v15 =	vand.u32 $0xFFFF0000, v15;
	[tilespmem:v5+s11+$0x0] =	vst.idx.add.f32.msk $0xffff, v44  }
0x39: {  	v40 =	vadd.s32 $0x2710, v4;
	v16 =	vand.u32 $0xFFFF0000, v16;
	[tilespmem:v20+s11+$0x0] =	vst.idx.add.f32.msk $0xffff, v15  }
0x3a: {  	v10 =	vadd.s32 $0x2710, v10;
	v37 =	vand.u32 $0xFFFF0000, v18;
	[tilespmem:v26+s11+$0x0] =	vst.idx.add.f32.msk $0xffff, v16  }
0x3b: {  	v42 =	vadd.s32 $0x2710, v5;
	[tilespmem:v33+s11+$0x0] =	vst.idx.add.f32.msk $0xffff, v37  }
0x3c: {  	v13 =	vadd.s32 $0x2710, v13;
	v7 =	vld.idx.msk [tilespmem:v7+s2+$0x0], $0xffff  }
0x3d: {  	v36 =	vadd.s32 $0x4E20, v1;
	v19 =	vand.u32 $0xFFFF0000, v19;
	v8 =	vld.idx.msk [tilespmem:v8+s2+$0x0], $0xffff  }
0x3e: {  	v55 =	vadd.s32 $0x4E20, v2;
	[tilespmem:v40+s11+$0x0] =	vst.idx.add.f32.msk $0xffff, v19  }
0x3f: {  	v46 =	vand.u32 $0xFFFF0000, v21;
	v1 =	vadd.s32 $0x7530, v1;
	v10 =	vld.idx.msk [tilespmem:v10+s2+$0x0], $0xffff  }
0x40: {  	v56 =	vadd.s32 $0x4E20, v3;
	[tilespmem:v42+s11+$0x0] =	vst.idx.add.f32.msk $0xffff, v46  }
0x41: {  	v2 =	vadd.s32 $0x7530, v2;
	v13 =	vld.idx.msk [tilespmem:v13+s2+$0x0], $0xffff;
	v41 =	vshll.u32 v7, $0x10  }
0x42: {  	v38 =	vadd.s32 $0x2710, v12;
	v59 =	vshll.u32 v8, $0x10;
	[tilespmem:v36+s11+$0x0] =	vst.idx.add.f32.msk $0xffff, v41  }
0x43: {  	v3 =	vadd.s32 $0x7530, v3;
	v7 =	vand.u32 $0xFFFF0000, v7;
	[tilespmem:v55+s11+$0x0] =	vst.idx.add.f32.msk $0xffff, v59  }
0x44: {  	v61 =	vshll.u32 v10, $0x10;
	[tilespmem:v1+s11+$0x0] =	vst.idx.add.f32.msk $0xffff, v7;
	v1 =	vshrl.u32 v6, $0x10  }
0x45: {  	v8 =	vand.u32 $0xFFFF0000, v8;
	[tilespmem:v56+s11+$0x0] =	vst.idx.add.f32.msk $0xffff, v61;
	v7 =	vadd.s32 $0x2710, v1  }
0x46: {  	v47 =	vadd.s32 $0x2710, v22;
	v6 =	vand.u32 $0xFFFF0000, v35;
	[tilespmem:v2+s11+$0x0] =	vst.idx.add.f32.msk $0xffff, v8  }
0x47: {  	v60 =	vadd.s32 $0x4E20, v5;
	v2 =	vadd.s32 $0x7530, v5;
	v5 =	vand.u32 $0xFFFF0000, v10;
	[tilespmem:v38+s11+$0x0] =	vst.idx.add.f32.msk $0xffff, v6  }
0x48: {  	v48 =	vshll.u32 v23, $0x10;
	v6 =	vshrl.u32 v9, $0x10;
	[tilespmem:v3+s11+$0x0] =	vst.idx.add.f32.msk $0xffff, v5  }
0x49: {  	v52 =	vadd.s32 $0x2710, v14;
	v49 =	vand.u32 $0xFFFF0000, v23;
	[tilespmem:v1+s11+$0x0] =	vst.idx.add.f32.msk $0xffff, v48  }
0x4a: {  	[tilespmem:v7+s11+$0x0] =	vst.idx.add.f32.msk $0xffff, v49;
	v7 =	vadd.s32 $0x2710, v11  }
0x4b: {  	v3 =	vshll.u32 v13, $0x10;
	v45 =	vadd.s32 $0x2710, v6;
	v9 =	vld.idx.msk [tilespmem:v47+s2+$0x0], $0xffff  }
0x4c: {  	v53 =	vadd.s32 $0x2710, v17;
	v50 =	vshll.u32 v24, $0x10;
	[tilespmem:v60+s11+$0x0] =	vst.idx.add.f32.msk $0xffff, v3  }
0x4d: {  	v54 =	vadd.s32 $0x4E20, v12;
	[tilespmem:v6+s11+$0x0] =	vst.idx.add.f32.msk $0xffff, v50  }
0x4e: {  	v12 =	vadd.s32 $0x7530, v12;
	v11 =	vld.idx.msk [tilespmem:v52+s2+$0x0], $0xffff  }
0x4f: {  	v51 =	vand.u32 $0xFFFF0000, v24;
	v62 =	vadd.s32 $0x4E20, v1;
	v7 =	vld.idx.msk [tilespmem:v7+s2+$0x0], $0xffff  }
0x50: {  	v58 =	vadd.s32 $0x4E20, v4;
	[tilespmem:v45+s11+$0x0] =	vst.idx.add.f32.msk $0xffff, v51  }
0x51: {  	v5 =	vadd.s32 $0x7530, v1;
	v57 =	vshll.u32 v9, $0x10;
	v14 =	vld.idx.msk [tilespmem:v53+s2+$0x0], $0xffff  }
0x52: {  	v4 =	vadd.s32 $0x7530, v4;
	v9 =	vand.u32 $0xFFFF0000, v9;
	[tilespmem:v54+s11+$0x0] =	vst.idx.add.f32.msk $0xffff, v57  }
0x53: {  	[tilespmem:v12+s11+$0x0] =	vst.idx.add.f32.msk $0xffff, v9;
	v3 =	vshll.u32 v11, $0x10  }
0x54: {  	[tilespmem:v62+s11+$0x0] =	vst.idx.add.f32.msk $0xffff, v3;
	v63 =	vshll.u32 v7, $0x10  }
0x55: {  	v1 =	vand.u32 $0xFFFF0000, v7;
	v7 =	vand.u32 $0xFFFF0000, v11;
	[tilespmem:v58+s11+$0x0] =	vst.idx.add.f32.msk $0xffff, v63  }
0x56: {  	[tilespmem:v5+s11+$0x0] =	vst.idx.add.f32.msk $0xffff, v7  }
0x57: {  	v3 =	vand.u32 $0xFFFF0000, v14;
	[tilespmem:v4+s11+$0x0] =	vst.idx.add.f32.msk $0xffff, v1;
	v1 =	vand.u32 $0xFFFF0000, v13  }
0x58: {  	s16 =	simm.s32 $0xEB20;
	s15 =	simm.s32 $0x0;
	v4 =	vshll.u32 v14, $0x10;
	[tilespmem:v2+s11+$0x0] =	vst.idx.add.f32.msk $0xffff, v1;
	v2 =	vadd.s32 $0x4E20, v6;
	v1 =	vadd.s32 $0x7530, v6  }
.LBB2_5:
0x59: {  	v5 =	vld [tilespmem:s16+$0x30]  }
0x5a: {  	v6 =	vld [tilespmem:s16+$0xFFFFFFD0]  }
0x5b: {  	s15 =	sadd.s32 $0x8, s15;
	v7 =	vld [tilespmem:s16+$0xFFFFFFE0]  }
0x5c: {  	p0 =	slt.u32 s15, $0x268;
	v8 =	vld [tilespmem:s16+$0xFFFFFFF0]  }
0x5d: {  	v9 =	vld [tilespmem:s16+$0x0]  }
0x5e: {  	v10 =	vld [tilespmem:s16+$0x10];
	v11 =	vand.u32 $0xFFFF, v5  }
0x5f: {  	v12 =	vshrl.u32 v6, $0x10;
	v6 =	vand.u32 $0xFFFF, v6;
	v13 =	vld [tilespmem:s16+$0x20]  }
0x60: {  	v14 =	vld [tilespmem:s16+$0xFFFFFFC0];
	v15 =	vadd.s32 $0x2710, v12;
	v16 =	vshrl.u32 v7, $0x10;
	v7 =	vand.u32 $0xFFFF, v7  }
0x61: {  	v17 =	vadd.s32 $0x2710, v16;
	v18 =	vshrl.u32 v8, $0x10;
	v8 =	vand.u32 $0xFFFF, v8;
	[tilespmem:v2+s11+$0x0] =	vst.idx.add.f32.msk $0xffff, v4  }
0x62: {  	v4 =	vadd.s32 $0x2710, v18;
	v19 =	vshrl.u32 v9, $0x10;
	v2 =	vand.u32 $0xFFFF, v9;
	[tilespmem:v1+s11+$0x0] =	vst.idx.add.f32.msk $0xffff, v3  }
0x63: {  	v3 =	vadd.s32 $0x2710, v19;
	v9 =	vshrl.u32 v10, $0x10;
	v1 =	vand.u32 $0xFFFF, v10;
	v10 =	vld.idx.msk [tilespmem:v11+s2+$0x0], $0xffff  }
0x64: {  	v20 =	vld.idx.msk [tilespmem:v6+s2+$0x0], $0xffff;
	v21 =	vadd.s32 $0x2710, v9;
	v22 =	vshrl.u32 v13, $0x10;
	v13 =	vand.u32 $0xFFFF, v13  }
0x65: {  	v5 =	vshrl.u32 v5, $0x10;
	v23 =	vshrl.u32 v14, $0x10;
	v14 =	vand.u32 $0xFFFF, v14;
	v24 =	vld.idx.msk [tilespmem:v7+s2+$0x0], $0xffff  }
0x66: {  	v28 =	vadd.s32 $0x2710, v5;
	v27 =	vadd.s32 $0x2710, v22;
	v25 =	vadd.s32 $0x2710, v23;
	v26 =	vld.idx.msk [tilespmem:v8+s2+$0x0], $0xffff  }
0x67: {  	v11 =	vadd.s32 $0x2710, v11;
	v6 =	vadd.s32 $0x2710, v6;
	v29 =	vadd.s32 $0x2710, v14;
	v30 =	vld.idx.msk [tilespmem:v2+s2+$0x0], $0xffff  }
0x68: {  	v31 =	vadd.s32 $0x2710, v2;
	v7 =	vadd.s32 $0x2710, v7;
	v8 =	vadd.s32 $0x2710, v8;
	v2 =	vld.idx.msk [tilespmem:v1+s2+$0x0], $0xffff  }
0x69: {  	v32 =	vadd.s32 $0x2710, v1;
	v33 =	vshll.u32 v10, $0x10;
	v1 =	vld.idx.msk [tilespmem:v13+s2+$0x0], $0xffff;
	v13 =	vadd.s32 $0x2710, v13  }
0x6a: {  	v10 =	vand.u32 $0xFFFF0000, v10;
	v34 =	vshll.u32 v20, $0x10;
	v20 =	vand.u32 $0xFFFF0000, v20;
	[tilespmem:v5+s11+$0x0] =	vst.idx.add.f32.msk $0xffff, v33  }
0x6b: {  	v33 =	vadd.s32 $0x4E20, v23;
	v35 =	vshll.u32 v24, $0x10;
	v24 =	vand.u32 $0xFFFF0000, v24;
	[tilespmem:v28+s11+$0x0] =	vst.idx.add.f32.msk $0xffff, v10  }
0x6c: {  	v10 =	vadd.s32 $0x7530, v23;
	v28 =	vshll.u32 v26, $0x10;
	v26 =	vand.u32 $0xFFFF0000, v26;
	v11 =	vld.idx.msk [tilespmem:v11+s2+$0x0], $0xffff  }
0x6d: {  	v36 =	vadd.s32 $0x4E20, v12;
	v37 =	vshll.u32 v30, $0x10;
	v30 =	vand.u32 $0xFFFF0000, v30;
	v14 =	vld.idx.msk [tilespmem:v14+s2+$0x0], $0xffff  }
0x6e: {  	v38 =	vand.u32 $0xFFFF0000, v2;
	[tilespmem:v12+s11+$0x0] =	vst.idx.add.f32.msk $0xffff, v34;
	v34 =	vshll.u32 v2, $0x10;
	v2 =	vadd.s32 $0x4E20, v5  }
0x6f: {  	v5 =	vadd.s32 $0x7530, v5;
	[tilespmem:v15+s11+$0x0] =	vst.idx.add.f32.msk $0xffff, v20;
	v15 =	vshll.u32 v1, $0x10;
	v20 =	vand.u32 $0xFFFF0000, v1  }
0x70: {  	v12 =	vadd.s32 $0x7530, v12;
	[tilespmem:v16+s11+$0x0] =	vst.idx.add.f32.msk $0xffff, v35;
	v35 =	vadd.s32 $0x4E20, v16;
	v16 =	vadd.s32 $0x7530, v16  }
0x71: {  	v39 =	vadd.s32 $0x4E20, v19;
	[tilespmem:v17+s11+$0x0] =	vst.idx.add.f32.msk $0xffff, v24;
	v17 =	vadd.s32 $0x4E20, v18;
	v24 =	vadd.s32 $0x7530, v18  }
0x72: {  	v1 =	vshll.u32 v11, $0x10;
	[tilespmem:v18+s11+$0x0] =	vst.idx.add.f32.msk $0xffff, v28;
	v18 =	vadd.s32 $0x7530, v19;
	v28 =	vadd.s32 $0x4E20, v9  }
0x73: {  	v11 =	vand.u32 $0xFFFF0000, v11;
	v40 =	vshll.u32 v14, $0x10;
	v14 =	vand.u32 $0xFFFF0000, v14;
	[tilespmem:v2+s11+$0x0] =	vst.idx.add.f32.msk $0xffff, v1  }
0x74: {  	v41 =	vadd.s32 $0x7530, v9;
	v2 =	vadd.s32 $0x4E20, v22;
	v1 =	vadd.s32 $0x7530, v22;
	[tilespmem:v5+s11+$0x0] =	vst.idx.add.f32.msk $0xffff, v11  }
0x75: {  	[tilespmem:v23+s11+$0x0] =	vst.idx.add.f32.msk $0xffff, v40  }
0x76: {  	[tilespmem:v25+s11+$0x0] =	vst.idx.add.f32.msk $0xffff, v14  }
0x77: {  	[tilespmem:v4+s11+$0x0] =	vst.idx.add.f32.msk $0xffff, v26  }
0x78: {  	[tilespmem:v19+s11+$0x0] =	vst.idx.add.f32.msk $0xffff, v37  }
0x79: {  	[tilespmem:v3+s11+$0x0] =	vst.idx.add.f32.msk $0xffff, v30  }
0x7a: {  	[tilespmem:v9+s11+$0x0] =	vst.idx.add.f32.msk $0xffff, v34  }
0x7b: {  	[tilespmem:v21+s11+$0x0] =	vst.idx.add.f32.msk $0xffff, v38  }
0x7c: {  	[tilespmem:v22+s11+$0x0] =	vst.idx.add.f32.msk $0xffff, v15  }
0x7d: {  	[tilespmem:v27+s11+$0x0] =	vst.idx.add.f32.msk $0xffff, v20  }
0x7e: {  	v3 =	vld.idx.msk [tilespmem:v29+s2+$0x0], $0xffff  }
0x7f: {  	v4 =	vld.idx.msk [tilespmem:v6+s2+$0x0], $0xffff  }
0x80: {  	v5 =	vld.idx.msk [tilespmem:v7+s2+$0x0], $0xffff  }
0x81: {  	v6 =	vld.idx.msk [tilespmem:v8+s2+$0x0], $0xffff  }
0x82: {  	v7 =	vld.idx.msk [tilespmem:v31+s2+$0x0], $0xffff  }
0x83: {  	v8 =	vld.idx.msk [tilespmem:v32+s2+$0x0], $0xffff  }
0x84: {  	v9 =	vshll.u32 v3, $0x10;
	v3 =	vand.u32 $0xFFFF0000, v3;
	v11 =	vld.idx.msk [tilespmem:v13+s2+$0x0], $0xffff  }
0x85: {  	[tilespmem:v33+s11+$0x0] =	vst.idx.add.f32.msk $0xffff, v9;
	v9 =	vshll.u32 v4, $0x10;
	v4 =	vand.u32 $0xFFFF0000, v4  }
0x86: {  	[tilespmem:v10+s11+$0x0] =	vst.idx.add.f32.msk $0xffff, v3;
	v3 =	vshll.u32 v5, $0x10;
	v5 =	vand.u32 $0xFFFF0000, v5  }
0x87: {  	[tilespmem:v36+s11+$0x0] =	vst.idx.add.f32.msk $0xffff, v9;
	v9 =	vshll.u32 v6, $0x10;
	v6 =	vand.u32 $0xFFFF0000, v6  }
0x88: {  	v10 =	vshll.u32 v7, $0x10;
	v7 =	vand.u32 $0xFFFF0000, v7;
	[tilespmem:v12+s11+$0x0] =	vst.idx.add.f32.msk $0xffff, v4  }
0x89: {  	v12 =	vshll.u32 v8, $0x10;
	v8 =	vand.u32 $0xFFFF0000, v8;
	[tilespmem:v35+s11+$0x0] =	vst.idx.add.f32.msk $0xffff, v3  }
0x8a: {  	v4 =	vshll.u32 v11, $0x10;
	v3 =	vand.u32 $0xFFFF0000, v11;
	[tilespmem:v16+s11+$0x0] =	vst.idx.add.f32.msk $0xffff, v5  }
0x8b: {  	[tilespmem:v17+s11+$0x0] =	vst.idx.add.f32.msk $0xffff, v9  }
.Ltmp1:
0x8c: {  	[tilespmem:v24+s11+$0x0] =	vst.idx.add.f32.msk $0xffff, v6;
	(pc) =	sbr.rel @p0 .LBB2_5-.Ltmp1, $4  }
0x8d: {  	[tilespmem:v39+s11+$0x0] =	vst.idx.add.f32.msk $0xffff, v10  }
0x8e: {  	[tilespmem:v18+s11+$0x0] =	vst.idx.add.f32.msk $0xffff, v7  }
0x8f: {  	[tilespmem:v28+s11+$0x0] =	vst.idx.add.f32.msk $0xffff, v12  }
0x90: {  	s16 =	sadd.s32 $0x80, s16;
	[tilespmem:v41+s11+$0x0] =	vst.idx.add.f32.msk $0xffff, v8  }
0x91: {  	_ =	sdelay $0x3  }
0x92: {  	[tilespmem:v2+s11+$0x0] =	vst.idx.add.f32.msk $0xffff, v4  }
0x93: {  	[tilespmem:v1+s11+$0x0] =	vst.idx.add.f32.msk $0xffff, v3  }
0x94: {  	v1 =	vld [tilespmem:$0x11160];
	_ =	sdelay $0x4  }
0x95: {  	v2 =	vand.u32 $0xFFFF, v1;
	_ =	sdelay $0x4  }
0x96: {  	v3 =	vld.idx.msk [tilespmem:v2+s2+$0x0], $0xffff  }
0x97: {  	v1 =	vshrl.u32 v1, $0x10  }
0x98: {  	v4 =	vadd.s32 $0x2710, v1  }
0x99: {  	v2 =	vadd.s32 $0x2710, v2;
	_ =	sdelay $0x1  }
0x9a: {  	v5 =	vshll.u32 v3, $0x10  }
0x9b: {  	v3 =	vand.u32 $0xFFFF0000, v3;
	[tilespmem:v1+s11+$0x0] =	vst.idx.add.f32.msk $0xffff, v5  }
0x9c: {  	[tilespmem:v4+s11+$0x0] =	vst.idx.add.f32.msk $0xffff, v3  }
0x9d: {  	v2 =	vld.idx.msk [tilespmem:v2+s2+$0x0], $0xffff  }
0x9e: {  	v3 =	vadd.s32 $0x4E20, v1  }
0x9f: {  	v1 =	vadd.s32 $0x7530, v1;
	_ =	sdelay $0x1  }
0xa0: {  	p0 =	seq.s32 s13, $0xF  }
0xa1: {  	s14 =	sshrl.u32 @!p0 s14, $0x3;
	v4 =	vshll.u32 v2, $0x10  }
0xa2: {  	s14 =	sadd.s32 @!p0 s3, s14;
	v2 =	vand.u32 $0xFFFF0000, v2;
	[tilespmem:v3+s11+$0x0] =	vst.idx.add.f32.msk $0xffff, v4  }
0xa3: {  	s15 =	simm.s32 @!p0 $0x0;
	s16 =	simm.s32 @!p0 $0xEA60;
	s14 =	sadd.s32 @!p0 $0x9C4, s14;
	[tilespmem:v1+s11+$0x0] =	vst.idx.add.f32.msk $0xffff, v2  }
0xa4: {  	[tilespmem:s16], [sflag:$0x1] =	stream.linear.gather @!p0 [hbm4b:s14+s15], $0x2710, $0x38;
	[tilespmem:$0x13880] =	vst v63  }
0xa5: {  	_ =	swait.ge [sflag:s10], $0x2710  }
0xa6: {  	[sflag:s10] =	ssyncset.done $0x0  }
0xa7: {  	s31 =	simm.s32 $0x111E0;
	[sflag:s10] =	ssyncadd.s32 $0xFFFFD8F0  }
0xa8: {  	v1 =	vld [tilespmem:s31+$0x0]  }
0xa9: {  	v2 =	vld [tilespmem:s31+$0xFFFFFFA0]  }
0xaa: {  	v3 =	vld [tilespmem:s31+$0xFFFFFFB0]  }
0xab: {  	v4 =	vld [tilespmem:s31+$0xFFFFFFC0]  }
0xac: {  	v5 =	vld [tilespmem:s31+$0xFFFFFFD0]  }
0xad: {  	v6 =	vld [tilespmem:s31+$0xFFFFFFE0];
	v7 =	vand.u32 $0xFFFF, v1  }
0xae: {  	v12 =	vld [tilespmem:s31+$0xFFFFFF90];
	v8 =	vand.u32 $0xFFFF, v2  }
0xaf: {  	v9 =	vld [tilespmem:s31+$0xFFFFFFF0];
	v10 =	vand.u32 $0xFFFF, v3  }
0xb0: {  	v11 =	vand.u32 $0xFFFF, v4  }
0xb1: {  	v13 =	vand.u32 $0xFFFF, v5  }
0xb2: {  	v14 =	vand.u32 $0xFFFF, v6;
	v15 =	vld.idx.msk [tilespmem:v7+s2+$0x0], $0xffff  }
0xb3: {  	v22 =	vand.u32 $0xFFFF, v12;
	v16 =	vld.idx.msk [tilespmem:v8+s2+$0x0], $0xffff  }
0xb4: {  	v17 =	vand.u32 $0xFFFF, v9;
	v18 =	vld.idx.msk [tilespmem:v10+s2+$0x0], $0xffff  }
0xb5: {  	v1 =	vshrl.u32 v1, $0x10;
	v19 =	vld.idx.msk [tilespmem:v11+s2+$0x0], $0xffff  }
0xb6: {  	v2 =	vshrl.u32 v2, $0x10;
	v21 =	vld.idx.msk [tilespmem:v13+s2+$0x0], $0xffff  }
0xb7: {  	v3 =	vshrl.u32 v3, $0x10;
	v23 =	vld.idx.msk [tilespmem:v14+s2+$0x0], $0xffff  }
0xb8: {  	v4 =	vshrl.u32 v4, $0x10;
	v35 =	vld.idx.msk [tilespmem:v22+s2+$0x0], $0xffff  }
0xb9: {  	v12 =	vshrl.u32 v12, $0x10;
	v24 =	vld.idx.msk [tilespmem:v17+s2+$0x0], $0xffff;
	v25 =	vshll.u32 v15, $0x10  }
0xba: {  	v5 =	vshrl.u32 v5, $0x10;
	v34 =	vshll.u32 v16, $0x10;
	[tilespmem:v1+s11+$0x0] =	vst.idx.add.f32.msk $0xffff, v25  }
0xbb: {  	v20 =	vadd.s32 $0x2710, v1;
	v27 =	vshll.u32 v18, $0x10;
	[tilespmem:v2+s11+$0x0] =	vst.idx.add.f32.msk $0xffff, v34  }
0xbc: {  	v26 =	vadd.s32 $0x2710, v2;
	v39 =	vshll.u32 v19, $0x10;
	[tilespmem:v3+s11+$0x0] =	vst.idx.add.f32.msk $0xffff, v27  }
0xbd: {  	v33 =	vadd.s32 $0x2710, v3;
	v43 =	vshll.u32 v35, $0x10;
	[tilespmem:v4+s11+$0x0] =	vst.idx.add.f32.msk $0xffff, v39  }
0xbe: {  	v7 =	vadd.s32 $0x2710, v7;
	v44 =	vshll.u32 v21, $0x10;
	[tilespmem:v12+s11+$0x0] =	vst.idx.add.f32.msk $0xffff, v43  }
0xbf: {  	v8 =	vadd.s32 $0x2710, v8;
	v15 =	vand.u32 $0xFFFF0000, v15;
	[tilespmem:v5+s11+$0x0] =	vst.idx.add.f32.msk $0xffff, v44  }
0xc0: {  	v40 =	vadd.s32 $0x2710, v4;
	v16 =	vand.u32 $0xFFFF0000, v16;
	[tilespmem:v20+s11+$0x0] =	vst.idx.add.f32.msk $0xffff, v15  }
0xc1: {  	v10 =	vadd.s32 $0x2710, v10;
	v37 =	vand.u32 $0xFFFF0000, v18;
	[tilespmem:v26+s11+$0x0] =	vst.idx.add.f32.msk $0xffff, v16  }
0xc2: {  	v42 =	vadd.s32 $0x2710, v5;
	[tilespmem:v33+s11+$0x0] =	vst.idx.add.f32.msk $0xffff, v37  }
0xc3: {  	v13 =	vadd.s32 $0x2710, v13;
	v7 =	vld.idx.msk [tilespmem:v7+s2+$0x0], $0xffff  }
0xc4: {  	v36 =	vadd.s32 $0x4E20, v1;
	v19 =	vand.u32 $0xFFFF0000, v19;
	v8 =	vld.idx.msk [tilespmem:v8+s2+$0x0], $0xffff  }
0xc5: {  	v55 =	vadd.s32 $0x4E20, v2;
	[tilespmem:v40+s11+$0x0] =	vst.idx.add.f32.msk $0xffff, v19  }
0xc6: {  	v46 =	vand.u32 $0xFFFF0000, v21;
	v1 =	vadd.s32 $0x7530, v1;
	v10 =	vld.idx.msk [tilespmem:v10+s2+$0x0], $0xffff  }
0xc7: {  	v56 =	vadd.s32 $0x4E20, v3;
	[tilespmem:v42+s11+$0x0] =	vst.idx.add.f32.msk $0xffff, v46  }
0xc8: {  	v2 =	vadd.s32 $0x7530, v2;
	v13 =	vld.idx.msk [tilespmem:v13+s2+$0x0], $0xffff;
	v41 =	vshll.u32 v7, $0x10  }
0xc9: {  	v38 =	vadd.s32 $0x2710, v12;
	v59 =	vshll.u32 v8, $0x10;
	[tilespmem:v36+s11+$0x0] =	vst.idx.add.f32.msk $0xffff, v41  }
0xca: {  	v3 =	vadd.s32 $0x7530, v3;
	v7 =	vand.u32 $0xFFFF0000, v7;
	[tilespmem:v55+s11+$0x0] =	vst.idx.add.f32.msk $0xffff, v59  }
0xcb: {  	v61 =	vshll.u32 v10, $0x10;
	[tilespmem:v1+s11+$0x0] =	vst.idx.add.f32.msk $0xffff, v7;
	v1 =	vshrl.u32 v6, $0x10  }
0xcc: {  	v8 =	vand.u32 $0xFFFF0000, v8;
	[tilespmem:v56+s11+$0x0] =	vst.idx.add.f32.msk $0xffff, v61;
	v7 =	vadd.s32 $0x2710, v1  }
0xcd: {  	v47 =	vadd.s32 $0x2710, v22;
	v6 =	vand.u32 $0xFFFF0000, v35;
	[tilespmem:v2+s11+$0x0] =	vst.idx.add.f32.msk $0xffff, v8  }
0xce: {  	v60 =	vadd.s32 $0x4E20, v5;
	v2 =	vadd.s32 $0x7530, v5;
	v5 =	vand.u32 $0xFFFF0000, v10;
	[tilespmem:v38+s11+$0x0] =	vst.idx.add.f32.msk $0xffff, v6  }
0xcf: {  	v48 =	vshll.u32 v23, $0x10;
	v6 =	vshrl.u32 v9, $0x10;
	[tilespmem:v3+s11+$0x0] =	vst.idx.add.f32.msk $0xffff, v5  }
0xd0: {  	v52 =	vadd.s32 $0x2710, v14;
	v49 =	vand.u32 $0xFFFF0000, v23;
	[tilespmem:v1+s11+$0x0] =	vst.idx.add.f32.msk $0xffff, v48  }
0xd1: {  	[tilespmem:v7+s11+$0x0] =	vst.idx.add.f32.msk $0xffff, v49;
	v7 =	vadd.s32 $0x2710, v11  }
0xd2: {  	v3 =	vshll.u32 v13, $0x10;
	v45 =	vadd.s32 $0x2710, v6;
	v9 =	vld.idx.msk [tilespmem:v47+s2+$0x0], $0xffff  }
0xd3: {  	v53 =	vadd.s32 $0x2710, v17;
	v50 =	vshll.u32 v24, $0x10;
	[tilespmem:v60+s11+$0x0] =	vst.idx.add.f32.msk $0xffff, v3  }
0xd4: {  	v54 =	vadd.s32 $0x4E20, v12;
	[tilespmem:v6+s11+$0x0] =	vst.idx.add.f32.msk $0xffff, v50  }
0xd5: {  	v12 =	vadd.s32 $0x7530, v12;
	v11 =	vld.idx.msk [tilespmem:v52+s2+$0x0], $0xffff  }
0xd6: {  	v51 =	vand.u32 $0xFFFF0000, v24;
	v62 =	vadd.s32 $0x4E20, v1;
	v7 =	vld.idx.msk [tilespmem:v7+s2+$0x0], $0xffff  }
0xd7: {  	v58 =	vadd.s32 $0x4E20, v4;
	[tilespmem:v45+s11+$0x0] =	vst.idx.add.f32.msk $0xffff, v51  }
0xd8: {  	v5 =	vadd.s32 $0x7530, v1;
	v57 =	vshll.u32 v9, $0x10;
	v14 =	vld.idx.msk [tilespmem:v53+s2+$0x0], $0xffff  }
0xd9: {  	v4 =	vadd.s32 $0x7530, v4;
	v9 =	vand.u32 $0xFFFF0000, v9;
	[tilespmem:v54+s11+$0x0] =	vst.idx.add.f32.msk $0xffff, v57  }
0xda: {  	[tilespmem:v12+s11+$0x0] =	vst.idx.add.f32.msk $0xffff, v9;
	v3 =	vshll.u32 v11, $0x10  }
0xdb: {  	[tilespmem:v62+s11+$0x0] =	vst.idx.add.f32.msk $0xffff, v3;
	v63 =	vshll.u32 v7, $0x10  }
0xdc: {  	v1 =	vand.u32 $0xFFFF0000, v7;
	v7 =	vand.u32 $0xFFFF0000, v11;
	[tilespmem:v58+s11+$0x0] =	vst.idx.add.f32.msk $0xffff, v63  }
0xdd: {  	[tilespmem:v5+s11+$0x0] =	vst.idx.add.f32.msk $0xffff, v7  }
0xde: {  	v3 =	vand.u32 $0xFFFF0000, v14;
	[tilespmem:v4+s11+$0x0] =	vst.idx.add.f32.msk $0xffff, v1;
	v1 =	vand.u32 $0xFFFF0000, v13  }
0xdf: {  	s14 =	simm.s32 $0x0;
	s15 =	simm.s32 $0x11260;
	v4 =	vshll.u32 v14, $0x10;
	[tilespmem:v2+s11+$0x0] =	vst.idx.add.f32.msk $0xffff, v1;
	v2 =	vadd.s32 $0x4E20, v6;
	v1 =	vadd.s32 $0x7530, v6  }
.LBB2_7:
0xe0: {  	v5 =	vld [tilespmem:s15+$0x0]  }
0xe1: {  	v6 =	vld [tilespmem:s15+$0xFFFFFFA0]  }
0xe2: {  	s14 =	sadd.s32 $0x8, s14;
	v7 =	vld [tilespmem:s15+$0xFFFFFFB0]  }
0xe3: {  	p0 =	slt.u32 s14, $0x268;
	v8 =	vld [tilespmem:s15+$0xFFFFFFC0]  }
0xe4: {  	v9 =	vld [tilespmem:s15+$0xFFFFFFD0]  }
0xe5: {  	v10 =	vld [tilespmem:s15+$0xFFFFFFE0];
	v11 =	vand.u32 $0xFFFF, v5  }
0xe6: {  	v12 =	vshrl.u32 v6, $0x10;
	v6 =	vand.u32 $0xFFFF, v6;
	v13 =	vld [tilespmem:s15+$0xFFFFFFF0]  }
0xe7: {  	v14 =	vld [tilespmem:s15+$0xFFFFFF90];
	v15 =	vadd.s32 $0x2710, v12;
	v16 =	vshrl.u32 v7, $0x10;
	v7 =	vand.u32 $0xFFFF, v7  }
0xe8: {  	v17 =	vadd.s32 $0x2710, v16;
	v18 =	vshrl.u32 v8, $0x10;
	v8 =	vand.u32 $0xFFFF, v8;
	[tilespmem:v2+s11+$0x0] =	vst.idx.add.f32.msk $0xffff, v4  }
0xe9: {  	v4 =	vadd.s32 $0x2710, v18;
	v19 =	vshrl.u32 v9, $0x10;
	v2 =	vand.u32 $0xFFFF, v9;
	[tilespmem:v1+s11+$0x0] =	vst.idx.add.f32.msk $0xffff, v3  }
0xea: {  	v3 =	vadd.s32 $0x2710, v19;
	v9 =	vshrl.u32 v10, $0x10;
	v1 =	vand.u32 $0xFFFF, v10;
	v10 =	vld.idx.msk [tilespmem:v11+s2+$0x0], $0xffff  }
0xeb: {  	v20 =	vld.idx.msk [tilespmem:v6+s2+$0x0], $0xffff;
	v21 =	vadd.s32 $0x2710, v9;
	v22 =	vshrl.u32 v13, $0x10;
	v13 =	vand.u32 $0xFFFF, v13  }
0xec: {  	v5 =	vshrl.u32 v5, $0x10;
	v23 =	vshrl.u32 v14, $0x10;
	v14 =	vand.u32 $0xFFFF, v14;
	v24 =	vld.idx.msk [tilespmem:v7+s2+$0x0], $0xffff  }
0xed: {  	v28 =	vadd.s32 $0x2710, v5;
	v27 =	vadd.s32 $0x2710, v22;
	v25 =	vadd.s32 $0x2710, v23;
	v26 =	vld.idx.msk [tilespmem:v8+s2+$0x0], $0xffff  }
0xee: {  	v11 =	vadd.s32 $0x2710, v11;
	v6 =	vadd.s32 $0x2710, v6;
	v29 =	vadd.s32 $0x2710, v14;
	v30 =	vld.idx.msk [tilespmem:v2+s2+$0x0], $0xffff  }
0xef: {  	v31 =	vadd.s32 $0x2710, v2;
	v7 =	vadd.s32 $0x2710, v7;
	v8 =	vadd.s32 $0x2710, v8;
	v2 =	vld.idx.msk [tilespmem:v1+s2+$0x0], $0xffff  }
0xf0: {  	v32 =	vadd.s32 $0x2710, v1;
	v33 =	vshll.u32 v10, $0x10;
	v1 =	vld.idx.msk [tilespmem:v13+s2+$0x0], $0xffff;
	v13 =	vadd.s32 $0x2710, v13  }
0xf1: {  	v10 =	vand.u32 $0xFFFF0000, v10;
	v34 =	vshll.u32 v20, $0x10;
	v20 =	vand.u32 $0xFFFF0000, v20;
	[tilespmem:v5+s11+$0x0] =	vst.idx.add.f32.msk $0xffff, v33  }
0xf2: {  	v33 =	vadd.s32 $0x4E20, v23;
	v35 =	vshll.u32 v24, $0x10;
	v24 =	vand.u32 $0xFFFF0000, v24;
	[tilespmem:v28+s11+$0x0] =	vst.idx.add.f32.msk $0xffff, v10  }
0xf3: {  	v10 =	vadd.s32 $0x7530, v23;
	v28 =	vshll.u32 v26, $0x10;
	v26 =	vand.u32 $0xFFFF0000, v26;
	v11 =	vld.idx.msk [tilespmem:v11+s2+$0x0], $0xffff  }
0xf4: {  	v36 =	vadd.s32 $0x4E20, v12;
	v37 =	vshll.u32 v30, $0x10;
	v30 =	vand.u32 $0xFFFF0000, v30;
	v14 =	vld.idx.msk [tilespmem:v14+s2+$0x0], $0xffff  }
0xf5: {  	v38 =	vand.u32 $0xFFFF0000, v2;
	[tilespmem:v12+s11+$0x0] =	vst.idx.add.f32.msk $0xffff, v34;
	v34 =	vshll.u32 v2, $0x10;
	v2 =	vadd.s32 $0x4E20, v5  }
0xf6: {  	v5 =	vadd.s32 $0x7530, v5;
	[tilespmem:v15+s11+$0x0] =	vst.idx.add.f32.msk $0xffff, v20;
	v15 =	vshll.u32 v1, $0x10;
	v20 =	vand.u32 $0xFFFF0000, v1  }
0xf7: {  	v12 =	vadd.s32 $0x7530, v12;
	[tilespmem:v16+s11+$0x0] =	vst.idx.add.f32.msk $0xffff, v35;
	v35 =	vadd.s32 $0x4E20, v16;
	v16 =	vadd.s32 $0x7530, v16  }
0xf8: {  	v39 =	vadd.s32 $0x4E20, v19;
	[tilespmem:v17+s11+$0x0] =	vst.idx.add.f32.msk $0xffff, v24;
	v17 =	vadd.s32 $0x4E20, v18;
	v24 =	vadd.s32 $0x7530, v18  }
0xf9: {  	v1 =	vshll.u32 v11, $0x10;
	[tilespmem:v18+s11+$0x0] =	vst.idx.add.f32.msk $0xffff, v28;
	v18 =	vadd.s32 $0x7530, v19;
	v28 =	vadd.s32 $0x4E20, v9  }
0xfa: {  	v11 =	vand.u32 $0xFFFF0000, v11;
	v40 =	vshll.u32 v14, $0x10;
	v14 =	vand.u32 $0xFFFF0000, v14;
	[tilespmem:v2+s11+$0x0] =	vst.idx.add.f32.msk $0xffff, v1  }
0xfb: {  	v41 =	vadd.s32 $0x7530, v9;
	v2 =	vadd.s32 $0x4E20, v22;
	v1 =	vadd.s32 $0x7530, v22;
	[tilespmem:v5+s11+$0x0] =	vst.idx.add.f32.msk $0xffff, v11  }
0xfc: {  	[tilespmem:v23+s11+$0x0] =	vst.idx.add.f32.msk $0xffff, v40  }
0xfd: {  	[tilespmem:v25+s11+$0x0] =	vst.idx.add.f32.msk $0xffff, v14  }
0xfe: {  	[tilespmem:v4+s11+$0x0] =	vst.idx.add.f32.msk $0xffff, v26  }
0xff: {  	[tilespmem:v19+s11+$0x0] =	vst.idx.add.f32.msk $0xffff, v37  }
0x100: {  	[tilespmem:v3+s11+$0x0] =	vst.idx.add.f32.msk $0xffff, v30  }
0x101: {  	[tilespmem:v9+s11+$0x0] =	vst.idx.add.f32.msk $0xffff, v34  }
0x102: {  	[tilespmem:v21+s11+$0x0] =	vst.idx.add.f32.msk $0xffff, v38  }
0x103: {  	[tilespmem:v22+s11+$0x0] =	vst.idx.add.f32.msk $0xffff, v15  }
0x104: {  	[tilespmem:v27+s11+$0x0] =	vst.idx.add.f32.msk $0xffff, v20  }
0x105: {  	v3 =	vld.idx.msk [tilespmem:v29+s2+$0x0], $0xffff  }
0x106: {  	v4 =	vld.idx.msk [tilespmem:v6+s2+$0x0], $0xffff  }
0x107: {  	v5 =	vld.idx.msk [tilespmem:v7+s2+$0x0], $0xffff  }
0x108: {  	v6 =	vld.idx.msk [tilespmem:v8+s2+$0x0], $0xffff  }
0x109: {  	v7 =	vld.idx.msk [tilespmem:v31+s2+$0x0], $0xffff  }
0x10a: {  	v8 =	vld.idx.msk [tilespmem:v32+s2+$0x0], $0xffff  }
0x10b: {  	v9 =	vshll.u32 v3, $0x10;
	v3 =	vand.u32 $0xFFFF0000, v3;
	v11 =	vld.idx.msk [tilespmem:v13+s2+$0x0], $0xffff  }
0x10c: {  	[tilespmem:v33+s11+$0x0] =	vst.idx.add.f32.msk $0xffff, v9;
	v9 =	vshll.u32 v4, $0x10;
	v4 =	vand.u32 $0xFFFF0000, v4  }
0x10d: {  	[tilespmem:v10+s11+$0x0] =	vst.idx.add.f32.msk $0xffff, v3;
	v3 =	vshll.u32 v5, $0x10;
	v5 =	vand.u32 $0xFFFF0000, v5  }
0x10e: {  	[tilespmem:v36+s11+$0x0] =	vst.idx.add.f32.msk $0xffff, v9;
	v9 =	vshll.u32 v6, $0x10;
	v6 =	vand.u32 $0xFFFF0000, v6  }
0x10f: {  	v10 =	vshll.u32 v7, $0x10;
	v7 =	vand.u32 $0xFFFF0000, v7;
	[tilespmem:v12+s11+$0x0] =	vst.idx.add.f32.msk $0xffff, v4  }
0x110: {  	v12 =	vshll.u32 v8, $0x10;
	v8 =	vand.u32 $0xFFFF0000, v8;
	[tilespmem:v35+s11+$0x0] =	vst.idx.add.f32.msk $0xffff, v3  }
0x111: {  	v4 =	vshll.u32 v11, $0x10;
	v3 =	vand.u32 $0xFFFF0000, v11;
	[tilespmem:v16+s11+$0x0] =	vst.idx.add.f32.msk $0xffff, v5  }
0x112: {  	[tilespmem:v17+s11+$0x0] =	vst.idx.add.f32.msk $0xffff, v9  }
.Ltmp2:
0x113: {  	[tilespmem:v24+s11+$0x0] =	vst.idx.add.f32.msk $0xffff, v6;
	(pc) =	sbr.rel @p0 .LBB2_7-.Ltmp2, $4  }
0x114: {  	[tilespmem:v39+s11+$0x0] =	vst.idx.add.f32.msk $0xffff, v10  }
0x115: {  	[tilespmem:v18+s11+$0x0] =	vst.idx.add.f32.msk $0xffff, v7  }
0x116: {  	[tilespmem:v28+s11+$0x0] =	vst.idx.add.f32.msk $0xffff, v12  }
0x117: {  	s15 =	sadd.s32 $0x80, s15;
	[tilespmem:v41+s11+$0x0] =	vst.idx.add.f32.msk $0xffff, v8  }
0x118: {  	_ =	sdelay $0x3  }
0x119: {  	[tilespmem:v2+s11+$0x0] =	vst.idx.add.f32.msk $0xffff, v4  }
0x11a: {  	[tilespmem:v1+s11+$0x0] =	vst.idx.add.f32.msk $0xffff, v3  }
0x11b: {  	v1 =	vld [tilespmem:$0x13870];
	_ =	sdelay $0x4  }
0x11c: {  	v2 =	vand.u32 $0xFFFF, v1;
	_ =	sdelay $0x4  }
0x11d: {  	v3 =	vld.idx.msk [tilespmem:v2+s2+$0x0], $0xffff  }
0x11e: {  	v1 =	vshrl.u32 v1, $0x10  }
0x11f: {  	v62 =	vadd.s32 $0x2710, v1  }
0x120: {  	v2 =	vadd.s32 $0x2710, v2;
	_ =	sdelay $0x1  }
0x121: {  	v5 =	vshll.u32 v3, $0x10  }
0x122: {  	v3 =	vand.u32 $0xFFFF0000, v3;
	[tilespmem:v1+s11+$0x0] =	vst.idx.add.f32.msk $0xffff, v5  }
0x123: {  	[tilespmem:v62+s11+$0x0] =	vst.idx.add.f32.msk $0xffff, v3  }
0x124: {  	v2 =	vld.idx.msk [tilespmem:v2+s2+$0x0], $0xffff  }
0x125: {  	s13 =	sadd.s32 $0x1, s13;
	v3 =	vadd.s32 $0x4E20, v1  }
0x126: {  	p0 =	sne.s32 s13, $0x10;
	v1 =	vadd.s32 $0x7530, v1  }
.Ltmp3:
0x127: {  	_ = 	snop;
	(pc) =	sbr.rel @p0 .LBB2_4-.Ltmp3, $4  }
0x128: {  	_ = 	snop  }
0x129: {  	v63 =	vshll.u32 v2, $0x10  }
0x12a: {  	v2 =	vand.u32 $0xFFFF0000, v2;
	[tilespmem:v3+s11+$0x0] =	vst.idx.add.f32.msk $0xffff, v63  }
0x12b: {  	[tilespmem:v1+s11+$0x0] =	vst.idx.add.f32.msk $0xffff, v2  }
0x12c: {  	s12 =	sadd.s32 $0x1, s12  }
0x12d: {  	p0 =	sne.s32 s12, s6  }
.Ltmp4:
0x12e: {  	_ = 	snop;
	(pc) =	sbr.rel @p0 .LBB2_1-.Ltmp4, $4  }
0x12f: {  	[hbm4b:s5+s2] =	stream.linear.scatter [tilespmem:s11], [sflag:$0x2], $0x9C40, $0x38;
	[tilespmem:$0x13880] =	vst v63  }
0x130: {  	_ =	swait.ge [sflag:s7], $0x9C40  }
0x131: {  	[sflag:s7] =	ssyncset.done $0x0  }
0x132: {  	[sflag:s7] =	ssyncadd.s32 $0xFFFF63C0  }
0x133: {  	_ =	sfence.sel $0x180000  }
0x134: {  	[bflag:$0x0] =	sbarrier.arrive $0xFFFF  }
0x135: {  	p0 =	sne.s32 s0, $0x0;
	_ =	strace $0x90000050  }
0x136: {  	s0 =	sadd.s32 @!p0 $0x100000, s1;
	[bflag:$0x2] =	sbarrier.arrive $0xFFFF  }
0x137: {  	[sflag:s0] =	ssyncadd.tile.s32 @!p0 $0x1;
	_ =	shalt  }
.Lfunc_end2:
_tile_overlayer_lowered:
.L_overlay_start_2:
0x138: {  	(tag) =	ssettag $0x2  }
0x139: {  	s0 =	rddreg [dreg:$0x0];
	s2 =	stileid.u32  }
0x13a: {  	s1 =	rddreg [dreg:$0x1];
	p0 =	sne.s32 s2, $0x0  }
0x13b: {  	s3 =	rddreg [dreg:$0x2];
	[bflag:$0x3] =	sbarrier.arrive $0xFFFF;
	s2 =	simm.s32 @!p0 $0x1C02  }
0x13c: {  	[timem:s3], [sflag:s2] =	dma.local @!p0 [hbm:s0], s1  }
0x13d: {  	s0 =	simm.s32 @!p0 $0x2  }
0x13e: {  	_ =	swait.ge @!p0 [sflag:s0], s1  }
0x13f: {  	s1 =	ssub.s32 @!p0 $0x0, s1;
	[sflag:s0] =	ssyncset.done @!p0 $0x0  }
0x140: {  	[sflag:s0] =	ssyncadd.s32 @!p0 s1  }
0x141: {  	[bflag:$0x3] =	sbarrier.arrive $0xFFFF  }
0x142: {  	_ =	shalt  }

</sc_bundles>
